<compile_context>
chip_gen: v7x
topology: tpu7x:2x2x1
jax: 0.10.2.dev20260603
libtpu: 0.0.44.dev20260713+nightly
codegen_flags: <defaults>
</compile_context>

<pallas_src>
import functools

import jax
import jax.numpy as jnp
from jax import lax
from jax.experimental import pallas as pl
from jax.experimental.pallas import tpu as pltpu
from jax.experimental.pallas import tpu_sc as plsc

BATCH = 4096
HIST = 50
EMBED_DIM = 64
PADDED_DIM = 128
LANES = 16

NUM_CORES = 2
NUM_SUBCORES = 16
NUM_WORKERS = NUM_CORES * NUM_SUBCORES

ROWS_PER_WORKER = BATCH // NUM_WORKERS
NGRP = ROWS_PER_WORKER // LANES
NEBLK = EMBED_DIM // LANES
NCHUNK = HIST
NBUF = 2


@jax.jit
def _sc_embedding_lookup(ids_t, table128):
    mesh = plsc.VectorSubcoreMesh(
        core_axis_name="c", subcore_axis_name="s",
        num_cores=NUM_CORES, num_subcores=NUM_SUBCORES)

    @functools.partial(
        pl.kernel,
        out_type=jax.ShapeDtypeStruct((HIST, EMBED_DIM, BATCH), jnp.float32),
        mesh=mesh,
        scratch_types=[
            pltpu.VMEM((HIST, ROWS_PER_WORKER), jnp.int32),
            pltpu.VMEM((NBUF, ROWS_PER_WORKER, PADDED_DIM), jnp.float32),
            pltpu.VMEM((NBUF, EMBED_DIM, ROWS_PER_WORKER), jnp.float32),
            pltpu.SemaphoreType.DMA((NBUF,)),
            pltpu.SemaphoreType.DMA((NBUF,)),
        ],
        compiler_params=pltpu.CompilerParams(needs_layout_passes=False),
    )
    def k(ids_hbm, table_hbm, out_hbm, idx_v, rows_v, trows_v, gsems, wsems):
        wid = lax.axis_index("s") * NUM_CORES + lax.axis_index("c")
        base = wid * ROWS_PER_WORKER
        pltpu.sync_copy(ids_hbm.at[:, pl.ds(base, ROWS_PER_WORKER)], idx_v)

        iota = lax.iota(jnp.int32, LANES)
        perms = [lax.bitwise_and(iota + d, LANES - 1) for d in range(LANES)]

        def transpose_chunk(s):
            rows = rows_v.at[s]
            trows = trows_v.at[s]

            def per_grp(g, _):
                brow = iota + g * LANES
                for kblk in range(NEBLK):
                    for d in range(LANES):
                        ecol = perms[d] + kblk * LANES
                        v = plsc.load_gather(rows, [brow, ecol])
                        plsc.store_scatter(trows, [ecol, brow], v)
                return 0

            lax.fori_loop(0, NGRP, per_grp, 0)

        for s in range(NBUF):
            pltpu.async_copy(table_hbm.at[idx_v.at[s]], rows_v.at[s],
                             gsems.at[s])

        def outer(g, _):
            for s in range(NBUF):
                h = g * NBUF + s
                pltpu.make_async_copy(
                    table_hbm.at[idx_v.at[h]], rows_v.at[s],
                    gsems.at[s]).wait()

                @pl.when(g > 0)
                def _():
                    pltpu.make_async_copy(
                        trows_v.at[s],
                        out_hbm.at[h - NBUF, :, pl.ds(base, ROWS_PER_WORKER)],
                        wsems.at[s]).wait()

                transpose_chunk(s)

                @pl.when(h + NBUF < NCHUNK)
                def _():
                    pltpu.async_copy(table_hbm.at[idx_v.at[h + NBUF]],
                                     rows_v.at[s], gsems.at[s])

                pltpu.async_copy(
                    trows_v.at[s],
                    out_hbm.at[h, :, pl.ds(base, ROWS_PER_WORKER)],
                    wsems.at[s])
            return 0

        lax.fori_loop(0, NCHUNK // NBUF, outer, 0)

        for s in range(NBUF):
            h = NCHUNK - NBUF + s
            pltpu.make_async_copy(
                trows_v.at[s],
                out_hbm.at[h, :, pl.ds(base, ROWS_PER_WORKER)],
                wsems.at[s]).wait()

    return k(ids_t, table128)


def kernel(satellite_ids, embedding_table):
    ids_t = satellite_ids.T
    table128 = jnp.pad(embedding_table, ((0, 0), (0, PADDED_DIM - EMBED_DIM)))
    out_t = _sc_embedding_lookup(ids_t, table128)
    return jnp.transpose(out_t, (2, 0, 1))

# --- scband reference (transcript-rebuilt; emitter-appended) ---
"""Pipeline reference for scband-satellite-embedding-41343355191856 (READ-ONLY COPY).

The authoritative reference and input builder live on the scoring server;
editing this copy changes nothing except your own understanding.
"""

import jax, jax.numpy as jnp
import numpy as np

NUM_SATELLITES = 100000
EMBED_DIM = 64
BATCH = 4096
HIST = 50


def setup_inputs(seed: int = 0) -> dict:
    key = jax.random.key(seed)
    k_ids, k_tab = jax.random.split(key)
    satellite_ids = jax.random.randint(k_ids, (BATCH, HIST), 0, NUM_SATELLITES + 1, dtype=jnp.int32)
    # nn.Embedding weight: shape [num_satellites + 1, embedding_dim], N(0, 1) init
    embedding_table = jax.random.normal(k_tab, (NUM_SATELLITES + 1, EMBED_DIM), dtype=jnp.float32)
    return {"satellite_ids": satellite_ids, "embedding_table": embedding_table}


def reference(satellite_ids, embedding_table):
    # Faithful translation of nn.Embedding lookup: table[ids]
    return jnp.take(embedding_table, satellite_ids, axis=0)

if __name__ == "__main__":
    import jax
    _d = setup_inputs()
    print(jax.jit(kernel)(*tuple(_d.values())))

</pallas_src>

<mosaic_0001>
#map = affine_map<(d0, d1) -> (0, 0)>
#map1 = affine_map<(d0, d1) -> (0, 0, 0)>
module attributes {stable_mosaic.version = 14 : i64} {
  func.func @k(%arg0: i32, %arg1: i32, %arg2: memref<50x4096xi32, #tpu.memory_space<hbm>>, %arg3: memref<100001x128xf32, #tpu.memory_space<hbm>>, %arg4: memref<50x64x4096xf32, #tpu.memory_space<hbm>>, %arg5: memref<50x128xi32, #tpu.memory_space<vmem>>, %arg6: memref<2x128x128xf32, #tpu.memory_space<vmem>>, %arg7: memref<2x64x128xf32, #tpu.memory_space<vmem>>, %arg8: memref<2x!tpu.dma_semaphore, #tpu.memory_space<semaphore_mem>>, %arg9: memref<2x!tpu.dma_semaphore, #tpu.memory_space<semaphore_mem>>) attributes {dimension_semantics = [#tpu.dimension_semantics<core_parallel>, #tpu.dimension_semantics<subcore_parallel>], iteration_bounds = array<i64: 2, 16>, scalar_prefetch = 0 : i64, scratch_operands = 5 : i64, tpu.core_type = #tpu.core_type<sc_vector_subcore>, window_params = [{transform_indices = #map}, {transform_indices = #map}, {transform_indices = #map1}]} {
    %mul3A = arith.constant 2 : i32
    %mul3A_0 = arith.muli %arg1, %mul3A : i32
    %add3A = arith.addi %mul3A_0, %arg0 : i32
    %mul3A_1 = arith.constant 128 : i32
    %mul3A_2 = arith.muli %add3A, %mul3A_1 : i32
    "tpu.region"() ({
      %run_scoped3A = tpu.sem_alloc : memref<!tpu.dma_semaphore, #tpu.memory_space<semaphore_mem>>
      %dma_start3A_170 = arith.constant 0 : i32
      %dma_start3A_171 = tpu.memref_slice %arg2[%dma_start3A_170, %mul3A_2] : memref<50x4096xi32, #tpu.memory_space<hbm>> -> memref<50x128xi32, #tpu.memory_space<hbm>>
      %dma_start3A_172 = arith.constant 0 : i32
      %dma_start3A_173 = tpu.memref_slice %arg2[%dma_start3A_172, %mul3A_2] : memref<50x4096xi32, #tpu.memory_space<hbm>> -> memref<50x128xi32, #tpu.memory_space<hbm>>
      tpu.enqueue_dma source(%dma_start3A_173 : memref<50x128xi32, #tpu.memory_space<hbm>>) target(%arg5 : memref<50x128xi32, #tpu.memory_space<vmem>>) target_semaphore(%run_scoped3A : memref<!tpu.dma_semaphore, #tpu.memory_space<semaphore_mem>>)
      %dma_wait3A_174 = arith.constant 0 : i32
      %dma_wait3A_175 = tpu.memref_slice %arg2[%dma_wait3A_174, %mul3A_2] : memref<50x4096xi32, #tpu.memory_space<hbm>> -> memref<50x128xi32, #tpu.memory_space<hbm>>
      %dma_wait3A_176 = arith.constant 0 : i32
      %dma_wait3A_177 = tpu.memref_slice %arg2[%dma_wait3A_176, %mul3A_2] : memref<50x4096xi32, #tpu.memory_space<hbm>> -> memref<50x128xi32, #tpu.memory_space<hbm>>
      tpu.wait_dma2 semaphore(%run_scoped3A : memref<!tpu.dma_semaphore, #tpu.memory_space<semaphore_mem>>) src(%dma_wait3A_177 : memref<50x128xi32, #tpu.memory_space<hbm>>) dst(%arg5 : memref<50x128xi32, #tpu.memory_space<vmem>>)
      tpu.yield
    }) : () -> ()
    %iota3A = tpu.iota {dimensions = array<i32: 0>} : vector<16xi32>
    %add3A_3 = arith.constant 0 : i32
    %add3A_4 = vector.broadcast %add3A_3 : i32 to vector<16xi32>
    %add3A_5 = arith.addi %iota3A, %add3A_4 : vector<16xi32>
    %and3A = arith.constant 15 : i32
    %and3A_6 = vector.broadcast %and3A : i32 to vector<16xi32>
    %and3A_7 = arith.andi %add3A_5, %and3A_6 : vector<16xi32>
    %add3A_8 = arith.constant 1 : i32
    %add3A_9 = vector.broadcast %add3A_8 : i32 to vector<16xi32>
    %add3A_10 = arith.addi %iota3A, %add3A_9 : vector<16xi32>
    %and3A_11 = arith.constant 15 : i32
    %and3A_12 = vector.broadcast %and3A_11 : i32 to vector<16xi32>
    %and3A_13 = arith.andi %add3A_10, %and3A_12 : vector<16xi32>
    %add3A_14 = arith.constant 2 : i32
    %add3A_15 = vector.broadcast %add3A_14 : i32 to vector<16xi32>
    %add3A_16 = arith.addi %iota3A, %add3A_15 : vector<16xi32>
    %and3A_17 = arith.constant 15 : i32
    %and3A_18 = vector.broadcast %and3A_17 : i32 to vector<16xi32>
    %and3A_19 = arith.andi %add3A_16, %and3A_18 : vector<16xi32>
    %add3A_20 = arith.constant 3 : i32
    %add3A_21 = vector.broadcast %add3A_20 : i32 to vector<16xi32>
    %add3A_22 = arith.addi %iota3A, %add3A_21 : vector<16xi32>
    %and3A_23 = arith.constant 15 : i32
    %and3A_24 = vector.broadcast %and3A_23 : i32 to vector<16xi32>
    %and3A_25 = arith.andi %add3A_22, %and3A_24 : vector<16xi32>
    %add3A_26 = arith.constant 4 : i32
    %add3A_27 = vector.broadcast %add3A_26 : i32 to vector<16xi32>
    %add3A_28 = arith.addi %iota3A, %add3A_27 : vector<16xi32>
    %and3A_29 = arith.constant 15 : i32
    %and3A_30 = vector.broadcast %and3A_29 : i32 to vector<16xi32>
    %and3A_31 = arith.andi %add3A_28, %and3A_30 : vector<16xi32>
    %add3A_32 = arith.constant 5 : i32
    %add3A_33 = vector.broadcast %add3A_32 : i32 to vector<16xi32>
    %add3A_34 = arith.addi %iota3A, %add3A_33 : vector<16xi32>
    %and3A_35 = arith.constant 15 : i32
    %and3A_36 = vector.broadcast %and3A_35 : i32 to vector<16xi32>
    %and3A_37 = arith.andi %add3A_34, %and3A_36 : vector<16xi32>
    %add3A_38 = arith.constant 6 : i32
    %add3A_39 = vector.broadcast %add3A_38 : i32 to vector<16xi32>
    %add3A_40 = arith.addi %iota3A, %add3A_39 : vector<16xi32>
    %and3A_41 = arith.constant 15 : i32
    %and3A_42 = vector.broadcast %and3A_41 : i32 to vector<16xi32>
    %and3A_43 = arith.andi %add3A_40, %and3A_42 : vector<16xi32>
    %add3A_44 = arith.constant 7 : i32
    %add3A_45 = vector.broadcast %add3A_44 : i32 to vector<16xi32>
    %add3A_46 = arith.addi %iota3A, %add3A_45 : vector<16xi32>
    %and3A_47 = arith.constant 15 : i32
    %and3A_48 = vector.broadcast %and3A_47 : i32 to vector<16xi32>
    %and3A_49 = arith.andi %add3A_46, %and3A_48 : vector<16xi32>
    %add3A_50 = arith.constant 8 : i32
    %add3A_51 = vector.broadcast %add3A_50 : i32 to vector<16xi32>
    %add3A_52 = arith.addi %iota3A, %add3A_51 : vector<16xi32>
    %and3A_53 = arith.constant 15 : i32
    %and3A_54 = vector.broadcast %and3A_53 : i32 to vector<16xi32>
    %and3A_55 = arith.andi %add3A_52, %and3A_54 : vector<16xi32>
    %add3A_56 = arith.constant 9 : i32
    %add3A_57 = vector.broadcast %add3A_56 : i32 to vector<16xi32>
    %add3A_58 = arith.addi %iota3A, %add3A_57 : vector<16xi32>
    %and3A_59 = arith.constant 15 : i32
    %and3A_60 = vector.broadcast %and3A_59 : i32 to vector<16xi32>
    %and3A_61 = arith.andi %add3A_58, %and3A_60 : vector<16xi32>
    %add3A_62 = arith.constant 10 : i32
    %add3A_63 = vector.broadcast %add3A_62 : i32 to vector<16xi32>
    %add3A_64 = arith.addi %iota3A, %add3A_63 : vector<16xi32>
    %and3A_65 = arith.constant 15 : i32
    %and3A_66 = vector.broadcast %and3A_65 : i32 to vector<16xi32>
    %and3A_67 = arith.andi %add3A_64, %and3A_66 : vector<16xi32>
    %add3A_68 = arith.constant 11 : i32
    %add3A_69 = vector.broadcast %add3A_68 : i32 to vector<16xi32>
    %add3A_70 = arith.addi %iota3A, %add3A_69 : vector<16xi32>
    %and3A_71 = arith.constant 15 : i32
    %and3A_72 = vector.broadcast %and3A_71 : i32 to vector<16xi32>
    %and3A_73 = arith.andi %add3A_70, %and3A_72 : vector<16xi32>
    %add3A_74 = arith.constant 12 : i32
    %add3A_75 = vector.broadcast %add3A_74 : i32 to vector<16xi32>
    %add3A_76 = arith.addi %iota3A, %add3A_75 : vector<16xi32>
    %and3A_77 = arith.constant 15 : i32
    %and3A_78 = vector.broadcast %and3A_77 : i32 to vector<16xi32>
    %and3A_79 = arith.andi %add3A_76, %and3A_78 : vector<16xi32>
    %add3A_80 = arith.constant 13 : i32
    %add3A_81 = vector.broadcast %add3A_80 : i32 to vector<16xi32>
    %add3A_82 = arith.addi %iota3A, %add3A_81 : vector<16xi32>
    %and3A_83 = arith.constant 15 : i32
    %and3A_84 = vector.broadcast %and3A_83 : i32 to vector<16xi32>
    %and3A_85 = arith.andi %add3A_82, %and3A_84 : vector<16xi32>
    %add3A_86 = arith.constant 14 : i32
    %add3A_87 = vector.broadcast %add3A_86 : i32 to vector<16xi32>
    %add3A_88 = arith.addi %iota3A, %add3A_87 : vector<16xi32>
    %and3A_89 = arith.constant 15 : i32
    %and3A_90 = vector.broadcast %and3A_89 : i32 to vector<16xi32>
    %and3A_91 = arith.andi %add3A_88, %and3A_90 : vector<16xi32>
    %add3A_92 = arith.constant 15 : i32
    %add3A_93 = vector.broadcast %add3A_92 : i32 to vector<16xi32>
    %add3A_94 = arith.addi %iota3A, %add3A_93 : vector<16xi32>
    %and3A_95 = arith.constant 15 : i32
    %and3A_96 = vector.broadcast %and3A_95 : i32 to vector<16xi32>
    %and3A_97 = arith.andi %add3A_94, %and3A_96 : vector<16xi32>
    %dma_start3A = arith.constant 0 : i32
    %dma_start3A_98 = arith.constant 0 : i32
    %dma_start3A_99 = arith.constant 0 : i32
    %dma_start3A_100 = arith.constant 0 : i32
    %dma_start3A_101 = arith.constant 0 : i32
    %dma_start3A_102 = tpu.memref_slice %arg6[%dma_start3A_98, %dma_start3A_100, %dma_start3A_101] : memref<2x128x128xf32, #tpu.memory_space<vmem>> -> memref<1x128x128xf32, #tpu.memory_space<vmem>>
    %dma_start3A_103 = tpu.memref_squeeze %dma_start3A_102 : memref<1x128x128xf32, #tpu.memory_space<vmem>> -> memref<128x128xf32, #tpu.memory_space<vmem>>
    %dma_start3A_104 = arith.constant 0 : i32
    %dma_start3A_105 = tpu.memref_slice %arg5[%dma_start3A, %dma_start3A_104] : memref<50x128xi32, #tpu.memory_space<vmem>> -> memref<1x128xi32, #tpu.memory_space<vmem>>
    %dma_start3A_106 = tpu.memref_squeeze %dma_start3A_105 : memref<1x128xi32, #tpu.memory_space<vmem>> -> memref<128xi32, #tpu.memory_space<vmem>>
    %dma_start3A_107 = arith.constant 0 : i32
    %dma_start3A_108 = arith.constant 0 : i32
    %dma_start3A_109 = tpu.memref_slice %arg3[%dma_start3A_107, %dma_start3A_108] : memref<100001x128xf32, #tpu.memory_space<hbm>> -> memref<100001x128xf32, #tpu.memory_space<hbm>>
    %dma_start3A_110 = tpu.memref_slice %arg8[%dma_start3A_99] : memref<2x!tpu.dma_semaphore, #tpu.memory_space<semaphore_mem>> -> memref<1x!tpu.dma_semaphore, #tpu.memory_space<semaphore_mem>>
    %dma_start3A_111 = tpu.memref_squeeze %dma_start3A_110 : memref<1x!tpu.dma_semaphore, #tpu.memory_space<semaphore_mem>> -> memref<!tpu.dma_semaphore, #tpu.memory_space<semaphore_mem>>
    tpu.enqueue_indirect_dma source(%dma_start3A_109 : memref<100001x128xf32, #tpu.memory_space<hbm>>) target(%dma_start3A_103 : memref<128x128xf32, #tpu.memory_space<vmem>>) offsets(%dma_start3A_106 : memref<128xi32, #tpu.memory_space<vmem>>) semaphore(%dma_start3A_111 : memref<!tpu.dma_semaphore, #tpu.memory_space<semaphore_mem>>)
    %dma_start3A_112 = arith.constant 1 : i32
    %dma_start3A_113 = arith.constant 1 : i32
    %dma_start3A_114 = arith.constant 1 : i32
    %dma_start3A_115 = arith.constant 0 : i32
    %dma_start3A_116 = arith.constant 0 : i32
    %dma_start3A_117 = tpu.memref_slice %arg6[%dma_start3A_113, %dma_start3A_115, %dma_start3A_116] : memref<2x128x128xf32, #tpu.memory_space<vmem>> -> memref<1x128x128xf32, #tpu.memory_space<vmem>>
    %dma_start3A_118 = tpu.memref_squeeze %dma_start3A_117 : memref<1x128x128xf32, #tpu.memory_space<vmem>> -> memref<128x128xf32, #tpu.memory_space<vmem>>
    %dma_start3A_119 = arith.constant 0 : i32
    %dma_start3A_120 = tpu.memref_slice %arg5[%dma_start3A_112, %dma_start3A_119] : memref<50x128xi32, #tpu.memory_space<vmem>> -> memref<1x128xi32, #tpu.memory_space<vmem>>
    %dma_start3A_121 = tpu.memref_squeeze %dma_start3A_120 : memref<1x128xi32, #tpu.memory_space<vmem>> -> memref<128xi32, #tpu.memory_space<vmem>>
    %dma_start3A_122 = arith.constant 0 : i32
    %dma_start3A_123 = arith.constant 0 : i32
    %dma_start3A_124 = tpu.memref_slice %arg3[%dma_start3A_122, %dma_start3A_123] : memref<100001x128xf32, #tpu.memory_space<hbm>> -> memref<100001x128xf32, #tpu.memory_space<hbm>>
    %dma_start3A_125 = tpu.memref_slice %arg8[%dma_start3A_114] : memref<2x!tpu.dma_semaphore, #tpu.memory_space<semaphore_mem>> -> memref<1x!tpu.dma_semaphore, #tpu.memory_space<semaphore_mem>>
    %dma_start3A_126 = tpu.memref_squeeze %dma_start3A_125 : memref<1x!tpu.dma_semaphore, #tpu.memory_space<semaphore_mem>> -> memref<!tpu.dma_semaphore, #tpu.memory_space<semaphore_mem>>
    tpu.enqueue_indirect_dma source(%dma_start3A_124 : memref<100001x128xf32, #tpu.memory_space<hbm>>) target(%dma_start3A_118 : memref<128x128xf32, #tpu.memory_space<vmem>>) offsets(%dma_start3A_121 : memref<128xi32, #tpu.memory_space<vmem>>) semaphore(%dma_start3A_126 : memref<!tpu.dma_semaphore, #tpu.memory_space<semaphore_mem>>)
    %scan3A = arith.constant 0 : i32
    %scan3A_127 = arith.constant 0 : i32
    %scan3A_128 = arith.constant 25 : i32
    %scan3A_129 = arith.addi %scan3A_127, %scan3A_128 : i32
    %scan3A_130 = arith.constant 1 : i32
    %scan3A_131 = scf.for %scan3A_170 = %scan3A_127 to %scan3A_129 step %scan3A_130 iter_args(%scan3A_171 = %scan3A) -> (i32)  : i32 {
      %mul3A_172 = arith.constant 2 : i32
      %mul3A_173 = arith.muli %scan3A_170, %mul3A_172 : i32
      %add3A_174 = arith.constant 0 : i32
      %add3A_175 = arith.addi %mul3A_173, %add3A_174 : i32
      %dma_wait3A_176 = arith.constant 0 : i32
      %dma_wait3A_177 = arith.constant 0 : i32
      %dma_wait3A_178 = arith.constant 0 : i32
      %dma_wait3A_179 = arith.constant 0 : i32
      %dma_wait3A_180 = tpu.memref_slice %arg6[%dma_wait3A_176, %dma_wait3A_178, %dma_wait3A_179] : memref<2x128x128xf32, #tpu.memory_space<vmem>> -> memref<1x128x128xf32, #tpu.memory_space<vmem>>
      %dma_wait3A_181 = tpu.memref_squeeze %dma_wait3A_180 : memref<1x128x128xf32, #tpu.memory_space<vmem>> -> memref<128x128xf32, #tpu.memory_space<vmem>>
      %dma_wait3A_182 = arith.constant 0 : i32
      %dma_wait3A_183 = tpu.memref_slice %arg5[%add3A_175, %dma_wait3A_182] : memref<50x128xi32, #tpu.memory_space<vmem>> -> memref<1x128xi32, #tpu.memory_space<vmem>>
      %dma_wait3A_184 = tpu.memref_squeeze %dma_wait3A_183 : memref<1x128xi32, #tpu.memory_space<vmem>> -> memref<128xi32, #tpu.memory_space<vmem>>
      %dma_wait3A_185 = arith.constant 0 : i32
      %dma_wait3A_186 = arith.constant 0 : i32
      %dma_wait3A_187 = tpu.memref_slice %arg3[%dma_wait3A_185, %dma_wait3A_186] : memref<100001x128xf32, #tpu.memory_space<hbm>> -> memref<100001x128xf32, #tpu.memory_space<hbm>>
      %dma_wait3A_188 = tpu.memref_slice %arg8[%dma_wait3A_177] : memref<2x!tpu.dma_semaphore, #tpu.memory_space<semaphore_mem>> -> memref<1x!tpu.dma_semaphore, #tpu.memory_space<semaphore_mem>>
      %dma_wait3A_189 = tpu.memref_squeeze %dma_wait3A_188 : memref<1x!tpu.dma_semaphore, #tpu.memory_space<semaphore_mem>> -> memref<!tpu.dma_semaphore, #tpu.memory_space<semaphore_mem>>
      tpu.wait_indirect_dma semaphore(%dma_wait3A_189 : memref<!tpu.dma_semaphore, #tpu.memory_space<semaphore_mem>>) src(%dma_wait3A_187 : memref<100001x128xf32, #tpu.memory_space<hbm>>) dst(%dma_wait3A_181 : memref<128x128xf32, #tpu.memory_space<vmem>>)
      %gt3A = arith.constant 0 : i32
      %gt3A_190 = arith.cmpi sgt, %scan3A_170, %gt3A : i32
      %convert_element_type3A = arith.extui %gt3A_190 : i1 to i32
      %cond3A = arith.constant 0 : i32
      %cond3A_191 = arith.cmpi ne, %convert_element_type3A, %cond3A : i32
      scf.if %cond3A_191 {
        %sub3A = arith.constant 2 : i32
        %sub3A_283 = arith.subi %add3A_175, %sub3A : i32
        %dma_wait3A_284 = arith.constant 0 : i32
        %dma_wait3A_285 = arith.constant 0 : i32
        %dma_wait3A_286 = arith.constant 0 : i32
        %dma_wait3A_287 = arith.constant 0 : i32
        %dma_wait3A_288 = tpu.memref_slice %arg7[%dma_wait3A_284, %dma_wait3A_286, %dma_wait3A_287] : memref<2x64x128xf32, #tpu.memory_space<vmem>> -> memref<1x64x128xf32, #tpu.memory_space<vmem>>
        %dma_wait3A_289 = tpu.memref_squeeze %dma_wait3A_288 : memref<1x64x128xf32, #tpu.memory_space<vmem>> -> memref<64x128xf32, #tpu.memory_space<vmem>>
        %dma_wait3A_290 = arith.constant 0 : i32
        %dma_wait3A_291 = tpu.memref_slice %arg4[%sub3A_283, %dma_wait3A_290, %mul3A_2] : memref<50x64x4096xf32, #tpu.memory_space<hbm>> -> memref<1x64x128xf32, #tpu.memory_space<hbm>>
        %dma_wait3A_292 = tpu.memref_squeeze %dma_wait3A_291 : memref<1x64x128xf32, #tpu.memory_space<hbm>> -> memref<64x128xf32, #tpu.memory_space<hbm>>
        %dma_wait3A_293 = tpu.memref_slice %arg9[%dma_wait3A_285] : memref<2x!tpu.dma_semaphore, #tpu.memory_space<semaphore_mem>> -> memref<1x!tpu.dma_semaphore, #tpu.memory_space<semaphore_mem>>
        %dma_wait3A_294 = tpu.memref_squeeze %dma_wait3A_293 : memref<1x!tpu.dma_semaphore, #tpu.memory_space<semaphore_mem>> -> memref<!tpu.dma_semaphore, #tpu.memory_space<semaphore_mem>>
        %dma_wait3A_295 = arith.constant 0 : i32
        %dma_wait3A_296 = tpu.memref_slice %arg4[%sub3A_283, %dma_wait3A_295, %mul3A_2] : memref<50x64x4096xf32, #tpu.memory_space<hbm>> -> memref<1x64x128xf32, #tpu.memory_space<hbm>>
        %dma_wait3A_297 = tpu.memref_squeeze %dma_wait3A_296 : memref<1x64x128xf32, #tpu.memory_space<hbm>> -> memref<64x128xf32, #tpu.memory_space<hbm>>
        %dma_wait3A_298 = arith.constant 0 : i32
        %dma_wait3A_299 = arith.constant 0 : i32
        %dma_wait3A_300 = tpu.memref_slice %arg7[%dma_wait3A_284, %dma_wait3A_298, %dma_wait3A_299] : memref<2x64x128xf32, #tpu.memory_space<vmem>> -> memref<1x64x128xf32, #tpu.memory_space<vmem>>
        %dma_wait3A_301 = tpu.memref_squeeze %dma_wait3A_300 : memref<1x64x128xf32, #tpu.memory_space<vmem>> -> memref<64x128xf32, #tpu.memory_space<vmem>>
        tpu.wait_dma2 semaphore(%dma_wait3A_294 : memref<!tpu.dma_semaphore, #tpu.memory_space<semaphore_mem>>) src(%dma_wait3A_301 : memref<64x128xf32, #tpu.memory_space<vmem>>) dst(%dma_wait3A_297 : memref<64x128xf32, #tpu.memory_space<hbm>>)
      } else {
      }
      %scan3A_192 = arith.constant 0 : i32
      %scan3A_193 = arith.constant 0 : i32
      %scan3A_194 = arith.constant 0 : i32
      %scan3A_195 = arith.constant 0 : i32
      %scan3A_196 = arith.constant 8 : i32
      %scan3A_197 = arith.addi %scan3A_195, %scan3A_196 : i32
      %scan3A_198 = arith.constant 1 : i32
      %scan3A_199 = scf.for %scan3A_283 = %scan3A_195 to %scan3A_197 step %scan3A_198 iter_args(%scan3A_284 = %scan3A_194) -> (i32)  : i32 {
        %mul3A_285 = arith.constant 16 : i32
        %mul3A_286 = arith.muli %scan3A_283, %mul3A_285 : i32
        %add3A_287 = vector.broadcast %mul3A_286 : i32 to vector<16xi32>
        %add3A_288 = arith.addi %iota3A, %add3A_287 : vector<16xi32>
        %add3A_289 = arith.constant 0 : i32
        %add3A_290 = vector.broadcast %add3A_289 : i32 to vector<16xi32>
        %add3A_291 = arith.addi %and3A_7, %add3A_290 : vector<16xi32>
        %gather3A = arith.constant 0 : i32
        %gather3A_292 = arith.constant 0 : i32
        %gather3A_293 = tpu.memref_slice %arg6[%scan3A_192, %gather3A, %gather3A_292] : memref<2x128x128xf32, #tpu.memory_space<vmem>> -> memref<1x128x128xf32, #tpu.memory_space<vmem>>
        %gather3A_294 = tpu.memref_squeeze %gather3A_293 : memref<1x128x128xf32, #tpu.memory_space<vmem>> -> memref<128x128xf32, #tpu.memory_space<vmem>>
        %gather3A_295 = tpu.vector_load_idx %gather3A_294[%add3A_288, %add3A_291] : memref<128x128xf32, #tpu.memory_space<vmem>>[vector<16xi32>, vector<16xi32>], vector<16xf32>,
        %scatter3A = arith.constant 0 : i32
        %scatter3A_296 = arith.constant 0 : i32
        %scatter3A_297 = tpu.memref_slice %arg7[%scan3A_193, %scatter3A, %scatter3A_296] : memref<2x64x128xf32, #tpu.memory_space<vmem>> -> memref<1x64x128xf32, #tpu.memory_space<vmem>>
        %scatter3A_298 = tpu.memref_squeeze %scatter3A_297 : memref<1x64x128xf32, #tpu.memory_space<vmem>> -> memref<64x128xf32, #tpu.memory_space<vmem>>
        tpu.vector_store_idx %scatter3A_298[%add3A_291, %add3A_288], %gather3A_295 : memref<64x128xf32, #tpu.memory_space<vmem>>[vector<16xi32>, vector<16xi32>], vector<16xf32>,
        %add3A_299 = arith.constant 0 : i32
        %add3A_300 = vector.broadcast %add3A_299 : i32 to vector<16xi32>
        %add3A_301 = arith.addi %and3A_13, %add3A_300 : vector<16xi32>
        %gather3A_302 = arith.constant 0 : i32
        %gather3A_303 = arith.constant 0 : i32
        %gather3A_304 = tpu.memref_slice %arg6[%scan3A_192, %gather3A_302, %gather3A_303] : memref<2x128x128xf32, #tpu.memory_space<vmem>> -> memref<1x128x128xf32, #tpu.memory_space<vmem>>
        %gather3A_305 = tpu.memref_squeeze %gather3A_304 : memref<1x128x128xf32, #tpu.memory_space<vmem>> -> memref<128x128xf32, #tpu.memory_space<vmem>>
        %gather3A_306 = tpu.vector_load_idx %gather3A_305[%add3A_288, %add3A_301] : memref<128x128xf32, #tpu.memory_space<vmem>>[vector<16xi32>, vector<16xi32>], vector<16xf32>,
        %scatter3A_307 = arith.constant 0 : i32
        %scatter3A_308 = arith.constant 0 : i32
        %scatter3A_309 = tpu.memref_slice %arg7[%scan3A_193, %scatter3A_307, %scatter3A_308] : memref<2x64x128xf32, #tpu.memory_space<vmem>> -> memref<1x64x128xf32, #tpu.memory_space<vmem>>
        %scatter3A_310 = tpu.memref_squeeze %scatter3A_309 : memref<1x64x128xf32, #tpu.memory_space<vmem>> -> memref<64x128xf32, #tpu.memory_space<vmem>>
        tpu.vector_store_idx %scatter3A_310[%add3A_301, %add3A_288], %gather3A_306 : memref<64x128xf32, #tpu.memory_space<vmem>>[vector<16xi32>, vector<16xi32>], vector<16xf32>,
        %add3A_311 = arith.constant 0 : i32
        %add3A_312 = vector.broadcast %add3A_311 : i32 to vector<16xi32>
        %add3A_313 = arith.addi %and3A_19, %add3A_312 : vector<16xi32>
        %gather3A_314 = arith.constant 0 : i32
        %gather3A_315 = arith.constant 0 : i32
        %gather3A_316 = tpu.memref_slice %arg6[%scan3A_192, %gather3A_314, %gather3A_315] : memref<2x128x128xf32, #tpu.memory_space<vmem>> -> memref<1x128x128xf32, #tpu.memory_space<vmem>>
        %gather3A_317 = tpu.memref_squeeze %gather3A_316 : memref<1x128x128xf32, #tpu.memory_space<vmem>> -> memref<128x128xf32, #tpu.memory_space<vmem>>
        %gather3A_318 = tpu.vector_load_idx %gather3A_317[%add3A_288, %add3A_313] : memref<128x128xf32, #tpu.memory_space<vmem>>[vector<16xi32>, vector<16xi32>], vector<16xf32>,
        %scatter3A_319 = arith.constant 0 : i32
        %scatter3A_320 = arith.constant 0 : i32
        %scatter3A_321 = tpu.memref_slice %arg7[%scan3A_193, %scatter3A_319, %scatter3A_320] : memref<2x64x128xf32, #tpu.memory_space<vmem>> -> memref<1x64x128xf32, #tpu.memory_space<vmem>>
        %scatter3A_322 = tpu.memref_squeeze %scatter3A_321 : memref<1x64x128xf32, #tpu.memory_space<vmem>> -> memref<64x128xf32, #tpu.memory_space<vmem>>
        tpu.vector_store_idx %scatter3A_322[%add3A_313, %add3A_288], %gather3A_318 : memref<64x128xf32, #tpu.memory_space<vmem>>[vector<16xi32>, vector<16xi32>], vector<16xf32>,
        %add3A_323 = arith.constant 0 : i32
        %add3A_324 = vector.broadcast %add3A_323 : i32 to vector<16xi32>
        %add3A_325 = arith.addi %and3A_25, %add3A_324 : vector<16xi32>
        %gather3A_326 = arith.constant 0 : i32
        %gather3A_327 = arith.constant 0 : i32
        %gather3A_328 = tpu.memref_slice %arg6[%scan3A_192, %gather3A_326, %gather3A_327] : memref<2x128x128xf32, #tpu.memory_space<vmem>> -> memref<1x128x128xf32, #tpu.memory_space<vmem>>
        %gather3A_329 = tpu.memref_squeeze %gather3A_328 : memref<1x128x128xf32, #tpu.memory_space<vmem>> -> memref<128x128xf32, #tpu.memory_space<vmem>>
        %gather3A_330 = tpu.vector_load_idx %gather3A_329[%add3A_288, %add3A_325] : memref<128x128xf32, #tpu.memory_space<vmem>>[vector<16xi32>, vector<16xi32>], vector<16xf32>,
        %scatter3A_331 = arith.constant 0 : i32
        %scatter3A_332 = arith.constant 0 : i32
        %scatter3A_333 = tpu.memref_slice %arg7[%scan3A_193, %scatter3A_331, %scatter3A_332] : memref<2x64x128xf32, #tpu.memory_space<vmem>> -> memref<1x64x128xf32, #tpu.memory_space<vmem>>
        %scatter3A_334 = tpu.memref_squeeze %scatter3A_333 : memref<1x64x128xf32, #tpu.memory_space<vmem>> -> memref<64x128xf32, #tpu.memory_space<vmem>>
        tpu.vector_store_idx %scatter3A_334[%add3A_325, %add3A_288], %gather3A_330 : memref<64x128xf32, #tpu.memory_space<vmem>>[vector<16xi32>, vector<16xi32>], vector<16xf32>,
        %add3A_335 = arith.constant 0 : i32
        %add3A_336 = vector.broadcast %add3A_335 : i32 to vector<16xi32>
        %add3A_337 = arith.addi %and3A_31, %add3A_336 : vector<16xi32>
        %gather3A_338 = arith.constant 0 : i32
        %gather3A_339 = arith.constant 0 : i32
        %gather3A_340 = tpu.memref_slice %arg6[%scan3A_192, %gather3A_338, %gather3A_339] : memref<2x128x128xf32, #tpu.memory_space<vmem>> -> memref<1x128x128xf32, #tpu.memory_space<vmem>>
        %gather3A_341 = tpu.memref_squeeze %gather3A_340 : memref<1x128x128xf32, #tpu.memory_space<vmem>> -> memref<128x128xf32, #tpu.memory_space<vmem>>
        %gather3A_342 = tpu.vector_load_idx %gather3A_341[%add3A_288, %add3A_337] : memref<128x128xf32, #tpu.memory_space<vmem>>[vector<16xi32>, vector<16xi32>], vector<16xf32>,
        %scatter3A_343 = arith.constant 0 : i32
        %scatter3A_344 = arith.constant 0 : i32
        %scatter3A_345 = tpu.memref_slice %arg7[%scan3A_193, %scatter3A_343, %scatter3A_344] : memref<2x64x128xf32, #tpu.memory_space<vmem>> -> memref<1x64x128xf32, #tpu.memory_space<vmem>>
        %scatter3A_346 = tpu.memref_squeeze %scatter3A_345 : memref<1x64x128xf32, #tpu.memory_space<vmem>> -> memref<64x128xf32, #tpu.memory_space<vmem>>
        tpu.vector_store_idx %scatter3A_346[%add3A_337, %add3A_288], %gather3A_342 : memref<64x128xf32, #tpu.memory_space<vmem>>[vector<16xi32>, vector<16xi32>], vector<16xf32>,
        %add3A_347 = arith.constant 0 : i32
        %add3A_348 = vector.broadcast %add3A_347 : i32 to vector<16xi32>
        %add3A_349 = arith.addi %and3A_37, %add3A_348 : vector<16xi32>
        %gather3A_350 = arith.constant 0 : i32
        %gather3A_351 = arith.constant 0 : i32
        %gather3A_352 = tpu.memref_slice %arg6[%scan3A_192, %gather3A_350, %gather3A_351] : memref<2x128x128xf32, #tpu.memory_space<vmem>> -> memref<1x128x128xf32, #tpu.memory_space<vmem>>
        %gather3A_353 = tpu.memref_squeeze %gather3A_352 : memref<1x128x128xf32, #tpu.memory_space<vmem>> -> memref<128x128xf32, #tpu.memory_space<vmem>>
        %gather3A_354 = tpu.vector_load_idx %gather3A_353[%add3A_288, %add3A_349] : memref<128x128xf32, #tpu.memory_space<vmem>>[vector<16xi32>, vector<16xi32>], vector<16xf32>,
        %scatter3A_355 = arith.constant 0 : i32
        %scatter3A_356 = arith.constant 0 : i32
        %scatter3A_357 = tpu.memref_slice %arg7[%scan3A_193, %scatter3A_355, %scatter3A_356] : memref<2x64x128xf32, #tpu.memory_space<vmem>> -> memref<1x64x128xf32, #tpu.memory_space<vmem>>
        %scatter3A_358 = tpu.memref_squeeze %scatter3A_357 : memref<1x64x128xf32, #tpu.memory_space<vmem>> -> memref<64x128xf32, #tpu.memory_space<vmem>>
        tpu.vector_store_idx %scatter3A_358[%add3A_349, %add3A_288], %gather3A_354 : memref<64x128xf32, #tpu.memory_space<vmem>>[vector<16xi32>, vector<16xi32>], vector<16xf32>,
        %add3A_359 = arith.constant 0 : i32
        %add3A_360 = vector.broadcast %add3A_359 : i32 to vector<16xi32>
        %add3A_361 = arith.addi %and3A_43, %add3A_360 : vector<16xi32>
        %gather3A_362 = arith.constant 0 : i32
        %gather3A_363 = arith.constant 0 : i32
        %gather3A_364 = tpu.memref_slice %arg6[%scan3A_192, %gather3A_362, %gather3A_363] : memref<2x128x128xf32, #tpu.memory_space<vmem>> -> memref<1x128x128xf32, #tpu.memory_space<vmem>>
        %gather3A_365 = tpu.memref_squeeze %gather3A_364 : memref<1x128x128xf32, #tpu.memory_space<vmem>> -> memref<128x128xf32, #tpu.memory_space<vmem>>
        %gather3A_366 = tpu.vector_load_idx %gather3A_365[%add3A_288, %add3A_361] : memref<128x128xf32, #tpu.memory_space<vmem>>[vector<16xi32>, vector<16xi32>], vector<16xf32>,
        %scatter3A_367 = arith.constant 0 : i32
        %scatter3A_368 = arith.constant 0 : i32
        %scatter3A_369 = tpu.memref_slice %arg7[%scan3A_193, %scatter3A_367, %scatter3A_368] : memref<2x64x128xf32, #tpu.memory_space<vmem>> -> memref<1x64x128xf32, #tpu.memory_space<vmem>>
        %scatter3A_370 = tpu.memref_squeeze %scatter3A_369 : memref<1x64x128xf32, #tpu.memory_space<vmem>> -> memref<64x128xf32, #tpu.memory_space<vmem>>
        tpu.vector_store_idx %scatter3A_370[%add3A_361, %add3A_288], %gather3A_366 : memref<64x128xf32, #tpu.memory_space<vmem>>[vector<16xi32>, vector<16xi32>], vector<16xf32>,
        %add3A_371 = arith.constant 0 : i32
        %add3A_372 = vector.broadcast %add3A_371 : i32 to vector<16xi32>
        %add3A_373 = arith.addi %and3A_49, %add3A_372 : vector<16xi32>
        %gather3A_374 = arith.constant 0 : i32
        %gather3A_375 = arith.constant 0 : i32
        %gather3A_376 = tpu.memref_slice %arg6[%scan3A_192, %gather3A_374, %gather3A_375] : memref<2x128x128xf32, #tpu.memory_space<vmem>> -> memref<1x128x128xf32, #tpu.memory_space<vmem>>
        %gather3A_377 = tpu.memref_squeeze %gather3A_376 : memref<1x128x128xf32, #tpu.memory_space<vmem>> -> memref<128x128xf32, #tpu.memory_space<vmem>>
        %gather3A_378 = tpu.vector_load_idx %gather3A_377[%add3A_288, %add3A_373] : memref<128x128xf32, #tpu.memory_space<vmem>>[vector<16xi32>, vector<16xi32>], vector<16xf32>,
        %scatter3A_379 = arith.constant 0 : i32
        %scatter3A_380 = arith.constant 0 : i32
        %scatter3A_381 = tpu.memref_slice %arg7[%scan3A_193, %scatter3A_379, %scatter3A_380] : memref<2x64x128xf32, #tpu.memory_space<vmem>> -> memref<1x64x128xf32, #tpu.memory_space<vmem>>
        %scatter3A_382 = tpu.memref_squeeze %scatter3A_381 : memref<1x64x128xf32, #tpu.memory_space<vmem>> -> memref<64x128xf32, #tpu.memory_space<vmem>>
        tpu.vector_store_idx %scatter3A_382[%add3A_373, %add3A_288], %gather3A_378 : memref<64x128xf32, #tpu.memory_space<vmem>>[vector<16xi32>, vector<16xi32>], vector<16xf32>,
        %add3A_383 = arith.constant 0 : i32
        %add3A_384 = vector.broadcast %add3A_383 : i32 to vector<16xi32>
        %add3A_385 = arith.addi %and3A_55, %add3A_384 : vector<16xi32>
        %gather3A_386 = arith.constant 0 : i32
        %gather3A_387 = arith.constant 0 : i32
        %gather3A_388 = tpu.memref_slice %arg6[%scan3A_192, %gather3A_386, %gather3A_387] : memref<2x128x128xf32, #tpu.memory_space<vmem>> -> memref<1x128x128xf32, #tpu.memory_space<vmem>>
        %gather3A_389 = tpu.memref_squeeze %gather3A_388 : memref<1x128x128xf32, #tpu.memory_space<vmem>> -> memref<128x128xf32, #tpu.memory_space<vmem>>
        %gather3A_390 = tpu.vector_load_idx %gather3A_389[%add3A_288, %add3A_385] : memref<128x128xf32, #tpu.memory_space<vmem>>[vector<16xi32>, vector<16xi32>], vector<16xf32>,
        %scatter3A_391 = arith.constant 0 : i32
        %scatter3A_392 = arith.constant 0 : i32
        %scatter3A_393 = tpu.memref_slice %arg7[%scan3A_193, %scatter3A_391, %scatter3A_392] : memref<2x64x128xf32, #tpu.memory_space<vmem>> -> memref<1x64x128xf32, #tpu.memory_space<vmem>>
        %scatter3A_394 = tpu.memref_squeeze %scatter3A_393 : memref<1x64x128xf32, #tpu.memory_space<vmem>> -> memref<64x128xf32, #tpu.memory_space<vmem>>
        tpu.vector_store_idx %scatter3A_394[%add3A_385, %add3A_288], %gather3A_390 : memref<64x128xf32, #tpu.memory_space<vmem>>[vector<16xi32>, vector<16xi32>], vector<16xf32>,
        %add3A_395 = arith.constant 0 : i32
        %add3A_396 = vector.broadcast %add3A_395 : i32 to vector<16xi32>
        %add3A_397 = arith.addi %and3A_61, %add3A_396 : vector<16xi32>
        %gather3A_398 = arith.constant 0 : i32
        %gather3A_399 = arith.constant 0 : i32
        %gather3A_400 = tpu.memref_slice %arg6[%scan3A_192, %gather3A_398, %gather3A_399] : memref<2x128x128xf32, #tpu.memory_space<vmem>> -> memref<1x128x128xf32, #tpu.memory_space<vmem>>
        %gather3A_401 = tpu.memref_squeeze %gather3A_400 : memref<1x128x128xf32, #tpu.memory_space<vmem>> -> memref<128x128xf32, #tpu.memory_space<vmem>>
        %gather3A_402 = tpu.vector_load_idx %gather3A_401[%add3A_288, %add3A_397] : memref<128x128xf32, #tpu.memory_space<vmem>>[vector<16xi32>, vector<16xi32>], vector<16xf32>,
        %scatter3A_403 = arith.constant 0 : i32
        %scatter3A_404 = arith.constant 0 : i32
        %scatter3A_405 = tpu.memref_slice %arg7[%scan3A_193, %scatter3A_403, %scatter3A_404] : memref<2x64x128xf32, #tpu.memory_space<vmem>> -> memref<1x64x128xf32, #tpu.memory_space<vmem>>
        %scatter3A_406 = tpu.memref_squeeze %scatter3A_405 : memref<1x64x128xf32, #tpu.memory_space<vmem>> -> memref<64x128xf32, #tpu.memory_space<vmem>>
        tpu.vector_store_idx %scatter3A_406[%add3A_397, %add3A_288], %gather3A_402 : memref<64x128xf32, #tpu.memory_space<vmem>>[vector<16xi32>, vector<16xi32>], vector<16xf32>,
        %add3A_407 = arith.constant 0 : i32
        %add3A_408 = vector.broadcast %add3A_407 : i32 to vector<16xi32>
        %add3A_409 = arith.addi %and3A_67, %add3A_408 : vector<16xi32>
        %gather3A_410 = arith.constant 0 : i32
        %gather3A_411 = arith.constant 0 : i32
        %gather3A_412 = tpu.memref_slice %arg6[%scan3A_192, %gather3A_410, %gather3A_411] : memref<2x128x128xf32, #tpu.memory_space<vmem>> -> memref<1x128x128xf32, #tpu.memory_space<vmem>>
        %gather3A_413 = tpu.memref_squeeze %gather3A_412 : memref<1x128x128xf32, #tpu.memory_space<vmem>> -> memref<128x128xf32, #tpu.memory_space<vmem>>
        %gather3A_414 = tpu.vector_load_idx %gather3A_413[%add3A_288, %add3A_409] : memref<128x128xf32, #tpu.memory_space<vmem>>[vector<16xi32>, vector<16xi32>], vector<16xf32>,
        %scatter3A_415 = arith.constant 0 : i32
        %scatter3A_416 = arith.constant 0 : i32
        %scatter3A_417 = tpu.memref_slice %arg7[%scan3A_193, %scatter3A_415, %scatter3A_416] : memref<2x64x128xf32, #tpu.memory_space<vmem>> -> memref<1x64x128xf32, #tpu.memory_space<vmem>>
        %scatter3A_418 = tpu.memref_squeeze %scatter3A_417 : memref<1x64x128xf32, #tpu.memory_space<vmem>> -> memref<64x128xf32, #tpu.memory_space<vmem>>
        tpu.vector_store_idx %scatter3A_418[%add3A_409, %add3A_288], %gather3A_414 : memref<64x128xf32, #tpu.memory_space<vmem>>[vector<16xi32>, vector<16xi32>], vector<16xf32>,
        %add3A_419 = arith.constant 0 : i32
        %add3A_420 = vector.broadcast %add3A_419 : i32 to vector<16xi32>
        %add3A_421 = arith.addi %and3A_73, %add3A_420 : vector<16xi32>
        %gather3A_422 = arith.constant 0 : i32
        %gather3A_423 = arith.constant 0 : i32
        %gather3A_424 = tpu.memref_slice %arg6[%scan3A_192, %gather3A_422, %gather3A_423] : memref<2x128x128xf32, #tpu.memory_space<vmem>> -> memref<1x128x128xf32, #tpu.memory_space<vmem>>
        %gather3A_425 = tpu.memref_squeeze %gather3A_424 : memref<1x128x128xf32, #tpu.memory_space<vmem>> -> memref<128x128xf32, #tpu.memory_space<vmem>>
        %gather3A_426 = tpu.vector_load_idx %gather3A_425[%add3A_288, %add3A_421] : memref<128x128xf32, #tpu.memory_space<vmem>>[vector<16xi32>, vector<16xi32>], vector<16xf32>,
        %scatter3A_427 = arith.constant 0 : i32
        %scatter3A_428 = arith.constant 0 : i32
        %scatter3A_429 = tpu.memref_slice %arg7[%scan3A_193, %scatter3A_427, %scatter3A_428] : memref<2x64x128xf32, #tpu.memory_space<vmem>> -> memref<1x64x128xf32, #tpu.memory_space<vmem>>
        %scatter3A_430 = tpu.memref_squeeze %scatter3A_429 : memref<1x64x128xf32, #tpu.memory_space<vmem>> -> memref<64x128xf32, #tpu.memory_space<vmem>>
        tpu.vector_store_idx %scatter3A_430[%add3A_421, %add3A_288], %gather3A_426 : memref<64x128xf32, #tpu.memory_space<vmem>>[vector<16xi32>, vector<16xi32>], vector<16xf32>,
        %add3A_431 = arith.constant 0 : i32
        %add3A_432 = vector.broadcast %add3A_431 : i32 to vector<16xi32>
        %add3A_433 = arith.addi %and3A_79, %add3A_432 : vector<16xi32>
        %gather3A_434 = arith.constant 0 : i32
        %gather3A_435 = arith.constant 0 : i32
        %gather3A_436 = tpu.memref_slice %arg6[%scan3A_192, %gather3A_434, %gather3A_435] : memref<2x128x128xf32, #tpu.memory_space<vmem>> -> memref<1x128x128xf32, #tpu.memory_space<vmem>>
        %gather3A_437 = tpu.memref_squeeze %gather3A_436 : memref<1x128x128xf32, #tpu.memory_space<vmem>> -> memref<128x128xf32, #tpu.memory_space<vmem>>
        %gather3A_438 = tpu.vector_load_idx %gather3A_437[%add3A_288, %add3A_433] : memref<128x128xf32, #tpu.memory_space<vmem>>[vector<16xi32>, vector<16xi32>], vector<16xf32>,
        %scatter3A_439 = arith.constant 0 : i32
        %scatter3A_440 = arith.constant 0 : i32
        %scatter3A_441 = tpu.memref_slice %arg7[%scan3A_193, %scatter3A_439, %scatter3A_440] : memref<2x64x128xf32, #tpu.memory_space<vmem>> -> memref<1x64x128xf32, #tpu.memory_space<vmem>>
        %scatter3A_442 = tpu.memref_squeeze %scatter3A_441 : memref<1x64x128xf32, #tpu.memory_space<vmem>> -> memref<64x128xf32, #tpu.memory_space<vmem>>
        tpu.vector_store_idx %scatter3A_442[%add3A_433, %add3A_288], %gather3A_438 : memref<64x128xf32, #tpu.memory_space<vmem>>[vector<16xi32>, vector<16xi32>], vector<16xf32>,
        %add3A_443 = arith.constant 0 : i32
        %add3A_444 = vector.broadcast %add3A_443 : i32 to vector<16xi32>
        %add3A_445 = arith.addi %and3A_85, %add3A_444 : vector<16xi32>
        %gather3A_446 = arith.constant 0 : i32
        %gather3A_447 = arith.constant 0 : i32
        %gather3A_448 = tpu.memref_slice %arg6[%scan3A_192, %gather3A_446, %gather3A_447] : memref<2x128x128xf32, #tpu.memory_space<vmem>> -> memref<1x128x128xf32, #tpu.memory_space<vmem>>
        %gather3A_449 = tpu.memref_squeeze %gather3A_448 : memref<1x128x128xf32, #tpu.memory_space<vmem>> -> memref<128x128xf32, #tpu.memory_space<vmem>>
        %gather3A_450 = tpu.vector_load_idx %gather3A_449[%add3A_288, %add3A_445] : memref<128x128xf32, #tpu.memory_space<vmem>>[vector<16xi32>, vector<16xi32>], vector<16xf32>,
        %scatter3A_451 = arith.constant 0 : i32
        %scatter3A_452 = arith.constant 0 : i32
        %scatter3A_453 = tpu.memref_slice %arg7[%scan3A_193, %scatter3A_451, %scatter3A_452] : memref<2x64x128xf32, #tpu.memory_space<vmem>> -> memref<1x64x128xf32, #tpu.memory_space<vmem>>
        %scatter3A_454 = tpu.memref_squeeze %scatter3A_453 : memref<1x64x128xf32, #tpu.memory_space<vmem>> -> memref<64x128xf32, #tpu.memory_space<vmem>>
        tpu.vector_store_idx %scatter3A_454[%add3A_445, %add3A_288], %gather3A_450 : memref<64x128xf32, #tpu.memory_space<vmem>>[vector<16xi32>, vector<16xi32>], vector<16xf32>,
        %add3A_455 = arith.constant 0 : i32
        %add3A_456 = vector.broadcast %add3A_455 : i32 to vector<16xi32>
        %add3A_457 = arith.addi %and3A_91, %add3A_456 : vector<16xi32>
        %gather3A_458 = arith.constant 0 : i32
        %gather3A_459 = arith.constant 0 : i32
        %gather3A_460 = tpu.memref_slice %arg6[%scan3A_192, %gather3A_458, %gather3A_459] : memref<2x128x128xf32, #tpu.memory_space<vmem>> -> memref<1x128x128xf32, #tpu.memory_space<vmem>>
        %gather3A_461 = tpu.memref_squeeze %gather3A_460 : memref<1x128x128xf32, #tpu.memory_space<vmem>> -> memref<128x128xf32, #tpu.memory_space<vmem>>
        %gather3A_462 = tpu.vector_load_idx %gather3A_461[%add3A_288, %add3A_457] : memref<128x128xf32, #tpu.memory_space<vmem>>[vector<16xi32>, vector<16xi32>], vector<16xf32>,
        %scatter3A_463 = arith.constant 0 : i32
        %scatter3A_464 = arith.constant 0 : i32
        %scatter3A_465 = tpu.memref_slice %arg7[%scan3A_193, %scatter3A_463, %scatter3A_464] : memref<2x64x128xf32, #tpu.memory_space<vmem>> -> memref<1x64x128xf32, #tpu.memory_space<vmem>>
        %scatter3A_466 = tpu.memref_squeeze %scatter3A_465 : memref<1x64x128xf32, #tpu.memory_space<vmem>> -> memref<64x128xf32, #tpu.memory_space<vmem>>
        tpu.vector_store_idx %scatter3A_466[%add3A_457, %add3A_288], %gather3A_462 : memref<64x128xf32, #tpu.memory_space<vmem>>[vector<16xi32>, vector<16xi32>], vector<16xf32>,
        %add3A_467 = arith.constant 0 : i32
        %add3A_468 = vector.broadcast %add3A_467 : i32 to vector<16xi32>
        %add3A_469 = arith.addi %and3A_97, %add3A_468 : vector<16xi32>
        %gather3A_470 = arith.constant 0 : i32
        %gather3A_471 = arith.constant 0 : i32
        %gather3A_472 = tpu.memref_slice %arg6[%scan3A_192, %gather3A_470, %gather3A_471] : memref<2x128x128xf32, #tpu.memory_space<vmem>> -> memref<1x128x128xf32, #tpu.memory_space<vmem>>
        %gather3A_473 = tpu.memref_squeeze %gather3A_472 : memref<1x128x128xf32, #tpu.memory_space<vmem>> -> memref<128x128xf32, #tpu.memory_space<vmem>>
        %gather3A_474 = tpu.vector_load_idx %gather3A_473[%add3A_288, %add3A_469] : memref<128x128xf32, #tpu.memory_space<vmem>>[vector<16xi32>, vector<16xi32>], vector<16xf32>,
        %scatter3A_475 = arith.constant 0 : i32
        %scatter3A_476 = arith.constant 0 : i32
        %scatter3A_477 = tpu.memref_slice %arg7[%scan3A_193, %scatter3A_475, %scatter3A_476] : memref<2x64x128xf32, #tpu.memory_space<vmem>> -> memref<1x64x128xf32, #tpu.memory_space<vmem>>
        %scatter3A_478 = tpu.memref_squeeze %scatter3A_477 : memref<1x64x128xf32, #tpu.memory_space<vmem>> -> memref<64x128xf32, #tpu.memory_space<vmem>>
        tpu.vector_store_idx %scatter3A_478[%add3A_469, %add3A_288], %gather3A_474 : memref<64x128xf32, #tpu.memory_space<vmem>>[vector<16xi32>, vector<16xi32>], vector<16xf32>,
        %add3A_479 = arith.constant 16 : i32
        %add3A_480 = vector.broadcast %add3A_479 : i32 to vector<16xi32>
        %add3A_481 = arith.addi %and3A_7, %add3A_480 : vector<16xi32>
        %gather3A_482 = arith.constant 0 : i32
        %gather3A_483 = arith.constant 0 : i32
        %gather3A_484 = tpu.memref_slice %arg6[%scan3A_192, %gather3A_482, %gather3A_483] : memref<2x128x128xf32, #tpu.memory_space<vmem>> -> memref<1x128x128xf32, #tpu.memory_space<vmem>>
        %gather3A_485 = tpu.memref_squeeze %gather3A_484 : memref<1x128x128xf32, #tpu.memory_space<vmem>> -> memref<128x128xf32, #tpu.memory_space<vmem>>
        %gather3A_486 = tpu.vector_load_idx %gather3A_485[%add3A_288, %add3A_481] : memref<128x128xf32, #tpu.memory_space<vmem>>[vector<16xi32>, vector<16xi32>], vector<16xf32>,
        %scatter3A_487 = arith.constant 0 : i32
        %scatter3A_488 = arith.constant 0 : i32
        %scatter3A_489 = tpu.memref_slice %arg7[%scan3A_193, %scatter3A_487, %scatter3A_488] : memref<2x64x128xf32, #tpu.memory_space<vmem>> -> memref<1x64x128xf32, #tpu.memory_space<vmem>>
        %scatter3A_490 = tpu.memref_squeeze %scatter3A_489 : memref<1x64x128xf32, #tpu.memory_space<vmem>> -> memref<64x128xf32, #tpu.memory_space<vmem>>
        tpu.vector_store_idx %scatter3A_490[%add3A_481, %add3A_288], %gather3A_486 : memref<64x128xf32, #tpu.memory_space<vmem>>[vector<16xi32>, vector<16xi32>], vector<16xf32>,
        %add3A_491 = arith.constant 16 : i32
        %add3A_492 = vector.broadcast %add3A_491 : i32 to vector<16xi32>
        %add3A_493 = arith.addi %and3A_13, %add3A_492 : vector<16xi32>
        %gather3A_494 = arith.constant 0 : i32
        %gather3A_495 = arith.constant 0 : i32
        %gather3A_496 = tpu.memref_slice %arg6[%scan3A_192, %gather3A_494, %gather3A_495] : memref<2x128x128xf32, #tpu.memory_space<vmem>> -> memref<1x128x128xf32, #tpu.memory_space<vmem>>
        %gather3A_497 = tpu.memref_squeeze %gather3A_496 : memref<1x128x128xf32, #tpu.memory_space<vmem>> -> memref<128x128xf32, #tpu.memory_space<vmem>>
        %gather3A_498 = tpu.vector_load_idx %gather3A_497[%add3A_288, %add3A_493] : memref<128x128xf32, #tpu.memory_space<vmem>>[vector<16xi32>, vector<16xi32>], vector<16xf32>,
        %scatter3A_499 = arith.constant 0 : i32
        %scatter3A_500 = arith.constant 0 : i32
        %scatter3A_501 = tpu.memref_slice %arg7[%scan3A_193, %scatter3A_499, %scatter3A_500] : memref<2x64x128xf32, #tpu.memory_space<vmem>> -> memref<1x64x128xf32, #tpu.memory_space<vmem>>
        %scatter3A_502 = tpu.memref_squeeze %scatter3A_501 : memref<1x64x128xf32, #tpu.memory_space<vmem>> -> memref<64x128xf32, #tpu.memory_space<vmem>>
        tpu.vector_store_idx %scatter3A_502[%add3A_493, %add3A_288], %gather3A_498 : memref<64x128xf32, #tpu.memory_space<vmem>>[vector<16xi32>, vector<16xi32>], vector<16xf32>,
        %add3A_503 = arith.constant 16 : i32
        %add3A_504 = vector.broadcast %add3A_503 : i32 to vector<16xi32>
        %add3A_505 = arith.addi %and3A_19, %add3A_504 : vector<16xi32>
        %gather3A_506 = arith.constant 0 : i32
        %gather3A_507 = arith.constant 0 : i32
        %gather3A_508 = tpu.memref_slice %arg6[%scan3A_192, %gather3A_506, %gather3A_507] : memref<2x128x128xf32, #tpu.memory_space<vmem>> -> memref<1x128x128xf32, #tpu.memory_space<vmem>>
        %gather3A_509 = tpu.memref_squeeze %gather3A_508 : memref<1x128x128xf32, #tpu.memory_space<vmem>> -> memref<128x128xf32, #tpu.memory_space<vmem>>
        %gather3A_510 = tpu.vector_load_idx %gather3A_509[%add3A_288, %add3A_505] : memref<128x128xf32, #tpu.memory_space<vmem>>[vector<16xi32>, vector<16xi32>], vector<16xf32>,
        %scatter3A_511 = arith.constant 0 : i32
        %scatter3A_512 = arith.constant 0 : i32
        %scatter3A_513 = tpu.memref_slice %arg7[%scan3A_193, %scatter3A_511, %scatter3A_512] : memref<2x64x128xf32, #tpu.memory_space<vmem>> -> memref<1x64x128xf32, #tpu.memory_space<vmem>>
        %scatter3A_514 = tpu.memref_squeeze %scatter3A_513 : memref<1x64x128xf32, #tpu.memory_space<vmem>> -> memref<64x128xf32, #tpu.memory_space<vmem>>
        tpu.vector_store_idx %scatter3A_514[%add3A_505, %add3A_288], %gather3A_510 : memref<64x128xf32, #tpu.memory_space<vmem>>[vector<16xi32>, vector<16xi32>], vector<16xf32>,
        %add3A_515 = arith.constant 16 : i32
        %add3A_516 = vector.broadcast %add3A_515 : i32 to vector<16xi32>
        %add3A_517 = arith.addi %and3A_25, %add3A_516 : vector<16xi32>
        %gather3A_518 = arith.constant 0 : i32
        %gather3A_519 = arith.constant 0 : i32
        %gather3A_520 = tpu.memref_slice %arg6[%scan3A_192, %gather3A_518, %gather3A_519] : memref<2x128x128xf32, #tpu.memory_space<vmem>> -> memref<1x128x128xf32, #tpu.memory_space<vmem>>
        %gather3A_521 = tpu.memref_squeeze %gather3A_520 : memref<1x128x128xf32, #tpu.memory_space<vmem>> -> memref<128x128xf32, #tpu.memory_space<vmem>>
        %gather3A_522 = tpu.vector_load_idx %gather3A_521[%add3A_288, %add3A_517] : memref<128x128xf32, #tpu.memory_space<vmem>>[vector<16xi32>, vector<16xi32>], vector<16xf32>,
        %scatter3A_523 = arith.constant 0 : i32
        %scatter3A_524 = arith.constant 0 : i32
        %scatter3A_525 = tpu.memref_slice %arg7[%scan3A_193, %scatter3A_523, %scatter3A_524] : memref<2x64x128xf32, #tpu.memory_space<vmem>> -> memref<1x64x128xf32, #tpu.memory_space<vmem>>
        %scatter3A_526 = tpu.memref_squeeze %scatter3A_525 : memref<1x64x128xf32, #tpu.memory_space<vmem>> -> memref<64x128xf32, #tpu.memory_space<vmem>>
        tpu.vector_store_idx %scatter3A_526[%add3A_517, %add3A_288], %gather3A_522 : memref<64x128xf32, #tpu.memory_space<vmem>>[vector<16xi32>, vector<16xi32>], vector<16xf32>,
        %add3A_527 = arith.constant 16 : i32
        %add3A_528 = vector.broadcast %add3A_527 : i32 to vector<16xi32>
        %add3A_529 = arith.addi %and3A_31, %add3A_528 : vector<16xi32>
        %gather3A_530 = arith.constant 0 : i32
        %gather3A_531 = arith.constant 0 : i32
        %gather3A_532 = tpu.memref_slice %arg6[%scan3A_192, %gather3A_530, %gather3A_531] : memref<2x128x128xf32, #tpu.memory_space<vmem>> -> memref<1x128x128xf32, #tpu.memory_space<vmem>>
        %gather3A_533 = tpu.memref_squeeze %gather3A_532 : memref<1x128x128xf32, #tpu.memory_space<vmem>> -> memref<128x128xf32, #tpu.memory_space<vmem>>
        %gather3A_534 = tpu.vector_load_idx %gather3A_533[%add3A_288, %add3A_529] : memref<128x128xf32, #tpu.memory_space<vmem>>[vector<16xi32>, vector<16xi32>], vector<16xf32>,
        %scatter3A_535 = arith.constant 0 : i32
        %scatter3A_536 = arith.constant 0 : i32
        %scatter3A_537 = tpu.memref_slice %arg7[%scan3A_193, %scatter3A_535, %scatter3A_536] : memref<2x64x128xf32, #tpu.memory_space<vmem>> -> memref<1x64x128xf32, #tpu.memory_space<vmem>>
        %scatter3A_538 = tpu.memref_squeeze %scatter3A_537 : memref<1x64x128xf32, #tpu.memory_space<vmem>> -> memref<64x128xf32, #tpu.memory_space<vmem>>
        tpu.vector_store_idx %scatter3A_538[%add3A_529, %add3A_288], %gather3A_534 : memref<64x128xf32, #tpu.memory_space<vmem>>[vector<16xi32>, vector<16xi32>], vector<16xf32>,
        %add3A_539 = arith.constant 16 : i32
        %add3A_540 = vector.broadcast %add3A_539 : i32 to vector<16xi32>
        %add3A_541 = arith.addi %and3A_37, %add3A_540 : vector<16xi32>
        %gather3A_542 = arith.constant 0 : i32
        %gather3A_543 = arith.constant 0 : i32
        %gather3A_544 = tpu.memref_slice %arg6[%scan3A_192, %gather3A_542, %gather3A_543] : memref<2x128x128xf32, #tpu.memory_space<vmem>> -> memref<1x128x128xf32, #tpu.memory_space<vmem>>
        %gather3A_545 = tpu.memref_squeeze %gather3A_544 : memref<1x128x128xf32, #tpu.memory_space<vmem>> -> memref<128x128xf32, #tpu.memory_space<vmem>>
        %gather3A_546 = tpu.vector_load_idx %gather3A_545[%add3A_288, %add3A_541] : memref<128x128xf32, #tpu.memory_space<vmem>>[vector<16xi32>, vector<16xi32>], vector<16xf32>,
        %scatter3A_547 = arith.constant 0 : i32
        %scatter3A_548 = arith.constant 0 : i32
        %scatter3A_549 = tpu.memref_slice %arg7[%scan3A_193, %scatter3A_547, %scatter3A_548] : memref<2x64x128xf32, #tpu.memory_space<vmem>> -> memref<1x64x128xf32, #tpu.memory_space<vmem>>
        %scatter3A_550 = tpu.memref_squeeze %scatter3A_549 : memref<1x64x128xf32, #tpu.memory_space<vmem>> -> memref<64x128xf32, #tpu.memory_space<vmem>>
        tpu.vector_store_idx %scatter3A_550[%add3A_541, %add3A_288], %gather3A_546 : memref<64x128xf32, #tpu.memory_space<vmem>>[vector<16xi32>, vector<16xi32>], vector<16xf32>,
        %add3A_551 = arith.constant 16 : i32
        %add3A_552 = vector.broadcast %add3A_551 : i32 to vector<16xi32>
        %add3A_553 = arith.addi %and3A_43, %add3A_552 : vector<16xi32>
        %gather3A_554 = arith.constant 0 : i32
        %gather3A_555 = arith.constant 0 : i32
        %gather3A_556 = tpu.memref_slice %arg6[%scan3A_192, %gather3A_554, %gather3A_555] : memref<2x128x128xf32, #tpu.memory_space<vmem>> -> memref<1x128x128xf32, #tpu.memory_space<vmem>>
        %gather3A_557 = tpu.memref_squeeze %gather3A_556 : memref<1x128x128xf32, #tpu.memory_space<vmem>> -> memref<128x128xf32, #tpu.memory_space<vmem>>
        %gather3A_558 = tpu.vector_load_idx %gather3A_557[%add3A_288, %add3A_553] : memref<128x128xf32, #tpu.memory_space<vmem>>[vector<16xi32>, vector<16xi32>], vector<16xf32>,
        %scatter3A_559 = arith.constant 0 : i32
        %scatter3A_560 = arith.constant 0 : i32
        %scatter3A_561 = tpu.memref_slice %arg7[%scan3A_193, %scatter3A_559, %scatter3A_560] : memref<2x64x128xf32, #tpu.memory_space<vmem>> -> memref<1x64x128xf32, #tpu.memory_space<vmem>>
        %scatter3A_562 = tpu.memref_squeeze %scatter3A_561 : memref<1x64x128xf32, #tpu.memory_space<vmem>> -> memref<64x128xf32, #tpu.memory_space<vmem>>
        tpu.vector_store_idx %scatter3A_562[%add3A_553, %add3A_288], %gather3A_558 : memref<64x128xf32, #tpu.memory_space<vmem>>[vector<16xi32>, vector<16xi32>], vector<16xf32>,
        %add3A_563 = arith.constant 16 : i32
        %add3A_564 = vector.broadcast %add3A_563 : i32 to vector<16xi32>
        %add3A_565 = arith.addi %and3A_49, %add3A_564 : vector<16xi32>
        %gather3A_566 = arith.constant 0 : i32
        %gather3A_567 = arith.constant 0 : i32
        %gather3A_568 = tpu.memref_slice %arg6[%scan3A_192, %gather3A_566, %gather3A_567] : memref<2x128x128xf32, #tpu.memory_space<vmem>> -> memref<1x128x128xf32, #tpu.memory_space<vmem>>
        %gather3A_569 = tpu.memref_squeeze %gather3A_568 : memref<1x128x128xf32, #tpu.memory_space<vmem>> -> memref<128x128xf32, #tpu.memory_space<vmem>>
        %gather3A_570 = tpu.vector_load_idx %gather3A_569[%add3A_288, %add3A_565] : memref<128x128xf32, #tpu.memory_space<vmem>>[vector<16xi32>, vector<16xi32>], vector<16xf32>,
        %scatter3A_571 = arith.constant 0 : i32
        %scatter3A_572 = arith.constant 0 : i32
        %scatter3A_573 = tpu.memref_slice %arg7[%scan3A_193, %scatter3A_571, %scatter3A_572] : memref<2x64x128xf32, #tpu.memory_space<vmem>> -> memref<1x64x128xf32, #tpu.memory_space<vmem>>
        %scatter3A_574 = tpu.memref_squeeze %scatter3A_573 : memref<1x64x128xf32, #tpu.memory_space<vmem>> -> memref<64x128xf32, #tpu.memory_space<vmem>>
        tpu.vector_store_idx %scatter3A_574[%add3A_565, %add3A_288], %gather3A_570 : memref<64x128xf32, #tpu.memory_space<vmem>>[vector<16xi32>, vector<16xi32>], vector<16xf32>,
        %add3A_575 = arith.constant 16 : i32
        %add3A_576 = vector.broadcast %add3A_575 : i32 to vector<16xi32>
        %add3A_577 = arith.addi %and3A_55, %add3A_576 : vector<16xi32>
        %gather3A_578 = arith.constant 0 : i32
        %gather3A_579 = arith.constant 0 : i32
        %gather3A_580 = tpu.memref_slice %arg6[%scan3A_192, %gather3A_578, %gather3A_579] : memref<2x128x128xf32, #tpu.memory_space<vmem>> -> memref<1x128x128xf32, #tpu.memory_space<vmem>>
        %gather3A_581 = tpu.memref_squeeze %gather3A_580 : memref<1x128x128xf32, #tpu.memory_space<vmem>> -> memref<128x128xf32, #tpu.memory_space<vmem>>
        %gather3A_582 = tpu.vector_load_idx %gather3A_581[%add3A_288, %add3A_577] : memref<128x128xf32, #tpu.memory_space<vmem>>[vector<16xi32>, vector<16xi32>], vector<16xf32>,
        %scatter3A_583 = arith.constant 0 : i32
        %scatter3A_584 = arith.constant 0 : i32
        %scatter3A_585 = tpu.memref_slice %arg7[%scan3A_193, %scatter3A_583, %scatter3A_584] : memref<2x64x128xf32, #tpu.memory_space<vmem>> -> memref<1x64x128xf32, #tpu.memory_space<vmem>>
        %scatter3A_586 = tpu.memref_squeeze %scatter3A_585 : memref<1x64x128xf32, #tpu.memory_space<vmem>> -> memref<64x128xf32, #tpu.memory_space<vmem>>
        tpu.vector_store_idx %scatter3A_586[%add3A_577, %add3A_288], %gather3A_582 : memref<64x128xf32, #tpu.memory_space<vmem>>[vector<16xi32>, vector<16xi32>], vector<16xf32>,
        %add3A_587 = arith.constant 16 : i32
        %add3A_588 = vector.broadcast %add3A_587 : i32 to vector<16xi32>
        %add3A_589 = arith.addi %and3A_61, %add3A_588 : vector<16xi32>
        %gather3A_590 = arith.constant 0 : i32
        %gather3A_591 = arith.constant 0 : i32
        %gather3A_592 = tpu.memref_slice %arg6[%scan3A_192, %gather3A_590, %gather3A_591] : memref<2x128x128xf32, #tpu.memory_space<vmem>> -> memref<1x128x128xf32, #tpu.memory_space<vmem>>
        %gather3A_593 = tpu.memref_squeeze %gather3A_592 : memref<1x128x128xf32, #tpu.memory_space<vmem>> -> memref<128x128xf32, #tpu.memory_space<vmem>>
        %gather3A_594 = tpu.vector_load_idx %gather3A_593[%add3A_288, %add3A_589] : memref<128x128xf32, #tpu.memory_space<vmem>>[vector<16xi32>, vector<16xi32>], vector<16xf32>,
        %scatter3A_595 = arith.constant 0 : i32
        %scatter3A_596 = arith.constant 0 : i32
        %scatter3A_597 = tpu.memref_slice %arg7[%scan3A_193, %scatter3A_595, %scatter3A_596] : memref<2x64x128xf32, #tpu.memory_space<vmem>> -> memref<1x64x128xf32, #tpu.memory_space<vmem>>
        %scatter3A_598 = tpu.memref_squeeze %scatter3A_597 : memref<1x64x128xf32, #tpu.memory_space<vmem>> -> memref<64x128xf32, #tpu.memory_space<vmem>>
        tpu.vector_store_idx %scatter3A_598[%add3A_589, %add3A_288], %gather3A_594 : memref<64x128xf32, #tpu.memory_space<vmem>>[vector<16xi32>, vector<16xi32>], vector<16xf32>,
        %add3A_599 = arith.constant 16 : i32
        %add3A_600 = vector.broadcast %add3A_599 : i32 to vector<16xi32>
        %add3A_601 = arith.addi %and3A_67, %add3A_600 : vector<16xi32>
        %gather3A_602 = arith.constant 0 : i32
        %gather3A_603 = arith.constant 0 : i32
        %gather3A_604 = tpu.memref_slice %arg6[%scan3A_192, %gather3A_602, %gather3A_603] : memref<2x128x128xf32, #tpu.memory_space<vmem>> -> memref<1x128x128xf32, #tpu.memory_space<vmem>>
        %gather3A_605 = tpu.memref_squeeze %gather3A_604 : memref<1x128x128xf32, #tpu.memory_space<vmem>> -> memref<128x128xf32, #tpu.memory_space<vmem>>
        %gather3A_606 = tpu.vector_load_idx %gather3A_605[%add3A_288, %add3A_601] : memref<128x128xf32, #tpu.memory_space<vmem>>[vector<16xi32>, vector<16xi32>], vector<16xf32>,
        %scatter3A_607 = arith.constant 0 : i32
        %scatter3A_608 = arith.constant 0 : i32
        %scatter3A_609 = tpu.memref_slice %arg7[%scan3A_193, %scatter3A_607, %scatter3A_608] : memref<2x64x128xf32, #tpu.memory_space<vmem>> -> memref<1x64x128xf32, #tpu.memory_space<vmem>>
        %scatter3A_610 = tpu.memref_squeeze %scatter3A_609 : memref<1x64x128xf32, #tpu.memory_space<vmem>> -> memref<64x128xf32, #tpu.memory_space<vmem>>
        tpu.vector_store_idx %scatter3A_610[%add3A_601, %add3A_288], %gather3A_606 : memref<64x128xf32, #tpu.memory_space<vmem>>[vector<16xi32>, vector<16xi32>], vector<16xf32>,
        %add3A_611 = arith.constant 16 : i32
        %add3A_612 = vector.broadcast %add3A_611 : i32 to vector<16xi32>
        %add3A_613 = arith.addi %and3A_73, %add3A_612 : vector<16xi32>
        %gather3A_614 = arith.constant 0 : i32
        %gather3A_615 = arith.constant 0 : i32
        %gather3A_616 = tpu.memref_slice %arg6[%scan3A_192, %gather3A_614, %gather3A_615] : memref<2x128x128xf32, #tpu.memory_space<vmem>> -> memref<1x128x128xf32, #tpu.memory_space<vmem>>
        %gather3A_617 = tpu.memref_squeeze %gather3A_616 : memref<1x128x128xf32, #tpu.memory_space<vmem>> -> memref<128x128xf32, #tpu.memory_space<vmem>>
        %gather3A_618 = tpu.vector_load_idx %gather3A_617[%add3A_288, %add3A_613] : memref<128x128xf32, #tpu.memory_space<vmem>>[vector<16xi32>, vector<16xi32>], vector<16xf32>,
        %scatter3A_619 = arith.constant 0 : i32
        %scatter3A_620 = arith.constant 0 : i32
        %scatter3A_621 = tpu.memref_slice %arg7[%scan3A_193, %scatter3A_619, %scatter3A_620] : memref<2x64x128xf32, #tpu.memory_space<vmem>> -> memref<1x64x128xf32, #tpu.memory_space<vmem>>
        %scatter3A_622 = tpu.memref_squeeze %scatter3A_621 : memref<1x64x128xf32, #tpu.memory_space<vmem>> -> memref<64x128xf32, #tpu.memory_space<vmem>>
        tpu.vector_store_idx %scatter3A_622[%add3A_613, %add3A_288], %gather3A_618 : memref<64x128xf32, #tpu.memory_space<vmem>>[vector<16xi32>, vector<16xi32>], vector<16xf32>,
        %add3A_623 = arith.constant 16 : i32
        %add3A_624 = vector.broadcast %add3A_623 : i32 to vector<16xi32>
        %add3A_625 = arith.addi %and3A_79, %add3A_624 : vector<16xi32>
        %gather3A_626 = arith.constant 0 : i32
        %gather3A_627 = arith.constant 0 : i32
        %gather3A_628 = tpu.memref_slice %arg6[%scan3A_192, %gather3A_626, %gather3A_627] : memref<2x128x128xf32, #tpu.memory_space<vmem>> -> memref<1x128x128xf32, #tpu.memory_space<vmem>>
        %gather3A_629 = tpu.memref_squeeze %gather3A_628 : memref<1x128x128xf32, #tpu.memory_space<vmem>> -> memref<128x128xf32, #tpu.memory_space<vmem>>
        %gather3A_630 = tpu.vector_load_idx %gather3A_629[%add3A_288, %add3A_625] : memref<128x128xf32, #tpu.memory_space<vmem>>[vector<16xi32>, vector<16xi32>], vector<16xf32>,
        %scatter3A_631 = arith.constant 0 : i32
        %scatter3A_632 = arith.constant 0 : i32
        %scatter3A_633 = tpu.memref_slice %arg7[%scan3A_193, %scatter3A_631, %scatter3A_632] : memref<2x64x128xf32, #tpu.memory_space<vmem>> -> memref<1x64x128xf32, #tpu.memory_space<vmem>>
        %scatter3A_634 = tpu.memref_squeeze %scatter3A_633 : memref<1x64x128xf32, #tpu.memory_space<vmem>> -> memref<64x128xf32, #tpu.memory_space<vmem>>
        tpu.vector_store_idx %scatter3A_634[%add3A_625, %add3A_288], %gather3A_630 : memref<64x128xf32, #tpu.memory_space<vmem>>[vector<16xi32>, vector<16xi32>], vector<16xf32>,
        %add3A_635 = arith.constant 16 : i32
        %add3A_636 = vector.broadcast %add3A_635 : i32 to vector<16xi32>
        %add3A_637 = arith.addi %and3A_85, %add3A_636 : vector<16xi32>
        %gather3A_638 = arith.constant 0 : i32
        %gather3A_639 = arith.constant 0 : i32
        %gather3A_640 = tpu.memref_slice %arg6[%scan3A_192, %gather3A_638, %gather3A_639] : memref<2x128x128xf32, #tpu.memory_space<vmem>> -> memref<1x128x128xf32, #tpu.memory_space<vmem>>
        %gather3A_641 = tpu.memref_squeeze %gather3A_640 : memref<1x128x128xf32, #tpu.memory_space<vmem>> -> memref<128x128xf32, #tpu.memory_space<vmem>>
        %gather3A_642 = tpu.vector_load_idx %gather3A_641[%add3A_288, %add3A_637] : memref<128x128xf32, #tpu.memory_space<vmem>>[vector<16xi32>, vector<16xi32>], vector<16xf32>,
        %scatter3A_643 = arith.constant 0 : i32
        %scatter3A_644 = arith.constant 0 : i32
        %scatter3A_645 = tpu.memref_slice %arg7[%scan3A_193, %scatter3A_643, %scatter3A_644] : memref<2x64x128xf32, #tpu.memory_space<vmem>> -> memref<1x64x128xf32, #tpu.memory_space<vmem>>
        %scatter3A_646 = tpu.memref_squeeze %scatter3A_645 : memref<1x64x128xf32, #tpu.memory_space<vmem>> -> memref<64x128xf32, #tpu.memory_space<vmem>>
        tpu.vector_store_idx %scatter3A_646[%add3A_637, %add3A_288], %gather3A_642 : memref<64x128xf32, #tpu.memory_space<vmem>>[vector<16xi32>, vector<16xi32>], vector<16xf32>,
        %add3A_647 = arith.constant 16 : i32
        %add3A_648 = vector.broadcast %add3A_647 : i32 to vector<16xi32>
        %add3A_649 = arith.addi %and3A_91, %add3A_648 : vector<16xi32>
        %gather3A_650 = arith.constant 0 : i32
        %gather3A_651 = arith.constant 0 : i32
        %gather3A_652 = tpu.memref_slice %arg6[%scan3A_192, %gather3A_650, %gather3A_651] : memref<2x128x128xf32, #tpu.memory_space<vmem>> -> memref<1x128x128xf32, #tpu.memory_space<vmem>>
        %gather3A_653 = tpu.memref_squeeze %gather3A_652 : memref<1x128x128xf32, #tpu.memory_space<vmem>> -> memref<128x128xf32, #tpu.memory_space<vmem>>
        %gather3A_654 = tpu.vector_load_idx %gather3A_653[%add3A_288, %add3A_649] : memref<128x128xf32, #tpu.memory_space<vmem>>[vector<16xi32>, vector<16xi32>], vector<16xf32>,
        %scatter3A_655 = arith.constant 0 : i32
        %scatter3A_656 = arith.constant 0 : i32
        %scatter3A_657 = tpu.memref_slice %arg7[%scan3A_193, %scatter3A_655, %scatter3A_656] : memref<2x64x128xf32, #tpu.memory_space<vmem>> -> memref<1x64x128xf32, #tpu.memory_space<vmem>>
        %scatter3A_658 = tpu.memref_squeeze %scatter3A_657 : memref<1x64x128xf32, #tpu.memory_space<vmem>> -> memref<64x128xf32, #tpu.memory_space<vmem>>
        tpu.vector_store_idx %scatter3A_658[%add3A_649, %add3A_288], %gather3A_654 : memref<64x128xf32, #tpu.memory_space<vmem>>[vector<16xi32>, vector<16xi32>], vector<16xf32>,
        %add3A_659 = arith.constant 16 : i32
        %add3A_660 = vector.broadcast %add3A_659 : i32 to vector<16xi32>
        %add3A_661 = arith.addi %and3A_97, %add3A_660 : vector<16xi32>
        %gather3A_662 = arith.constant 0 : i32
        %gather3A_663 = arith.constant 0 : i32
        %gather3A_664 = tpu.memref_slice %arg6[%scan3A_192, %gather3A_662, %gather3A_663] : memref<2x128x128xf32, #tpu.memory_space<vmem>> -> memref<1x128x128xf32, #tpu.memory_space<vmem>>
        %gather3A_665 = tpu.memref_squeeze %gather3A_664 : memref<1x128x128xf32, #tpu.memory_space<vmem>> -> memref<128x128xf32, #tpu.memory_space<vmem>>
        %gather3A_666 = tpu.vector_load_idx %gather3A_665[%add3A_288, %add3A_661] : memref<128x128xf32, #tpu.memory_space<vmem>>[vector<16xi32>, vector<16xi32>], vector<16xf32>,
        %scatter3A_667 = arith.constant 0 : i32
        %scatter3A_668 = arith.constant 0 : i32
        %scatter3A_669 = tpu.memref_slice %arg7[%scan3A_193, %scatter3A_667, %scatter3A_668] : memref<2x64x128xf32, #tpu.memory_space<vmem>> -> memref<1x64x128xf32, #tpu.memory_space<vmem>>
        %scatter3A_670 = tpu.memref_squeeze %scatter3A_669 : memref<1x64x128xf32, #tpu.memory_space<vmem>> -> memref<64x128xf32, #tpu.memory_space<vmem>>
        tpu.vector_store_idx %scatter3A_670[%add3A_661, %add3A_288], %gather3A_666 : memref<64x128xf32, #tpu.memory_space<vmem>>[vector<16xi32>, vector<16xi32>], vector<16xf32>,
        %add3A_671 = arith.constant 32 : i32
        %add3A_672 = vector.broadcast %add3A_671 : i32 to vector<16xi32>
        %add3A_673 = arith.addi %and3A_7, %add3A_672 : vector<16xi32>
        %gather3A_674 = arith.constant 0 : i32
        %gather3A_675 = arith.constant 0 : i32
        %gather3A_676 = tpu.memref_slice %arg6[%scan3A_192, %gather3A_674, %gather3A_675] : memref<2x128x128xf32, #tpu.memory_space<vmem>> -> memref<1x128x128xf32, #tpu.memory_space<vmem>>
        %gather3A_677 = tpu.memref_squeeze %gather3A_676 : memref<1x128x128xf32, #tpu.memory_space<vmem>> -> memref<128x128xf32, #tpu.memory_space<vmem>>
        %gather3A_678 = tpu.vector_load_idx %gather3A_677[%add3A_288, %add3A_673] : memref<128x128xf32, #tpu.memory_space<vmem>>[vector<16xi32>, vector<16xi32>], vector<16xf32>,
        %scatter3A_679 = arith.constant 0 : i32
        %scatter3A_680 = arith.constant 0 : i32
        %scatter3A_681 = tpu.memref_slice %arg7[%scan3A_193, %scatter3A_679, %scatter3A_680] : memref<2x64x128xf32, #tpu.memory_space<vmem>> -> memref<1x64x128xf32, #tpu.memory_space<vmem>>
        %scatter3A_682 = tpu.memref_squeeze %scatter3A_681 : memref<1x64x128xf32, #tpu.memory_space<vmem>> -> memref<64x128xf32, #tpu.memory_space<vmem>>
        tpu.vector_store_idx %scatter3A_682[%add3A_673, %add3A_288], %gather3A_678 : memref<64x128xf32, #tpu.memory_space<vmem>>[vector<16xi32>, vector<16xi32>], vector<16xf32>,
        %add3A_683 = arith.constant 32 : i32
        %add3A_684 = vector.broadcast %add3A_683 : i32 to vector<16xi32>
        %add3A_685 = arith.addi %and3A_13, %add3A_684 : vector<16xi32>
        %gather3A_686 = arith.constant 0 : i32
        %gather3A_687 = arith.constant 0 : i32
        %gather3A_688 = tpu.memref_slice %arg6[%scan3A_192, %gather3A_686, %gather3A_687] : memref<2x128x128xf32, #tpu.memory_space<vmem>> -> memref<1x128x128xf32, #tpu.memory_space<vmem>>
        %gather3A_689 = tpu.memref_squeeze %gather3A_688 : memref<1x128x128xf32, #tpu.memory_space<vmem>> -> memref<128x128xf32, #tpu.memory_space<vmem>>
        %gather3A_690 = tpu.vector_load_idx %gather3A_689[%add3A_288, %add3A_685] : memref<128x128xf32, #tpu.memory_space<vmem>>[vector<16xi32>, vector<16xi32>], vector<16xf32>,
        %scatter3A_691 = arith.constant 0 : i32
        %scatter3A_692 = arith.constant 0 : i32
        %scatter3A_693 = tpu.memref_slice %arg7[%scan3A_193, %scatter3A_691, %scatter3A_692] : memref<2x64x128xf32, #tpu.memory_space<vmem>> -> memref<1x64x128xf32, #tpu.memory_space<vmem>>
        %scatter3A_694 = tpu.memref_squeeze %scatter3A_693 : memref<1x64x128xf32, #tpu.memory_space<vmem>> -> memref<64x128xf32, #tpu.memory_space<vmem>>
        tpu.vector_store_idx %scatter3A_694[%add3A_685, %add3A_288], %gather3A_690 : memref<64x128xf32, #tpu.memory_space<vmem>>[vector<16xi32>, vector<16xi32>], vector<16xf32>,
        %add3A_695 = arith.constant 32 : i32
        %add3A_696 = vector.broadcast %add3A_695 : i32 to vector<16xi32>
        %add3A_697 = arith.addi %and3A_19, %add3A_696 : vector<16xi32>
        %gather3A_698 = arith.constant 0 : i32
        %gather3A_699 = arith.constant 0 : i32
        %gather3A_700 = tpu.memref_slice %arg6[%scan3A_192, %gather3A_698, %gather3A_699] : memref<2x128x128xf32, #tpu.memory_space<vmem>> -> memref<1x128x128xf32, #tpu.memory_space<vmem>>
        %gather3A_701 = tpu.memref_squeeze %gather3A_700 : memref<1x128x128xf32, #tpu.memory_space<vmem>> -> memref<128x128xf32, #tpu.memory_space<vmem>>
        %gather3A_702 = tpu.vector_load_idx %gather3A_701[%add3A_288, %add3A_697] : memref<128x128xf32, #tpu.memory_space<vmem>>[vector<16xi32>, vector<16xi32>], vector<16xf32>,
        %scatter3A_703 = arith.constant 0 : i32
        %scatter3A_704 = arith.constant 0 : i32
        %scatter3A_705 = tpu.memref_slice %arg7[%scan3A_193, %scatter3A_703, %scatter3A_704] : memref<2x64x128xf32, #tpu.memory_space<vmem>> -> memref<1x64x128xf32, #tpu.memory_space<vmem>>
        %scatter3A_706 = tpu.memref_squeeze %scatter3A_705 : memref<1x64x128xf32, #tpu.memory_space<vmem>> -> memref<64x128xf32, #tpu.memory_space<vmem>>
        tpu.vector_store_idx %scatter3A_706[%add3A_697, %add3A_288], %gather3A_702 : memref<64x128xf32, #tpu.memory_space<vmem>>[vector<16xi32>, vector<16xi32>], vector<16xf32>,
        %add3A_707 = arith.constant 32 : i32
        %add3A_708 = vector.broadcast %add3A_707 : i32 to vector<16xi32>
        %add3A_709 = arith.addi %and3A_25, %add3A_708 : vector<16xi32>
        %gather3A_710 = arith.constant 0 : i32
        %gather3A_711 = arith.constant 0 : i32
        %gather3A_712 = tpu.memref_slice %arg6[%scan3A_192, %gather3A_710, %gather3A_711] : memref<2x128x128xf32, #tpu.memory_space<vmem>> -> memref<1x128x128xf32, #tpu.memory_space<vmem>>
        %gather3A_713 = tpu.memref_squeeze %gather3A_712 : memref<1x128x128xf32, #tpu.memory_space<vmem>> -> memref<128x128xf32, #tpu.memory_space<vmem>>
        %gather3A_714 = tpu.vector_load_idx %gather3A_713[%add3A_288, %add3A_709] : memref<128x128xf32, #tpu.memory_space<vmem>>[vector<16xi32>, vector<16xi32>], vector<16xf32>,
        %scatter3A_715 = arith.constant 0 : i32
        %scatter3A_716 = arith.constant 0 : i32
        %scatter3A_717 = tpu.memref_slice %arg7[%scan3A_193, %scatter3A_715, %scatter3A_716] : memref<2x64x128xf32, #tpu.memory_space<vmem>> -> memref<1x64x128xf32, #tpu.memory_space<vmem>>
        %scatter3A_718 = tpu.memref_squeeze %scatter3A_717 : memref<1x64x128xf32, #tpu.memory_space<vmem>> -> memref<64x128xf32, #tpu.memory_space<vmem>>
        tpu.vector_store_idx %scatter3A_718[%add3A_709, %add3A_288], %gather3A_714 : memref<64x128xf32, #tpu.memory_space<vmem>>[vector<16xi32>, vector<16xi32>], vector<16xf32>,
        %add3A_719 = arith.constant 32 : i32
        %add3A_720 = vector.broadcast %add3A_719 : i32 to vector<16xi32>
        %add3A_721 = arith.addi %and3A_31, %add3A_720 : vector<16xi32>
        %gather3A_722 = arith.constant 0 : i32
        %gather3A_723 = arith.constant 0 : i32
        %gather3A_724 = tpu.memref_slice %arg6[%scan3A_192, %gather3A_722, %gather3A_723] : memref<2x128x128xf32, #tpu.memory_space<vmem>> -> memref<1x128x128xf32, #tpu.memory_space<vmem>>
        %gather3A_725 = tpu.memref_squeeze %gather3A_724 : memref<1x128x128xf32, #tpu.memory_space<vmem>> -> memref<128x128xf32, #tpu.memory_space<vmem>>
        %gather3A_726 = tpu.vector_load_idx %gather3A_725[%add3A_288, %add3A_721] : memref<128x128xf32, #tpu.memory_space<vmem>>[vector<16xi32>, vector<16xi32>], vector<16xf32>,
        %scatter3A_727 = arith.constant 0 : i32
        %scatter3A_728 = arith.constant 0 : i32
        %scatter3A_729 = tpu.memref_slice %arg7[%scan3A_193, %scatter3A_727, %scatter3A_728] : memref<2x64x128xf32, #tpu.memory_space<vmem>> -> memref<1x64x128xf32, #tpu.memory_space<vmem>>
        %scatter3A_730 = tpu.memref_squeeze %scatter3A_729 : memref<1x64x128xf32, #tpu.memory_space<vmem>> -> memref<64x128xf32, #tpu.memory_space<vmem>>
        tpu.vector_store_idx %scatter3A_730[%add3A_721, %add3A_288], %gather3A_726 : memref<64x128xf32, #tpu.memory_space<vmem>>[vector<16xi32>, vector<16xi32>], vector<16xf32>,
        %add3A_731 = arith.constant 32 : i32
        %add3A_732 = vector.broadcast %add3A_731 : i32 to vector<16xi32>
        %add3A_733 = arith.addi %and3A_37, %add3A_732 : vector<16xi32>
        %gather3A_734 = arith.constant 0 : i32
        %gather3A_735 = arith.constant 0 : i32
        %gather3A_736 = tpu.memref_slice %arg6[%scan3A_192, %gather3A_734, %gather3A_735] : memref<2x128x128xf32, #tpu.memory_space<vmem>> -> memref<1x128x128xf32, #tpu.memory_space<vmem>>
        %gather3A_737 = tpu.memref_squeeze %gather3A_736 : memref<1x128x128xf32, #tpu.memory_space<vmem>> -> memref<128x128xf32, #tpu.memory_space<vmem>>
        %gather3A_738 = tpu.vector_load_idx %gather3A_737[%add3A_288, %add3A_733] : memref<128x128xf32, #tpu.memory_space<vmem>>[vector<16xi32>, vector<16xi32>], vector<16xf32>,
        %scatter3A_739 = arith.constant 0 : i32
        %scatter3A_740 = arith.constant 0 : i32
        %scatter3A_741 = tpu.memref_slice %arg7[%scan3A_193, %scatter3A_739, %scatter3A_740] : memref<2x64x128xf32, #tpu.memory_space<vmem>> -> memref<1x64x128xf32, #tpu.memory_space<vmem>>
        %scatter3A_742 = tpu.memref_squeeze %scatter3A_741 : memref<1x64x128xf32, #tpu.memory_space<vmem>> -> memref<64x128xf32, #tpu.memory_space<vmem>>
        tpu.vector_store_idx %scatter3A_742[%add3A_733, %add3A_288], %gather3A_738 : memref<64x128xf32, #tpu.memory_space<vmem>>[vector<16xi32>, vector<16xi32>], vector<16xf32>,
        %add3A_743 = arith.constant 32 : i32
        %add3A_744 = vector.broadcast %add3A_743 : i32 to vector<16xi32>
        %add3A_745 = arith.addi %and3A_43, %add3A_744 : vector<16xi32>
        %gather3A_746 = arith.constant 0 : i32
        %gather3A_747 = arith.constant 0 : i32
        %gather3A_748 = tpu.memref_slice %arg6[%scan3A_192, %gather3A_746, %gather3A_747] : memref<2x128x128xf32, #tpu.memory_space<vmem>> -> memref<1x128x128xf32, #tpu.memory_space<vmem>>
        %gather3A_749 = tpu.memref_squeeze %gather3A_748 : memref<1x128x128xf32, #tpu.memory_space<vmem>> -> memref<128x128xf32, #tpu.memory_space<vmem>>
        %gather3A_750 = tpu.vector_load_idx %gather3A_749[%add3A_288, %add3A_745] : memref<128x128xf32, #tpu.memory_space<vmem>>[vector<16xi32>, vector<16xi32>], vector<16xf32>,
        %scatter3A_751 = arith.constant 0 : i32
        %scatter3A_752 = arith.constant 0 : i32
        %scatter3A_753 = tpu.memref_slice %arg7[%scan3A_193, %scatter3A_751, %scatter3A_752] : memref<2x64x128xf32, #tpu.memory_space<vmem>> -> memref<1x64x128xf32, #tpu.memory_space<vmem>>
        %scatter3A_754 = tpu.memref_squeeze %scatter3A_753 : memref<1x64x128xf32, #tpu.memory_space<vmem>> -> memref<64x128xf32, #tpu.memory_space<vmem>>
        tpu.vector_store_idx %scatter3A_754[%add3A_745, %add3A_288], %gather3A_750 : memref<64x128xf32, #tpu.memory_space<vmem>>[vector<16xi32>, vector<16xi32>], vector<16xf32>,
        %add3A_755 = arith.constant 32 : i32
        %add3A_756 = vector.broadcast %add3A_755 : i32 to vector<16xi32>
        %add3A_757 = arith.addi %and3A_49, %add3A_756 : vector<16xi32>
        %gather3A_758 = arith.constant 0 : i32
        %gather3A_759 = arith.constant 0 : i32
        %gather3A_760 = tpu.memref_slice %arg6[%scan3A_192, %gather3A_758, %gather3A_759] : memref<2x128x128xf32, #tpu.memory_space<vmem>> -> memref<1x128x128xf32, #tpu.memory_space<vmem>>
        %gather3A_761 = tpu.memref_squeeze %gather3A_760 : memref<1x128x128xf32, #tpu.memory_space<vmem>> -> memref<128x128xf32, #tpu.memory_space<vmem>>
        %gather3A_762 = tpu.vector_load_idx %gather3A_761[%add3A_288, %add3A_757] : memref<128x128xf32, #tpu.memory_space<vmem>>[vector<16xi32>, vector<16xi32>], vector<16xf32>,
        %scatter3A_763 = arith.constant 0 : i32
        %scatter3A_764 = arith.constant 0 : i32
        %scatter3A_765 = tpu.memref_slice %arg7[%scan3A_193, %scatter3A_763, %scatter3A_764] : memref<2x64x128xf32, #tpu.memory_space<vmem>> -> memref<1x64x128xf32, #tpu.memory_space<vmem>>
        %scatter3A_766 = tpu.memref_squeeze %scatter3A_765 : memref<1x64x128xf32, #tpu.memory_space<vmem>> -> memref<64x128xf32, #tpu.memory_space<vmem>>
        tpu.vector_store_idx %scatter3A_766[%add3A_757, %add3A_288], %gather3A_762 : memref<64x128xf32, #tpu.memory_space<vmem>>[vector<16xi32>, vector<16xi32>], vector<16xf32>,
        %add3A_767 = arith.constant 32 : i32
        %add3A_768 = vector.broadcast %add3A_767 : i32 to vector<16xi32>
        %add3A_769 = arith.addi %and3A_55, %add3A_768 : vector<16xi32>
        %gather3A_770 = arith.constant 0 : i32
        %gather3A_771 = arith.constant 0 : i32
        %gather3A_772 = tpu.memref_slice %arg6[%scan3A_192, %gather3A_770, %gather3A_771] : memref<2x128x128xf32, #tpu.memory_space<vmem>> -> memref<1x128x128xf32, #tpu.memory_space<vmem>>
        %gather3A_773 = tpu.memref_squeeze %gather3A_772 : memref<1x128x128xf32, #tpu.memory_space<vmem>> -> memref<128x128xf32, #tpu.memory_space<vmem>>
        %gather3A_774 = tpu.vector_load_idx %gather3A_773[%add3A_288, %add3A_769] : memref<128x128xf32, #tpu.memory_space<vmem>>[vector<16xi32>, vector<16xi32>], vector<16xf32>,
        %scatter3A_775 = arith.constant 0 : i32
        %scatter3A_776 = arith.constant 0 : i32
        %scatter3A_777 = tpu.memref_slice %arg7[%scan3A_193, %scatter3A_775, %scatter3A_776] : memref<2x64x128xf32, #tpu.memory_space<vmem>> -> memref<1x64x128xf32, #tpu.memory_space<vmem>>
        %scatter3A_778 = tpu.memref_squeeze %scatter3A_777 : memref<1x64x128xf32, #tpu.memory_space<vmem>> -> memref<64x128xf32, #tpu.memory_space<vmem>>
        tpu.vector_store_idx %scatter3A_778[%add3A_769, %add3A_288], %gather3A_774 : memref<64x128xf32, #tpu.memory_space<vmem>>[vector<16xi32>, vector<16xi32>], vector<16xf32>,
        %add3A_779 = arith.constant 32 : i32
        %add3A_780 = vector.broadcast %add3A_779 : i32 to vector<16xi32>
        %add3A_781 = arith.addi %and3A_61, %add3A_780 : vector<16xi32>
        %gather3A_782 = arith.constant 0 : i32
        %gather3A_783 = arith.constant 0 : i32
        %gather3A_784 = tpu.memref_slice %arg6[%scan3A_192, %gather3A_782, %gather3A_783] : memref<2x128x128xf32, #tpu.memory_space<vmem>> -> memref<1x128x128xf32, #tpu.memory_space<vmem>>
        %gather3A_785 = tpu.memref_squeeze %gather3A_784 : memref<1x128x128xf32, #tpu.memory_space<vmem>> -> memref<128x128xf32, #tpu.memory_space<vmem>>
        %gather3A_786 = tpu.vector_load_idx %gather3A_785[%add3A_288, %add3A_781] : memref<128x128xf32, #tpu.memory_space<vmem>>[vector<16xi32>, vector<16xi32>], vector<16xf32>,
        %scatter3A_787 = arith.constant 0 : i32
        %scatter3A_788 = arith.constant 0 : i32
        %scatter3A_789 = tpu.memref_slice %arg7[%scan3A_193, %scatter3A_787, %scatter3A_788] : memref<2x64x128xf32, #tpu.memory_space<vmem>> -> memref<1x64x128xf32, #tpu.memory_space<vmem>>
        %scatter3A_790 = tpu.memref_squeeze %scatter3A_789 : memref<1x64x128xf32, #tpu.memory_space<vmem>> -> memref<64x128xf32, #tpu.memory_space<vmem>>
        tpu.vector_store_idx %scatter3A_790[%add3A_781, %add3A_288], %gather3A_786 : memref<64x128xf32, #tpu.memory_space<vmem>>[vector<16xi32>, vector<16xi32>], vector<16xf32>,
        %add3A_791 = arith.constant 32 : i32
        %add3A_792 = vector.broadcast %add3A_791 : i32 to vector<16xi32>
        %add3A_793 = arith.addi %and3A_67, %add3A_792 : vector<16xi32>
        %gather3A_794 = arith.constant 0 : i32
        %gather3A_795 = arith.constant 0 : i32
        %gather3A_796 = tpu.memref_slice %arg6[%scan3A_192, %gather3A_794, %gather3A_795] : memref<2x128x128xf32, #tpu.memory_space<vmem>> -> memref<1x128x128xf32, #tpu.memory_space<vmem>>
        %gather3A_797 = tpu.memref_squeeze %gather3A_796 : memref<1x128x128xf32, #tpu.memory_space<vmem>> -> memref<128x128xf32, #tpu.memory_space<vmem>>
        %gather3A_798 = tpu.vector_load_idx %gather3A_797[%add3A_288, %add3A_793] : memref<128x128xf32, #tpu.memory_space<vmem>>[vector<16xi32>, vector<16xi32>], vector<16xf32>,
        %scatter3A_799 = arith.constant 0 : i32
        %scatter3A_800 = arith.constant 0 : i32
        %scatter3A_801 = tpu.memref_slice %arg7[%scan3A_193, %scatter3A_799, %scatter3A_800] : memref<2x64x128xf32, #tpu.memory_space<vmem>> -> memref<1x64x128xf32, #tpu.memory_space<vmem>>
        %scatter3A_802 = tpu.memref_squeeze %scatter3A_801 : memref<1x64x128xf32, #tpu.memory_space<vmem>> -> memref<64x128xf32, #tpu.memory_space<vmem>>
        tpu.vector_store_idx %scatter3A_802[%add3A_793, %add3A_288], %gather3A_798 : memref<64x128xf32, #tpu.memory_space<vmem>>[vector<16xi32>, vector<16xi32>], vector<16xf32>,
        %add3A_803 = arith.constant 32 : i32
        %add3A_804 = vector.broadcast %add3A_803 : i32 to vector<16xi32>
        %add3A_805 = arith.addi %and3A_73, %add3A_804 : vector<16xi32>
        %gather3A_806 = arith.constant 0 : i32
        %gather3A_807 = arith.constant 0 : i32
        %gather3A_808 = tpu.memref_slice %arg6[%scan3A_192, %gather3A_806, %gather3A_807] : memref<2x128x128xf32, #tpu.memory_space<vmem>> -> memref<1x128x128xf32, #tpu.memory_space<vmem>>
        %gather3A_809 = tpu.memref_squeeze %gather3A_808 : memref<1x128x128xf32, #tpu.memory_space<vmem>> -> memref<128x128xf32, #tpu.memory_space<vmem>>
        %gather3A_810 = tpu.vector_load_idx %gather3A_809[%add3A_288, %add3A_805] : memref<128x128xf32, #tpu.memory_space<vmem>>[vector<16xi32>, vector<16xi32>], vector<16xf32>,
        %scatter3A_811 = arith.constant 0 : i32
        %scatter3A_812 = arith.constant 0 : i32
        %scatter3A_813 = tpu.memref_slice %arg7[%scan3A_193, %scatter3A_811, %scatter3A_812] : memref<2x64x128xf32, #tpu.memory_space<vmem>> -> memref<1x64x128xf32, #tpu.memory_space<vmem>>
        %scatter3A_814 = tpu.memref_squeeze %scatter3A_813 : memref<1x64x128xf32, #tpu.memory_space<vmem>> -> memref<64x128xf32, #tpu.memory_space<vmem>>
        tpu.vector_store_idx %scatter3A_814[%add3A_805, %add3A_288], %gather3A_810 : memref<64x128xf32, #tpu.memory_space<vmem>>[vector<16xi32>, vector<16xi32>], vector<16xf32>,
        %add3A_815 = arith.constant 32 : i32
        %add3A_816 = vector.broadcast %add3A_815 : i32 to vector<16xi32>
        %add3A_817 = arith.addi %and3A_79, %add3A_816 : vector<16xi32>
        %gather3A_818 = arith.constant 0 : i32
        %gather3A_819 = arith.constant 0 : i32
        %gather3A_820 = tpu.memref_slice %arg6[%scan3A_192, %gather3A_818, %gather3A_819] : memref<2x128x128xf32, #tpu.memory_space<vmem>> -> memref<1x128x128xf32, #tpu.memory_space<vmem>>
        %gather3A_821 = tpu.memref_squeeze %gather3A_820 : memref<1x128x128xf32, #tpu.memory_space<vmem>> -> memref<128x128xf32, #tpu.memory_space<vmem>>
        %gather3A_822 = tpu.vector_load_idx %gather3A_821[%add3A_288, %add3A_817] : memref<128x128xf32, #tpu.memory_space<vmem>>[vector<16xi32>, vector<16xi32>], vector<16xf32>,
        %scatter3A_823 = arith.constant 0 : i32
        %scatter3A_824 = arith.constant 0 : i32
        %scatter3A_825 = tpu.memref_slice %arg7[%scan3A_193, %scatter3A_823, %scatter3A_824] : memref<2x64x128xf32, #tpu.memory_space<vmem>> -> memref<1x64x128xf32, #tpu.memory_space<vmem>>
        %scatter3A_826 = tpu.memref_squeeze %scatter3A_825 : memref<1x64x128xf32, #tpu.memory_space<vmem>> -> memref<64x128xf32, #tpu.memory_space<vmem>>
        tpu.vector_store_idx %scatter3A_826[%add3A_817, %add3A_288], %gather3A_822 : memref<64x128xf32, #tpu.memory_space<vmem>>[vector<16xi32>, vector<16xi32>], vector<16xf32>,
        %add3A_827 = arith.constant 32 : i32
        %add3A_828 = vector.broadcast %add3A_827 : i32 to vector<16xi32>
        %add3A_829 = arith.addi %and3A_85, %add3A_828 : vector<16xi32>
        %gather3A_830 = arith.constant 0 : i32
        %gather3A_831 = arith.constant 0 : i32
        %gather3A_832 = tpu.memref_slice %arg6[%scan3A_192, %gather3A_830, %gather3A_831] : memref<2x128x128xf32, #tpu.memory_space<vmem>> -> memref<1x128x128xf32, #tpu.memory_space<vmem>>
        %gather3A_833 = tpu.memref_squeeze %gather3A_832 : memref<1x128x128xf32, #tpu.memory_space<vmem>> -> memref<128x128xf32, #tpu.memory_space<vmem>>
        %gather3A_834 = tpu.vector_load_idx %gather3A_833[%add3A_288, %add3A_829] : memref<128x128xf32, #tpu.memory_space<vmem>>[vector<16xi32>, vector<16xi32>], vector<16xf32>,
        %scatter3A_835 = arith.constant 0 : i32
        %scatter3A_836 = arith.constant 0 : i32
        %scatter3A_837 = tpu.memref_slice %arg7[%scan3A_193, %scatter3A_835, %scatter3A_836] : memref<2x64x128xf32, #tpu.memory_space<vmem>> -> memref<1x64x128xf32, #tpu.memory_space<vmem>>
        %scatter3A_838 = tpu.memref_squeeze %scatter3A_837 : memref<1x64x128xf32, #tpu.memory_space<vmem>> -> memref<64x128xf32, #tpu.memory_space<vmem>>
        tpu.vector_store_idx %scatter3A_838[%add3A_829, %add3A_288], %gather3A_834 : memref<64x128xf32, #tpu.memory_space<vmem>>[vector<16xi32>, vector<16xi32>], vector<16xf32>,
        %add3A_839 = arith.constant 32 : i32
        %add3A_840 = vector.broadcast %add3A_839 : i32 to vector<16xi32>
        %add3A_841 = arith.addi %and3A_91, %add3A_840 : vector<16xi32>
        %gather3A_842 = arith.constant 0 : i32
        %gather3A_843 = arith.constant 0 : i32
        %gather3A_844 = tpu.memref_slice %arg6[%scan3A_192, %gather3A_842, %gather3A_843] : memref<2x128x128xf32, #tpu.memory_space<vmem>> -> memref<1x128x128xf32, #tpu.memory_space<vmem>>
        %gather3A_845 = tpu.memref_squeeze %gather3A_844 : memref<1x128x128xf32, #tpu.memory_space<vmem>> -> memref<128x128xf32, #tpu.memory_space<vmem>>
        %gather3A_846 = tpu.vector_load_idx %gather3A_845[%add3A_288, %add3A_841] : memref<128x128xf32, #tpu.memory_space<vmem>>[vector<16xi32>, vector<16xi32>], vector<16xf32>,
        %scatter3A_847 = arith.constant 0 : i32
        %scatter3A_848 = arith.constant 0 : i32
        %scatter3A_849 = tpu.memref_slice %arg7[%scan3A_193, %scatter3A_847, %scatter3A_848] : memref<2x64x128xf32, #tpu.memory_space<vmem>> -> memref<1x64x128xf32, #tpu.memory_space<vmem>>
        %scatter3A_850 = tpu.memref_squeeze %scatter3A_849 : memref<1x64x128xf32, #tpu.memory_space<vmem>> -> memref<64x128xf32, #tpu.memory_space<vmem>>
        tpu.vector_store_idx %scatter3A_850[%add3A_841, %add3A_288], %gather3A_846 : memref<64x128xf32, #tpu.memory_space<vmem>>[vector<16xi32>, vector<16xi32>], vector<16xf32>,
        %add3A_851 = arith.constant 32 : i32
        %add3A_852 = vector.broadcast %add3A_851 : i32 to vector<16xi32>
        %add3A_853 = arith.addi %and3A_97, %add3A_852 : vector<16xi32>
        %gather3A_854 = arith.constant 0 : i32
        %gather3A_855 = arith.constant 0 : i32
        %gather3A_856 = tpu.memref_slice %arg6[%scan3A_192, %gather3A_854, %gather3A_855] : memref<2x128x128xf32, #tpu.memory_space<vmem>> -> memref<1x128x128xf32, #tpu.memory_space<vmem>>
        %gather3A_857 = tpu.memref_squeeze %gather3A_856 : memref<1x128x128xf32, #tpu.memory_space<vmem>> -> memref<128x128xf32, #tpu.memory_space<vmem>>
        %gather3A_858 = tpu.vector_load_idx %gather3A_857[%add3A_288, %add3A_853] : memref<128x128xf32, #tpu.memory_space<vmem>>[vector<16xi32>, vector<16xi32>], vector<16xf32>,
        %scatter3A_859 = arith.constant 0 : i32
        %scatter3A_860 = arith.constant 0 : i32
        %scatter3A_861 = tpu.memref_slice %arg7[%scan3A_193, %scatter3A_859, %scatter3A_860] : memref<2x64x128xf32, #tpu.memory_space<vmem>> -> memref<1x64x128xf32, #tpu.memory_space<vmem>>
        %scatter3A_862 = tpu.memref_squeeze %scatter3A_861 : memref<1x64x128xf32, #tpu.memory_space<vmem>> -> memref<64x128xf32, #tpu.memory_space<vmem>>
        tpu.vector_store_idx %scatter3A_862[%add3A_853, %add3A_288], %gather3A_858 : memref<64x128xf32, #tpu.memory_space<vmem>>[vector<16xi32>, vector<16xi32>], vector<16xf32>,
        %add3A_863 = arith.constant 48 : i32
        %add3A_864 = vector.broadcast %add3A_863 : i32 to vector<16xi32>
        %add3A_865 = arith.addi %and3A_7, %add3A_864 : vector<16xi32>
        %gather3A_866 = arith.constant 0 : i32
        %gather3A_867 = arith.constant 0 : i32
        %gather3A_868 = tpu.memref_slice %arg6[%scan3A_192, %gather3A_866, %gather3A_867] : memref<2x128x128xf32, #tpu.memory_space<vmem>> -> memref<1x128x128xf32, #tpu.memory_space<vmem>>
        %gather3A_869 = tpu.memref_squeeze %gather3A_868 : memref<1x128x128xf32, #tpu.memory_space<vmem>> -> memref<128x128xf32, #tpu.memory_space<vmem>>
        %gather3A_870 = tpu.vector_load_idx %gather3A_869[%add3A_288, %add3A_865] : memref<128x128xf32, #tpu.memory_space<vmem>>[vector<16xi32>, vector<16xi32>], vector<16xf32>,
        %scatter3A_871 = arith.constant 0 : i32
        %scatter3A_872 = arith.constant 0 : i32
        %scatter3A_873 = tpu.memref_slice %arg7[%scan3A_193, %scatter3A_871, %scatter3A_872] : memref<2x64x128xf32, #tpu.memory_space<vmem>> -> memref<1x64x128xf32, #tpu.memory_space<vmem>>
        %scatter3A_874 = tpu.memref_squeeze %scatter3A_873 : memref<1x64x128xf32, #tpu.memory_space<vmem>> -> memref<64x128xf32, #tpu.memory_space<vmem>>
        tpu.vector_store_idx %scatter3A_874[%add3A_865, %add3A_288], %gather3A_870 : memref<64x128xf32, #tpu.memory_space<vmem>>[vector<16xi32>, vector<16xi32>], vector<16xf32>,
        %add3A_875 = arith.constant 48 : i32
        %add3A_876 = vector.broadcast %add3A_875 : i32 to vector<16xi32>
        %add3A_877 = arith.addi %and3A_13, %add3A_876 : vector<16xi32>
        %gather3A_878 = arith.constant 0 : i32
        %gather3A_879 = arith.constant 0 : i32
        %gather3A_880 = tpu.memref_slice %arg6[%scan3A_192, %gather3A_878, %gather3A_879] : memref<2x128x128xf32, #tpu.memory_space<vmem>> -> memref<1x128x128xf32, #tpu.memory_space<vmem>>
        %gather3A_881 = tpu.memref_squeeze %gather3A_880 : memref<1x128x128xf32, #tpu.memory_space<vmem>> -> memref<128x128xf32, #tpu.memory_space<vmem>>
        %gather3A_882 = tpu.vector_load_idx %gather3A_881[%add3A_288, %add3A_877] : memref<128x128xf32, #tpu.memory_space<vmem>>[vector<16xi32>, vector<16xi32>], vector<16xf32>,
        %scatter3A_883 = arith.constant 0 : i32
        %scatter3A_884 = arith.constant 0 : i32
        %scatter3A_885 = tpu.memref_slice %arg7[%scan3A_193, %scatter3A_883, %scatter3A_884] : memref<2x64x128xf32, #tpu.memory_space<vmem>> -> memref<1x64x128xf32, #tpu.memory_space<vmem>>
        %scatter3A_886 = tpu.memref_squeeze %scatter3A_885 : memref<1x64x128xf32, #tpu.memory_space<vmem>> -> memref<64x128xf32, #tpu.memory_space<vmem>>
        tpu.vector_store_idx %scatter3A_886[%add3A_877, %add3A_288], %gather3A_882 : memref<64x128xf32, #tpu.memory_space<vmem>>[vector<16xi32>, vector<16xi32>], vector<16xf32>,
        %add3A_887 = arith.constant 48 : i32
        %add3A_888 = vector.broadcast %add3A_887 : i32 to vector<16xi32>
        %add3A_889 = arith.addi %and3A_19, %add3A_888 : vector<16xi32>
        %gather3A_890 = arith.constant 0 : i32
        %gather3A_891 = arith.constant 0 : i32
        %gather3A_892 = tpu.memref_slice %arg6[%scan3A_192, %gather3A_890, %gather3A_891] : memref<2x128x128xf32, #tpu.memory_space<vmem>> -> memref<1x128x128xf32, #tpu.memory_space<vmem>>
        %gather3A_893 = tpu.memref_squeeze %gather3A_892 : memref<1x128x128xf32, #tpu.memory_space<vmem>> -> memref<128x128xf32, #tpu.memory_space<vmem>>
        %gather3A_894 = tpu.vector_load_idx %gather3A_893[%add3A_288, %add3A_889] : memref<128x128xf32, #tpu.memory_space<vmem>>[vector<16xi32>, vector<16xi32>], vector<16xf32>,
        %scatter3A_895 = arith.constant 0 : i32
        %scatter3A_896 = arith.constant 0 : i32
        %scatter3A_897 = tpu.memref_slice %arg7[%scan3A_193, %scatter3A_895, %scatter3A_896] : memref<2x64x128xf32, #tpu.memory_space<vmem>> -> memref<1x64x128xf32, #tpu.memory_space<vmem>>
        %scatter3A_898 = tpu.memref_squeeze %scatter3A_897 : memref<1x64x128xf32, #tpu.memory_space<vmem>> -> memref<64x128xf32, #tpu.memory_space<vmem>>
        tpu.vector_store_idx %scatter3A_898[%add3A_889, %add3A_288], %gather3A_894 : memref<64x128xf32, #tpu.memory_space<vmem>>[vector<16xi32>, vector<16xi32>], vector<16xf32>,
        %add3A_899 = arith.constant 48 : i32
        %add3A_900 = vector.broadcast %add3A_899 : i32 to vector<16xi32>
        %add3A_901 = arith.addi %and3A_25, %add3A_900 : vector<16xi32>
        %gather3A_902 = arith.constant 0 : i32
        %gather3A_903 = arith.constant 0 : i32
        %gather3A_904 = tpu.memref_slice %arg6[%scan3A_192, %gather3A_902, %gather3A_903] : memref<2x128x128xf32, #tpu.memory_space<vmem>> -> memref<1x128x128xf32, #tpu.memory_space<vmem>>
        %gather3A_905 = tpu.memref_squeeze %gather3A_904 : memref<1x128x128xf32, #tpu.memory_space<vmem>> -> memref<128x128xf32, #tpu.memory_space<vmem>>
        %gather3A_906 = tpu.vector_load_idx %gather3A_905[%add3A_288, %add3A_901] : memref<128x128xf32, #tpu.memory_space<vmem>>[vector<16xi32>, vector<16xi32>], vector<16xf32>,
        %scatter3A_907 = arith.constant 0 : i32
        %scatter3A_908 = arith.constant 0 : i32
        %scatter3A_909 = tpu.memref_slice %arg7[%scan3A_193, %scatter3A_907, %scatter3A_908] : memref<2x64x128xf32, #tpu.memory_space<vmem>> -> memref<1x64x128xf32, #tpu.memory_space<vmem>>
        %scatter3A_910 = tpu.memref_squeeze %scatter3A_909 : memref<1x64x128xf32, #tpu.memory_space<vmem>> -> memref<64x128xf32, #tpu.memory_space<vmem>>
        tpu.vector_store_idx %scatter3A_910[%add3A_901, %add3A_288], %gather3A_906 : memref<64x128xf32, #tpu.memory_space<vmem>>[vector<16xi32>, vector<16xi32>], vector<16xf32>,
        %add3A_911 = arith.constant 48 : i32
        %add3A_912 = vector.broadcast %add3A_911 : i32 to vector<16xi32>
        %add3A_913 = arith.addi %and3A_31, %add3A_912 : vector<16xi32>
        %gather3A_914 = arith.constant 0 : i32
        %gather3A_915 = arith.constant 0 : i32
        %gather3A_916 = tpu.memref_slice %arg6[%scan3A_192, %gather3A_914, %gather3A_915] : memref<2x128x128xf32, #tpu.memory_space<vmem>> -> memref<1x128x128xf32, #tpu.memory_space<vmem>>
        %gather3A_917 = tpu.memref_squeeze %gather3A_916 : memref<1x128x128xf32, #tpu.memory_space<vmem>> -> memref<128x128xf32, #tpu.memory_space<vmem>>
        %gather3A_918 = tpu.vector_load_idx %gather3A_917[%add3A_288, %add3A_913] : memref<128x128xf32, #tpu.memory_space<vmem>>[vector<16xi32>, vector<16xi32>], vector<16xf32>,
        %scatter3A_919 = arith.constant 0 : i32
        %scatter3A_920 = arith.constant 0 : i32
        %scatter3A_921 = tpu.memref_slice %arg7[%scan3A_193, %scatter3A_919, %scatter3A_920] : memref<2x64x128xf32, #tpu.memory_space<vmem>> -> memref<1x64x128xf32, #tpu.memory_space<vmem>>
        %scatter3A_922 = tpu.memref_squeeze %scatter3A_921 : memref<1x64x128xf32, #tpu.memory_space<vmem>> -> memref<64x128xf32, #tpu.memory_space<vmem>>
        tpu.vector_store_idx %scatter3A_922[%add3A_913, %add3A_288], %gather3A_918 : memref<64x128xf32, #tpu.memory_space<vmem>>[vector<16xi32>, vector<16xi32>], vector<16xf32>,
        %add3A_923 = arith.constant 48 : i32
        %add3A_924 = vector.broadcast %add3A_923 : i32 to vector<16xi32>
        %add3A_925 = arith.addi %and3A_37, %add3A_924 : vector<16xi32>
        %gather3A_926 = arith.constant 0 : i32
        %gather3A_927 = arith.constant 0 : i32
        %gather3A_928 = tpu.memref_slice %arg6[%scan3A_192, %gather3A_926, %gather3A_927] : memref<2x128x128xf32, #tpu.memory_space<vmem>> -> memref<1x128x128xf32, #tpu.memory_space<vmem>>
        %gather3A_929 = tpu.memref_squeeze %gather3A_928 : memref<1x128x128xf32, #tpu.memory_space<vmem>> -> memref<128x128xf32, #tpu.memory_space<vmem>>
        %gather3A_930 = tpu.vector_load_idx %gather3A_929[%add3A_288, %add3A_925] : memref<128x128xf32, #tpu.memory_space<vmem>>[vector<16xi32>, vector<16xi32>], vector<16xf32>,
        %scatter3A_931 = arith.constant 0 : i32
        %scatter3A_932 = arith.constant 0 : i32
        %scatter3A_933 = tpu.memref_slice %arg7[%scan3A_193, %scatter3A_931, %scatter3A_932] : memref<2x64x128xf32, #tpu.memory_space<vmem>> -> memref<1x64x128xf32, #tpu.memory_space<vmem>>
        %scatter3A_934 = tpu.memref_squeeze %scatter3A_933 : memref<1x64x128xf32, #tpu.memory_space<vmem>> -> memref<64x128xf32, #tpu.memory_space<vmem>>
        tpu.vector_store_idx %scatter3A_934[%add3A_925, %add3A_288], %gather3A_930 : memref<64x128xf32, #tpu.memory_space<vmem>>[vector<16xi32>, vector<16xi32>], vector<16xf32>,
        %add3A_935 = arith.constant 48 : i32
        %add3A_936 = vector.broadcast %add3A_935 : i32 to vector<16xi32>
        %add3A_937 = arith.addi %and3A_43, %add3A_936 : vector<16xi32>
        %gather3A_938 = arith.constant 0 : i32
        %gather3A_939 = arith.constant 0 : i32
        %gather3A_940 = tpu.memref_slice %arg6[%scan3A_192, %gather3A_938, %gather3A_939] : memref<2x128x128xf32, #tpu.memory_space<vmem>> -> memref<1x128x128xf32, #tpu.memory_space<vmem>>
        %gather3A_941 = tpu.memref_squeeze %gather3A_940 : memref<1x128x128xf32, #tpu.memory_space<vmem>> -> memref<128x128xf32, #tpu.memory_space<vmem>>
        %gather3A_942 = tpu.vector_load_idx %gather3A_941[%add3A_288, %add3A_937] : memref<128x128xf32, #tpu.memory_space<vmem>>[vector<16xi32>, vector<16xi32>], vector<16xf32>,
        %scatter3A_943 = arith.constant 0 : i32
        %scatter3A_944 = arith.constant 0 : i32
        %scatter3A_945 = tpu.memref_slice %arg7[%scan3A_193, %scatter3A_943, %scatter3A_944] : memref<2x64x128xf32, #tpu.memory_space<vmem>> -> memref<1x64x128xf32, #tpu.memory_space<vmem>>
        %scatter3A_946 = tpu.memref_squeeze %scatter3A_945 : memref<1x64x128xf32, #tpu.memory_space<vmem>> -> memref<64x128xf32, #tpu.memory_space<vmem>>
        tpu.vector_store_idx %scatter3A_946[%add3A_937, %add3A_288], %gather3A_942 : memref<64x128xf32, #tpu.memory_space<vmem>>[vector<16xi32>, vector<16xi32>], vector<16xf32>,
        %add3A_947 = arith.constant 48 : i32
        %add3A_948 = vector.broadcast %add3A_947 : i32 to vector<16xi32>
        %add3A_949 = arith.addi %and3A_49, %add3A_948 : vector<16xi32>
        %gather3A_950 = arith.constant 0 : i32
        %gather3A_951 = arith.constant 0 : i32
        %gather3A_952 = tpu.memref_slice %arg6[%scan3A_192, %gather3A_950, %gather3A_951] : memref<2x128x128xf32, #tpu.memory_space<vmem>> -> memref<1x128x128xf32, #tpu.memory_space<vmem>>
        %gather3A_953 = tpu.memref_squeeze %gather3A_952 : memref<1x128x128xf32, #tpu.memory_space<vmem>> -> memref<128x128xf32, #tpu.memory_space<vmem>>
        %gather3A_954 = tpu.vector_load_idx %gather3A_953[%add3A_288, %add3A_949] : memref<128x128xf32, #tpu.memory_space<vmem>>[vector<16xi32>, vector<16xi32>], vector<16xf32>,
        %scatter3A_955 = arith.constant 0 : i32
        %scatter3A_956 = arith.constant 0 : i32
        %scatter3A_957 = tpu.memref_slice %arg7[%scan3A_193, %scatter3A_955, %scatter3A_956] : memref<2x64x128xf32, #tpu.memory_space<vmem>> -> memref<1x64x128xf32, #tpu.memory_space<vmem>>
        %scatter3A_958 = tpu.memref_squeeze %scatter3A_957 : memref<1x64x128xf32, #tpu.memory_space<vmem>> -> memref<64x128xf32, #tpu.memory_space<vmem>>
        tpu.vector_store_idx %scatter3A_958[%add3A_949, %add3A_288], %gather3A_954 : memref<64x128xf32, #tpu.memory_space<vmem>>[vector<16xi32>, vector<16xi32>], vector<16xf32>,
        %add3A_959 = arith.constant 48 : i32
        %add3A_960 = vector.broadcast %add3A_959 : i32 to vector<16xi32>
        %add3A_961 = arith.addi %and3A_55, %add3A_960 : vector<16xi32>
        %gather3A_962 = arith.constant 0 : i32
        %gather3A_963 = arith.constant 0 : i32
        %gather3A_964 = tpu.memref_slice %arg6[%scan3A_192, %gather3A_962, %gather3A_963] : memref<2x128x128xf32, #tpu.memory_space<vmem>> -> memref<1x128x128xf32, #tpu.memory_space<vmem>>
        %gather3A_965 = tpu.memref_squeeze %gather3A_964 : memref<1x128x128xf32, #tpu.memory_space<vmem>> -> memref<128x128xf32, #tpu.memory_space<vmem>>
        %gather3A_966 = tpu.vector_load_idx %gather3A_965[%add3A_288, %add3A_961] : memref<128x128xf32, #tpu.memory_space<vmem>>[vector<16xi32>, vector<16xi32>], vector<16xf32>,
        %scatter3A_967 = arith.constant 0 : i32
        %scatter3A_968 = arith.constant 0 : i32
        %scatter3A_969 = tpu.memref_slice %arg7[%scan3A_193, %scatter3A_967, %scatter3A_968] : memref<2x64x128xf32, #tpu.memory_space<vmem>> -> memref<1x64x128xf32, #tpu.memory_space<vmem>>
        %scatter3A_970 = tpu.memref_squeeze %scatter3A_969 : memref<1x64x128xf32, #tpu.memory_space<vmem>> -> memref<64x128xf32, #tpu.memory_space<vmem>>
        tpu.vector_store_idx %scatter3A_970[%add3A_961, %add3A_288], %gather3A_966 : memref<64x128xf32, #tpu.memory_space<vmem>>[vector<16xi32>, vector<16xi32>], vector<16xf32>,
        %add3A_971 = arith.constant 48 : i32
        %add3A_972 = vector.broadcast %add3A_971 : i32 to vector<16xi32>
        %add3A_973 = arith.addi %and3A_61, %add3A_972 : vector<16xi32>
        %gather3A_974 = arith.constant 0 : i32
        %gather3A_975 = arith.constant 0 : i32
        %gather3A_976 = tpu.memref_slice %arg6[%scan3A_192, %gather3A_974, %gather3A_975] : memref<2x128x128xf32, #tpu.memory_space<vmem>> -> memref<1x128x128xf32, #tpu.memory_space<vmem>>
        %gather3A_977 = tpu.memref_squeeze %gather3A_976 : memref<1x128x128xf32, #tpu.memory_space<vmem>> -> memref<128x128xf32, #tpu.memory_space<vmem>>
        %gather3A_978 = tpu.vector_load_idx %gather3A_977[%add3A_288, %add3A_973] : memref<128x128xf32, #tpu.memory_space<vmem>>[vector<16xi32>, vector<16xi32>], vector<16xf32>,
        %scatter3A_979 = arith.constant 0 : i32
        %scatter3A_980 = arith.constant 0 : i32
        %scatter3A_981 = tpu.memref_slice %arg7[%scan3A_193, %scatter3A_979, %scatter3A_980] : memref<2x64x128xf32, #tpu.memory_space<vmem>> -> memref<1x64x128xf32, #tpu.memory_space<vmem>>
        %scatter3A_982 = tpu.memref_squeeze %scatter3A_981 : memref<1x64x128xf32, #tpu.memory_space<vmem>> -> memref<64x128xf32, #tpu.memory_space<vmem>>
        tpu.vector_store_idx %scatter3A_982[%add3A_973, %add3A_288], %gather3A_978 : memref<64x128xf32, #tpu.memory_space<vmem>>[vector<16xi32>, vector<16xi32>], vector<16xf32>,
        %add3A_983 = arith.constant 48 : i32
        %add3A_984 = vector.broadcast %add3A_983 : i32 to vector<16xi32>
        %add3A_985 = arith.addi %and3A_67, %add3A_984 : vector<16xi32>
        %gather3A_986 = arith.constant 0 : i32
        %gather3A_987 = arith.constant 0 : i32
        %gather3A_988 = tpu.memref_slice %arg6[%scan3A_192, %gather3A_986, %gather3A_987] : memref<2x128x128xf32, #tpu.memory_space<vmem>> -> memref<1x128x128xf32, #tpu.memory_space<vmem>>
        %gather3A_989 = tpu.memref_squeeze %gather3A_988 : memref<1x128x128xf32, #tpu.memory_space<vmem>> -> memref<128x128xf32, #tpu.memory_space<vmem>>
        %gather3A_990 = tpu.vector_load_idx %gather3A_989[%add3A_288, %add3A_985] : memref<128x128xf32, #tpu.memory_space<vmem>>[vector<16xi32>, vector<16xi32>], vector<16xf32>,
        %scatter3A_991 = arith.constant 0 : i32
        %scatter3A_992 = arith.constant 0 : i32
        %scatter3A_993 = tpu.memref_slice %arg7[%scan3A_193, %scatter3A_991, %scatter3A_992] : memref<2x64x128xf32, #tpu.memory_space<vmem>> -> memref<1x64x128xf32, #tpu.memory_space<vmem>>
        %scatter3A_994 = tpu.memref_squeeze %scatter3A_993 : memref<1x64x128xf32, #tpu.memory_space<vmem>> -> memref<64x128xf32, #tpu.memory_space<vmem>>
        tpu.vector_store_idx %scatter3A_994[%add3A_985, %add3A_288], %gather3A_990 : memref<64x128xf32, #tpu.memory_space<vmem>>[vector<16xi32>, vector<16xi32>], vector<16xf32>,
        %add3A_995 = arith.constant 48 : i32
        %add3A_996 = vector.broadcast %add3A_995 : i32 to vector<16xi32>
        %add3A_997 = arith.addi %and3A_73, %add3A_996 : vector<16xi32>
        %gather3A_998 = arith.constant 0 : i32
        %gather3A_999 = arith.constant 0 : i32
        %gather3A_1000 = tpu.memref_slice %arg6[%scan3A_192, %gather3A_998, %gather3A_999] : memref<2x128x128xf32, #tpu.memory_space<vmem>> -> memref<1x128x128xf32, #tpu.memory_space<vmem>>
        %gather3A_1001 = tpu.memref_squeeze %gather3A_1000 : memref<1x128x128xf32, #tpu.memory_space<vmem>> -> memref<128x128xf32, #tpu.memory_space<vmem>>
        %gather3A_1002 = tpu.vector_load_idx %gather3A_1001[%add3A_288, %add3A_997] : memref<128x128xf32, #tpu.memory_space<vmem>>[vector<16xi32>, vector<16xi32>], vector<16xf32>,
        %scatter3A_1003 = arith.constant 0 : i32
        %scatter3A_1004 = arith.constant 0 : i32
        %scatter3A_1005 = tpu.memref_slice %arg7[%scan3A_193, %scatter3A_1003, %scatter3A_1004] : memref<2x64x128xf32, #tpu.memory_space<vmem>> -> memref<1x64x128xf32, #tpu.memory_space<vmem>>
        %scatter3A_1006 = tpu.memref_squeeze %scatter3A_1005 : memref<1x64x128xf32, #tpu.memory_space<vmem>> -> memref<64x128xf32, #tpu.memory_space<vmem>>
        tpu.vector_store_idx %scatter3A_1006[%add3A_997, %add3A_288], %gather3A_1002 : memref<64x128xf32, #tpu.memory_space<vmem>>[vector<16xi32>, vector<16xi32>], vector<16xf32>,
        %add3A_1007 = arith.constant 48 : i32
        %add3A_1008 = vector.broadcast %add3A_1007 : i32 to vector<16xi32>
        %add3A_1009 = arith.addi %and3A_79, %add3A_1008 : vector<16xi32>
        %gather3A_1010 = arith.constant 0 : i32
        %gather3A_1011 = arith.constant 0 : i32
        %gather3A_1012 = tpu.memref_slice %arg6[%scan3A_192, %gather3A_1010, %gather3A_1011] : memref<2x128x128xf32, #tpu.memory_space<vmem>> -> memref<1x128x128xf32, #tpu.memory_space<vmem>>
        %gather3A_1013 = tpu.memref_squeeze %gather3A_1012 : memref<1x128x128xf32, #tpu.memory_space<vmem>> -> memref<128x128xf32, #tpu.memory_space<vmem>>
        %gather3A_1014 = tpu.vector_load_idx %gather3A_1013[%add3A_288, %add3A_1009] : memref<128x128xf32, #tpu.memory_space<vmem>>[vector<16xi32>, vector<16xi32>], vector<16xf32>,
        %scatter3A_1015 = arith.constant 0 : i32
        %scatter3A_1016 = arith.constant 0 : i32
        %scatter3A_1017 = tpu.memref_slice %arg7[%scan3A_193, %scatter3A_1015, %scatter3A_1016] : memref<2x64x128xf32, #tpu.memory_space<vmem>> -> memref<1x64x128xf32, #tpu.memory_space<vmem>>
        %scatter3A_1018 = tpu.memref_squeeze %scatter3A_1017 : memref<1x64x128xf32, #tpu.memory_space<vmem>> -> memref<64x128xf32, #tpu.memory_space<vmem>>
        tpu.vector_store_idx %scatter3A_1018[%add3A_1009, %add3A_288], %gather3A_1014 : memref<64x128xf32, #tpu.memory_space<vmem>>[vector<16xi32>, vector<16xi32>], vector<16xf32>,
        %add3A_1019 = arith.constant 48 : i32
        %add3A_1020 = vector.broadcast %add3A_1019 : i32 to vector<16xi32>
        %add3A_1021 = arith.addi %and3A_85, %add3A_1020 : vector<16xi32>
        %gather3A_1022 = arith.constant 0 : i32
        %gather3A_1023 = arith.constant 0 : i32
        %gather3A_1024 = tpu.memref_slice %arg6[%scan3A_192, %gather3A_1022, %gather3A_1023] : memref<2x128x128xf32, #tpu.memory_space<vmem>> -> memref<1x128x128xf32, #tpu.memory_space<vmem>>
        %gather3A_1025 = tpu.memref_squeeze %gather3A_1024 : memref<1x128x128xf32, #tpu.memory_space<vmem>> -> memref<128x128xf32, #tpu.memory_space<vmem>>
        %gather3A_1026 = tpu.vector_load_idx %gather3A_1025[%add3A_288, %add3A_1021] : memref<128x128xf32, #tpu.memory_space<vmem>>[vector<16xi32>, vector<16xi32>], vector<16xf32>,
        %scatter3A_1027 = arith.constant 0 : i32
        %scatter3A_1028 = arith.constant 0 : i32
        %scatter3A_1029 = tpu.memref_slice %arg7[%scan3A_193, %scatter3A_1027, %scatter3A_1028] : memref<2x64x128xf32, #tpu.memory_space<vmem>> -> memref<1x64x128xf32, #tpu.memory_space<vmem>>
        %scatter3A_1030 = tpu.memref_squeeze %scatter3A_1029 : memref<1x64x128xf32, #tpu.memory_space<vmem>> -> memref<64x128xf32, #tpu.memory_space<vmem>>
        tpu.vector_store_idx %scatter3A_1030[%add3A_1021, %add3A_288], %gather3A_1026 : memref<64x128xf32, #tpu.memory_space<vmem>>[vector<16xi32>, vector<16xi32>], vector<16xf32>,
        %add3A_1031 = arith.constant 48 : i32
        %add3A_1032 = vector.broadcast %add3A_1031 : i32 to vector<16xi32>
        %add3A_1033 = arith.addi %and3A_91, %add3A_1032 : vector<16xi32>
        %gather3A_1034 = arith.constant 0 : i32
        %gather3A_1035 = arith.constant 0 : i32
        %gather3A_1036 = tpu.memref_slice %arg6[%scan3A_192, %gather3A_1034, %gather3A_1035] : memref<2x128x128xf32, #tpu.memory_space<vmem>> -> memref<1x128x128xf32, #tpu.memory_space<vmem>>
        %gather3A_1037 = tpu.memref_squeeze %gather3A_1036 : memref<1x128x128xf32, #tpu.memory_space<vmem>> -> memref<128x128xf32, #tpu.memory_space<vmem>>
        %gather3A_1038 = tpu.vector_load_idx %gather3A_1037[%add3A_288, %add3A_1033] : memref<128x128xf32, #tpu.memory_space<vmem>>[vector<16xi32>, vector<16xi32>], vector<16xf32>,
        %scatter3A_1039 = arith.constant 0 : i32
        %scatter3A_1040 = arith.constant 0 : i32
        %scatter3A_1041 = tpu.memref_slice %arg7[%scan3A_193, %scatter3A_1039, %scatter3A_1040] : memref<2x64x128xf32, #tpu.memory_space<vmem>> -> memref<1x64x128xf32, #tpu.memory_space<vmem>>
        %scatter3A_1042 = tpu.memref_squeeze %scatter3A_1041 : memref<1x64x128xf32, #tpu.memory_space<vmem>> -> memref<64x128xf32, #tpu.memory_space<vmem>>
        tpu.vector_store_idx %scatter3A_1042[%add3A_1033, %add3A_288], %gather3A_1038 : memref<64x128xf32, #tpu.memory_space<vmem>>[vector<16xi32>, vector<16xi32>], vector<16xf32>,
        %add3A_1043 = arith.constant 48 : i32
        %add3A_1044 = vector.broadcast %add3A_1043 : i32 to vector<16xi32>
        %add3A_1045 = arith.addi %and3A_97, %add3A_1044 : vector<16xi32>
        %gather3A_1046 = arith.constant 0 : i32
        %gather3A_1047 = arith.constant 0 : i32
        %gather3A_1048 = tpu.memref_slice %arg6[%scan3A_192, %gather3A_1046, %gather3A_1047] : memref<2x128x128xf32, #tpu.memory_space<vmem>> -> memref<1x128x128xf32, #tpu.memory_space<vmem>>
        %gather3A_1049 = tpu.memref_squeeze %gather3A_1048 : memref<1x128x128xf32, #tpu.memory_space<vmem>> -> memref<128x128xf32, #tpu.memory_space<vmem>>
        %gather3A_1050 = tpu.vector_load_idx %gather3A_1049[%add3A_288, %add3A_1045] : memref<128x128xf32, #tpu.memory_space<vmem>>[vector<16xi32>, vector<16xi32>], vector<16xf32>,
        %scatter3A_1051 = arith.constant 0 : i32
        %scatter3A_1052 = arith.constant 0 : i32
        %scatter3A_1053 = tpu.memref_slice %arg7[%scan3A_193, %scatter3A_1051, %scatter3A_1052] : memref<2x64x128xf32, #tpu.memory_space<vmem>> -> memref<1x64x128xf32, #tpu.memory_space<vmem>>
        %scatter3A_1054 = tpu.memref_squeeze %scatter3A_1053 : memref<1x64x128xf32, #tpu.memory_space<vmem>> -> memref<64x128xf32, #tpu.memory_space<vmem>>
        tpu.vector_store_idx %scatter3A_1054[%add3A_1045, %add3A_288], %gather3A_1050 : memref<64x128xf32, #tpu.memory_space<vmem>>[vector<16xi32>, vector<16xi32>], vector<16xf32>,
        %scan3A_1055 = arith.constant 0 : i32
        scf.yield %scan3A_1055 : i32
      }
      %scan3A_200 = arith.constant 8 : i32
      %add3A_201 = arith.constant 2 : i32
      %add3A_202 = arith.addi %add3A_175, %add3A_201 : i32
      %lt3A = arith.constant 50 : i32
      %lt3A_203 = arith.cmpi slt, %add3A_202, %lt3A : i32
      %convert_element_type3A_204 = arith.extui %lt3A_203 : i1 to i32
      %cond3A_205 = arith.constant 0 : i32
      %cond3A_206 = arith.cmpi ne, %convert_element_type3A_204, %cond3A_205 : i32
      scf.if %cond3A_206 {
        %add3A_283 = arith.constant 2 : i32
        %add3A_284 = arith.addi %add3A_175, %add3A_283 : i32
        %dma_start3A_285 = arith.constant 0 : i32
        %dma_start3A_286 = arith.constant 0 : i32
        %dma_start3A_287 = arith.constant 0 : i32
        %dma_start3A_288 = arith.constant 0 : i32
        %dma_start3A_289 = tpu.memref_slice %arg6[%dma_start3A_285, %dma_start3A_287, %dma_start3A_288] : memref<2x128x128xf32, #tpu.memory_space<vmem>> -> memref<1x128x128xf32, #tpu.memory_space<vmem>>
        %dma_start3A_290 = tpu.memref_squeeze %dma_start3A_289 : memref<1x128x128xf32, #tpu.memory_space<vmem>> -> memref<128x128xf32, #tpu.memory_space<vmem>>
        %dma_start3A_291 = arith.constant 0 : i32
        %dma_start3A_292 = tpu.memref_slice %arg5[%add3A_284, %dma_start3A_291] : memref<50x128xi32, #tpu.memory_space<vmem>> -> memref<1x128xi32, #tpu.memory_space<vmem>>
        %dma_start3A_293 = tpu.memref_squeeze %dma_start3A_292 : memref<1x128xi32, #tpu.memory_space<vmem>> -> memref<128xi32, #tpu.memory_space<vmem>>
        %dma_start3A_294 = arith.constant 0 : i32
        %dma_start3A_295 = arith.constant 0 : i32
        %dma_start3A_296 = tpu.memref_slice %arg3[%dma_start3A_294, %dma_start3A_295] : memref<100001x128xf32, #tpu.memory_space<hbm>> -> memref<100001x128xf32, #tpu.memory_space<hbm>>
        %dma_start3A_297 = tpu.memref_slice %arg8[%dma_start3A_286] : memref<2x!tpu.dma_semaphore, #tpu.memory_space<semaphore_mem>> -> memref<1x!tpu.dma_semaphore, #tpu.memory_space<semaphore_mem>>
        %dma_start3A_298 = tpu.memref_squeeze %dma_start3A_297 : memref<1x!tpu.dma_semaphore, #tpu.memory_space<semaphore_mem>> -> memref<!tpu.dma_semaphore, #tpu.memory_space<semaphore_mem>>
        tpu.enqueue_indirect_dma source(%dma_start3A_296 : memref<100001x128xf32, #tpu.memory_space<hbm>>) target(%dma_start3A_290 : memref<128x128xf32, #tpu.memory_space<vmem>>) offsets(%dma_start3A_293 : memref<128xi32, #tpu.memory_space<vmem>>) semaphore(%dma_start3A_298 : memref<!tpu.dma_semaphore, #tpu.memory_space<semaphore_mem>>)
      } else {
      }
      %dma_start3A_207 = arith.constant 0 : i32
      %dma_start3A_208 = arith.constant 0 : i32
      %dma_start3A_209 = arith.constant 0 : i32
      %dma_start3A_210 = arith.constant 0 : i32
      %dma_start3A_211 = tpu.memref_slice %arg7[%dma_start3A_207, %dma_start3A_209, %dma_start3A_210] : memref<2x64x128xf32, #tpu.memory_space<vmem>> -> memref<1x64x128xf32, #tpu.memory_space<vmem>>
      %dma_start3A_212 = tpu.memref_squeeze %dma_start3A_211 : memref<1x64x128xf32, #tpu.memory_space<vmem>> -> memref<64x128xf32, #tpu.memory_space<vmem>>
      %dma_start3A_213 = arith.constant 0 : i32
      %dma_start3A_214 = tpu.memref_slice %arg4[%add3A_175, %dma_start3A_213, %mul3A_2] : memref<50x64x4096xf32, #tpu.memory_space<hbm>> -> memref<1x64x128xf32, #tpu.memory_space<hbm>>
      %dma_start3A_215 = tpu.memref_squeeze %dma_start3A_214 : memref<1x64x128xf32, #tpu.memory_space<hbm>> -> memref<64x128xf32, #tpu.memory_space<hbm>>
      %dma_start3A_216 = tpu.memref_slice %arg9[%dma_start3A_208] : memref<2x!tpu.dma_semaphore, #tpu.memory_space<semaphore_mem>> -> memref<1x!tpu.dma_semaphore, #tpu.memory_space<semaphore_mem>>
      %dma_start3A_217 = tpu.memref_squeeze %dma_start3A_216 : memref<1x!tpu.dma_semaphore, #tpu.memory_space<semaphore_mem>> -> memref<!tpu.dma_semaphore, #tpu.memory_space<semaphore_mem>>
      %dma_start3A_218 = arith.constant 0 : i32
      %dma_start3A_219 = tpu.memref_slice %arg4[%add3A_175, %dma_start3A_218, %mul3A_2] : memref<50x64x4096xf32, #tpu.memory_space<hbm>> -> memref<1x64x128xf32, #tpu.memory_space<hbm>>
      %dma_start3A_220 = tpu.memref_squeeze %dma_start3A_219 : memref<1x64x128xf32, #tpu.memory_space<hbm>> -> memref<64x128xf32, #tpu.memory_space<hbm>>
      %dma_start3A_221 = arith.constant 0 : i32
      %dma_start3A_222 = arith.constant 0 : i32
      %dma_start3A_223 = tpu.memref_slice %arg7[%dma_start3A_207, %dma_start3A_221, %dma_start3A_222] : memref<2x64x128xf32, #tpu.memory_space<vmem>> -> memref<1x64x128xf32, #tpu.memory_space<vmem>>
      %dma_start3A_224 = tpu.memref_squeeze %dma_start3A_223 : memref<1x64x128xf32, #tpu.memory_space<vmem>> -> memref<64x128xf32, #tpu.memory_space<vmem>>
      tpu.enqueue_dma source(%dma_start3A_224 : memref<64x128xf32, #tpu.memory_space<vmem>>) target(%dma_start3A_220 : memref<64x128xf32, #tpu.memory_space<hbm>>) target_semaphore(%dma_start3A_217 : memref<!tpu.dma_semaphore, #tpu.memory_space<semaphore_mem>>)
      %mul3A_225 = arith.constant 2 : i32
      %mul3A_226 = arith.muli %scan3A_170, %mul3A_225 : i32
      %add3A_227 = arith.constant 1 : i32
      %add3A_228 = arith.addi %mul3A_226, %add3A_227 : i32
      %dma_wait3A_229 = arith.constant 1 : i32
      %dma_wait3A_230 = arith.constant 1 : i32
      %dma_wait3A_231 = arith.constant 0 : i32
      %dma_wait3A_232 = arith.constant 0 : i32
      %dma_wait3A_233 = tpu.memref_slice %arg6[%dma_wait3A_229, %dma_wait3A_231, %dma_wait3A_232] : memref<2x128x128xf32, #tpu.memory_space<vmem>> -> memref<1x128x128xf32, #tpu.memory_space<vmem>>
      %dma_wait3A_234 = tpu.memref_squeeze %dma_wait3A_233 : memref<1x128x128xf32, #tpu.memory_space<vmem>> -> memref<128x128xf32, #tpu.memory_space<vmem>>
      %dma_wait3A_235 = arith.constant 0 : i32
      %dma_wait3A_236 = tpu.memref_slice %arg5[%add3A_228, %dma_wait3A_235] : memref<50x128xi32, #tpu.memory_space<vmem>> -> memref<1x128xi32, #tpu.memory_space<vmem>>
      %dma_wait3A_237 = tpu.memref_squeeze %dma_wait3A_236 : memref<1x128xi32, #tpu.memory_space<vmem>> -> memref<128xi32, #tpu.memory_space<vmem>>
      %dma_wait3A_238 = arith.constant 0 : i32
      %dma_wait3A_239 = arith.constant 0 : i32
      %dma_wait3A_240 = tpu.memref_slice %arg3[%dma_wait3A_238, %dma_wait3A_239] : memref<100001x128xf32, #tpu.memory_space<hbm>> -> memref<100001x128xf32, #tpu.memory_space<hbm>>
      %dma_wait3A_241 = tpu.memref_slice %arg8[%dma_wait3A_230] : memref<2x!tpu.dma_semaphore, #tpu.memory_space<semaphore_mem>> -> memref<1x!tpu.dma_semaphore, #tpu.memory_space<semaphore_mem>>
      %dma_wait3A_242 = tpu.memref_squeeze %dma_wait3A_241 : memref<1x!tpu.dma_semaphore, #tpu.memory_space<semaphore_mem>> -> memref<!tpu.dma_semaphore, #tpu.memory_space<semaphore_mem>>
      tpu.wait_indirect_dma semaphore(%dma_wait3A_242 : memref<!tpu.dma_semaphore, #tpu.memory_space<semaphore_mem>>) src(%dma_wait3A_240 : memref<100001x128xf32, #tpu.memory_space<hbm>>) dst(%dma_wait3A_234 : memref<128x128xf32, #tpu.memory_space<vmem>>)
      %gt3A_243 = arith.constant 0 : i32
      %gt3A_244 = arith.cmpi sgt, %scan3A_170, %gt3A_243 : i32
      %convert_element_type3A_245 = arith.extui %gt3A_244 : i1 to i32
      %cond3A_246 = arith.constant 0 : i32
      %cond3A_247 = arith.cmpi ne, %convert_element_type3A_245, %cond3A_246 : i32
      scf.if %cond3A_247 {
        %sub3A = arith.constant 2 : i32
        %sub3A_283 = arith.subi %add3A_228, %sub3A : i32
        %dma_wait3A_284 = arith.constant 1 : i32
        %dma_wait3A_285 = arith.constant 1 : i32
        %dma_wait3A_286 = arith.constant 0 : i32
        %dma_wait3A_287 = arith.constant 0 : i32
        %dma_wait3A_288 = tpu.memref_slice %arg7[%dma_wait3A_284, %dma_wait3A_286, %dma_wait3A_287] : memref<2x64x128xf32, #tpu.memory_space<vmem>> -> memref<1x64x128xf32, #tpu.memory_space<vmem>>
        %dma_wait3A_289 = tpu.memref_squeeze %dma_wait3A_288 : memref<1x64x128xf32, #tpu.memory_space<vmem>> -> memref<64x128xf32, #tpu.memory_space<vmem>>
        %dma_wait3A_290 = arith.constant 0 : i32
        %dma_wait3A_291 = tpu.memref_slice %arg4[%sub3A_283, %dma_wait3A_290, %mul3A_2] : memref<50x64x4096xf32, #tpu.memory_space<hbm>> -> memref<1x64x128xf32, #tpu.memory_space<hbm>>
        %dma_wait3A_292 = tpu.memref_squeeze %dma_wait3A_291 : memref<1x64x128xf32, #tpu.memory_space<hbm>> -> memref<64x128xf32, #tpu.memory_space<hbm>>
        %dma_wait3A_293 = tpu.memref_slice %arg9[%dma_wait3A_285] : memref<2x!tpu.dma_semaphore, #tpu.memory_space<semaphore_mem>> -> memref<1x!tpu.dma_semaphore, #tpu.memory_space<semaphore_mem>>
        %dma_wait3A_294 = tpu.memref_squeeze %dma_wait3A_293 : memref<1x!tpu.dma_semaphore, #tpu.memory_space<semaphore_mem>> -> memref<!tpu.dma_semaphore, #tpu.memory_space<semaphore_mem>>
        %dma_wait3A_295 = arith.constant 0 : i32
        %dma_wait3A_296 = tpu.memref_slice %arg4[%sub3A_283, %dma_wait3A_295, %mul3A_2] : memref<50x64x4096xf32, #tpu.memory_space<hbm>> -> memref<1x64x128xf32, #tpu.memory_space<hbm>>
        %dma_wait3A_297 = tpu.memref_squeeze %dma_wait3A_296 : memref<1x64x128xf32, #tpu.memory_space<hbm>> -> memref<64x128xf32, #tpu.memory_space<hbm>>
        %dma_wait3A_298 = arith.constant 0 : i32
        %dma_wait3A_299 = arith.constant 0 : i32
        %dma_wait3A_300 = tpu.memref_slice %arg7[%dma_wait3A_284, %dma_wait3A_298, %dma_wait3A_299] : memref<2x64x128xf32, #tpu.memory_space<vmem>> -> memref<1x64x128xf32, #tpu.memory_space<vmem>>
        %dma_wait3A_301 = tpu.memref_squeeze %dma_wait3A_300 : memref<1x64x128xf32, #tpu.memory_space<vmem>> -> memref<64x128xf32, #tpu.memory_space<vmem>>
        tpu.wait_dma2 semaphore(%dma_wait3A_294 : memref<!tpu.dma_semaphore, #tpu.memory_space<semaphore_mem>>) src(%dma_wait3A_301 : memref<64x128xf32, #tpu.memory_space<vmem>>) dst(%dma_wait3A_297 : memref<64x128xf32, #tpu.memory_space<hbm>>)
      } else {
      }
      %scan3A_248 = arith.constant 1 : i32
      %scan3A_249 = arith.constant 1 : i32
      %scan3A_250 = arith.constant 0 : i32
      %scan3A_251 = arith.constant 0 : i32
      %scan3A_252 = arith.constant 8 : i32
      %scan3A_253 = arith.addi %scan3A_251, %scan3A_252 : i32
      %scan3A_254 = arith.constant 1 : i32
      %scan3A_255 = scf.for %scan3A_283 = %scan3A_251 to %scan3A_253 step %scan3A_254 iter_args(%scan3A_284 = %scan3A_250) -> (i32)  : i32 {
        %mul3A_285 = arith.constant 16 : i32
        %mul3A_286 = arith.muli %scan3A_283, %mul3A_285 : i32
        %add3A_287 = vector.broadcast %mul3A_286 : i32 to vector<16xi32>
        %add3A_288 = arith.addi %iota3A, %add3A_287 : vector<16xi32>
        %add3A_289 = arith.constant 0 : i32
        %add3A_290 = vector.broadcast %add3A_289 : i32 to vector<16xi32>
        %add3A_291 = arith.addi %and3A_7, %add3A_290 : vector<16xi32>
        %gather3A = arith.constant 0 : i32
        %gather3A_292 = arith.constant 0 : i32
        %gather3A_293 = tpu.memref_slice %arg6[%scan3A_248, %gather3A, %gather3A_292] : memref<2x128x128xf32, #tpu.memory_space<vmem>> -> memref<1x128x128xf32, #tpu.memory_space<vmem>>
        %gather3A_294 = tpu.memref_squeeze %gather3A_293 : memref<1x128x128xf32, #tpu.memory_space<vmem>> -> memref<128x128xf32, #tpu.memory_space<vmem>>
        %gather3A_295 = tpu.vector_load_idx %gather3A_294[%add3A_288, %add3A_291] : memref<128x128xf32, #tpu.memory_space<vmem>>[vector<16xi32>, vector<16xi32>], vector<16xf32>,
        %scatter3A = arith.constant 0 : i32
        %scatter3A_296 = arith.constant 0 : i32
        %scatter3A_297 = tpu.memref_slice %arg7[%scan3A_249, %scatter3A, %scatter3A_296] : memref<2x64x128xf32, #tpu.memory_space<vmem>> -> memref<1x64x128xf32, #tpu.memory_space<vmem>>
        %scatter3A_298 = tpu.memref_squeeze %scatter3A_297 : memref<1x64x128xf32, #tpu.memory_space<vmem>> -> memref<64x128xf32, #tpu.memory_space<vmem>>
        tpu.vector_store_idx %scatter3A_298[%add3A_291, %add3A_288], %gather3A_295 : memref<64x128xf32, #tpu.memory_space<vmem>>[vector<16xi32>, vector<16xi32>], vector<16xf32>,
        %add3A_299 = arith.constant 0 : i32
        %add3A_300 = vector.broadcast %add3A_299 : i32 to vector<16xi32>
        %add3A_301 = arith.addi %and3A_13, %add3A_300 : vector<16xi32>
        %gather3A_302 = arith.constant 0 : i32
        %gather3A_303 = arith.constant 0 : i32
        %gather3A_304 = tpu.memref_slice %arg6[%scan3A_248, %gather3A_302, %gather3A_303] : memref<2x128x128xf32, #tpu.memory_space<vmem>> -> memref<1x128x128xf32, #tpu.memory_space<vmem>>
        %gather3A_305 = tpu.memref_squeeze %gather3A_304 : memref<1x128x128xf32, #tpu.memory_space<vmem>> -> memref<128x128xf32, #tpu.memory_space<vmem>>
        %gather3A_306 = tpu.vector_load_idx %gather3A_305[%add3A_288, %add3A_301] : memref<128x128xf32, #tpu.memory_space<vmem>>[vector<16xi32>, vector<16xi32>], vector<16xf32>,
        %scatter3A_307 = arith.constant 0 : i32
        %scatter3A_308 = arith.constant 0 : i32
        %scatter3A_309 = tpu.memref_slice %arg7[%scan3A_249, %scatter3A_307, %scatter3A_308] : memref<2x64x128xf32, #tpu.memory_space<vmem>> -> memref<1x64x128xf32, #tpu.memory_space<vmem>>
        %scatter3A_310 = tpu.memref_squeeze %scatter3A_309 : memref<1x64x128xf32, #tpu.memory_space<vmem>> -> memref<64x128xf32, #tpu.memory_space<vmem>>
        tpu.vector_store_idx %scatter3A_310[%add3A_301, %add3A_288], %gather3A_306 : memref<64x128xf32, #tpu.memory_space<vmem>>[vector<16xi32>, vector<16xi32>], vector<16xf32>,
        %add3A_311 = arith.constant 0 : i32
        %add3A_312 = vector.broadcast %add3A_311 : i32 to vector<16xi32>
        %add3A_313 = arith.addi %and3A_19, %add3A_312 : vector<16xi32>
        %gather3A_314 = arith.constant 0 : i32
        %gather3A_315 = arith.constant 0 : i32
        %gather3A_316 = tpu.memref_slice %arg6[%scan3A_248, %gather3A_314, %gather3A_315] : memref<2x128x128xf32, #tpu.memory_space<vmem>> -> memref<1x128x128xf32, #tpu.memory_space<vmem>>
        %gather3A_317 = tpu.memref_squeeze %gather3A_316 : memref<1x128x128xf32, #tpu.memory_space<vmem>> -> memref<128x128xf32, #tpu.memory_space<vmem>>
        %gather3A_318 = tpu.vector_load_idx %gather3A_317[%add3A_288, %add3A_313] : memref<128x128xf32, #tpu.memory_space<vmem>>[vector<16xi32>, vector<16xi32>], vector<16xf32>,
        %scatter3A_319 = arith.constant 0 : i32
        %scatter3A_320 = arith.constant 0 : i32
        %scatter3A_321 = tpu.memref_slice %arg7[%scan3A_249, %scatter3A_319, %scatter3A_320] : memref<2x64x128xf32, #tpu.memory_space<vmem>> -> memref<1x64x128xf32, #tpu.memory_space<vmem>>
        %scatter3A_322 = tpu.memref_squeeze %scatter3A_321 : memref<1x64x128xf32, #tpu.memory_space<vmem>> -> memref<64x128xf32, #tpu.memory_space<vmem>>
        tpu.vector_store_idx %scatter3A_322[%add3A_313, %add3A_288], %gather3A_318 : memref<64x128xf32, #tpu.memory_space<vmem>>[vector<16xi32>, vector<16xi32>], vector<16xf32>,
        %add3A_323 = arith.constant 0 : i32
        %add3A_324 = vector.broadcast %add3A_323 : i32 to vector<16xi32>
        %add3A_325 = arith.addi %and3A_25, %add3A_324 : vector<16xi32>
        %gather3A_326 = arith.constant 0 : i32
        %gather3A_327 = arith.constant 0 : i32
        %gather3A_328 = tpu.memref_slice %arg6[%scan3A_248, %gather3A_326, %gather3A_327] : memref<2x128x128xf32, #tpu.memory_space<vmem>> -> memref<1x128x128xf32, #tpu.memory_space<vmem>>
        %gather3A_329 = tpu.memref_squeeze %gather3A_328 : memref<1x128x128xf32, #tpu.memory_space<vmem>> -> memref<128x128xf32, #tpu.memory_space<vmem>>
        %gather3A_330 = tpu.vector_load_idx %gather3A_329[%add3A_288, %add3A_325] : memref<128x128xf32, #tpu.memory_space<vmem>>[vector<16xi32>, vector<16xi32>], vector<16xf32>,
        %scatter3A_331 = arith.constant 0 : i32
        %scatter3A_332 = arith.constant 0 : i32
        %scatter3A_333 = tpu.memref_slice %arg7[%scan3A_249, %scatter3A_331, %scatter3A_332] : memref<2x64x128xf32, #tpu.memory_space<vmem>> -> memref<1x64x128xf32, #tpu.memory_space<vmem>>
        %scatter3A_334 = tpu.memref_squeeze %scatter3A_333 : memref<1x64x128xf32, #tpu.memory_space<vmem>> -> memref<64x128xf32, #tpu.memory_space<vmem>>
        tpu.vector_store_idx %scatter3A_334[%add3A_325, %add3A_288], %gather3A_330 : memref<64x128xf32, #tpu.memory_space<vmem>>[vector<16xi32>, vector<16xi32>], vector<16xf32>,
        %add3A_335 = arith.constant 0 : i32
        %add3A_336 = vector.broadcast %add3A_335 : i32 to vector<16xi32>
        %add3A_337 = arith.addi %and3A_31, %add3A_336 : vector<16xi32>
        %gather3A_338 = arith.constant 0 : i32
        %gather3A_339 = arith.constant 0 : i32
        %gather3A_340 = tpu.memref_slice %arg6[%scan3A_248, %gather3A_338, %gather3A_339] : memref<2x128x128xf32, #tpu.memory_space<vmem>> -> memref<1x128x128xf32, #tpu.memory_space<vmem>>
        %gather3A_341 = tpu.memref_squeeze %gather3A_340 : memref<1x128x128xf32, #tpu.memory_space<vmem>> -> memref<128x128xf32, #tpu.memory_space<vmem>>
        %gather3A_342 = tpu.vector_load_idx %gather3A_341[%add3A_288, %add3A_337] : memref<128x128xf32, #tpu.memory_space<vmem>>[vector<16xi32>, vector<16xi32>], vector<16xf32>,
        %scatter3A_343 = arith.constant 0 : i32
        %scatter3A_344 = arith.constant 0 : i32
        %scatter3A_345 = tpu.memref_slice %arg7[%scan3A_249, %scatter3A_343, %scatter3A_344] : memref<2x64x128xf32, #tpu.memory_space<vmem>> -> memref<1x64x128xf32, #tpu.memory_space<vmem>>
        %scatter3A_346 = tpu.memref_squeeze %scatter3A_345 : memref<1x64x128xf32, #tpu.memory_space<vmem>> -> memref<64x128xf32, #tpu.memory_space<vmem>>
        tpu.vector_store_idx %scatter3A_346[%add3A_337, %add3A_288], %gather3A_342 : memref<64x128xf32, #tpu.memory_space<vmem>>[vector<16xi32>, vector<16xi32>], vector<16xf32>,
        %add3A_347 = arith.constant 0 : i32
        %add3A_348 = vector.broadcast %add3A_347 : i32 to vector<16xi32>
        %add3A_349 = arith.addi %and3A_37, %add3A_348 : vector<16xi32>
        %gather3A_350 = arith.constant 0 : i32
        %gather3A_351 = arith.constant 0 : i32
        %gather3A_352 = tpu.memref_slice %arg6[%scan3A_248, %gather3A_350, %gather3A_351] : memref<2x128x128xf32, #tpu.memory_space<vmem>> -> memref<1x128x128xf32, #tpu.memory_space<vmem>>
        %gather3A_353 = tpu.memref_squeeze %gather3A_352 : memref<1x128x128xf32, #tpu.memory_space<vmem>> -> memref<128x128xf32, #tpu.memory_space<vmem>>
        %gather3A_354 = tpu.vector_load_idx %gather3A_353[%add3A_288, %add3A_349] : memref<128x128xf32, #tpu.memory_space<vmem>>[vector<16xi32>, vector<16xi32>], vector<16xf32>,
        %scatter3A_355 = arith.constant 0 : i32
        %scatter3A_356 = arith.constant 0 : i32
        %scatter3A_357 = tpu.memref_slice %arg7[%scan3A_249, %scatter3A_355, %scatter3A_356] : memref<2x64x128xf32, #tpu.memory_space<vmem>> -> memref<1x64x128xf32, #tpu.memory_space<vmem>>
        %scatter3A_358 = tpu.memref_squeeze %scatter3A_357 : memref<1x64x128xf32, #tpu.memory_space<vmem>> -> memref<64x128xf32, #tpu.memory_space<vmem>>
        tpu.vector_store_idx %scatter3A_358[%add3A_349, %add3A_288], %gather3A_354 : memref<64x128xf32, #tpu.memory_space<vmem>>[vector<16xi32>, vector<16xi32>], vector<16xf32>,
        %add3A_359 = arith.constant 0 : i32
        %add3A_360 = vector.broadcast %add3A_359 : i32 to vector<16xi32>
        %add3A_361 = arith.addi %and3A_43, %add3A_360 : vector<16xi32>
        %gather3A_362 = arith.constant 0 : i32
        %gather3A_363 = arith.constant 0 : i32
        %gather3A_364 = tpu.memref_slice %arg6[%scan3A_248, %gather3A_362, %gather3A_363] : memref<2x128x128xf32, #tpu.memory_space<vmem>> -> memref<1x128x128xf32, #tpu.memory_space<vmem>>
        %gather3A_365 = tpu.memref_squeeze %gather3A_364 : memref<1x128x128xf32, #tpu.memory_space<vmem>> -> memref<128x128xf32, #tpu.memory_space<vmem>>
        %gather3A_366 = tpu.vector_load_idx %gather3A_365[%add3A_288, %add3A_361] : memref<128x128xf32, #tpu.memory_space<vmem>>[vector<16xi32>, vector<16xi32>], vector<16xf32>,
        %scatter3A_367 = arith.constant 0 : i32
        %scatter3A_368 = arith.constant 0 : i32
        %scatter3A_369 = tpu.memref_slice %arg7[%scan3A_249, %scatter3A_367, %scatter3A_368] : memref<2x64x128xf32, #tpu.memory_space<vmem>> -> memref<1x64x128xf32, #tpu.memory_space<vmem>>
        %scatter3A_370 = tpu.memref_squeeze %scatter3A_369 : memref<1x64x128xf32, #tpu.memory_space<vmem>> -> memref<64x128xf32, #tpu.memory_space<vmem>>
        tpu.vector_store_idx %scatter3A_370[%add3A_361, %add3A_288], %gather3A_366 : memref<64x128xf32, #tpu.memory_space<vmem>>[vector<16xi32>, vector<16xi32>], vector<16xf32>,
        %add3A_371 = arith.constant 0 : i32
        %add3A_372 = vector.broadcast %add3A_371 : i32 to vector<16xi32>
        %add3A_373 = arith.addi %and3A_49, %add3A_372 : vector<16xi32>
        %gather3A_374 = arith.constant 0 : i32
        %gather3A_375 = arith.constant 0 : i32
        %gather3A_376 = tpu.memref_slice %arg6[%scan3A_248, %gather3A_374, %gather3A_375] : memref<2x128x128xf32, #tpu.memory_space<vmem>> -> memref<1x128x128xf32, #tpu.memory_space<vmem>>
        %gather3A_377 = tpu.memref_squeeze %gather3A_376 : memref<1x128x128xf32, #tpu.memory_space<vmem>> -> memref<128x128xf32, #tpu.memory_space<vmem>>
        %gather3A_378 = tpu.vector_load_idx %gather3A_377[%add3A_288, %add3A_373] : memref<128x128xf32, #tpu.memory_space<vmem>>[vector<16xi32>, vector<16xi32>], vector<16xf32>,
        %scatter3A_379 = arith.constant 0 : i32
        %scatter3A_380 = arith.constant 0 : i32
        %scatter3A_381 = tpu.memref_slice %arg7[%scan3A_249, %scatter3A_379, %scatter3A_380] : memref<2x64x128xf32, #tpu.memory_space<vmem>> -> memref<1x64x128xf32, #tpu.memory_space<vmem>>
        %scatter3A_382 = tpu.memref_squeeze %scatter3A_381 : memref<1x64x128xf32, #tpu.memory_space<vmem>> -> memref<64x128xf32, #tpu.memory_space<vmem>>
        tpu.vector_store_idx %scatter3A_382[%add3A_373, %add3A_288], %gather3A_378 : memref<64x128xf32, #tpu.memory_space<vmem>>[vector<16xi32>, vector<16xi32>], vector<16xf32>,
        %add3A_383 = arith.constant 0 : i32
        %add3A_384 = vector.broadcast %add3A_383 : i32 to vector<16xi32>
        %add3A_385 = arith.addi %and3A_55, %add3A_384 : vector<16xi32>
        %gather3A_386 = arith.constant 0 : i32
        %gather3A_387 = arith.constant 0 : i32
        %gather3A_388 = tpu.memref_slice %arg6[%scan3A_248, %gather3A_386, %gather3A_387] : memref<2x128x128xf32, #tpu.memory_space<vmem>> -> memref<1x128x128xf32, #tpu.memory_space<vmem>>
        %gather3A_389 = tpu.memref_squeeze %gather3A_388 : memref<1x128x128xf32, #tpu.memory_space<vmem>> -> memref<128x128xf32, #tpu.memory_space<vmem>>
        %gather3A_390 = tpu.vector_load_idx %gather3A_389[%add3A_288, %add3A_385] : memref<128x128xf32, #tpu.memory_space<vmem>>[vector<16xi32>, vector<16xi32>], vector<16xf32>,
        %scatter3A_391 = arith.constant 0 : i32
        %scatter3A_392 = arith.constant 0 : i32
        %scatter3A_393 = tpu.memref_slice %arg7[%scan3A_249, %scatter3A_391, %scatter3A_392] : memref<2x64x128xf32, #tpu.memory_space<vmem>> -> memref<1x64x128xf32, #tpu.memory_space<vmem>>
        %scatter3A_394 = tpu.memref_squeeze %scatter3A_393 : memref<1x64x128xf32, #tpu.memory_space<vmem>> -> memref<64x128xf32, #tpu.memory_space<vmem>>
        tpu.vector_store_idx %scatter3A_394[%add3A_385, %add3A_288], %gather3A_390 : memref<64x128xf32, #tpu.memory_space<vmem>>[vector<16xi32>, vector<16xi32>], vector<16xf32>,
        %add3A_395 = arith.constant 0 : i32
        %add3A_396 = vector.broadcast %add3A_395 : i32 to vector<16xi32>
        %add3A_397 = arith.addi %and3A_61, %add3A_396 : vector<16xi32>
        %gather3A_398 = arith.constant 0 : i32
        %gather3A_399 = arith.constant 0 : i32
        %gather3A_400 = tpu.memref_slice %arg6[%scan3A_248, %gather3A_398, %gather3A_399] : memref<2x128x128xf32, #tpu.memory_space<vmem>> -> memref<1x128x128xf32, #tpu.memory_space<vmem>>
        %gather3A_401 = tpu.memref_squeeze %gather3A_400 : memref<1x128x128xf32, #tpu.memory_space<vmem>> -> memref<128x128xf32, #tpu.memory_space<vmem>>
        %gather3A_402 = tpu.vector_load_idx %gather3A_401[%add3A_288, %add3A_397] : memref<128x128xf32, #tpu.memory_space<vmem>>[vector<16xi32>, vector<16xi32>], vector<16xf32>,
        %scatter3A_403 = arith.constant 0 : i32
        %scatter3A_404 = arith.constant 0 : i32
        %scatter3A_405 = tpu.memref_slice %arg7[%scan3A_249, %scatter3A_403, %scatter3A_404] : memref<2x64x128xf32, #tpu.memory_space<vmem>> -> memref<1x64x128xf32, #tpu.memory_space<vmem>>
        %scatter3A_406 = tpu.memref_squeeze %scatter3A_405 : memref<1x64x128xf32, #tpu.memory_space<vmem>> -> memref<64x128xf32, #tpu.memory_space<vmem>>
        tpu.vector_store_idx %scatter3A_406[%add3A_397, %add3A_288], %gather3A_402 : memref<64x128xf32, #tpu.memory_space<vmem>>[vector<16xi32>, vector<16xi32>], vector<16xf32>,
        %add3A_407 = arith.constant 0 : i32
        %add3A_408 = vector.broadcast %add3A_407 : i32 to vector<16xi32>
        %add3A_409 = arith.addi %and3A_67, %add3A_408 : vector<16xi32>
        %gather3A_410 = arith.constant 0 : i32
        %gather3A_411 = arith.constant 0 : i32
        %gather3A_412 = tpu.memref_slice %arg6[%scan3A_248, %gather3A_410, %gather3A_411] : memref<2x128x128xf32, #tpu.memory_space<vmem>> -> memref<1x128x128xf32, #tpu.memory_space<vmem>>
        %gather3A_413 = tpu.memref_squeeze %gather3A_412 : memref<1x128x128xf32, #tpu.memory_space<vmem>> -> memref<128x128xf32, #tpu.memory_space<vmem>>
        %gather3A_414 = tpu.vector_load_idx %gather3A_413[%add3A_288, %add3A_409] : memref<128x128xf32, #tpu.memory_space<vmem>>[vector<16xi32>, vector<16xi32>], vector<16xf32>,
        %scatter3A_415 = arith.constant 0 : i32
        %scatter3A_416 = arith.constant 0 : i32
        %scatter3A_417 = tpu.memref_slice %arg7[%scan3A_249, %scatter3A_415, %scatter3A_416] : memref<2x64x128xf32, #tpu.memory_space<vmem>> -> memref<1x64x128xf32, #tpu.memory_space<vmem>>
        %scatter3A_418 = tpu.memref_squeeze %scatter3A_417 : memref<1x64x128xf32, #tpu.memory_space<vmem>> -> memref<64x128xf32, #tpu.memory_space<vmem>>
        tpu.vector_store_idx %scatter3A_418[%add3A_409, %add3A_288], %gather3A_414 : memref<64x128xf32, #tpu.memory_space<vmem>>[vector<16xi32>, vector<16xi32>], vector<16xf32>,
        %add3A_419 = arith.constant 0 : i32
        %add3A_420 = vector.broadcast %add3A_419 : i32 to vector<16xi32>
        %add3A_421 = arith.addi %and3A_73, %add3A_420 : vector<16xi32>
        %gather3A_422 = arith.constant 0 : i32
        %gather3A_423 = arith.constant 0 : i32
        %gather3A_424 = tpu.memref_slice %arg6[%scan3A_248, %gather3A_422, %gather3A_423] : memref<2x128x128xf32, #tpu.memory_space<vmem>> -> memref<1x128x128xf32, #tpu.memory_space<vmem>>
        %gather3A_425 = tpu.memref_squeeze %gather3A_424 : memref<1x128x128xf32, #tpu.memory_space<vmem>> -> memref<128x128xf32, #tpu.memory_space<vmem>>
        %gather3A_426 = tpu.vector_load_idx %gather3A_425[%add3A_288, %add3A_421] : memref<128x128xf32, #tpu.memory_space<vmem>>[vector<16xi32>, vector<16xi32>], vector<16xf32>,
        %scatter3A_427 = arith.constant 0 : i32
        %scatter3A_428 = arith.constant 0 : i32
        %scatter3A_429 = tpu.memref_slice %arg7[%scan3A_249, %scatter3A_427, %scatter3A_428] : memref<2x64x128xf32, #tpu.memory_space<vmem>> -> memref<1x64x128xf32, #tpu.memory_space<vmem>>
        %scatter3A_430 = tpu.memref_squeeze %scatter3A_429 : memref<1x64x128xf32, #tpu.memory_space<vmem>> -> memref<64x128xf32, #tpu.memory_space<vmem>>
        tpu.vector_store_idx %scatter3A_430[%add3A_421, %add3A_288], %gather3A_426 : memref<64x128xf32, #tpu.memory_space<vmem>>[vector<16xi32>, vector<16xi32>], vector<16xf32>,
        %add3A_431 = arith.constant 0 : i32
        %add3A_432 = vector.broadcast %add3A_431 : i32 to vector<16xi32>
        %add3A_433 = arith.addi %and3A_79, %add3A_432 : vector<16xi32>
        %gather3A_434 = arith.constant 0 : i32
        %gather3A_435 = arith.constant 0 : i32
        %gather3A_436 = tpu.memref_slice %arg6[%scan3A_248, %gather3A_434, %gather3A_435] : memref<2x128x128xf32, #tpu.memory_space<vmem>> -> memref<1x128x128xf32, #tpu.memory_space<vmem>>
        %gather3A_437 = tpu.memref_squeeze %gather3A_436 : memref<1x128x128xf32, #tpu.memory_space<vmem>> -> memref<128x128xf32, #tpu.memory_space<vmem>>
        %gather3A_438 = tpu.vector_load_idx %gather3A_437[%add3A_288, %add3A_433] : memref<128x128xf32, #tpu.memory_space<vmem>>[vector<16xi32>, vector<16xi32>], vector<16xf32>,
        %scatter3A_439 = arith.constant 0 : i32
        %scatter3A_440 = arith.constant 0 : i32
        %scatter3A_441 = tpu.memref_slice %arg7[%scan3A_249, %scatter3A_439, %scatter3A_440] : memref<2x64x128xf32, #tpu.memory_space<vmem>> -> memref<1x64x128xf32, #tpu.memory_space<vmem>>
        %scatter3A_442 = tpu.memref_squeeze %scatter3A_441 : memref<1x64x128xf32, #tpu.memory_space<vmem>> -> memref<64x128xf32, #tpu.memory_space<vmem>>
        tpu.vector_store_idx %scatter3A_442[%add3A_433, %add3A_288], %gather3A_438 : memref<64x128xf32, #tpu.memory_space<vmem>>[vector<16xi32>, vector<16xi32>], vector<16xf32>,
        %add3A_443 = arith.constant 0 : i32
        %add3A_444 = vector.broadcast %add3A_443 : i32 to vector<16xi32>
        %add3A_445 = arith.addi %and3A_85, %add3A_444 : vector<16xi32>
        %gather3A_446 = arith.constant 0 : i32
        %gather3A_447 = arith.constant 0 : i32
        %gather3A_448 = tpu.memref_slice %arg6[%scan3A_248, %gather3A_446, %gather3A_447] : memref<2x128x128xf32, #tpu.memory_space<vmem>> -> memref<1x128x128xf32, #tpu.memory_space<vmem>>
        %gather3A_449 = tpu.memref_squeeze %gather3A_448 : memref<1x128x128xf32, #tpu.memory_space<vmem>> -> memref<128x128xf32, #tpu.memory_space<vmem>>
        %gather3A_450 = tpu.vector_load_idx %gather3A_449[%add3A_288, %add3A_445] : memref<128x128xf32, #tpu.memory_space<vmem>>[vector<16xi32>, vector<16xi32>], vector<16xf32>,
        %scatter3A_451 = arith.constant 0 : i32
        %scatter3A_452 = arith.constant 0 : i32
        %scatter3A_453 = tpu.memref_slice %arg7[%scan3A_249, %scatter3A_451, %scatter3A_452] : memref<2x64x128xf32, #tpu.memory_space<vmem>> -> memref<1x64x128xf32, #tpu.memory_space<vmem>>
        %scatter3A_454 = tpu.memref_squeeze %scatter3A_453 : memref<1x64x128xf32, #tpu.memory_space<vmem>> -> memref<64x128xf32, #tpu.memory_space<vmem>>
        tpu.vector_store_idx %scatter3A_454[%add3A_445, %add3A_288], %gather3A_450 : memref<64x128xf32, #tpu.memory_space<vmem>>[vector<16xi32>, vector<16xi32>], vector<16xf32>,
        %add3A_455 = arith.constant 0 : i32
        %add3A_456 = vector.broadcast %add3A_455 : i32 to vector<16xi32>
        %add3A_457 = arith.addi %and3A_91, %add3A_456 : vector<16xi32>
        %gather3A_458 = arith.constant 0 : i32
        %gather3A_459 = arith.constant 0 : i32
        %gather3A_460 = tpu.memref_slice %arg6[%scan3A_248, %gather3A_458, %gather3A_459] : memref<2x128x128xf32, #tpu.memory_space<vmem>> -> memref<1x128x128xf32, #tpu.memory_space<vmem>>
        %gather3A_461 = tpu.memref_squeeze %gather3A_460 : memref<1x128x128xf32, #tpu.memory_space<vmem>> -> memref<128x128xf32, #tpu.memory_space<vmem>>
        %gather3A_462 = tpu.vector_load_idx %gather3A_461[%add3A_288, %add3A_457] : memref<128x128xf32, #tpu.memory_space<vmem>>[vector<16xi32>, vector<16xi32>], vector<16xf32>,
        %scatter3A_463 = arith.constant 0 : i32
        %scatter3A_464 = arith.constant 0 : i32
        %scatter3A_465 = tpu.memref_slice %arg7[%scan3A_249, %scatter3A_463, %scatter3A_464] : memref<2x64x128xf32, #tpu.memory_space<vmem>> -> memref<1x64x128xf32, #tpu.memory_space<vmem>>
        %scatter3A_466 = tpu.memref_squeeze %scatter3A_465 : memref<1x64x128xf32, #tpu.memory_space<vmem>> -> memref<64x128xf32, #tpu.memory_space<vmem>>
        tpu.vector_store_idx %scatter3A_466[%add3A_457, %add3A_288], %gather3A_462 : memref<64x128xf32, #tpu.memory_space<vmem>>[vector<16xi32>, vector<16xi32>], vector<16xf32>,
        %add3A_467 = arith.constant 0 : i32
        %add3A_468 = vector.broadcast %add3A_467 : i32 to vector<16xi32>
        %add3A_469 = arith.addi %and3A_97, %add3A_468 : vector<16xi32>
        %gather3A_470 = arith.constant 0 : i32
        %gather3A_471 = arith.constant 0 : i32
        %gather3A_472 = tpu.memref_slice %arg6[%scan3A_248, %gather3A_470, %gather3A_471] : memref<2x128x128xf32, #tpu.memory_space<vmem>> -> memref<1x128x128xf32, #tpu.memory_space<vmem>>
        %gather3A_473 = tpu.memref_squeeze %gather3A_472 : memref<1x128x128xf32, #tpu.memory_space<vmem>> -> memref<128x128xf32, #tpu.memory_space<vmem>>
        %gather3A_474 = tpu.vector_load_idx %gather3A_473[%add3A_288, %add3A_469] : memref<128x128xf32, #tpu.memory_space<vmem>>[vector<16xi32>, vector<16xi32>], vector<16xf32>,
        %scatter3A_475 = arith.constant 0 : i32
        %scatter3A_476 = arith.constant 0 : i32
        %scatter3A_477 = tpu.memref_slice %arg7[%scan3A_249, %scatter3A_475, %scatter3A_476] : memref<2x64x128xf32, #tpu.memory_space<vmem>> -> memref<1x64x128xf32, #tpu.memory_space<vmem>>
        %scatter3A_478 = tpu.memref_squeeze %scatter3A_477 : memref<1x64x128xf32, #tpu.memory_space<vmem>> -> memref<64x128xf32, #tpu.memory_space<vmem>>
        tpu.vector_store_idx %scatter3A_478[%add3A_469, %add3A_288], %gather3A_474 : memref<64x128xf32, #tpu.memory_space<vmem>>[vector<16xi32>, vector<16xi32>], vector<16xf32>,
        %add3A_479 = arith.constant 16 : i32
        %add3A_480 = vector.broadcast %add3A_479 : i32 to vector<16xi32>
        %add3A_481 = arith.addi %and3A_7, %add3A_480 : vector<16xi32>
        %gather3A_482 = arith.constant 0 : i32
        %gather3A_483 = arith.constant 0 : i32
        %gather3A_484 = tpu.memref_slice %arg6[%scan3A_248, %gather3A_482, %gather3A_483] : memref<2x128x128xf32, #tpu.memory_space<vmem>> -> memref<1x128x128xf32, #tpu.memory_space<vmem>>
        %gather3A_485 = tpu.memref_squeeze %gather3A_484 : memref<1x128x128xf32, #tpu.memory_space<vmem>> -> memref<128x128xf32, #tpu.memory_space<vmem>>
        %gather3A_486 = tpu.vector_load_idx %gather3A_485[%add3A_288, %add3A_481] : memref<128x128xf32, #tpu.memory_space<vmem>>[vector<16xi32>, vector<16xi32>], vector<16xf32>,
        %scatter3A_487 = arith.constant 0 : i32
        %scatter3A_488 = arith.constant 0 : i32
        %scatter3A_489 = tpu.memref_slice %arg7[%scan3A_249, %scatter3A_487, %scatter3A_488] : memref<2x64x128xf32, #tpu.memory_space<vmem>> -> memref<1x64x128xf32, #tpu.memory_space<vmem>>
        %scatter3A_490 = tpu.memref_squeeze %scatter3A_489 : memref<1x64x128xf32, #tpu.memory_space<vmem>> -> memref<64x128xf32, #tpu.memory_space<vmem>>
        tpu.vector_store_idx %scatter3A_490[%add3A_481, %add3A_288], %gather3A_486 : memref<64x128xf32, #tpu.memory_space<vmem>>[vector<16xi32>, vector<16xi32>], vector<16xf32>,
        %add3A_491 = arith.constant 16 : i32
        %add3A_492 = vector.broadcast %add3A_491 : i32 to vector<16xi32>
        %add3A_493 = arith.addi %and3A_13, %add3A_492 : vector<16xi32>
        %gather3A_494 = arith.constant 0 : i32
        %gather3A_495 = arith.constant 0 : i32
        %gather3A_496 = tpu.memref_slice %arg6[%scan3A_248, %gather3A_494, %gather3A_495] : memref<2x128x128xf32, #tpu.memory_space<vmem>> -> memref<1x128x128xf32, #tpu.memory_space<vmem>>
        %gather3A_497 = tpu.memref_squeeze %gather3A_496 : memref<1x128x128xf32, #tpu.memory_space<vmem>> -> memref<128x128xf32, #tpu.memory_space<vmem>>
        %gather3A_498 = tpu.vector_load_idx %gather3A_497[%add3A_288, %add3A_493] : memref<128x128xf32, #tpu.memory_space<vmem>>[vector<16xi32>, vector<16xi32>], vector<16xf32>,
        %scatter3A_499 = arith.constant 0 : i32
        %scatter3A_500 = arith.constant 0 : i32
        %scatter3A_501 = tpu.memref_slice %arg7[%scan3A_249, %scatter3A_499, %scatter3A_500] : memref<2x64x128xf32, #tpu.memory_space<vmem>> -> memref<1x64x128xf32, #tpu.memory_space<vmem>>
        %scatter3A_502 = tpu.memref_squeeze %scatter3A_501 : memref<1x64x128xf32, #tpu.memory_space<vmem>> -> memref<64x128xf32, #tpu.memory_space<vmem>>
        tpu.vector_store_idx %scatter3A_502[%add3A_493, %add3A_288], %gather3A_498 : memref<64x128xf32, #tpu.memory_space<vmem>>[vector<16xi32>, vector<16xi32>], vector<16xf32>,
        %add3A_503 = arith.constant 16 : i32
        %add3A_504 = vector.broadcast %add3A_503 : i32 to vector<16xi32>
        %add3A_505 = arith.addi %and3A_19, %add3A_504 : vector<16xi32>
        %gather3A_506 = arith.constant 0 : i32
        %gather3A_507 = arith.constant 0 : i32
        %gather3A_508 = tpu.memref_slice %arg6[%scan3A_248, %gather3A_506, %gather3A_507] : memref<2x128x128xf32, #tpu.memory_space<vmem>> -> memref<1x128x128xf32, #tpu.memory_space<vmem>>
        %gather3A_509 = tpu.memref_squeeze %gather3A_508 : memref<1x128x128xf32, #tpu.memory_space<vmem>> -> memref<128x128xf32, #tpu.memory_space<vmem>>
        %gather3A_510 = tpu.vector_load_idx %gather3A_509[%add3A_288, %add3A_505] : memref<128x128xf32, #tpu.memory_space<vmem>>[vector<16xi32>, vector<16xi32>], vector<16xf32>,
        %scatter3A_511 = arith.constant 0 : i32
        %scatter3A_512 = arith.constant 0 : i32
        %scatter3A_513 = tpu.memref_slice %arg7[%scan3A_249, %scatter3A_511, %scatter3A_512] : memref<2x64x128xf32, #tpu.memory_space<vmem>> -> memref<1x64x128xf32, #tpu.memory_space<vmem>>
        %scatter3A_514 = tpu.memref_squeeze %scatter3A_513 : memref<1x64x128xf32, #tpu.memory_space<vmem>> -> memref<64x128xf32, #tpu.memory_space<vmem>>
        tpu.vector_store_idx %scatter3A_514[%add3A_505, %add3A_288], %gather3A_510 : memref<64x128xf32, #tpu.memory_space<vmem>>[vector<16xi32>, vector<16xi32>], vector<16xf32>,
        %add3A_515 = arith.constant 16 : i32
        %add3A_516 = vector.broadcast %add3A_515 : i32 to vector<16xi32>
        %add3A_517 = arith.addi %and3A_25, %add3A_516 : vector<16xi32>
        %gather3A_518 = arith.constant 0 : i32
        %gather3A_519 = arith.constant 0 : i32
        %gather3A_520 = tpu.memref_slice %arg6[%scan3A_248, %gather3A_518, %gather3A_519] : memref<2x128x128xf32, #tpu.memory_space<vmem>> -> memref<1x128x128xf32, #tpu.memory_space<vmem>>
        %gather3A_521 = tpu.memref_squeeze %gather3A_520 : memref<1x128x128xf32, #tpu.memory_space<vmem>> -> memref<128x128xf32, #tpu.memory_space<vmem>>
        %gather3A_522 = tpu.vector_load_idx %gather3A_521[%add3A_288, %add3A_517] : memref<128x128xf32, #tpu.memory_space<vmem>>[vector<16xi32>, vector<16xi32>], vector<16xf32>,
        %scatter3A_523 = arith.constant 0 : i32
        %scatter3A_524 = arith.constant 0 : i32
        %scatter3A_525 = tpu.memref_slice %arg7[%scan3A_249, %scatter3A_523, %scatter3A_524] : memref<2x64x128xf32, #tpu.memory_space<vmem>> -> memref<1x64x128xf32, #tpu.memory_space<vmem>>
        %scatter3A_526 = tpu.memref_squeeze %scatter3A_525 : memref<1x64x128xf32, #tpu.memory_space<vmem>> -> memref<64x128xf32, #tpu.memory_space<vmem>>
        tpu.vector_store_idx %scatter3A_526[%add3A_517, %add3A_288], %gather3A_522 : memref<64x128xf32, #tpu.memory_space<vmem>>[vector<16xi32>, vector<16xi32>], vector<16xf32>,
        %add3A_527 = arith.constant 16 : i32
        %add3A_528 = vector.broadcast %add3A_527 : i32 to vector<16xi32>
        %add3A_529 = arith.addi %and3A_31, %add3A_528 : vector<16xi32>
        %gather3A_530 = arith.constant 0 : i32
        %gather3A_531 = arith.constant 0 : i32
        %gather3A_532 = tpu.memref_slice %arg6[%scan3A_248, %gather3A_530, %gather3A_531] : memref<2x128x128xf32, #tpu.memory_space<vmem>> -> memref<1x128x128xf32, #tpu.memory_space<vmem>>
        %gather3A_533 = tpu.memref_squeeze %gather3A_532 : memref<1x128x128xf32, #tpu.memory_space<vmem>> -> memref<128x128xf32, #tpu.memory_space<vmem>>
        %gather3A_534 = tpu.vector_load_idx %gather3A_533[%add3A_288, %add3A_529] : memref<128x128xf32, #tpu.memory_space<vmem>>[vector<16xi32>, vector<16xi32>], vector<16xf32>,
        %scatter3A_535 = arith.constant 0 : i32
        %scatter3A_536 = arith.constant 0 : i32
        %scatter3A_537 = tpu.memref_slice %arg7[%scan3A_249, %scatter3A_535, %scatter3A_536] : memref<2x64x128xf32, #tpu.memory_space<vmem>> -> memref<1x64x128xf32, #tpu.memory_space<vmem>>
        %scatter3A_538 = tpu.memref_squeeze %scatter3A_537 : memref<1x64x128xf32, #tpu.memory_space<vmem>> -> memref<64x128xf32, #tpu.memory_space<vmem>>
        tpu.vector_store_idx %scatter3A_538[%add3A_529, %add3A_288], %gather3A_534 : memref<64x128xf32, #tpu.memory_space<vmem>>[vector<16xi32>, vector<16xi32>], vector<16xf32>,
        %add3A_539 = arith.constant 16 : i32
        %add3A_540 = vector.broadcast %add3A_539 : i32 to vector<16xi32>
        %add3A_541 = arith.addi %and3A_37, %add3A_540 : vector<16xi32>
        %gather3A_542 = arith.constant 0 : i32
        %gather3A_543 = arith.constant 0 : i32
        %gather3A_544 = tpu.memref_slice %arg6[%scan3A_248, %gather3A_542, %gather3A_543] : memref<2x128x128xf32, #tpu.memory_space<vmem>> -> memref<1x128x128xf32, #tpu.memory_space<vmem>>
        %gather3A_545 = tpu.memref_squeeze %gather3A_544 : memref<1x128x128xf32, #tpu.memory_space<vmem>> -> memref<128x128xf32, #tpu.memory_space<vmem>>
        %gather3A_546 = tpu.vector_load_idx %gather3A_545[%add3A_288, %add3A_541] : memref<128x128xf32, #tpu.memory_space<vmem>>[vector<16xi32>, vector<16xi32>], vector<16xf32>,
        %scatter3A_547 = arith.constant 0 : i32
        %scatter3A_548 = arith.constant 0 : i32
        %scatter3A_549 = tpu.memref_slice %arg7[%scan3A_249, %scatter3A_547, %scatter3A_548] : memref<2x64x128xf32, #tpu.memory_space<vmem>> -> memref<1x64x128xf32, #tpu.memory_space<vmem>>
        %scatter3A_550 = tpu.memref_squeeze %scatter3A_549 : memref<1x64x128xf32, #tpu.memory_space<vmem>> -> memref<64x128xf32, #tpu.memory_space<vmem>>
        tpu.vector_store_idx %scatter3A_550[%add3A_541, %add3A_288], %gather3A_546 : memref<64x128xf32, #tpu.memory_space<vmem>>[vector<16xi32>, vector<16xi32>], vector<16xf32>,
        %add3A_551 = arith.constant 16 : i32
        %add3A_552 = vector.broadcast %add3A_551 : i32 to vector<16xi32>
        %add3A_553 = arith.addi %and3A_43, %add3A_552 : vector<16xi32>
        %gather3A_554 = arith.constant 0 : i32
        %gather3A_555 = arith.constant 0 : i32
        %gather3A_556 = tpu.memref_slice %arg6[%scan3A_248, %gather3A_554, %gather3A_555] : memref<2x128x128xf32, #tpu.memory_space<vmem>> -> memref<1x128x128xf32, #tpu.memory_space<vmem>>
        %gather3A_557 = tpu.memref_squeeze %gather3A_556 : memref<1x128x128xf32, #tpu.memory_space<vmem>> -> memref<128x128xf32, #tpu.memory_space<vmem>>
        %gather3A_558 = tpu.vector_load_idx %gather3A_557[%add3A_288, %add3A_553] : memref<128x128xf32, #tpu.memory_space<vmem>>[vector<16xi32>, vector<16xi32>], vector<16xf32>,
        %scatter3A_559 = arith.constant 0 : i32
        %scatter3A_560 = arith.constant 0 : i32
        %scatter3A_561 = tpu.memref_slice %arg7[%scan3A_249, %scatter3A_559, %scatter3A_560] : memref<2x64x128xf32, #tpu.memory_space<vmem>> -> memref<1x64x128xf32, #tpu.memory_space<vmem>>
        %scatter3A_562 = tpu.memref_squeeze %scatter3A_561 : memref<1x64x128xf32, #tpu.memory_space<vmem>> -> memref<64x128xf32, #tpu.memory_space<vmem>>
        tpu.vector_store_idx %scatter3A_562[%add3A_553, %add3A_288], %gather3A_558 : memref<64x128xf32, #tpu.memory_space<vmem>>[vector<16xi32>, vector<16xi32>], vector<16xf32>,
        %add3A_563 = arith.constant 16 : i32
        %add3A_564 = vector.broadcast %add3A_563 : i32 to vector<16xi32>
        %add3A_565 = arith.addi %and3A_49, %add3A_564 : vector<16xi32>
        %gather3A_566 = arith.constant 0 : i32
        %gather3A_567 = arith.constant 0 : i32
        %gather3A_568 = tpu.memref_slice %arg6[%scan3A_248, %gather3A_566, %gather3A_567] : memref<2x128x128xf32, #tpu.memory_space<vmem>> -> memref<1x128x128xf32, #tpu.memory_space<vmem>>
        %gather3A_569 = tpu.memref_squeeze %gather3A_568 : memref<1x128x128xf32, #tpu.memory_space<vmem>> -> memref<128x128xf32, #tpu.memory_space<vmem>>
        %gather3A_570 = tpu.vector_load_idx %gather3A_569[%add3A_288, %add3A_565] : memref<128x128xf32, #tpu.memory_space<vmem>>[vector<16xi32>, vector<16xi32>], vector<16xf32>,
        %scatter3A_571 = arith.constant 0 : i32
        %scatter3A_572 = arith.constant 0 : i32
        %scatter3A_573 = tpu.memref_slice %arg7[%scan3A_249, %scatter3A_571, %scatter3A_572] : memref<2x64x128xf32, #tpu.memory_space<vmem>> -> memref<1x64x128xf32, #tpu.memory_space<vmem>>
        %scatter3A_574 = tpu.memref_squeeze %scatter3A_573 : memref<1x64x128xf32, #tpu.memory_space<vmem>> -> memref<64x128xf32, #tpu.memory_space<vmem>>
        tpu.vector_store_idx %scatter3A_574[%add3A_565, %add3A_288], %gather3A_570 : memref<64x128xf32, #tpu.memory_space<vmem>>[vector<16xi32>, vector<16xi32>], vector<16xf32>,
        %add3A_575 = arith.constant 16 : i32
        %add3A_576 = vector.broadcast %add3A_575 : i32 to vector<16xi32>
        %add3A_577 = arith.addi %and3A_55, %add3A_576 : vector<16xi32>
        %gather3A_578 = arith.constant 0 : i32
        %gather3A_579 = arith.constant 0 : i32
        %gather3A_580 = tpu.memref_slice %arg6[%scan3A_248, %gather3A_578, %gather3A_579] : memref<2x128x128xf32, #tpu.memory_space<vmem>> -> memref<1x128x128xf32, #tpu.memory_space<vmem>>
        %gather3A_581 = tpu.memref_squeeze %gather3A_580 : memref<1x128x128xf32, #tpu.memory_space<vmem>> -> memref<128x128xf32, #tpu.memory_space<vmem>>
        %gather3A_582 = tpu.vector_load_idx %gather3A_581[%add3A_288, %add3A_577] : memref<128x128xf32, #tpu.memory_space<vmem>>[vector<16xi32>, vector<16xi32>], vector<16xf32>,
        %scatter3A_583 = arith.constant 0 : i32
        %scatter3A_584 = arith.constant 0 : i32
        %scatter3A_585 = tpu.memref_slice %arg7[%scan3A_249, %scatter3A_583, %scatter3A_584] : memref<2x64x128xf32, #tpu.memory_space<vmem>> -> memref<1x64x128xf32, #tpu.memory_space<vmem>>
        %scatter3A_586 = tpu.memref_squeeze %scatter3A_585 : memref<1x64x128xf32, #tpu.memory_space<vmem>> -> memref<64x128xf32, #tpu.memory_space<vmem>>
        tpu.vector_store_idx %scatter3A_586[%add3A_577, %add3A_288], %gather3A_582 : memref<64x128xf32, #tpu.memory_space<vmem>>[vector<16xi32>, vector<16xi32>], vector<16xf32>,
        %add3A_587 = arith.constant 16 : i32
        %add3A_588 = vector.broadcast %add3A_587 : i32 to vector<16xi32>
        %add3A_589 = arith.addi %and3A_61, %add3A_588 : vector<16xi32>
        %gather3A_590 = arith.constant 0 : i32
        %gather3A_591 = arith.constant 0 : i32
        %gather3A_592 = tpu.memref_slice %arg6[%scan3A_248, %gather3A_590, %gather3A_591] : memref<2x128x128xf32, #tpu.memory_space<vmem>> -> memref<1x128x128xf32, #tpu.memory_space<vmem>>
        %gather3A_593 = tpu.memref_squeeze %gather3A_592 : memref<1x128x128xf32, #tpu.memory_space<vmem>> -> memref<128x128xf32, #tpu.memory_space<vmem>>
        %gather3A_594 = tpu.vector_load_idx %gather3A_593[%add3A_288, %add3A_589] : memref<128x128xf32, #tpu.memory_space<vmem>>[vector<16xi32>, vector<16xi32>], vector<16xf32>,
        %scatter3A_595 = arith.constant 0 : i32
        %scatter3A_596 = arith.constant 0 : i32
        %scatter3A_597 = tpu.memref_slice %arg7[%scan3A_249, %scatter3A_595, %scatter3A_596] : memref<2x64x128xf32, #tpu.memory_space<vmem>> -> memref<1x64x128xf32, #tpu.memory_space<vmem>>
        %scatter3A_598 = tpu.memref_squeeze %scatter3A_597 : memref<1x64x128xf32, #tpu.memory_space<vmem>> -> memref<64x128xf32, #tpu.memory_space<vmem>>
        tpu.vector_store_idx %scatter3A_598[%add3A_589, %add3A_288], %gather3A_594 : memref<64x128xf32, #tpu.memory_space<vmem>>[vector<16xi32>, vector<16xi32>], vector<16xf32>,
        %add3A_599 = arith.constant 16 : i32
        %add3A_600 = vector.broadcast %add3A_599 : i32 to vector<16xi32>
        %add3A_601 = arith.addi %and3A_67, %add3A_600 : vector<16xi32>
        %gather3A_602 = arith.constant 0 : i32
        %gather3A_603 = arith.constant 0 : i32
        %gather3A_604 = tpu.memref_slice %arg6[%scan3A_248, %gather3A_602, %gather3A_603] : memref<2x128x128xf32, #tpu.memory_space<vmem>> -> memref<1x128x128xf32, #tpu.memory_space<vmem>>
        %gather3A_605 = tpu.memref_squeeze %gather3A_604 : memref<1x128x128xf32, #tpu.memory_space<vmem>> -> memref<128x128xf32, #tpu.memory_space<vmem>>
        %gather3A_606 = tpu.vector_load_idx %gather3A_605[%add3A_288, %add3A_601] : memref<128x128xf32, #tpu.memory_space<vmem>>[vector<16xi32>, vector<16xi32>], vector<16xf32>,
        %scatter3A_607 = arith.constant 0 : i32
        %scatter3A_608 = arith.constant 0 : i32
        %scatter3A_609 = tpu.memref_slice %arg7[%scan3A_249, %scatter3A_607, %scatter3A_608] : memref<2x64x128xf32, #tpu.memory_space<vmem>> -> memref<1x64x128xf32, #tpu.memory_space<vmem>>
        %scatter3A_610 = tpu.memref_squeeze %scatter3A_609 : memref<1x64x128xf32, #tpu.memory_space<vmem>> -> memref<64x128xf32, #tpu.memory_space<vmem>>
        tpu.vector_store_idx %scatter3A_610[%add3A_601, %add3A_288], %gather3A_606 : memref<64x128xf32, #tpu.memory_space<vmem>>[vector<16xi32>, vector<16xi32>], vector<16xf32>,
        %add3A_611 = arith.constant 16 : i32
        %add3A_612 = vector.broadcast %add3A_611 : i32 to vector<16xi32>
        %add3A_613 = arith.addi %and3A_73, %add3A_612 : vector<16xi32>
        %gather3A_614 = arith.constant 0 : i32
        %gather3A_615 = arith.constant 0 : i32
        %gather3A_616 = tpu.memref_slice %arg6[%scan3A_248, %gather3A_614, %gather3A_615] : memref<2x128x128xf32, #tpu.memory_space<vmem>> -> memref<1x128x128xf32, #tpu.memory_space<vmem>>
        %gather3A_617 = tpu.memref_squeeze %gather3A_616 : memref<1x128x128xf32, #tpu.memory_space<vmem>> -> memref<128x128xf32, #tpu.memory_space<vmem>>
        %gather3A_618 = tpu.vector_load_idx %gather3A_617[%add3A_288, %add3A_613] : memref<128x128xf32, #tpu.memory_space<vmem>>[vector<16xi32>, vector<16xi32>], vector<16xf32>,
        %scatter3A_619 = arith.constant 0 : i32
        %scatter3A_620 = arith.constant 0 : i32
        %scatter3A_621 = tpu.memref_slice %arg7[%scan3A_249, %scatter3A_619, %scatter3A_620] : memref<2x64x128xf32, #tpu.memory_space<vmem>> -> memref<1x64x128xf32, #tpu.memory_space<vmem>>
        %scatter3A_622 = tpu.memref_squeeze %scatter3A_621 : memref<1x64x128xf32, #tpu.memory_space<vmem>> -> memref<64x128xf32, #tpu.memory_space<vmem>>
        tpu.vector_store_idx %scatter3A_622[%add3A_613, %add3A_288], %gather3A_618 : memref<64x128xf32, #tpu.memory_space<vmem>>[vector<16xi32>, vector<16xi32>], vector<16xf32>,
        %add3A_623 = arith.constant 16 : i32
        %add3A_624 = vector.broadcast %add3A_623 : i32 to vector<16xi32>
        %add3A_625 = arith.addi %and3A_79, %add3A_624 : vector<16xi32>
        %gather3A_626 = arith.constant 0 : i32
        %gather3A_627 = arith.constant 0 : i32
        %gather3A_628 = tpu.memref_slice %arg6[%scan3A_248, %gather3A_626, %gather3A_627] : memref<2x128x128xf32, #tpu.memory_space<vmem>> -> memref<1x128x128xf32, #tpu.memory_space<vmem>>
        %gather3A_629 = tpu.memref_squeeze %gather3A_628 : memref<1x128x128xf32, #tpu.memory_space<vmem>> -> memref<128x128xf32, #tpu.memory_space<vmem>>
        %gather3A_630 = tpu.vector_load_idx %gather3A_629[%add3A_288, %add3A_625] : memref<128x128xf32, #tpu.memory_space<vmem>>[vector<16xi32>, vector<16xi32>], vector<16xf32>,
        %scatter3A_631 = arith.constant 0 : i32
        %scatter3A_632 = arith.constant 0 : i32
        %scatter3A_633 = tpu.memref_slice %arg7[%scan3A_249, %scatter3A_631, %scatter3A_632] : memref<2x64x128xf32, #tpu.memory_space<vmem>> -> memref<1x64x128xf32, #tpu.memory_space<vmem>>
        %scatter3A_634 = tpu.memref_squeeze %scatter3A_633 : memref<1x64x128xf32, #tpu.memory_space<vmem>> -> memref<64x128xf32, #tpu.memory_space<vmem>>
        tpu.vector_store_idx %scatter3A_634[%add3A_625, %add3A_288], %gather3A_630 : memref<64x128xf32, #tpu.memory_space<vmem>>[vector<16xi32>, vector<16xi32>], vector<16xf32>,
        %add3A_635 = arith.constant 16 : i32
        %add3A_636 = vector.broadcast %add3A_635 : i32 to vector<16xi32>
        %add3A_637 = arith.addi %and3A_85, %add3A_636 : vector<16xi32>
        %gather3A_638 = arith.constant 0 : i32
        %gather3A_639 = arith.constant 0 : i32
        %gather3A_640 = tpu.memref_slice %arg6[%scan3A_248, %gather3A_638, %gather3A_639] : memref<2x128x128xf32, #tpu.memory_space<vmem>> -> memref<1x128x128xf32, #tpu.memory_space<vmem>>
        %gather3A_641 = tpu.memref_squeeze %gather3A_640 : memref<1x128x128xf32, #tpu.memory_space<vmem>> -> memref<128x128xf32, #tpu.memory_space<vmem>>
        %gather3A_642 = tpu.vector_load_idx %gather3A_641[%add3A_288, %add3A_637] : memref<128x128xf32, #tpu.memory_space<vmem>>[vector<16xi32>, vector<16xi32>], vector<16xf32>,
        %scatter3A_643 = arith.constant 0 : i32
        %scatter3A_644 = arith.constant 0 : i32
        %scatter3A_645 = tpu.memref_slice %arg7[%scan3A_249, %scatter3A_643, %scatter3A_644] : memref<2x64x128xf32, #tpu.memory_space<vmem>> -> memref<1x64x128xf32, #tpu.memory_space<vmem>>
        %scatter3A_646 = tpu.memref_squeeze %scatter3A_645 : memref<1x64x128xf32, #tpu.memory_space<vmem>> -> memref<64x128xf32, #tpu.memory_space<vmem>>
        tpu.vector_store_idx %scatter3A_646[%add3A_637, %add3A_288], %gather3A_642 : memref<64x128xf32, #tpu.memory_space<vmem>>[vector<16xi32>, vector<16xi32>], vector<16xf32>,
        %add3A_647 = arith.constant 16 : i32
        %add3A_648 = vector.broadcast %add3A_647 : i32 to vector<16xi32>
        %add3A_649 = arith.addi %and3A_91, %add3A_648 : vector<16xi32>
        %gather3A_650 = arith.constant 0 : i32
        %gather3A_651 = arith.constant 0 : i32
        %gather3A_652 = tpu.memref_slice %arg6[%scan3A_248, %gather3A_650, %gather3A_651] : memref<2x128x128xf32, #tpu.memory_space<vmem>> -> memref<1x128x128xf32, #tpu.memory_space<vmem>>
        %gather3A_653 = tpu.memref_squeeze %gather3A_652 : memref<1x128x128xf32, #tpu.memory_space<vmem>> -> memref<128x128xf32, #tpu.memory_space<vmem>>
        %gather3A_654 = tpu.vector_load_idx %gather3A_653[%add3A_288, %add3A_649] : memref<128x128xf32, #tpu.memory_space<vmem>>[vector<16xi32>, vector<16xi32>], vector<16xf32>,
        %scatter3A_655 = arith.constant 0 : i32
        %scatter3A_656 = arith.constant 0 : i32
        %scatter3A_657 = tpu.memref_slice %arg7[%scan3A_249, %scatter3A_655, %scatter3A_656] : memref<2x64x128xf32, #tpu.memory_space<vmem>> -> memref<1x64x128xf32, #tpu.memory_space<vmem>>
        %scatter3A_658 = tpu.memref_squeeze %scatter3A_657 : memref<1x64x128xf32, #tpu.memory_space<vmem>> -> memref<64x128xf32, #tpu.memory_space<vmem>>
        tpu.vector_store_idx %scatter3A_658[%add3A_649, %add3A_288], %gather3A_654 : memref<64x128xf32, #tpu.memory_space<vmem>>[vector<16xi32>, vector<16xi32>], vector<16xf32>,
        %add3A_659 = arith.constant 16 : i32
        %add3A_660 = vector.broadcast %add3A_659 : i32 to vector<16xi32>
        %add3A_661 = arith.addi %and3A_97, %add3A_660 : vector<16xi32>
        %gather3A_662 = arith.constant 0 : i32
        %gather3A_663 = arith.constant 0 : i32
        %gather3A_664 = tpu.memref_slice %arg6[%scan3A_248, %gather3A_662, %gather3A_663] : memref<2x128x128xf32, #tpu.memory_space<vmem>> -> memref<1x128x128xf32, #tpu.memory_space<vmem>>
        %gather3A_665 = tpu.memref_squeeze %gather3A_664 : memref<1x128x128xf32, #tpu.memory_space<vmem>> -> memref<128x128xf32, #tpu.memory_space<vmem>>
        %gather3A_666 = tpu.vector_load_idx %gather3A_665[%add3A_288, %add3A_661] : memref<128x128xf32, #tpu.memory_space<vmem>>[vector<16xi32>, vector<16xi32>], vector<16xf32>,
        %scatter3A_667 = arith.constant 0 : i32
        %scatter3A_668 = arith.constant 0 : i32
        %scatter3A_669 = tpu.memref_slice %arg7[%scan3A_249, %scatter3A_667, %scatter3A_668] : memref<2x64x128xf32, #tpu.memory_space<vmem>> -> memref<1x64x128xf32, #tpu.memory_space<vmem>>
        %scatter3A_670 = tpu.memref_squeeze %scatter3A_669 : memref<1x64x128xf32, #tpu.memory_space<vmem>> -> memref<64x128xf32, #tpu.memory_space<vmem>>
        tpu.vector_store_idx %scatter3A_670[%add3A_661, %add3A_288], %gather3A_666 : memref<64x128xf32, #tpu.memory_space<vmem>>[vector<16xi32>, vector<16xi32>], vector<16xf32>,
        %add3A_671 = arith.constant 32 : i32
        %add3A_672 = vector.broadcast %add3A_671 : i32 to vector<16xi32>
        %add3A_673 = arith.addi %and3A_7, %add3A_672 : vector<16xi32>
        %gather3A_674 = arith.constant 0 : i32
        %gather3A_675 = arith.constant 0 : i32
        %gather3A_676 = tpu.memref_slice %arg6[%scan3A_248, %gather3A_674, %gather3A_675] : memref<2x128x128xf32, #tpu.memory_space<vmem>> -> memref<1x128x128xf32, #tpu.memory_space<vmem>>
        %gather3A_677 = tpu.memref_squeeze %gather3A_676 : memref<1x128x128xf32, #tpu.memory_space<vmem>> -> memref<128x128xf32, #tpu.memory_space<vmem>>
        %gather3A_678 = tpu.vector_load_idx %gather3A_677[%add3A_288, %add3A_673] : memref<128x128xf32, #tpu.memory_space<vmem>>[vector<16xi32>, vector<16xi32>], vector<16xf32>,
        %scatter3A_679 = arith.constant 0 : i32
        %scatter3A_680 = arith.constant 0 : i32
        %scatter3A_681 = tpu.memref_slice %arg7[%scan3A_249, %scatter3A_679, %scatter3A_680] : memref<2x64x128xf32, #tpu.memory_space<vmem>> -> memref<1x64x128xf32, #tpu.memory_space<vmem>>
        %scatter3A_682 = tpu.memref_squeeze %scatter3A_681 : memref<1x64x128xf32, #tpu.memory_space<vmem>> -> memref<64x128xf32, #tpu.memory_space<vmem>>
        tpu.vector_store_idx %scatter3A_682[%add3A_673, %add3A_288], %gather3A_678 : memref<64x128xf32, #tpu.memory_space<vmem>>[vector<16xi32>, vector<16xi32>], vector<16xf32>,
        %add3A_683 = arith.constant 32 : i32
        %add3A_684 = vector.broadcast %add3A_683 : i32 to vector<16xi32>
        %add3A_685 = arith.addi %and3A_13, %add3A_684 : vector<16xi32>
        %gather3A_686 = arith.constant 0 : i32
        %gather3A_687 = arith.constant 0 : i32
        %gather3A_688 = tpu.memref_slice %arg6[%scan3A_248, %gather3A_686, %gather3A_687] : memref<2x128x128xf32, #tpu.memory_space<vmem>> -> memref<1x128x128xf32, #tpu.memory_space<vmem>>
        %gather3A_689 = tpu.memref_squeeze %gather3A_688 : memref<1x128x128xf32, #tpu.memory_space<vmem>> -> memref<128x128xf32, #tpu.memory_space<vmem>>
        %gather3A_690 = tpu.vector_load_idx %gather3A_689[%add3A_288, %add3A_685] : memref<128x128xf32, #tpu.memory_space<vmem>>[vector<16xi32>, vector<16xi32>], vector<16xf32>,
        %scatter3A_691 = arith.constant 0 : i32
        %scatter3A_692 = arith.constant 0 : i32
        %scatter3A_693 = tpu.memref_slice %arg7[%scan3A_249, %scatter3A_691, %scatter3A_692] : memref<2x64x128xf32, #tpu.memory_space<vmem>> -> memref<1x64x128xf32, #tpu.memory_space<vmem>>
        %scatter3A_694 = tpu.memref_squeeze %scatter3A_693 : memref<1x64x128xf32, #tpu.memory_space<vmem>> -> memref<64x128xf32, #tpu.memory_space<vmem>>
        tpu.vector_store_idx %scatter3A_694[%add3A_685, %add3A_288], %gather3A_690 : memref<64x128xf32, #tpu.memory_space<vmem>>[vector<16xi32>, vector<16xi32>], vector<16xf32>,
        %add3A_695 = arith.constant 32 : i32
        %add3A_696 = vector.broadcast %add3A_695 : i32 to vector<16xi32>
        %add3A_697 = arith.addi %and3A_19, %add3A_696 : vector<16xi32>
        %gather3A_698 = arith.constant 0 : i32
        %gather3A_699 = arith.constant 0 : i32
        %gather3A_700 = tpu.memref_slice %arg6[%scan3A_248, %gather3A_698, %gather3A_699] : memref<2x128x128xf32, #tpu.memory_space<vmem>> -> memref<1x128x128xf32, #tpu.memory_space<vmem>>
        %gather3A_701 = tpu.memref_squeeze %gather3A_700 : memref<1x128x128xf32, #tpu.memory_space<vmem>> -> memref<128x128xf32, #tpu.memory_space<vmem>>
        %gather3A_702 = tpu.vector_load_idx %gather3A_701[%add3A_288, %add3A_697] : memref<128x128xf32, #tpu.memory_space<vmem>>[vector<16xi32>, vector<16xi32>], vector<16xf32>,
        %scatter3A_703 = arith.constant 0 : i32
        %scatter3A_704 = arith.constant 0 : i32
        %scatter3A_705 = tpu.memref_slice %arg7[%scan3A_249, %scatter3A_703, %scatter3A_704] : memref<2x64x128xf32, #tpu.memory_space<vmem>> -> memref<1x64x128xf32, #tpu.memory_space<vmem>>
        %scatter3A_706 = tpu.memref_squeeze %scatter3A_705 : memref<1x64x128xf32, #tpu.memory_space<vmem>> -> memref<64x128xf32, #tpu.memory_space<vmem>>
        tpu.vector_store_idx %scatter3A_706[%add3A_697, %add3A_288], %gather3A_702 : memref<64x128xf32, #tpu.memory_space<vmem>>[vector<16xi32>, vector<16xi32>], vector<16xf32>,
        %add3A_707 = arith.constant 32 : i32
        %add3A_708 = vector.broadcast %add3A_707 : i32 to vector<16xi32>
        %add3A_709 = arith.addi %and3A_25, %add3A_708 : vector<16xi32>
        %gather3A_710 = arith.constant 0 : i32
        %gather3A_711 = arith.constant 0 : i32
        %gather3A_712 = tpu.memref_slice %arg6[%scan3A_248, %gather3A_710, %gather3A_711] : memref<2x128x128xf32, #tpu.memory_space<vmem>> -> memref<1x128x128xf32, #tpu.memory_space<vmem>>
        %gather3A_713 = tpu.memref_squeeze %gather3A_712 : memref<1x128x128xf32, #tpu.memory_space<vmem>> -> memref<128x128xf32, #tpu.memory_space<vmem>>
        %gather3A_714 = tpu.vector_load_idx %gather3A_713[%add3A_288, %add3A_709] : memref<128x128xf32, #tpu.memory_space<vmem>>[vector<16xi32>, vector<16xi32>], vector<16xf32>,
        %scatter3A_715 = arith.constant 0 : i32
        %scatter3A_716 = arith.constant 0 : i32
        %scatter3A_717 = tpu.memref_slice %arg7[%scan3A_249, %scatter3A_715, %scatter3A_716] : memref<2x64x128xf32, #tpu.memory_space<vmem>> -> memref<1x64x128xf32, #tpu.memory_space<vmem>>
        %scatter3A_718 = tpu.memref_squeeze %scatter3A_717 : memref<1x64x128xf32, #tpu.memory_space<vmem>> -> memref<64x128xf32, #tpu.memory_space<vmem>>
        tpu.vector_store_idx %scatter3A_718[%add3A_709, %add3A_288], %gather3A_714 : memref<64x128xf32, #tpu.memory_space<vmem>>[vector<16xi32>, vector<16xi32>], vector<16xf32>,
        %add3A_719 = arith.constant 32 : i32
        %add3A_720 = vector.broadcast %add3A_719 : i32 to vector<16xi32>
        %add3A_721 = arith.addi %and3A_31, %add3A_720 : vector<16xi32>
        %gather3A_722 = arith.constant 0 : i32
        %gather3A_723 = arith.constant 0 : i32
        %gather3A_724 = tpu.memref_slice %arg6[%scan3A_248, %gather3A_722, %gather3A_723] : memref<2x128x128xf32, #tpu.memory_space<vmem>> -> memref<1x128x128xf32, #tpu.memory_space<vmem>>
        %gather3A_725 = tpu.memref_squeeze %gather3A_724 : memref<1x128x128xf32, #tpu.memory_space<vmem>> -> memref<128x128xf32, #tpu.memory_space<vmem>>
        %gather3A_726 = tpu.vector_load_idx %gather3A_725[%add3A_288, %add3A_721] : memref<128x128xf32, #tpu.memory_space<vmem>>[vector<16xi32>, vector<16xi32>], vector<16xf32>,
        %scatter3A_727 = arith.constant 0 : i32
        %scatter3A_728 = arith.constant 0 : i32
        %scatter3A_729 = tpu.memref_slice %arg7[%scan3A_249, %scatter3A_727, %scatter3A_728] : memref<2x64x128xf32, #tpu.memory_space<vmem>> -> memref<1x64x128xf32, #tpu.memory_space<vmem>>
        %scatter3A_730 = tpu.memref_squeeze %scatter3A_729 : memref<1x64x128xf32, #tpu.memory_space<vmem>> -> memref<64x128xf32, #tpu.memory_space<vmem>>
        tpu.vector_store_idx %scatter3A_730[%add3A_721, %add3A_288], %gather3A_726 : memref<64x128xf32, #tpu.memory_space<vmem>>[vector<16xi32>, vector<16xi32>], vector<16xf32>,
        %add3A_731 = arith.constant 32 : i32
        %add3A_732 = vector.broadcast %add3A_731 : i32 to vector<16xi32>
        %add3A_733 = arith.addi %and3A_37, %add3A_732 : vector<16xi32>
        %gather3A_734 = arith.constant 0 : i32
        %gather3A_735 = arith.constant 0 : i32
        %gather3A_736 = tpu.memref_slice %arg6[%scan3A_248, %gather3A_734, %gather3A_735] : memref<2x128x128xf32, #tpu.memory_space<vmem>> -> memref<1x128x128xf32, #tpu.memory_space<vmem>>
        %gather3A_737 = tpu.memref_squeeze %gather3A_736 : memref<1x128x128xf32, #tpu.memory_space<vmem>> -> memref<128x128xf32, #tpu.memory_space<vmem>>
        %gather3A_738 = tpu.vector_load_idx %gather3A_737[%add3A_288, %add3A_733] : memref<128x128xf32, #tpu.memory_space<vmem>>[vector<16xi32>, vector<16xi32>], vector<16xf32>,
        %scatter3A_739 = arith.constant 0 : i32
        %scatter3A_740 = arith.constant 0 : i32
        %scatter3A_741 = tpu.memref_slice %arg7[%scan3A_249, %scatter3A_739, %scatter3A_740] : memref<2x64x128xf32, #tpu.memory_space<vmem>> -> memref<1x64x128xf32, #tpu.memory_space<vmem>>
        %scatter3A_742 = tpu.memref_squeeze %scatter3A_741 : memref<1x64x128xf32, #tpu.memory_space<vmem>> -> memref<64x128xf32, #tpu.memory_space<vmem>>
        tpu.vector_store_idx %scatter3A_742[%add3A_733, %add3A_288], %gather3A_738 : memref<64x128xf32, #tpu.memory_space<vmem>>[vector<16xi32>, vector<16xi32>], vector<16xf32>,
        %add3A_743 = arith.constant 32 : i32
        %add3A_744 = vector.broadcast %add3A_743 : i32 to vector<16xi32>
        %add3A_745 = arith.addi %and3A_43, %add3A_744 : vector<16xi32>
        %gather3A_746 = arith.constant 0 : i32
        %gather3A_747 = arith.constant 0 : i32
        %gather3A_748 = tpu.memref_slice %arg6[%scan3A_248, %gather3A_746, %gather3A_747] : memref<2x128x128xf32, #tpu.memory_space<vmem>> -> memref<1x128x128xf32, #tpu.memory_space<vmem>>
        %gather3A_749 = tpu.memref_squeeze %gather3A_748 : memref<1x128x128xf32, #tpu.memory_space<vmem>> -> memref<128x128xf32, #tpu.memory_space<vmem>>
        %gather3A_750 = tpu.vector_load_idx %gather3A_749[%add3A_288, %add3A_745] : memref<128x128xf32, #tpu.memory_space<vmem>>[vector<16xi32>, vector<16xi32>], vector<16xf32>,
        %scatter3A_751 = arith.constant 0 : i32
        %scatter3A_752 = arith.constant 0 : i32
        %scatter3A_753 = tpu.memref_slice %arg7[%scan3A_249, %scatter3A_751, %scatter3A_752] : memref<2x64x128xf32, #tpu.memory_space<vmem>> -> memref<1x64x128xf32, #tpu.memory_space<vmem>>
        %scatter3A_754 = tpu.memref_squeeze %scatter3A_753 : memref<1x64x128xf32, #tpu.memory_space<vmem>> -> memref<64x128xf32, #tpu.memory_space<vmem>>
        tpu.vector_store_idx %scatter3A_754[%add3A_745, %add3A_288], %gather3A_750 : memref<64x128xf32, #tpu.memory_space<vmem>>[vector<16xi32>, vector<16xi32>], vector<16xf32>,
        %add3A_755 = arith.constant 32 : i32
        %add3A_756 = vector.broadcast %add3A_755 : i32 to vector<16xi32>
        %add3A_757 = arith.addi %and3A_49, %add3A_756 : vector<16xi32>
        %gather3A_758 = arith.constant 0 : i32
        %gather3A_759 = arith.constant 0 : i32
        %gather3A_760 = tpu.memref_slice %arg6[%scan3A_248, %gather3A_758, %gather3A_759] : memref<2x128x128xf32, #tpu.memory_space<vmem>> -> memref<1x128x128xf32, #tpu.memory_space<vmem>>
        %gather3A_761 = tpu.memref_squeeze %gather3A_760 : memref<1x128x128xf32, #tpu.memory_space<vmem>> -> memref<128x128xf32, #tpu.memory_space<vmem>>
        %gather3A_762 = tpu.vector_load_idx %gather3A_761[%add3A_288, %add3A_757] : memref<128x128xf32, #tpu.memory_space<vmem>>[vector<16xi32>, vector<16xi32>], vector<16xf32>,
        %scatter3A_763 = arith.constant 0 : i32
        %scatter3A_764 = arith.constant 0 : i32
        %scatter3A_765 = tpu.memref_slice %arg7[%scan3A_249, %scatter3A_763, %scatter3A_764] : memref<2x64x128xf32, #tpu.memory_space<vmem>> -> memref<1x64x128xf32, #tpu.memory_space<vmem>>
        %scatter3A_766 = tpu.memref_squeeze %scatter3A_765 : memref<1x64x128xf32, #tpu.memory_space<vmem>> -> memref<64x128xf32, #tpu.memory_space<vmem>>
        tpu.vector_store_idx %scatter3A_766[%add3A_757, %add3A_288], %gather3A_762 : memref<64x128xf32, #tpu.memory_space<vmem>>[vector<16xi32>, vector<16xi32>], vector<16xf32>,
        %add3A_767 = arith.constant 32 : i32
        %add3A_768 = vector.broadcast %add3A_767 : i32 to vector<16xi32>
        %add3A_769 = arith.addi %and3A_55, %add3A_768 : vector<16xi32>
        %gather3A_770 = arith.constant 0 : i32
        %gather3A_771 = arith.constant 0 : i32
        %gather3A_772 = tpu.memref_slice %arg6[%scan3A_248, %gather3A_770, %gather3A_771] : memref<2x128x128xf32, #tpu.memory_space<vmem>> -> memref<1x128x128xf32, #tpu.memory_space<vmem>>
        %gather3A_773 = tpu.memref_squeeze %gather3A_772 : memref<1x128x128xf32, #tpu.memory_space<vmem>> -> memref<128x128xf32, #tpu.memory_space<vmem>>
        %gather3A_774 = tpu.vector_load_idx %gather3A_773[%add3A_288, %add3A_769] : memref<128x128xf32, #tpu.memory_space<vmem>>[vector<16xi32>, vector<16xi32>], vector<16xf32>,
        %scatter3A_775 = arith.constant 0 : i32
        %scatter3A_776 = arith.constant 0 : i32
        %scatter3A_777 = tpu.memref_slice %arg7[%scan3A_249, %scatter3A_775, %scatter3A_776] : memref<2x64x128xf32, #tpu.memory_space<vmem>> -> memref<1x64x128xf32, #tpu.memory_space<vmem>>
        %scatter3A_778 = tpu.memref_squeeze %scatter3A_777 : memref<1x64x128xf32, #tpu.memory_space<vmem>> -> memref<64x128xf32, #tpu.memory_space<vmem>>
        tpu.vector_store_idx %scatter3A_778[%add3A_769, %add3A_288], %gather3A_774 : memref<64x128xf32, #tpu.memory_space<vmem>>[vector<16xi32>, vector<16xi32>], vector<16xf32>,
        %add3A_779 = arith.constant 32 : i32
        %add3A_780 = vector.broadcast %add3A_779 : i32 to vector<16xi32>
        %add3A_781 = arith.addi %and3A_61, %add3A_780 : vector<16xi32>
        %gather3A_782 = arith.constant 0 : i32
        %gather3A_783 = arith.constant 0 : i32
        %gather3A_784 = tpu.memref_slice %arg6[%scan3A_248, %gather3A_782, %gather3A_783] : memref<2x128x128xf32, #tpu.memory_space<vmem>> -> memref<1x128x128xf32, #tpu.memory_space<vmem>>
        %gather3A_785 = tpu.memref_squeeze %gather3A_784 : memref<1x128x128xf32, #tpu.memory_space<vmem>> -> memref<128x128xf32, #tpu.memory_space<vmem>>
        %gather3A_786 = tpu.vector_load_idx %gather3A_785[%add3A_288, %add3A_781] : memref<128x128xf32, #tpu.memory_space<vmem>>[vector<16xi32>, vector<16xi32>], vector<16xf32>,
        %scatter3A_787 = arith.constant 0 : i32
        %scatter3A_788 = arith.constant 0 : i32
        %scatter3A_789 = tpu.memref_slice %arg7[%scan3A_249, %scatter3A_787, %scatter3A_788] : memref<2x64x128xf32, #tpu.memory_space<vmem>> -> memref<1x64x128xf32, #tpu.memory_space<vmem>>
        %scatter3A_790 = tpu.memref_squeeze %scatter3A_789 : memref<1x64x128xf32, #tpu.memory_space<vmem>> -> memref<64x128xf32, #tpu.memory_space<vmem>>
        tpu.vector_store_idx %scatter3A_790[%add3A_781, %add3A_288], %gather3A_786 : memref<64x128xf32, #tpu.memory_space<vmem>>[vector<16xi32>, vector<16xi32>], vector<16xf32>,
        %add3A_791 = arith.constant 32 : i32
        %add3A_792 = vector.broadcast %add3A_791 : i32 to vector<16xi32>
        %add3A_793 = arith.addi %and3A_67, %add3A_792 : vector<16xi32>
        %gather3A_794 = arith.constant 0 : i32
        %gather3A_795 = arith.constant 0 : i32
        %gather3A_796 = tpu.memref_slice %arg6[%scan3A_248, %gather3A_794, %gather3A_795] : memref<2x128x128xf32, #tpu.memory_space<vmem>> -> memref<1x128x128xf32, #tpu.memory_space<vmem>>
        %gather3A_797 = tpu.memref_squeeze %gather3A_796 : memref<1x128x128xf32, #tpu.memory_space<vmem>> -> memref<128x128xf32, #tpu.memory_space<vmem>>
        %gather3A_798 = tpu.vector_load_idx %gather3A_797[%add3A_288, %add3A_793] : memref<128x128xf32, #tpu.memory_space<vmem>>[vector<16xi32>, vector<16xi32>], vector<16xf32>,
        %scatter3A_799 = arith.constant 0 : i32
        %scatter3A_800 = arith.constant 0 : i32
        %scatter3A_801 = tpu.memref_slice %arg7[%scan3A_249, %scatter3A_799, %scatter3A_800] : memref<2x64x128xf32, #tpu.memory_space<vmem>> -> memref<1x64x128xf32, #tpu.memory_space<vmem>>
        %scatter3A_802 = tpu.memref_squeeze %scatter3A_801 : memref<1x64x128xf32, #tpu.memory_space<vmem>> -> memref<64x128xf32, #tpu.memory_space<vmem>>
        tpu.vector_store_idx %scatter3A_802[%add3A_793, %add3A_288], %gather3A_798 : memref<64x128xf32, #tpu.memory_space<vmem>>[vector<16xi32>, vector<16xi32>], vector<16xf32>,
        %add3A_803 = arith.constant 32 : i32
        %add3A_804 = vector.broadcast %add3A_803 : i32 to vector<16xi32>
        %add3A_805 = arith.addi %and3A_73, %add3A_804 : vector<16xi32>
        %gather3A_806 = arith.constant 0 : i32
        %gather3A_807 = arith.constant 0 : i32
        %gather3A_808 = tpu.memref_slice %arg6[%scan3A_248, %gather3A_806, %gather3A_807] : memref<2x128x128xf32, #tpu.memory_space<vmem>> -> memref<1x128x128xf32, #tpu.memory_space<vmem>>
        %gather3A_809 = tpu.memref_squeeze %gather3A_808 : memref<1x128x128xf32, #tpu.memory_space<vmem>> -> memref<128x128xf32, #tpu.memory_space<vmem>>
        %gather3A_810 = tpu.vector_load_idx %gather3A_809[%add3A_288, %add3A_805] : memref<128x128xf32, #tpu.memory_space<vmem>>[vector<16xi32>, vector<16xi32>], vector<16xf32>,
        %scatter3A_811 = arith.constant 0 : i32
        %scatter3A_812 = arith.constant 0 : i32
        %scatter3A_813 = tpu.memref_slice %arg7[%scan3A_249, %scatter3A_811, %scatter3A_812] : memref<2x64x128xf32, #tpu.memory_space<vmem>> -> memref<1x64x128xf32, #tpu.memory_space<vmem>>
        %scatter3A_814 = tpu.memref_squeeze %scatter3A_813 : memref<1x64x128xf32, #tpu.memory_space<vmem>> -> memref<64x128xf32, #tpu.memory_space<vmem>>
        tpu.vector_store_idx %scatter3A_814[%add3A_805, %add3A_288], %gather3A_810 : memref<64x128xf32, #tpu.memory_space<vmem>>[vector<16xi32>, vector<16xi32>], vector<16xf32>,
        %add3A_815 = arith.constant 32 : i32
        %add3A_816 = vector.broadcast %add3A_815 : i32 to vector<16xi32>
        %add3A_817 = arith.addi %and3A_79, %add3A_816 : vector<16xi32>
        %gather3A_818 = arith.constant 0 : i32
        %gather3A_819 = arith.constant 0 : i32
        %gather3A_820 = tpu.memref_slice %arg6[%scan3A_248, %gather3A_818, %gather3A_819] : memref<2x128x128xf32, #tpu.memory_space<vmem>> -> memref<1x128x128xf32, #tpu.memory_space<vmem>>
        %gather3A_821 = tpu.memref_squeeze %gather3A_820 : memref<1x128x128xf32, #tpu.memory_space<vmem>> -> memref<128x128xf32, #tpu.memory_space<vmem>>
        %gather3A_822 = tpu.vector_load_idx %gather3A_821[%add3A_288, %add3A_817] : memref<128x128xf32, #tpu.memory_space<vmem>>[vector<16xi32>, vector<16xi32>], vector<16xf32>,
        %scatter3A_823 = arith.constant 0 : i32
        %scatter3A_824 = arith.constant 0 : i32
        %scatter3A_825 = tpu.memref_slice %arg7[%scan3A_249, %scatter3A_823, %scatter3A_824] : memref<2x64x128xf32, #tpu.memory_space<vmem>> -> memref<1x64x128xf32, #tpu.memory_space<vmem>>
        %scatter3A_826 = tpu.memref_squeeze %scatter3A_825 : memref<1x64x128xf32, #tpu.memory_space<vmem>> -> memref<64x128xf32, #tpu.memory_space<vmem>>
        tpu.vector_store_idx %scatter3A_826[%add3A_817, %add3A_288], %gather3A_822 : memref<64x128xf32, #tpu.memory_space<vmem>>[vector<16xi32>, vector<16xi32>], vector<16xf32>,
        %add3A_827 = arith.constant 32 : i32
        %add3A_828 = vector.broadcast %add3A_827 : i32 to vector<16xi32>
        %add3A_829 = arith.addi %and3A_85, %add3A_828 : vector<16xi32>
        %gather3A_830 = arith.constant 0 : i32
        %gather3A_831 = arith.constant 0 : i32
        %gather3A_832 = tpu.memref_slice %arg6[%scan3A_248, %gather3A_830, %gather3A_831] : memref<2x128x128xf32, #tpu.memory_space<vmem>> -> memref<1x128x128xf32, #tpu.memory_space<vmem>>
        %gather3A_833 = tpu.memref_squeeze %gather3A_832 : memref<1x128x128xf32, #tpu.memory_space<vmem>> -> memref<128x128xf32, #tpu.memory_space<vmem>>
        %gather3A_834 = tpu.vector_load_idx %gather3A_833[%add3A_288, %add3A_829] : memref<128x128xf32, #tpu.memory_space<vmem>>[vector<16xi32>, vector<16xi32>], vector<16xf32>,
        %scatter3A_835 = arith.constant 0 : i32
        %scatter3A_836 = arith.constant 0 : i32
        %scatter3A_837 = tpu.memref_slice %arg7[%scan3A_249, %scatter3A_835, %scatter3A_836] : memref<2x64x128xf32, #tpu.memory_space<vmem>> -> memref<1x64x128xf32, #tpu.memory_space<vmem>>
        %scatter3A_838 = tpu.memref_squeeze %scatter3A_837 : memref<1x64x128xf32, #tpu.memory_space<vmem>> -> memref<64x128xf32, #tpu.memory_space<vmem>>
        tpu.vector_store_idx %scatter3A_838[%add3A_829, %add3A_288], %gather3A_834 : memref<64x128xf32, #tpu.memory_space<vmem>>[vector<16xi32>, vector<16xi32>], vector<16xf32>,
        %add3A_839 = arith.constant 32 : i32
        %add3A_840 = vector.broadcast %add3A_839 : i32 to vector<16xi32>
        %add3A_841 = arith.addi %and3A_91, %add3A_840 : vector<16xi32>
        %gather3A_842 = arith.constant 0 : i32
        %gather3A_843 = arith.constant 0 : i32
        %gather3A_844 = tpu.memref_slice %arg6[%scan3A_248, %gather3A_842, %gather3A_843] : memref<2x128x128xf32, #tpu.memory_space<vmem>> -> memref<1x128x128xf32, #tpu.memory_space<vmem>>
        %gather3A_845 = tpu.memref_squeeze %gather3A_844 : memref<1x128x128xf32, #tpu.memory_space<vmem>> -> memref<128x128xf32, #tpu.memory_space<vmem>>
        %gather3A_846 = tpu.vector_load_idx %gather3A_845[%add3A_288, %add3A_841] : memref<128x128xf32, #tpu.memory_space<vmem>>[vector<16xi32>, vector<16xi32>], vector<16xf32>,
        %scatter3A_847 = arith.constant 0 : i32
        %scatter3A_848 = arith.constant 0 : i32
        %scatter3A_849 = tpu.memref_slice %arg7[%scan3A_249, %scatter3A_847, %scatter3A_848] : memref<2x64x128xf32, #tpu.memory_space<vmem>> -> memref<1x64x128xf32, #tpu.memory_space<vmem>>
        %scatter3A_850 = tpu.memref_squeeze %scatter3A_849 : memref<1x64x128xf32, #tpu.memory_space<vmem>> -> memref<64x128xf32, #tpu.memory_space<vmem>>
        tpu.vector_store_idx %scatter3A_850[%add3A_841, %add3A_288], %gather3A_846 : memref<64x128xf32, #tpu.memory_space<vmem>>[vector<16xi32>, vector<16xi32>], vector<16xf32>,
        %add3A_851 = arith.constant 32 : i32
        %add3A_852 = vector.broadcast %add3A_851 : i32 to vector<16xi32>
        %add3A_853 = arith.addi %and3A_97, %add3A_852 : vector<16xi32>
        %gather3A_854 = arith.constant 0 : i32
        %gather3A_855 = arith.constant 0 : i32
        %gather3A_856 = tpu.memref_slice %arg6[%scan3A_248, %gather3A_854, %gather3A_855] : memref<2x128x128xf32, #tpu.memory_space<vmem>> -> memref<1x128x128xf32, #tpu.memory_space<vmem>>
        %gather3A_857 = tpu.memref_squeeze %gather3A_856 : memref<1x128x128xf32, #tpu.memory_space<vmem>> -> memref<128x128xf32, #tpu.memory_space<vmem>>
        %gather3A_858 = tpu.vector_load_idx %gather3A_857[%add3A_288, %add3A_853] : memref<128x128xf32, #tpu.memory_space<vmem>>[vector<16xi32>, vector<16xi32>], vector<16xf32>,
        %scatter3A_859 = arith.constant 0 : i32
        %scatter3A_860 = arith.constant 0 : i32
        %scatter3A_861 = tpu.memref_slice %arg7[%scan3A_249, %scatter3A_859, %scatter3A_860] : memref<2x64x128xf32, #tpu.memory_space<vmem>> -> memref<1x64x128xf32, #tpu.memory_space<vmem>>
        %scatter3A_862 = tpu.memref_squeeze %scatter3A_861 : memref<1x64x128xf32, #tpu.memory_space<vmem>> -> memref<64x128xf32, #tpu.memory_space<vmem>>
        tpu.vector_store_idx %scatter3A_862[%add3A_853, %add3A_288], %gather3A_858 : memref<64x128xf32, #tpu.memory_space<vmem>>[vector<16xi32>, vector<16xi32>], vector<16xf32>,
        %add3A_863 = arith.constant 48 : i32
        %add3A_864 = vector.broadcast %add3A_863 : i32 to vector<16xi32>
        %add3A_865 = arith.addi %and3A_7, %add3A_864 : vector<16xi32>
        %gather3A_866 = arith.constant 0 : i32
        %gather3A_867 = arith.constant 0 : i32
        %gather3A_868 = tpu.memref_slice %arg6[%scan3A_248, %gather3A_866, %gather3A_867] : memref<2x128x128xf32, #tpu.memory_space<vmem>> -> memref<1x128x128xf32, #tpu.memory_space<vmem>>
        %gather3A_869 = tpu.memref_squeeze %gather3A_868 : memref<1x128x128xf32, #tpu.memory_space<vmem>> -> memref<128x128xf32, #tpu.memory_space<vmem>>
        %gather3A_870 = tpu.vector_load_idx %gather3A_869[%add3A_288, %add3A_865] : memref<128x128xf32, #tpu.memory_space<vmem>>[vector<16xi32>, vector<16xi32>], vector<16xf32>,
        %scatter3A_871 = arith.constant 0 : i32
        %scatter3A_872 = arith.constant 0 : i32
        %scatter3A_873 = tpu.memref_slice %arg7[%scan3A_249, %scatter3A_871, %scatter3A_872] : memref<2x64x128xf32, #tpu.memory_space<vmem>> -> memref<1x64x128xf32, #tpu.memory_space<vmem>>
        %scatter3A_874 = tpu.memref_squeeze %scatter3A_873 : memref<1x64x128xf32, #tpu.memory_space<vmem>> -> memref<64x128xf32, #tpu.memory_space<vmem>>
        tpu.vector_store_idx %scatter3A_874[%add3A_865, %add3A_288], %gather3A_870 : memref<64x128xf32, #tpu.memory_space<vmem>>[vector<16xi32>, vector<16xi32>], vector<16xf32>,
        %add3A_875 = arith.constant 48 : i32
        %add3A_876 = vector.broadcast %add3A_875 : i32 to vector<16xi32>
        %add3A_877 = arith.addi %and3A_13, %add3A_876 : vector<16xi32>
        %gather3A_878 = arith.constant 0 : i32
        %gather3A_879 = arith.constant 0 : i32
        %gather3A_880 = tpu.memref_slice %arg6[%scan3A_248, %gather3A_878, %gather3A_879] : memref<2x128x128xf32, #tpu.memory_space<vmem>> -> memref<1x128x128xf32, #tpu.memory_space<vmem>>
        %gather3A_881 = tpu.memref_squeeze %gather3A_880 : memref<1x128x128xf32, #tpu.memory_space<vmem>> -> memref<128x128xf32, #tpu.memory_space<vmem>>
        %gather3A_882 = tpu.vector_load_idx %gather3A_881[%add3A_288, %add3A_877] : memref<128x128xf32, #tpu.memory_space<vmem>>[vector<16xi32>, vector<16xi32>], vector<16xf32>,
        %scatter3A_883 = arith.constant 0 : i32
        %scatter3A_884 = arith.constant 0 : i32
        %scatter3A_885 = tpu.memref_slice %arg7[%scan3A_249, %scatter3A_883, %scatter3A_884] : memref<2x64x128xf32, #tpu.memory_space<vmem>> -> memref<1x64x128xf32, #tpu.memory_space<vmem>>
        %scatter3A_886 = tpu.memref_squeeze %scatter3A_885 : memref<1x64x128xf32, #tpu.memory_space<vmem>> -> memref<64x128xf32, #tpu.memory_space<vmem>>
        tpu.vector_store_idx %scatter3A_886[%add3A_877, %add3A_288], %gather3A_882 : memref<64x128xf32, #tpu.memory_space<vmem>>[vector<16xi32>, vector<16xi32>], vector<16xf32>,
        %add3A_887 = arith.constant 48 : i32
        %add3A_888 = vector.broadcast %add3A_887 : i32 to vector<16xi32>
        %add3A_889 = arith.addi %and3A_19, %add3A_888 : vector<16xi32>
        %gather3A_890 = arith.constant 0 : i32
        %gather3A_891 = arith.constant 0 : i32
        %gather3A_892 = tpu.memref_slice %arg6[%scan3A_248, %gather3A_890, %gather3A_891] : memref<2x128x128xf32, #tpu.memory_space<vmem>> -> memref<1x128x128xf32, #tpu.memory_space<vmem>>
        %gather3A_893 = tpu.memref_squeeze %gather3A_892 : memref<1x128x128xf32, #tpu.memory_space<vmem>> -> memref<128x128xf32, #tpu.memory_space<vmem>>
        %gather3A_894 = tpu.vector_load_idx %gather3A_893[%add3A_288, %add3A_889] : memref<128x128xf32, #tpu.memory_space<vmem>>[vector<16xi32>, vector<16xi32>], vector<16xf32>,
        %scatter3A_895 = arith.constant 0 : i32
        %scatter3A_896 = arith.constant 0 : i32
        %scatter3A_897 = tpu.memref_slice %arg7[%scan3A_249, %scatter3A_895, %scatter3A_896] : memref<2x64x128xf32, #tpu.memory_space<vmem>> -> memref<1x64x128xf32, #tpu.memory_space<vmem>>
        %scatter3A_898 = tpu.memref_squeeze %scatter3A_897 : memref<1x64x128xf32, #tpu.memory_space<vmem>> -> memref<64x128xf32, #tpu.memory_space<vmem>>
        tpu.vector_store_idx %scatter3A_898[%add3A_889, %add3A_288], %gather3A_894 : memref<64x128xf32, #tpu.memory_space<vmem>>[vector<16xi32>, vector<16xi32>], vector<16xf32>,
        %add3A_899 = arith.constant 48 : i32
        %add3A_900 = vector.broadcast %add3A_899 : i32 to vector<16xi32>
        %add3A_901 = arith.addi %and3A_25, %add3A_900 : vector<16xi32>
        %gather3A_902 = arith.constant 0 : i32
        %gather3A_903 = arith.constant 0 : i32
        %gather3A_904 = tpu.memref_slice %arg6[%scan3A_248, %gather3A_902, %gather3A_903] : memref<2x128x128xf32, #tpu.memory_space<vmem>> -> memref<1x128x128xf32, #tpu.memory_space<vmem>>
        %gather3A_905 = tpu.memref_squeeze %gather3A_904 : memref<1x128x128xf32, #tpu.memory_space<vmem>> -> memref<128x128xf32, #tpu.memory_space<vmem>>
        %gather3A_906 = tpu.vector_load_idx %gather3A_905[%add3A_288, %add3A_901] : memref<128x128xf32, #tpu.memory_space<vmem>>[vector<16xi32>, vector<16xi32>], vector<16xf32>,
        %scatter3A_907 = arith.constant 0 : i32
        %scatter3A_908 = arith.constant 0 : i32
        %scatter3A_909 = tpu.memref_slice %arg7[%scan3A_249, %scatter3A_907, %scatter3A_908] : memref<2x64x128xf32, #tpu.memory_space<vmem>> -> memref<1x64x128xf32, #tpu.memory_space<vmem>>
        %scatter3A_910 = tpu.memref_squeeze %scatter3A_909 : memref<1x64x128xf32, #tpu.memory_space<vmem>> -> memref<64x128xf32, #tpu.memory_space<vmem>>
        tpu.vector_store_idx %scatter3A_910[%add3A_901, %add3A_288], %gather3A_906 : memref<64x128xf32, #tpu.memory_space<vmem>>[vector<16xi32>, vector<16xi32>], vector<16xf32>,
        %add3A_911 = arith.constant 48 : i32
        %add3A_912 = vector.broadcast %add3A_911 : i32 to vector<16xi32>
        %add3A_913 = arith.addi %and3A_31, %add3A_912 : vector<16xi32>
        %gather3A_914 = arith.constant 0 : i32
        %gather3A_915 = arith.constant 0 : i32
        %gather3A_916 = tpu.memref_slice %arg6[%scan3A_248, %gather3A_914, %gather3A_915] : memref<2x128x128xf32, #tpu.memory_space<vmem>> -> memref<1x128x128xf32, #tpu.memory_space<vmem>>
        %gather3A_917 = tpu.memref_squeeze %gather3A_916 : memref<1x128x128xf32, #tpu.memory_space<vmem>> -> memref<128x128xf32, #tpu.memory_space<vmem>>
        %gather3A_918 = tpu.vector_load_idx %gather3A_917[%add3A_288, %add3A_913] : memref<128x128xf32, #tpu.memory_space<vmem>>[vector<16xi32>, vector<16xi32>], vector<16xf32>,
        %scatter3A_919 = arith.constant 0 : i32
        %scatter3A_920 = arith.constant 0 : i32
        %scatter3A_921 = tpu.memref_slice %arg7[%scan3A_249, %scatter3A_919, %scatter3A_920] : memref<2x64x128xf32, #tpu.memory_space<vmem>> -> memref<1x64x128xf32, #tpu.memory_space<vmem>>
        %scatter3A_922 = tpu.memref_squeeze %scatter3A_921 : memref<1x64x128xf32, #tpu.memory_space<vmem>> -> memref<64x128xf32, #tpu.memory_space<vmem>>
        tpu.vector_store_idx %scatter3A_922[%add3A_913, %add3A_288], %gather3A_918 : memref<64x128xf32, #tpu.memory_space<vmem>>[vector<16xi32>, vector<16xi32>], vector<16xf32>,
        %add3A_923 = arith.constant 48 : i32
        %add3A_924 = vector.broadcast %add3A_923 : i32 to vector<16xi32>
        %add3A_925 = arith.addi %and3A_37, %add3A_924 : vector<16xi32>
        %gather3A_926 = arith.constant 0 : i32
        %gather3A_927 = arith.constant 0 : i32
        %gather3A_928 = tpu.memref_slice %arg6[%scan3A_248, %gather3A_926, %gather3A_927] : memref<2x128x128xf32, #tpu.memory_space<vmem>> -> memref<1x128x128xf32, #tpu.memory_space<vmem>>
        %gather3A_929 = tpu.memref_squeeze %gather3A_928 : memref<1x128x128xf32, #tpu.memory_space<vmem>> -> memref<128x128xf32, #tpu.memory_space<vmem>>
        %gather3A_930 = tpu.vector_load_idx %gather3A_929[%add3A_288, %add3A_925] : memref<128x128xf32, #tpu.memory_space<vmem>>[vector<16xi32>, vector<16xi32>], vector<16xf32>,
        %scatter3A_931 = arith.constant 0 : i32
        %scatter3A_932 = arith.constant 0 : i32
        %scatter3A_933 = tpu.memref_slice %arg7[%scan3A_249, %scatter3A_931, %scatter3A_932] : memref<2x64x128xf32, #tpu.memory_space<vmem>> -> memref<1x64x128xf32, #tpu.memory_space<vmem>>
        %scatter3A_934 = tpu.memref_squeeze %scatter3A_933 : memref<1x64x128xf32, #tpu.memory_space<vmem>> -> memref<64x128xf32, #tpu.memory_space<vmem>>
        tpu.vector_store_idx %scatter3A_934[%add3A_925, %add3A_288], %gather3A_930 : memref<64x128xf32, #tpu.memory_space<vmem>>[vector<16xi32>, vector<16xi32>], vector<16xf32>,
        %add3A_935 = arith.constant 48 : i32
        %add3A_936 = vector.broadcast %add3A_935 : i32 to vector<16xi32>
        %add3A_937 = arith.addi %and3A_43, %add3A_936 : vector<16xi32>
        %gather3A_938 = arith.constant 0 : i32
        %gather3A_939 = arith.constant 0 : i32
        %gather3A_940 = tpu.memref_slice %arg6[%scan3A_248, %gather3A_938, %gather3A_939] : memref<2x128x128xf32, #tpu.memory_space<vmem>> -> memref<1x128x128xf32, #tpu.memory_space<vmem>>
        %gather3A_941 = tpu.memref_squeeze %gather3A_940 : memref<1x128x128xf32, #tpu.memory_space<vmem>> -> memref<128x128xf32, #tpu.memory_space<vmem>>
        %gather3A_942 = tpu.vector_load_idx %gather3A_941[%add3A_288, %add3A_937] : memref<128x128xf32, #tpu.memory_space<vmem>>[vector<16xi32>, vector<16xi32>], vector<16xf32>,
        %scatter3A_943 = arith.constant 0 : i32
        %scatter3A_944 = arith.constant 0 : i32
        %scatter3A_945 = tpu.memref_slice %arg7[%scan3A_249, %scatter3A_943, %scatter3A_944] : memref<2x64x128xf32, #tpu.memory_space<vmem>> -> memref<1x64x128xf32, #tpu.memory_space<vmem>>
        %scatter3A_946 = tpu.memref_squeeze %scatter3A_945 : memref<1x64x128xf32, #tpu.memory_space<vmem>> -> memref<64x128xf32, #tpu.memory_space<vmem>>
        tpu.vector_store_idx %scatter3A_946[%add3A_937, %add3A_288], %gather3A_942 : memref<64x128xf32, #tpu.memory_space<vmem>>[vector<16xi32>, vector<16xi32>], vector<16xf32>,
        %add3A_947 = arith.constant 48 : i32
        %add3A_948 = vector.broadcast %add3A_947 : i32 to vector<16xi32>
        %add3A_949 = arith.addi %and3A_49, %add3A_948 : vector<16xi32>
        %gather3A_950 = arith.constant 0 : i32
        %gather3A_951 = arith.constant 0 : i32
        %gather3A_952 = tpu.memref_slice %arg6[%scan3A_248, %gather3A_950, %gather3A_951] : memref<2x128x128xf32, #tpu.memory_space<vmem>> -> memref<1x128x128xf32, #tpu.memory_space<vmem>>
        %gather3A_953 = tpu.memref_squeeze %gather3A_952 : memref<1x128x128xf32, #tpu.memory_space<vmem>> -> memref<128x128xf32, #tpu.memory_space<vmem>>
        %gather3A_954 = tpu.vector_load_idx %gather3A_953[%add3A_288, %add3A_949] : memref<128x128xf32, #tpu.memory_space<vmem>>[vector<16xi32>, vector<16xi32>], vector<16xf32>,
        %scatter3A_955 = arith.constant 0 : i32
        %scatter3A_956 = arith.constant 0 : i32
        %scatter3A_957 = tpu.memref_slice %arg7[%scan3A_249, %scatter3A_955, %scatter3A_956] : memref<2x64x128xf32, #tpu.memory_space<vmem>> -> memref<1x64x128xf32, #tpu.memory_space<vmem>>
        %scatter3A_958 = tpu.memref_squeeze %scatter3A_957 : memref<1x64x128xf32, #tpu.memory_space<vmem>> -> memref<64x128xf32, #tpu.memory_space<vmem>>
        tpu.vector_store_idx %scatter3A_958[%add3A_949, %add3A_288], %gather3A_954 : memref<64x128xf32, #tpu.memory_space<vmem>>[vector<16xi32>, vector<16xi32>], vector<16xf32>,
        %add3A_959 = arith.constant 48 : i32
        %add3A_960 = vector.broadcast %add3A_959 : i32 to vector<16xi32>
        %add3A_961 = arith.addi %and3A_55, %add3A_960 : vector<16xi32>
        %gather3A_962 = arith.constant 0 : i32
        %gather3A_963 = arith.constant 0 : i32
        %gather3A_964 = tpu.memref_slice %arg6[%scan3A_248, %gather3A_962, %gather3A_963] : memref<2x128x128xf32, #tpu.memory_space<vmem>> -> memref<1x128x128xf32, #tpu.memory_space<vmem>>
        %gather3A_965 = tpu.memref_squeeze %gather3A_964 : memref<1x128x128xf32, #tpu.memory_space<vmem>> -> memref<128x128xf32, #tpu.memory_space<vmem>>
        %gather3A_966 = tpu.vector_load_idx %gather3A_965[%add3A_288, %add3A_961] : memref<128x128xf32, #tpu.memory_space<vmem>>[vector<16xi32>, vector<16xi32>], vector<16xf32>,
        %scatter3A_967 = arith.constant 0 : i32
        %scatter3A_968 = arith.constant 0 : i32
        %scatter3A_969 = tpu.memref_slice %arg7[%scan3A_249, %scatter3A_967, %scatter3A_968] : memref<2x64x128xf32, #tpu.memory_space<vmem>> -> memref<1x64x128xf32, #tpu.memory_space<vmem>>
        %scatter3A_970 = tpu.memref_squeeze %scatter3A_969 : memref<1x64x128xf32, #tpu.memory_space<vmem>> -> memref<64x128xf32, #tpu.memory_space<vmem>>
        tpu.vector_store_idx %scatter3A_970[%add3A_961, %add3A_288], %gather3A_966 : memref<64x128xf32, #tpu.memory_space<vmem>>[vector<16xi32>, vector<16xi32>], vector<16xf32>,
        %add3A_971 = arith.constant 48 : i32
        %add3A_972 = vector.broadcast %add3A_971 : i32 to vector<16xi32>
        %add3A_973 = arith.addi %and3A_61, %add3A_972 : vector<16xi32>
        %gather3A_974 = arith.constant 0 : i32
        %gather3A_975 = arith.constant 0 : i32
        %gather3A_976 = tpu.memref_slice %arg6[%scan3A_248, %gather3A_974, %gather3A_975] : memref<2x128x128xf32, #tpu.memory_space<vmem>> -> memref<1x128x128xf32, #tpu.memory_space<vmem>>
        %gather3A_977 = tpu.memref_squeeze %gather3A_976 : memref<1x128x128xf32, #tpu.memory_space<vmem>> -> memref<128x128xf32, #tpu.memory_space<vmem>>
        %gather3A_978 = tpu.vector_load_idx %gather3A_977[%add3A_288, %add3A_973] : memref<128x128xf32, #tpu.memory_space<vmem>>[vector<16xi32>, vector<16xi32>], vector<16xf32>,
        %scatter3A_979 = arith.constant 0 : i32
        %scatter3A_980 = arith.constant 0 : i32
        %scatter3A_981 = tpu.memref_slice %arg7[%scan3A_249, %scatter3A_979, %scatter3A_980] : memref<2x64x128xf32, #tpu.memory_space<vmem>> -> memref<1x64x128xf32, #tpu.memory_space<vmem>>
        %scatter3A_982 = tpu.memref_squeeze %scatter3A_981 : memref<1x64x128xf32, #tpu.memory_space<vmem>> -> memref<64x128xf32, #tpu.memory_space<vmem>>
        tpu.vector_store_idx %scatter3A_982[%add3A_973, %add3A_288], %gather3A_978 : memref<64x128xf32, #tpu.memory_space<vmem>>[vector<16xi32>, vector<16xi32>], vector<16xf32>,
        %add3A_983 = arith.constant 48 : i32
        %add3A_984 = vector.broadcast %add3A_983 : i32 to vector<16xi32>
        %add3A_985 = arith.addi %and3A_67, %add3A_984 : vector<16xi32>
        %gather3A_986 = arith.constant 0 : i32
        %gather3A_987 = arith.constant 0 : i32
        %gather3A_988 = tpu.memref_slice %arg6[%scan3A_248, %gather3A_986, %gather3A_987] : memref<2x128x128xf32, #tpu.memory_space<vmem>> -> memref<1x128x128xf32, #tpu.memory_space<vmem>>
        %gather3A_989 = tpu.memref_squeeze %gather3A_988 : memref<1x128x128xf32, #tpu.memory_space<vmem>> -> memref<128x128xf32, #tpu.memory_space<vmem>>
        %gather3A_990 = tpu.vector_load_idx %gather3A_989[%add3A_288, %add3A_985] : memref<128x128xf32, #tpu.memory_space<vmem>>[vector<16xi32>, vector<16xi32>], vector<16xf32>,
        %scatter3A_991 = arith.constant 0 : i32
        %scatter3A_992 = arith.constant 0 : i32
        %scatter3A_993 = tpu.memref_slice %arg7[%scan3A_249, %scatter3A_991, %scatter3A_992] : memref<2x64x128xf32, #tpu.memory_space<vmem>> -> memref<1x64x128xf32, #tpu.memory_space<vmem>>
        %scatter3A_994 = tpu.memref_squeeze %scatter3A_993 : memref<1x64x128xf32, #tpu.memory_space<vmem>> -> memref<64x128xf32, #tpu.memory_space<vmem>>
        tpu.vector_store_idx %scatter3A_994[%add3A_985, %add3A_288], %gather3A_990 : memref<64x128xf32, #tpu.memory_space<vmem>>[vector<16xi32>, vector<16xi32>], vector<16xf32>,
        %add3A_995 = arith.constant 48 : i32
        %add3A_996 = vector.broadcast %add3A_995 : i32 to vector<16xi32>
        %add3A_997 = arith.addi %and3A_73, %add3A_996 : vector<16xi32>
        %gather3A_998 = arith.constant 0 : i32
        %gather3A_999 = arith.constant 0 : i32
        %gather3A_1000 = tpu.memref_slice %arg6[%scan3A_248, %gather3A_998, %gather3A_999] : memref<2x128x128xf32, #tpu.memory_space<vmem>> -> memref<1x128x128xf32, #tpu.memory_space<vmem>>
        %gather3A_1001 = tpu.memref_squeeze %gather3A_1000 : memref<1x128x128xf32, #tpu.memory_space<vmem>> -> memref<128x128xf32, #tpu.memory_space<vmem>>
        %gather3A_1002 = tpu.vector_load_idx %gather3A_1001[%add3A_288, %add3A_997] : memref<128x128xf32, #tpu.memory_space<vmem>>[vector<16xi32>, vector<16xi32>], vector<16xf32>,
        %scatter3A_1003 = arith.constant 0 : i32
        %scatter3A_1004 = arith.constant 0 : i32
        %scatter3A_1005 = tpu.memref_slice %arg7[%scan3A_249, %scatter3A_1003, %scatter3A_1004] : memref<2x64x128xf32, #tpu.memory_space<vmem>> -> memref<1x64x128xf32, #tpu.memory_space<vmem>>
        %scatter3A_1006 = tpu.memref_squeeze %scatter3A_1005 : memref<1x64x128xf32, #tpu.memory_space<vmem>> -> memref<64x128xf32, #tpu.memory_space<vmem>>
        tpu.vector_store_idx %scatter3A_1006[%add3A_997, %add3A_288], %gather3A_1002 : memref<64x128xf32, #tpu.memory_space<vmem>>[vector<16xi32>, vector<16xi32>], vector<16xf32>,
        %add3A_1007 = arith.constant 48 : i32
        %add3A_1008 = vector.broadcast %add3A_1007 : i32 to vector<16xi32>
        %add3A_1009 = arith.addi %and3A_79, %add3A_1008 : vector<16xi32>
        %gather3A_1010 = arith.constant 0 : i32
        %gather3A_1011 = arith.constant 0 : i32
        %gather3A_1012 = tpu.memref_slice %arg6[%scan3A_248, %gather3A_1010, %gather3A_1011] : memref<2x128x128xf32, #tpu.memory_space<vmem>> -> memref<1x128x128xf32, #tpu.memory_space<vmem>>
        %gather3A_1013 = tpu.memref_squeeze %gather3A_1012 : memref<1x128x128xf32, #tpu.memory_space<vmem>> -> memref<128x128xf32, #tpu.memory_space<vmem>>
        %gather3A_1014 = tpu.vector_load_idx %gather3A_1013[%add3A_288, %add3A_1009] : memref<128x128xf32, #tpu.memory_space<vmem>>[vector<16xi32>, vector<16xi32>], vector<16xf32>,
        %scatter3A_1015 = arith.constant 0 : i32
        %scatter3A_1016 = arith.constant 0 : i32
        %scatter3A_1017 = tpu.memref_slice %arg7[%scan3A_249, %scatter3A_1015, %scatter3A_1016] : memref<2x64x128xf32, #tpu.memory_space<vmem>> -> memref<1x64x128xf32, #tpu.memory_space<vmem>>
        %scatter3A_1018 = tpu.memref_squeeze %scatter3A_1017 : memref<1x64x128xf32, #tpu.memory_space<vmem>> -> memref<64x128xf32, #tpu.memory_space<vmem>>
        tpu.vector_store_idx %scatter3A_1018[%add3A_1009, %add3A_288], %gather3A_1014 : memref<64x128xf32, #tpu.memory_space<vmem>>[vector<16xi32>, vector<16xi32>], vector<16xf32>,
        %add3A_1019 = arith.constant 48 : i32
        %add3A_1020 = vector.broadcast %add3A_1019 : i32 to vector<16xi32>
        %add3A_1021 = arith.addi %and3A_85, %add3A_1020 : vector<16xi32>
        %gather3A_1022 = arith.constant 0 : i32
        %gather3A_1023 = arith.constant 0 : i32
        %gather3A_1024 = tpu.memref_slice %arg6[%scan3A_248, %gather3A_1022, %gather3A_1023] : memref<2x128x128xf32, #tpu.memory_space<vmem>> -> memref<1x128x128xf32, #tpu.memory_space<vmem>>
        %gather3A_1025 = tpu.memref_squeeze %gather3A_1024 : memref<1x128x128xf32, #tpu.memory_space<vmem>> -> memref<128x128xf32, #tpu.memory_space<vmem>>
        %gather3A_1026 = tpu.vector_load_idx %gather3A_1025[%add3A_288, %add3A_1021] : memref<128x128xf32, #tpu.memory_space<vmem>>[vector<16xi32>, vector<16xi32>], vector<16xf32>,
        %scatter3A_1027 = arith.constant 0 : i32
        %scatter3A_1028 = arith.constant 0 : i32
        %scatter3A_1029 = tpu.memref_slice %arg7[%scan3A_249, %scatter3A_1027, %scatter3A_1028] : memref<2x64x128xf32, #tpu.memory_space<vmem>> -> memref<1x64x128xf32, #tpu.memory_space<vmem>>
        %scatter3A_1030 = tpu.memref_squeeze %scatter3A_1029 : memref<1x64x128xf32, #tpu.memory_space<vmem>> -> memref<64x128xf32, #tpu.memory_space<vmem>>
        tpu.vector_store_idx %scatter3A_1030[%add3A_1021, %add3A_288], %gather3A_1026 : memref<64x128xf32, #tpu.memory_space<vmem>>[vector<16xi32>, vector<16xi32>], vector<16xf32>,
        %add3A_1031 = arith.constant 48 : i32
        %add3A_1032 = vector.broadcast %add3A_1031 : i32 to vector<16xi32>
        %add3A_1033 = arith.addi %and3A_91, %add3A_1032 : vector<16xi32>
        %gather3A_1034 = arith.constant 0 : i32
        %gather3A_1035 = arith.constant 0 : i32
        %gather3A_1036 = tpu.memref_slice %arg6[%scan3A_248, %gather3A_1034, %gather3A_1035] : memref<2x128x128xf32, #tpu.memory_space<vmem>> -> memref<1x128x128xf32, #tpu.memory_space<vmem>>
        %gather3A_1037 = tpu.memref_squeeze %gather3A_1036 : memref<1x128x128xf32, #tpu.memory_space<vmem>> -> memref<128x128xf32, #tpu.memory_space<vmem>>
        %gather3A_1038 = tpu.vector_load_idx %gather3A_1037[%add3A_288, %add3A_1033] : memref<128x128xf32, #tpu.memory_space<vmem>>[vector<16xi32>, vector<16xi32>], vector<16xf32>,
        %scatter3A_1039 = arith.constant 0 : i32
        %scatter3A_1040 = arith.constant 0 : i32
        %scatter3A_1041 = tpu.memref_slice %arg7[%scan3A_249, %scatter3A_1039, %scatter3A_1040] : memref<2x64x128xf32, #tpu.memory_space<vmem>> -> memref<1x64x128xf32, #tpu.memory_space<vmem>>
        %scatter3A_1042 = tpu.memref_squeeze %scatter3A_1041 : memref<1x64x128xf32, #tpu.memory_space<vmem>> -> memref<64x128xf32, #tpu.memory_space<vmem>>
        tpu.vector_store_idx %scatter3A_1042[%add3A_1033, %add3A_288], %gather3A_1038 : memref<64x128xf32, #tpu.memory_space<vmem>>[vector<16xi32>, vector<16xi32>], vector<16xf32>,
        %add3A_1043 = arith.constant 48 : i32
        %add3A_1044 = vector.broadcast %add3A_1043 : i32 to vector<16xi32>
        %add3A_1045 = arith.addi %and3A_97, %add3A_1044 : vector<16xi32>
        %gather3A_1046 = arith.constant 0 : i32
        %gather3A_1047 = arith.constant 0 : i32
        %gather3A_1048 = tpu.memref_slice %arg6[%scan3A_248, %gather3A_1046, %gather3A_1047] : memref<2x128x128xf32, #tpu.memory_space<vmem>> -> memref<1x128x128xf32, #tpu.memory_space<vmem>>
        %gather3A_1049 = tpu.memref_squeeze %gather3A_1048 : memref<1x128x128xf32, #tpu.memory_space<vmem>> -> memref<128x128xf32, #tpu.memory_space<vmem>>
        %gather3A_1050 = tpu.vector_load_idx %gather3A_1049[%add3A_288, %add3A_1045] : memref<128x128xf32, #tpu.memory_space<vmem>>[vector<16xi32>, vector<16xi32>], vector<16xf32>,
        %scatter3A_1051 = arith.constant 0 : i32
        %scatter3A_1052 = arith.constant 0 : i32
        %scatter3A_1053 = tpu.memref_slice %arg7[%scan3A_249, %scatter3A_1051, %scatter3A_1052] : memref<2x64x128xf32, #tpu.memory_space<vmem>> -> memref<1x64x128xf32, #tpu.memory_space<vmem>>
        %scatter3A_1054 = tpu.memref_squeeze %scatter3A_1053 : memref<1x64x128xf32, #tpu.memory_space<vmem>> -> memref<64x128xf32, #tpu.memory_space<vmem>>
        tpu.vector_store_idx %scatter3A_1054[%add3A_1045, %add3A_288], %gather3A_1050 : memref<64x128xf32, #tpu.memory_space<vmem>>[vector<16xi32>, vector<16xi32>], vector<16xf32>,
        %scan3A_1055 = arith.constant 0 : i32
        scf.yield %scan3A_1055 : i32
      }
      %scan3A_256 = arith.constant 8 : i32
      %add3A_257 = arith.constant 2 : i32
      %add3A_258 = arith.addi %add3A_228, %add3A_257 : i32
      %lt3A_259 = arith.constant 50 : i32
      %lt3A_260 = arith.cmpi slt, %add3A_258, %lt3A_259 : i32
      %convert_element_type3A_261 = arith.extui %lt3A_260 : i1 to i32
      %cond3A_262 = arith.constant 0 : i32
      %cond3A_263 = arith.cmpi ne, %convert_element_type3A_261, %cond3A_262 : i32
      scf.if %cond3A_263 {
        %add3A_283 = arith.constant 2 : i32
        %add3A_284 = arith.addi %add3A_228, %add3A_283 : i32
        %dma_start3A_285 = arith.constant 1 : i32
        %dma_start3A_286 = arith.constant 1 : i32
        %dma_start3A_287 = arith.constant 0 : i32
        %dma_start3A_288 = arith.constant 0 : i32
        %dma_start3A_289 = tpu.memref_slice %arg6[%dma_start3A_285, %dma_start3A_287, %dma_start3A_288] : memref<2x128x128xf32, #tpu.memory_space<vmem>> -> memref<1x128x128xf32, #tpu.memory_space<vmem>>
        %dma_start3A_290 = tpu.memref_squeeze %dma_start3A_289 : memref<1x128x128xf32, #tpu.memory_space<vmem>> -> memref<128x128xf32, #tpu.memory_space<vmem>>
        %dma_start3A_291 = arith.constant 0 : i32
        %dma_start3A_292 = tpu.memref_slice %arg5[%add3A_284, %dma_start3A_291] : memref<50x128xi32, #tpu.memory_space<vmem>> -> memref<1x128xi32, #tpu.memory_space<vmem>>
        %dma_start3A_293 = tpu.memref_squeeze %dma_start3A_292 : memref<1x128xi32, #tpu.memory_space<vmem>> -> memref<128xi32, #tpu.memory_space<vmem>>
        %dma_start3A_294 = arith.constant 0 : i32
        %dma_start3A_295 = arith.constant 0 : i32
        %dma_start3A_296 = tpu.memref_slice %arg3[%dma_start3A_294, %dma_start3A_295] : memref<100001x128xf32, #tpu.memory_space<hbm>> -> memref<100001x128xf32, #tpu.memory_space<hbm>>
        %dma_start3A_297 = tpu.memref_slice %arg8[%dma_start3A_286] : memref<2x!tpu.dma_semaphore, #tpu.memory_space<semaphore_mem>> -> memref<1x!tpu.dma_semaphore, #tpu.memory_space<semaphore_mem>>
        %dma_start3A_298 = tpu.memref_squeeze %dma_start3A_297 : memref<1x!tpu.dma_semaphore, #tpu.memory_space<semaphore_mem>> -> memref<!tpu.dma_semaphore, #tpu.memory_space<semaphore_mem>>
        tpu.enqueue_indirect_dma source(%dma_start3A_296 : memref<100001x128xf32, #tpu.memory_space<hbm>>) target(%dma_start3A_290 : memref<128x128xf32, #tpu.memory_space<vmem>>) offsets(%dma_start3A_293 : memref<128xi32, #tpu.memory_space<vmem>>) semaphore(%dma_start3A_298 : memref<!tpu.dma_semaphore, #tpu.memory_space<semaphore_mem>>)
      } else {
      }
      %dma_start3A_264 = arith.constant 1 : i32
      %dma_start3A_265 = arith.constant 1 : i32
      %dma_start3A_266 = arith.constant 0 : i32
      %dma_start3A_267 = arith.constant 0 : i32
      %dma_start3A_268 = tpu.memref_slice %arg7[%dma_start3A_264, %dma_start3A_266, %dma_start3A_267] : memref<2x64x128xf32, #tpu.memory_space<vmem>> -> memref<1x64x128xf32, #tpu.memory_space<vmem>>
      %dma_start3A_269 = tpu.memref_squeeze %dma_start3A_268 : memref<1x64x128xf32, #tpu.memory_space<vmem>> -> memref<64x128xf32, #tpu.memory_space<vmem>>
      %dma_start3A_270 = arith.constant 0 : i32
      %dma_start3A_271 = tpu.memref_slice %arg4[%add3A_228, %dma_start3A_270, %mul3A_2] : memref<50x64x4096xf32, #tpu.memory_space<hbm>> -> memref<1x64x128xf32, #tpu.memory_space<hbm>>
      %dma_start3A_272 = tpu.memref_squeeze %dma_start3A_271 : memref<1x64x128xf32, #tpu.memory_space<hbm>> -> memref<64x128xf32, #tpu.memory_space<hbm>>
      %dma_start3A_273 = tpu.memref_slice %arg9[%dma_start3A_265] : memref<2x!tpu.dma_semaphore, #tpu.memory_space<semaphore_mem>> -> memref<1x!tpu.dma_semaphore, #tpu.memory_space<semaphore_mem>>
      %dma_start3A_274 = tpu.memref_squeeze %dma_start3A_273 : memref<1x!tpu.dma_semaphore, #tpu.memory_space<semaphore_mem>> -> memref<!tpu.dma_semaphore, #tpu.memory_space<semaphore_mem>>
      %dma_start3A_275 = arith.constant 0 : i32
      %dma_start3A_276 = tpu.memref_slice %arg4[%add3A_228, %dma_start3A_275, %mul3A_2] : memref<50x64x4096xf32, #tpu.memory_space<hbm>> -> memref<1x64x128xf32, #tpu.memory_space<hbm>>
      %dma_start3A_277 = tpu.memref_squeeze %dma_start3A_276 : memref<1x64x128xf32, #tpu.memory_space<hbm>> -> memref<64x128xf32, #tpu.memory_space<hbm>>
      %dma_start3A_278 = arith.constant 0 : i32
      %dma_start3A_279 = arith.constant 0 : i32
      %dma_start3A_280 = tpu.memref_slice %arg7[%dma_start3A_264, %dma_start3A_278, %dma_start3A_279] : memref<2x64x128xf32, #tpu.memory_space<vmem>> -> memref<1x64x128xf32, #tpu.memory_space<vmem>>
      %dma_start3A_281 = tpu.memref_squeeze %dma_start3A_280 : memref<1x64x128xf32, #tpu.memory_space<vmem>> -> memref<64x128xf32, #tpu.memory_space<vmem>>
      tpu.enqueue_dma source(%dma_start3A_281 : memref<64x128xf32, #tpu.memory_space<vmem>>) target(%dma_start3A_277 : memref<64x128xf32, #tpu.memory_space<hbm>>) target_semaphore(%dma_start3A_274 : memref<!tpu.dma_semaphore, #tpu.memory_space<semaphore_mem>>)
      %scan3A_282 = arith.constant 0 : i32
      scf.yield %scan3A_282 : i32
    }
    %scan3A_132 = arith.constant 25 : i32
    %dma_wait3A = arith.constant 0 : i32
    %dma_wait3A_133 = arith.constant 48 : i32
    %dma_wait3A_134 = arith.constant 0 : i32
    %dma_wait3A_135 = arith.constant 0 : i32
    %dma_wait3A_136 = arith.constant 0 : i32
    %dma_wait3A_137 = tpu.memref_slice %arg7[%dma_wait3A, %dma_wait3A_135, %dma_wait3A_136] : memref<2x64x128xf32, #tpu.memory_space<vmem>> -> memref<1x64x128xf32, #tpu.memory_space<vmem>>
    %dma_wait3A_138 = tpu.memref_squeeze %dma_wait3A_137 : memref<1x64x128xf32, #tpu.memory_space<vmem>> -> memref<64x128xf32, #tpu.memory_space<vmem>>
    %dma_wait3A_139 = arith.constant 0 : i32
    %dma_wait3A_140 = tpu.memref_slice %arg4[%dma_wait3A_133, %dma_wait3A_139, %mul3A_2] : memref<50x64x4096xf32, #tpu.memory_space<hbm>> -> memref<1x64x128xf32, #tpu.memory_space<hbm>>
    %dma_wait3A_141 = tpu.memref_squeeze %dma_wait3A_140 : memref<1x64x128xf32, #tpu.memory_space<hbm>> -> memref<64x128xf32, #tpu.memory_space<hbm>>
    %dma_wait3A_142 = tpu.memref_slice %arg9[%dma_wait3A_134] : memref<2x!tpu.dma_semaphore, #tpu.memory_space<semaphore_mem>> -> memref<1x!tpu.dma_semaphore, #tpu.memory_space<semaphore_mem>>
    %dma_wait3A_143 = tpu.memref_squeeze %dma_wait3A_142 : memref<1x!tpu.dma_semaphore, #tpu.memory_space<semaphore_mem>> -> memref<!tpu.dma_semaphore, #tpu.memory_space<semaphore_mem>>
    %dma_wait3A_144 = arith.constant 0 : i32
    %dma_wait3A_145 = tpu.memref_slice %arg4[%dma_wait3A_133, %dma_wait3A_144, %mul3A_2] : memref<50x64x4096xf32, #tpu.memory_space<hbm>> -> memref<1x64x128xf32, #tpu.memory_space<hbm>>
    %dma_wait3A_146 = tpu.memref_squeeze %dma_wait3A_145 : memref<1x64x128xf32, #tpu.memory_space<hbm>> -> memref<64x128xf32, #tpu.memory_space<hbm>>
    %dma_wait3A_147 = arith.constant 0 : i32
    %dma_wait3A_148 = arith.constant 0 : i32
    %dma_wait3A_149 = tpu.memref_slice %arg7[%dma_wait3A, %dma_wait3A_147, %dma_wait3A_148] : memref<2x64x128xf32, #tpu.memory_space<vmem>> -> memref<1x64x128xf32, #tpu.memory_space<vmem>>
    %dma_wait3A_150 = tpu.memref_squeeze %dma_wait3A_149 : memref<1x64x128xf32, #tpu.memory_space<vmem>> -> memref<64x128xf32, #tpu.memory_space<vmem>>
    tpu.wait_dma2 semaphore(%dma_wait3A_143 : memref<!tpu.dma_semaphore, #tpu.memory_space<semaphore_mem>>) src(%dma_wait3A_150 : memref<64x128xf32, #tpu.memory_space<vmem>>) dst(%dma_wait3A_146 : memref<64x128xf32, #tpu.memory_space<hbm>>)
    %dma_wait3A_151 = arith.constant 1 : i32
    %dma_wait3A_152 = arith.constant 49 : i32
    %dma_wait3A_153 = arith.constant 1 : i32
    %dma_wait3A_154 = arith.constant 0 : i32
    %dma_wait3A_155 = arith.constant 0 : i32
    %dma_wait3A_156 = tpu.memref_slice %arg7[%dma_wait3A_151, %dma_wait3A_154, %dma_wait3A_155] : memref<2x64x128xf32, #tpu.memory_space<vmem>> -> memref<1x64x128xf32, #tpu.memory_space<vmem>>
    %dma_wait3A_157 = tpu.memref_squeeze %dma_wait3A_156 : memref<1x64x128xf32, #tpu.memory_space<vmem>> -> memref<64x128xf32, #tpu.memory_space<vmem>>
    %dma_wait3A_158 = arith.constant 0 : i32
    %dma_wait3A_159 = tpu.memref_slice %arg4[%dma_wait3A_152, %dma_wait3A_158, %mul3A_2] : memref<50x64x4096xf32, #tpu.memory_space<hbm>> -> memref<1x64x128xf32, #tpu.memory_space<hbm>>
    %dma_wait3A_160 = tpu.memref_squeeze %dma_wait3A_159 : memref<1x64x128xf32, #tpu.memory_space<hbm>> -> memref<64x128xf32, #tpu.memory_space<hbm>>
    %dma_wait3A_161 = tpu.memref_slice %arg9[%dma_wait3A_153] : memref<2x!tpu.dma_semaphore, #tpu.memory_space<semaphore_mem>> -> memref<1x!tpu.dma_semaphore, #tpu.memory_space<semaphore_mem>>
    %dma_wait3A_162 = tpu.memref_squeeze %dma_wait3A_161 : memref<1x!tpu.dma_semaphore, #tpu.memory_space<semaphore_mem>> -> memref<!tpu.dma_semaphore, #tpu.memory_space<semaphore_mem>>
    %dma_wait3A_163 = arith.constant 0 : i32
    %dma_wait3A_164 = tpu.memref_slice %arg4[%dma_wait3A_152, %dma_wait3A_163, %mul3A_2] : memref<50x64x4096xf32, #tpu.memory_space<hbm>> -> memref<1x64x128xf32, #tpu.memory_space<hbm>>
    %dma_wait3A_165 = tpu.memref_squeeze %dma_wait3A_164 : memref<1x64x128xf32, #tpu.memory_space<hbm>> -> memref<64x128xf32, #tpu.memory_space<hbm>>
    %dma_wait3A_166 = arith.constant 0 : i32
    %dma_wait3A_167 = arith.constant 0 : i32
    %dma_wait3A_168 = tpu.memref_slice %arg7[%dma_wait3A_151, %dma_wait3A_166, %dma_wait3A_167] : memref<2x64x128xf32, #tpu.memory_space<vmem>> -> memref<1x64x128xf32, #tpu.memory_space<vmem>>
    %dma_wait3A_169 = tpu.memref_squeeze %dma_wait3A_168 : memref<1x64x128xf32, #tpu.memory_space<vmem>> -> memref<64x128xf32, #tpu.memory_space<vmem>>
    tpu.wait_dma2 semaphore(%dma_wait3A_162 : memref<!tpu.dma_semaphore, #tpu.memory_space<semaphore_mem>>) src(%dma_wait3A_169 : memref<64x128xf32, #tpu.memory_space<vmem>>) dst(%dma_wait3A_165 : memref<64x128xf32, #tpu.memory_space<hbm>>)
    return
  }
}

</mosaic_0001>

<sc_bundles>
// kernel: _sc_embedding_lookup.3.cloned.1.call-start
scs
__scs_entry_jumppad:
0x0: {  	(pc) =	sbr.rel $0x88, $3  }
0x1: {  	(tag) =	ssettag $0x0;
	lr =	simm.s32 $0x1  }
0x2: {  	[smem:$0x3F9F] =	sst lr;
	_ =	strace $0xD0000000  }
0x3: {  	_ = 	snop  }
0x4: {  	_ = 	snop  }
0x5: {  	_ = 	snop  }
0x6: {  	_ = 	snop  }
0x7: {  	_ = 	snop  }
__scs_overlays_trampoline_lowered:
0x8: {  	[smem:$0x3FAE] =	sst s0  }
0x9: {  	[smem:$0x3FAF] =	sst s1  }
0xa: {  	[smem:$0x3FB0] =	sst s2  }
0xb: {  	[smem:$0x3FB1] =	sst s3  }
0xc: {  	[smem:$0x3FB2] =	sst s4  }
0xd: {  	[smem:$0x3FB3] =	sst s5  }
0xe: {  	[smem:$0x3FB4] =	sst s6  }
0xf: {  	[smem:$0x3FB5] =	sst s7  }
0x10: {  	[smem:$0x3FB6] =	sst s8  }
0x11: {  	[smem:$0x3FB7] =	sst s9;
	s0 =	simm.s32 @!p0 $0x0  }
0x12: {  	s1 =	sld [smem:$0x3F9D];
	s0 =	simm.s32 @p0 $0x1  }
0x13: {  	[smem:$0x3FB8] =	sst s0;
	s0 =	simm.s32 @!p1 $0x0  }
0x14: {  	s2 =	sld [smem:$0x3F9C];
	s0 =	simm.s32 @p1 $0x1  }
0x15: {  	[smem:$0x3FB9] =	sst s0;
	s0 =	simm.s32 @!p2 $0x0  }
0x16: {  	s3 =	sld [smem:$0x3FDB];
	s0 =	simm.s32 @p2 $0x1  }
0x17: {  	s4 =	simm.s32 $0x1BF5;
	[smem:$0x3FBB] =	sst s0  }
0x18: {  	s0 =	sld [smem:$0x3F9E];
	_ =	swait.ge [sflag:s4], $0x0  }
0x19: {  	s7 =	sld [smem:$0x3F9F]  }
0x1a: {  	s8 =	sadd.s32 $0xFFFFE003, lr  }
0x1b: {  	s9 =	sadd.s32 $0xFFFFFEF7, lr;
	s5 =	simm.s32 $0xFFFFFFFF;
	p2 =	slt.u32 s8, $0xFFFFF086  }
0x1c: {  	p1 =	slt.u32 s9, $0xF7A;
	s5 =	simm.s32 @!p2 $0x0  }
0x1d: {  	s5 =	simm.s32 @p1 $0x1;
	p0 =	seq.s32 s7, s2  }
0x1e: {  	s7 =	smul.u32 @!p0 $0xF7A, s2;
	p2 =	seq.s32 @!p0 s5, $0x0  }
0x1f: {  	s9 =	smul.u32 $0xF7A, s1;
	s8 =	simm.s32 @!p0 $0x1BF5;
	p2 =	por !p2, p0  }
0x20: {  	[sflag:s8] =	ssyncset.s32 @!p0 $0xFFFFF086;
	s6 =	sadd.s32 @!p0 s3, s7;
	s7 =	simm.s32 @!p0 $0x108  }
0x21: {  	s3 =	sadd.s32 s3, s9;
	s6 =	sadd.s32 @!p0 $0x88, s6;
	s7 =	simm.s32 @p2 $0x1082  }
0x22: {  	[simem:s7], [sflag:s8] =	dma.local @!p0 [hbm:s6], $0xF7A  }
0x23: {  	s9 =	sor.u32 $0xD0000000, s2;
	s6 =	simm.s32 $0x108;
	_ =	swait.ge @!p0 [sflag:s8], $0x0  }
0x24: {  	s3 =	sadd.s32 $0x88, s3;
	s6 =	simm.s32 @!p1 $0x1082;
	[sflag:s4] =	ssyncset.s32 $0xFFFFF086  }
0x25: {  	[simem:s6], [sflag:s4] =	dma.local [hbm:s3], $0xF7A  }
0x26: {  	[smem:$0x3F9F] =	sst s1;
	(tag) =	ssettag s2;
	_ =	strace s9  }
0x27: {  	s1 =	sld [smem:$0x3FAF]  }
0x28: {  	s2 =	sld [smem:$0x3FB0]  }
0x29: {  	s4 =	sld [smem:$0x3FB2]  }
0x2a: {  	p0 =	seq.s32 s5, $0x0;
	s5 =	sld [smem:$0x3FB3]  }
0x2b: {  	s6 =	sld [smem:$0x3FB4]  }
0x2c: {  	s7 =	sld [smem:$0x3FB5]  }
0x2d: {  	s3 =	simm.s32 $0x108;
	s8 =	sld [smem:$0x3FB6]  }
0x2e: {  	s3 =	simm.s32 @!p0 $0x1082;
	s9 =	sld [smem:$0x3FB7]  }
0x2f: {  	lr =	sadd.s32 s0, s3;
	s0 =	sld [smem:$0x3FAE]  }
0x30: {  	s3 =	sld [smem:$0x3FB1]  }
0x31: {  	[smem:$0x3FBA] =	sst s10  }
0x32: {  	s10 =	sld [smem:$0x3FB8];
	_ =	sdelay $0x3  }
0x33: {  	p0 =	seq.s32 s10, $0x1;
	s10 =	sld [smem:$0x3FBA];
	_ =	sdelay $0x3  }
0x34: {  	[smem:$0x3FBA] =	sst s10  }
0x35: {  	s10 =	sld [smem:$0x3FB9];
	_ =	sdelay $0x3  }
0x36: {  	p1 =	seq.s32 s10, $0x1;
	s10 =	sld [smem:$0x3FBA];
	_ =	sdelay $0x3  }
0x37: {  	[smem:$0x3FBA] =	sst s10  }
0x38: {  	s10 =	sld [smem:$0x3FBB]  }
0x39: {  	_ = 	snop;
	(pc) =	sbr.ind lr, $3  }
0x3a: {  	_ = 	snop  }
0x3b: {  	_ = 	snop  }
0x3c: {  	p2 =	seq.s32 s10, $0x1;
	s10 =	sld [smem:$0x3FBA]  }
0x3d: {  	_ =	shalt  }
0x3e: {  	_ =	shalt  }
0x3f: {  	_ =	shalt  }
0x40: {  	_ =	shalt  }
0x41: {  	_ =	shalt  }
0x42: {  	_ =	shalt  }
0x43: {  	_ =	shalt  }
0x44: {  	_ =	shalt  }
0x45: {  	_ =	shalt  }
0x46: {  	_ =	shalt  }
0x47: {  	_ =	shalt  }
0x48: {  	_ =	shalt  }
0x49: {  	_ =	shalt  }
0x4a: {  	_ =	shalt  }
0x4b: {  	_ =	shalt  }
0x4c: {  	_ =	shalt  }
0x4d: {  	_ =	shalt  }
0x4e: {  	_ =	shalt  }
0x4f: {  	_ =	shalt  }
0x50: {  	_ =	shalt  }
0x51: {  	_ =	shalt  }
0x52: {  	_ =	shalt  }
0x53: {  	_ =	shalt  }
0x54: {  	_ =	shalt  }
0x55: {  	_ =	shalt  }
0x56: {  	_ =	shalt  }
0x57: {  	_ =	shalt  }
0x58: {  	_ =	shalt  }
0x59: {  	_ =	shalt  }
0x5a: {  	_ =	shalt  }
0x5b: {  	_ =	shalt  }
0x5c: {  	_ =	shalt  }
0x5d: {  	_ =	shalt  }
0x5e: {  	_ =	shalt  }
0x5f: {  	_ =	shalt  }
0x60: {  	_ =	shalt  }
0x61: {  	_ =	shalt  }
0x62: {  	_ =	shalt  }
0x63: {  	_ =	shalt  }
0x64: {  	_ =	shalt  }
0x65: {  	_ =	shalt  }
0x66: {  	_ =	shalt  }
0x67: {  	_ =	shalt  }
0x68: {  	_ =	shalt  }
0x69: {  	_ =	shalt  }
0x6a: {  	_ =	shalt  }
0x6b: {  	_ =	shalt  }
0x6c: {  	_ =	shalt  }
0x6d: {  	_ =	shalt  }
0x6e: {  	_ =	shalt  }
0x6f: {  	_ =	shalt  }
0x70: {  	_ =	shalt  }
0x71: {  	_ =	shalt  }
0x72: {  	_ =	shalt  }
0x73: {  	_ =	shalt  }
0x74: {  	_ =	shalt  }
0x75: {  	_ =	shalt  }
0x76: {  	_ =	shalt  }
0x77: {  	_ =	shalt  }
0x78: {  	_ =	shalt  }
0x79: {  	_ =	shalt  }
0x7a: {  	_ =	shalt  }
0x7b: {  	_ =	shalt  }
0x7c: {  	_ =	shalt  }
0x7d: {  	_ =	shalt  }
0x7e: {  	_ =	shalt  }
0x7f: {  	_ =	shalt  }
0x80: {  	_ =	shalt  }
0x81: {  	_ =	shalt  }
0x82: {  	_ =	shalt  }
0x83: {  	_ =	shalt  }
0x84: {  	_ =	shalt  }
0x85: {  	_ =	shalt  }
0x86: {  	_ =	shalt  }
0x87: {  	_ =	shalt  }
.Lfunc_end0:
.L_simem_size_0:
called_computation_lowered:
.L_overlay_start_0:
0x88: {  	s2 =	sld [smem:$0x3FD9]  }
0x89: {  	s3 =	sld [smem:$0x3FFE];
	_ =	sdelay $0x1  }
0x8a: {  	s1 =	srdreg.scid  }
0x8b: {  	s0 =	sand.u32 $0x1, s1  }
0x8c: {  	s18 =	sshll.u32 s0, $0xA;
	s2 =	sadd.s32 s3, s2  }
0x8d: {  	s2 =	sadd.s32 s2, s18  }
0x8e: {  	[smem:$0x3FC6] =	sst s2  }
0x8f: {  	_ = 	snop  }
0x90: {  	s2 =	sld [smem:$0x3FC9]  }
0x91: {  	s19 =	sld [smem:$0x3FC8]  }
0x92: {  	s4 =	sld [smem:$0x3FD0];
	(tm) =	ssettm $0x1  }
0x93: {  	s5 =	sld [smem:$0x3FFB];
	_ =	sdelay $0x3  }
0x94: {  	_ =	strace s5  }
0x95: {  	s5 =	sld [smem:$0x3FFC];
	_ =	sdelay $0x3  }
0x96: {  	_ =	strace s5  }
0x97: {  	s5 =	sld [smem:$0x3FFD];
	_ =	sdelay $0x3  }
0x98: {  	_ =	strace s5  }
0x99: {  	_ =	strace $0x8FFFFFFF  }
0x9a: {  	s20 =	sld [smem:$0x3FDB];
	_ =	sdelay $0x1  }
0x9b: {  	s6 =	simm.s32 $_scs_section_size  }
0x9c: {  	s7 =	simm.s32 $_size__tile_overlayer_lowered;
	s8 =	simm.s32 $_tile_overlayer_lowered  }
0x9d: {  	s23 =	simm.s32 $0x1BFF;
	s22 =	sshll.u32 s8, $0x1;
	s5 =	sadd.s32 s6, s20  }
0x9e: {  	s9 =	simm.s32 $0x0;
	s21 =	sshll.u32 s7, $0x1;
	s7 =	sadd.s32 s22, s5  }
0x9f: {  	[timem:s9], [sflag:s23] =	dma.local [hbm:s7], s21  }
0xa0: {  	_ =	swait.ge [sflag:s23], s21  }
0xa1: {  	s6 =	ssub.s32 $0x0, s21;
	[sflag:s23] =	ssyncset.done $0x0  }
0xa2: {  	[sflag:s23] =	ssyncadd.s32 s6;
	_ =	sdelay $0x1  }
0xa3: {  	s24 =	simm.s32 $0x1B8B  }
0xa4: {  	_ =	swait.ge [sflag:s24], $0x1  }
0xa5: {  	[sflag:s24] =	ssyncset.done $0x0  }
0xa6: {  	s25 =	simm.s32 $0x1B8E;
	[sflag:s24] =	ssyncadd.s32 $0xFFFFFFFF  }
0xa7: {  	s26 =	simm.s32 $execute0_lowered;
	[smem:$0x3FD2] =	sst s25  }
0xa8: {  	s6 =	sshll.u32 s26, $0x1;
	_ =	strace $0x80000046;
	[dreg:$0x1] =	wrdreg $0xFFFFFFFF  }
0xa9: {  	s28 =	simm.s32 $_size_execute0_lowered;
	s5 =	sadd.s32 s5, s6;
	[dreg:$0x0] =	wrdreg $0x0  }
0xaa: {  	s6 =	sshll.u32 s28, $0x1;
	[dreg:$0x2] =	wrdreg s5  }
0xab: {  	[dreg:$0x3] =	wrdreg s6  }
0xac: {  	[dreg:$0x4] =	wrdreg $0xC0  }
0xad: {  	_ =	task [dreg:s9], $0x5FFFF  }
0xae: {  	[dreg:$0x1] =	wrdreg $0xFFFFFFFF  }
0xaf: {  	[dreg:$0x0] =	wrdreg $0x60  }
0xb0: {  	[dreg:$0x2] =	wrdreg s2  }
0xb1: {  	[dreg:$0x3] =	wrdreg s19  }
0xb2: {  	[dreg:$0x4] =	wrdreg s4  }
0xb3: {  	[dreg:$0x5] =	wrdreg $0x9  }
0xb4: {  	_ =	task.clear_ibuf [dreg:s9], $0x6FFFF;
	_ =	strace $0x90000046  }
0xb5: {  	s29 =	simm.s32 $0x9;
	_ =	strace $0x80000048  }
0xb6: {  	_ =	swait.ge [sflag:s29], $0x1  }
0xb7: {  	[sflag:s29] =	ssyncadd.s32 $0xFFFFFFFF  }
0xb8: {  	_ =	strace $0x90000048  }
0xb9: {  	_ =	sfence  }
0xba: {  	s30 =	sld [smem:$0x0];
	_ =	sdelay $0x2  }
0xbb: {  	s31 =	sshll.u32 s1, $0xD;
	s1 =	sshrl.u32 s1, $0x2  }
0xbc: {  	s3 =	sand.u32 $0x4000, s31;
	s1 =	sadd.s32 s1, s30  }
0xbd: {  	s0 =	sor.u32 s3, s0;
	s1 =	sshll.u32 s1, $0x11  }
0xbe: {  	s0 =	sor.u32 s1, s0  }
0xbf: {  	s0 =	sadd.s32 $0x8F2B, s0  }
0xc0: {  	[sflag:s0] =	ssyncadd.remote.s32 $0x1  }
0xc1: {  	_ =	sfence.sel $0xFFFF  }
0xc2: {  	[dreg:$0x0] =	wrdreg $0xFFFFFFFF;
	(pc) =	sbr.abs _section_cstart, $3  }
0xc3: {  	[dreg:$0x1] =	wrdreg $0xFFFFFFFF  }
0xc4: {  	_ =	task.clear_ibuf [dreg:s9], $0x2FFFF;
	_ =	strace $0x9FFFFFFF  }
0xc5: {  	(tm) =	ssettm $0x7FFFFFFF  }
tec
execute0_lowered:
.L_overlay_start_1:
0x0: {  	(tag) =	ssettag $0x1  }
0x1: {  	v0 =	vimm.s32 $0xFEDCBA9  }
0x2: {  	v1 =	vimm.s32 $0x87654321;
	vm14 =	vcmask $0x300;
	v2 =	vimm.s32 $0xF  }
0x3: {  	vm13 =	vcmask $0x704;
	vm12 =	vcmask $0xB08;
	vm11 =	vcmask $0xF0C  }
0x4: {  	vm10 =	vcmask $0x1310;
	vm9 =	vcmask $0x1714;
	vm8 =	vcmask $0x1B18  }
0x5: {  	vm7 =	vcmask $0x1F1C;
	vm5 =	vcmask $0x2320;
	vm6 =	vcmask $0x2724  }
0x6: {  	vm4 =	vcmask $0x2B28;
	vm2 =	vcmask $0x2F2C;
	vm3 =	vcmask $0x3330  }
0x7: {  	vm1 =	vcmask $0x3734;
	vm0 =	vcmask $0x3B38;
	v4 =	vimm.s32 $0x98765432  }
0x8: {  	v5 =	vimm.s32 $0x10F;
	v8 =	vimm.s32 $0x210FEDCB;
	v9 =	vimm.s32 $0xA9876543  }
0x9: {  	v18 =	vimm.s32 $0x18F;
	v19 =	vimm.s32 $0x3210FEDC;
	v32 =	vimm.s32 $0xBA987654  }
0xa: {  	v35 =	vimm.s32 $0x20F;
	v37 =	vimm.s32 $0x43210FED;
	v38 =	vimm.s32 $0xCBA98765  }
0xb: {  	v42 =	vimm.s32 $0x28F;
	v14 =	vimm.s32 $0x6543210F;
	v15 =	vimm.s32 $0xEDCBA987  }
0xc: {  	v60 =	vimm.s32 $0x38F;
	v62 =	vimm.s32 $0x40F;
	v20 =	vimm.s32 $0x130F  }
0xd: {  	v21 =	vimm.s32 $0x138F;
	v22 =	vimm.s32 $0x140F;
	v23 =	vimm.s32 $0x148F  }
0xe: {  	v24 =	vimm.s32 $0x150F;
	v25 =	vimm.s32 $0x158F;
	v26 =	vimm.s32 $0x160F  }
0xf: {  	v27 =	vimm.s32 $0x168F;
	v28 =	vimm.s32 $0x170F;
	v29 =	vimm.s32 $0x180F  }
0x10: {  	v30 =	vimm.s32 $0x188F;
	v31 =	vimm.s32 $0x190F;
	v58 =	vimm.s32 $0x19181716  }
0x11: {  	v0 =	vunpack.c.l.s4.s8 v0;
	v1 =	vunpack.c.l.s4.s8 v1;
	v2 =	vsel vm14, $0x80, v2  }
0x12: {  	v4 =	vunpack.c.l.s4.s8 v4;
	v14 =	vunpack.c.l.s4.s8 v14;
	v15 =	vunpack.c.l.s4.s8 v15  }
0x13: {  	v20 =	vsel vm14, $0x1380, v20;
	v21 =	vsel vm14, $0x1400, v21;
	v22 =	vsel vm14, $0x1480, v22  }
0x14: {  	v23 =	vsel vm14, $0x1500, v23;
	v24 =	vsel vm14, $0x1580, v24;
	v25 =	vsel vm14, $0x1600, v25  }
0x15: {  	v26 =	vsel vm14, $0x1680, v26;
	v27 =	vsel vm14, $0x1700, v27;
	v28 =	vsel vm14, $0x1780, v28  }
0x16: {  	v29 =	vsel vm14, $0x1880, v29;
	v30 =	vsel vm14, $0x1900, v30;
	v2 =	vsel vm13, $0x101, v2  }
0x17: {  	v31 =	vsel vm14, $0x1980, v31;
	v20 =	vsel vm13, $0x1401, v20;
	v2 =	vsel vm12, $0x182, v2  }
0x18: {  	v0 =	vunpack.c.0.s8.s32 v0;
	v1 =	vunpack.c.0.s8.s32 v1;
	v2 =	vsel vm11, $0x203, v2  }
0x19: {  	v21 =	vsel vm13, $0x1481, v21;
	v22 =	vsel vm13, $0x1501, v22;
	v2 =	vsel vm10, $0x284, v2  }
0x1a: {  	v23 =	vsel vm13, $0x1581, v23;
	v3 =	vcombine.low v1, v0;
	v2 =	vsel vm9, $0x305, v2  }
0x1b: {  	v24 =	vsel vm13, $0x1601, v24;
	v25 =	vsel vm13, $0x1681, v25;
	v2 =	vsel vm8, $0x386, v2  }
0x1c: {  	v26 =	vsel vm13, $0x1701, v26;
	v3 =	vand.u32 $0xF, v3;
	v2 =	vsel vm7, $0x407, v2  }
0x1d: {  	v27 =	vsel vm13, $0x1781, v27;
	[tilespmem:$0x1FA80] =	vst v3;
	v3 =	vimm.s32 $0x8F;
	v2 =	vsel vm5, $0x488, v2  }
0x1e: {  	v28 =	vsel vm13, $0x1001, v28;
	v3 =	vsel vm14, $0x100, v3;
	v2 =	vsel vm6, $0x509, v2  }
0x1f: {  	v29 =	vsel vm13, $0x1901, v29;
	v3 =	vsel vm13, $0x181, v3;
	v2 =	vsel vm4, $0x58A, v2  }
0x20: {  	v30 =	vsel vm13, $0x1981, v30;
	v3 =	vsel vm12, $0x202, v3;
	v2 =	vsel vm2, $0x60B, v2  }
0x21: {  	v31 =	vsel vm13, $0x1A01, v31;
	v3 =	vsel vm11, $0x283, v3;
	v2 =	vsel vm3, $0x68C, v2  }
0x22: {  	v7 =	vunpack.c.0.s8.s32 v4;
	v3 =	vsel vm10, $0x304, v3;
	v2 =	vsel vm1, $0x70D, v2  }
0x23: {  	v45 =	vunpack.c.0.s8.s32 v14;
	v3 =	vsel vm9, $0x385, v3;
	v2 =	vsel vm0, $0x78E, v2  }
0x24: {  	v46 =	vunpack.c.0.s8.s32 v15;
	v3 =	vsel vm8, $0x406, v3;
	[tilespmem:$0x1FA90] =	vst v2;
	v2 =	vimm.s32 $0x10FEDCBA  }
0x25: {  	v4 =	vunpack.c.l.s4.s8 v8;
	v3 =	vsel vm7, $0x487, v3;
	v2 =	vunpack.c.l.s4.s8 v2  }
0x26: {  	v52 =	vcombine.low v46, v45;
	v0 =	vcombine.low v0, v1;
	v3 =	vsel vm5, $0x508, v3  }
0x27: {  	v6 =	vunpack.c.0.s8.s32 v2;
	v2 =	vsel vm6, $0x589, v3;
	v3 =	vsel vm14, $0x180, v5  }
0x28: {  	v57 =	vand.u32 $0xF, v52;
	v0 =	vand.u32 $0xF, v0;
	v3 =	vsel vm13, $0x201, v3  }
0x29: {  	v5 =	vunpack.c.l.s4.s8 v9;
	v2 =	vsel vm4, $0x60A, v2;
	v3 =	vsel vm12, $0x282, v3  }
0x2a: {  	v8 =	vcombine.low v7, v6;
	v9 =	vsel vm2, $0x68B, v2;
	v2 =	vunpack.c.0.s8.s32 v4  }
0x2b: {  	v6 =	vcombine.low v6, v7;
	v3 =	vsel vm11, $0x303, v3;
	v16 =	vsel vm3, $0x70C, v9  }
0x2c: {  	v9 =	vunpack.c.l.s4.s8 v32;
	v32 =	vimm.s32 $0xFEDCBA98;
	v10 =	vsel vm10, $0x384, v3  }
0x2d: {  	v3 =	vunpack.c.0.s8.s32 v5;
	v11 =	vand.u32 $0xF, v8;
	v5 =	vsel vm1, $0x78D, v16  }
0x2e: {  	v8 =	vunpack.c.l.s4.s8 v19;
	v6 =	vand.u32 $0xF, v6;
	v19 =	vimm.s32 $0x128F  }
0x2f: {  	v10 =	vsel vm9, $0x405, v10;
	v63 =	vsel vm0, $0xE, v5;
	v5 =	vsel vm14, $0x200, v18  }
0x30: {  	v19 =	vsel vm14, $0x1300, v19;
	v4 =	vsel vm8, $0x486, v10;
	v17 =	vcombine.low v3, v2  }
0x31: {  	v5 =	vsel vm13, $0x281, v5;
	v2 =	vcombine.low v2, v3;
	v4 =	vsel vm7, $0x507, v4  }
0x32: {  	v19 =	vsel vm13, $0x1381, v19;
	v5 =	vsel vm12, $0x302, v5;
	v4 =	vsel vm5, $0x588, v4  }
0x33: {  	v47 =	vand.u32 $0xF, v17;
	v5 =	vsel vm11, $0x383, v5;
	v2 =	vand.u32 $0xF, v2  }
0x34: {  	v4 =	vsel vm6, $0x609, v4;
	v34 =	vsel vm10, $0x404, v5;
	v5 =	vunpack.c.0.s8.s32 v9  }
0x35: {  	v9 =	vsel vm14, $0x280, v35;
	v35 =	vimm.s32 $0x58F;
	[tilespmem:$0x1F7C0] =	vst v2;
	v2 =	vimm.s32 $0x60F  }
0x36: {  	[tilespmem:$0x1FD60] =	vst v6;
	v4 =	vsel vm4, $0x68A, v4;
	v9 =	vsel vm13, $0x301, v9;
	v6 =	vsel vm14, $0x600, v35  }
0x37: {  	v2 =	vsel vm14, $0x680, v2;
	v35 =	vimm.s32 $0x1B0F;
	v4 =	vsel vm2, $0x70B, v4  }
0x38: {  	v9 =	vsel vm12, $0x382, v9;
	v6 =	vsel vm13, $0x681, v6;
	v2 =	vsel vm13, $0x701, v2  }
0x39: {  	v35 =	vsel vm14, $0x1B80, v35;
	v33 =	vsel vm3, $0x78C, v4;
	v4 =	vunpack.c.0.s8.s32 v8  }
0x3a: {  	v8 =	vsel vm9, $0x485, v34;
	v9 =	vsel vm11, $0x403, v9;
	v34 =	vimm.s32 $0x50F  }
0x3b: {  	v6 =	vsel vm12, $0x702, v6;
	v2 =	vsel vm12, $0x782, v2;
	v35 =	vsel vm13, $0x1C01, v35  }
0x3c: {  	v10 =	vsel vm1, $0xD, v33;
	v8 =	vsel vm8, $0x506, v8;
	v9 =	vsel vm10, $0x484, v9  }
0x3d: {  	v33 =	vimm.s32 $0x48F;
	v6 =	vsel vm11, $0x783, v6;
	v2 =	vsel vm11, $0x3, v2  }
0x3e: {  	[tilespmem:$0x1FAC0] =	vst v11;
	v11 =	vcombine.low v5, v4;
	v8 =	vsel vm7, $0x587, v8;
	v61 =	vsel vm0, $0x8E, v10  }
0x3f: {  	v10 =	vunpack.c.l.s4.s8 v37;
	v9 =	vsel vm9, $0x505, v9;
	v3 =	vsel vm10, $0x4, v6  }
0x40: {  	v37 =	vimm.s32 $0xB0F;
	v8 =	vsel vm5, $0x608, v8;
	v9 =	vsel vm8, $0x586, v9  }
0x41: {  	v36 =	vand.u32 $0xF, v11;
	v8 =	vsel vm6, $0x689, v8;
	v11 =	vunpack.c.l.s4.s8 v38  }
0x42: {  	v39 =	vunpack.c.0.s8.s32 v10;
	v40 =	vsel vm7, $0x607, v9;
	v38 =	vimm.s32 $0xB8F  }
0x43: {  	[tilespmem:$0x1FAB0] =	vst v36;
	v8 =	vsel vm4, $0x70A, v8;
	v10 =	vsel vm5, $0x688, v40;
	v36 =	vimm.s32 $0xA8F  }
0x44: {  	v6 =	vsel vm14, $0xC00, v38;
	v40 =	vimm.s32 $0xC8F;
	v38 =	vimm.s32 $0x1C8F  }
0x45: {  	v8 =	vsel vm2, $0x78B, v8;
	v41 =	vunpack.c.0.s8.s32 v11;
	v10 =	vsel vm6, $0x709, v10  }
0x46: {  	v11 =	vsel vm14, $0x300, v42;
	v42 =	vimm.s32 $0xD8F;
	v38 =	vsel vm14, $0x1D00, v38  }
0x47: {  	v6 =	vsel vm13, $0xC81, v6;
	v12 =	vsel vm3, $0xC, v8;
	v10 =	vsel vm4, $0x78A, v10  }
0x48: {  	v11 =	vsel vm13, $0x381, v11;
	v8 =	vsel vm14, $0xD00, v40;
	v40 =	vimm.s32 $0x1D8F  }
0x49: {  	v38 =	vsel vm13, $0x1D81, v38;
	v12 =	vsel vm1, $0x8D, v12;
	v13 =	vcombine.low v41, v39  }
0x4a: {  	v10 =	vsel vm2, $0xB, v10;
	v11 =	vsel vm12, $0x402, v11;
	v40 =	vsel vm14, $0x1E00, v40  }
0x4b: {  	v8 =	vsel vm13, $0xD81, v8;
	v12 =	vsel vm0, $0x10E, v12;
	v10 =	vsel vm3, $0x8C, v10  }
0x4c: {  	v11 =	vsel vm11, $0x483, v11;
	v40 =	vsel vm13, $0x1E81, v40;
	v53 =	vand.u32 $0xF, v13  }
0x4d: {  	[tilespmem:$0x1FAD0] =	vst v12;
	v10 =	vsel vm1, $0x10D, v10;
	v11 =	vsel vm10, $0x504, v11;
	v12 =	vimm.s32 $0x30F  }
0x4e: {  	v13 =	vimm.s32 $0xDCBA9876;
	v54 =	vsel vm0, $0x18E, v10;
	v43 =	vsel vm9, $0x585, v11  }
0x4f: {  	v44 =	vsel vm14, $0x380, v12;
	v12 =	vimm.s32 $0x543210FE;
	v13 =	vunpack.c.l.s4.s8 v13  }
0x50: {  	v10 =	vsel vm8, $0x606, v43;
	v11 =	vsel vm13, $0x401, v44;
	v12 =	vunpack.c.l.s4.s8 v12  }
0x51: {  	v10 =	vsel vm7, $0x687, v10;
	v11 =	vsel vm12, $0x482, v11;
	v13 =	vunpack.c.0.s8.s32 v13  }
0x52: {  	v10 =	vsel vm5, $0x708, v10;
	v11 =	vsel vm11, $0x503, v11;
	v12 =	vunpack.c.0.s8.s32 v12  }
0x53: {  	v43 =	vimm.s32 $0xE0F;
	v10 =	vsel vm6, $0x789, v10;
	v11 =	vsel vm10, $0x584, v11  }
0x54: {  	v10 =	vsel vm4, $0xA, v10;
	v11 =	vsel vm9, $0x605, v11;
	v16 =	vcombine.low v13, v12  }
0x55: {  	v44 =	vimm.s32 $0x110F;
	v10 =	vsel vm2, $0x8B, v10;
	v11 =	vsel vm8, $0x686, v11  }
0x56: {  	v11 =	vsel vm7, $0x707, v11;
	v17 =	vsel vm3, $0x10C, v10;
	v55 =	vand.u32 $0xF, v16  }
0x57: {  	v16 =	vsel vm14, $0x480, v62;
	v10 =	vsel vm14, $0xE00, v42;
	v42 =	vimm.s32 $0x1E8F  }
0x58: {  	v11 =	vsel vm5, $0x788, v11;
	v15 =	vsel vm1, $0x18D, v17;
	v17 =	vunpack.c.l.s4.s8 v32  }
0x59: {  	v16 =	vsel vm13, $0x501, v16;
	v32 =	vimm.s32 $0x198F;
	v42 =	vsel vm14, $0x1F00, v42  }
0x5a: {  	v10 =	vsel vm13, $0xE81, v10;
	v18 =	vsel vm6, $0x9, v11;
	v56 =	vsel vm0, $0x20E, v15  }
0x5b: {  	v15 =	vsel vm14, $0x400, v60;
	v16 =	vsel vm12, $0x582, v16;
	v14 =	vsel vm4, $0x8A, v18  }
0x5c: {  	v11 =	vsel vm14, $0xE80, v43;
	v32 =	vsel vm14, $0x1A00, v32;
	v14 =	vsel vm2, $0x10B, v14  }
0x5d: {  	v43 =	vimm.s32 $0x1F0F;
	v42 =	vsel vm13, $0x1F81, v42;
	v14 =	vsel vm3, $0x18C, v14  }
0x5e: {  	v17 =	vunpack.c.0.s8.s32 v17;
	v16 =	vsel vm11, $0x603, v16;
	v14 =	vsel vm1, $0x20D, v14  }
0x5f: {  	v48 =	vsel vm0, $0x28E, v14;
	v14 =	vsel vm13, $0x481, v15;
	v15 =	vimm.s32 $0x76543210  }
0x60: {  	v43 =	vsel vm14, $0x1F80, v43;
	v14 =	vsel vm12, $0x502, v14;
	v15 =	vunpack.c.l.s4.s8 v15  }
0x61: {  	v11 =	vsel vm13, $0xF01, v11;
	v32 =	vsel vm13, $0x1A81, v32;
	v14 =	vsel vm11, $0x583, v14  }
0x62: {  	v16 =	vsel vm10, $0x684, v16;
	v14 =	vsel vm10, $0x604, v14;
	v15 =	vunpack.c.0.s8.s32 v15  }
0x63: {  	v43 =	vsel vm13, $0x1801, v43;
	v17 =	vand.u32 $0xF, v17;
	v14 =	vsel vm9, $0x685, v14  }
0x64: {  	v16 =	vsel vm9, $0x705, v16;
	v14 =	vsel vm8, $0x706, v14;
	v59 =	vcombine.low v17, v15  }
0x65: {  	v15 =	vsel vm8, $0x786, v16;
	v16 =	vsel vm14, $0x500, v33;
	v14 =	vsel vm7, $0x787, v14  }
0x66: {  	v33 =	vimm.s32 $0x1A0F;
	v15 =	vsel vm7, $0x7, v15;
	v14 =	vsel vm5, $0x8, v14  }
0x67: {  	v16 =	vsel vm13, $0x581, v16;
	v15 =	vsel vm5, $0x88, v15;
	v14 =	vsel vm6, $0x89, v14  }
0x68: {  	v33 =	vsel vm14, $0x1A80, v33;
	v15 =	vsel vm6, $0x109, v15;
	v14 =	vsel vm4, $0x10A, v14  }
0x69: {  	v16 =	vsel vm12, $0x602, v16;
	v15 =	vsel vm4, $0x18A, v15;
	v14 =	vsel vm2, $0x18B, v14  }
0x6a: {  	v33 =	vsel vm13, $0x1B01, v33;
	v1 =	vsel vm2, $0x20B, v15;
	v14 =	vsel vm3, $0x20C, v14  }
0x6b: {  	v15 =	vsel vm11, $0x683, v16;
	v16 =	vsel vm14, $0x1180, v44;
	v14 =	vsel vm1, $0x28D, v14  }
0x6c: {  	v1 =	vsel vm3, $0x28C, v1;
	v60 =	vsel vm0, $0x30E, v14;
	v14 =	vsel vm10, $0x704, v15  }
0x6d: {  	[tilespmem:$0x1FAA0] =	vst v0;
	v16 =	vsel vm13, $0x1201, v16;
	v0 =	vsel vm1, $0x30D, v1;
	v1 =	vsel vm9, $0x785, v14  }
0x6e: {  	v62 =	vsel vm0, $0x38E, v0;
	v15 =	vimm.s32 $0x108F;
	v1 =	vsel vm8, $0x6, v1  }
0x6f: {  	v14 =	vimm.s32 $0x100F;
	v0 =	vsel vm7, $0x87, v1;
	v1 =	vsel vm14, $0x580, v34  }
0x70: {  	v15 =	vsel vm14, $0x1100, v15;
	v0 =	vsel vm5, $0x108, v0;
	v1 =	vsel vm13, $0x601, v1  }
0x71: {  	v14 =	vsel vm14, $0x1080, v14;
	v0 =	vsel vm6, $0x189, v0;
	v1 =	vsel vm12, $0x682, v1  }
0x72: {  	v15 =	vsel vm13, $0x1181, v15;
	v0 =	vsel vm4, $0x20A, v0;
	v1 =	vsel vm11, $0x703, v1  }
0x73: {  	v34 =	vimm.s32 $0x1A8F;
	v0 =	vsel vm2, $0x28B, v0;
	v1 =	vsel vm10, $0x784, v1  }
0x74: {  	v14 =	vsel vm13, $0x1101, v14;
	v0 =	vsel vm3, $0x30C, v0;
	v1 =	vsel vm9, $0x5, v1  }
0x75: {  	v34 =	vsel vm14, $0x1B00, v34;
	v0 =	vsel vm1, $0x38D, v0;
	v1 =	vsel vm8, $0x86, v1  }
0x76: {  	v34 =	vsel vm13, $0x1B81, v34;
	v1 =	vsel vm7, $0x107, v1;
	v0 =	vsel vm0, $0x40E, v0  }
0x77: {  	[tilespmem:$0x1F7B0] =	vst v0;
	v0 =	vsel vm5, $0x188, v1;
	v1 =	vsel vm9, $0x85, v3;
	v3 =	vcombine.low v4, v5  }
0x78: {  	v4 =	vsel vm14, $0xB00, v36;
	v5 =	vsel vm14, $0xB80, v37;
	v36 =	vimm.s32 $0x1B8F  }
0x79: {  	v37 =	vimm.s32 $0x1C0F;
	v0 =	vsel vm6, $0x209, v0;
	v1 =	vsel vm8, $0x106, v1  }
0x7a: {  	v36 =	vsel vm14, $0x1C00, v36;
	v0 =	vsel vm4, $0x28A, v0;
	v1 =	vsel vm7, $0x187, v1  }
0x7b: {  	v37 =	vsel vm14, $0x1C80, v37;
	v0 =	vsel vm2, $0x30B, v0;
	v1 =	vsel vm5, $0x208, v1  }
0x7c: {  	v4 =	vsel vm13, $0xB81, v4;
	v0 =	vsel vm3, $0x38C, v0;
	v1 =	vsel vm6, $0x289, v1  }
0x7d: {  	v5 =	vsel vm13, $0xC01, v5;
	v0 =	vsel vm1, $0x40D, v0;
	v1 =	vsel vm4, $0x30A, v1  }
0x7e: {  	v36 =	vsel vm13, $0x1C81, v36;
	v1 =	vsel vm2, $0x38B, v1;
	v0 =	vsel vm0, $0x48E, v0  }
0x7f: {  	v37 =	vsel vm13, $0x1D01, v37;
	[tilespmem:$0x1F7D0] =	vst v0;
	v0 =	vsel vm3, $0x40C, v1;
	v1 =	vsel vm10, $0x84, v2  }
0x80: {  	v2 =	vand.u32 $0xF, v3;
	v3 =	vimm.s32 $0x68F;
	v0 =	vsel vm1, $0x48D, v0  }
0x81: {  	[tilespmem:$0x1F7E0] =	vst v2;
	v1 =	vsel vm9, $0x105, v1;
	v2 =	vcombine.low v39, v41;
	v39 =	vimm.s32 $0xC0F  }
0x82: {  	v41 =	vimm.s32 $0xD0F;
	v1 =	vsel vm8, $0x186, v1;
	v0 =	vsel vm0, $0x50E, v0  }
0x83: {  	v7 =	vsel vm14, $0xC80, v39;
	v9 =	vsel vm14, $0xD80, v41;
	v39 =	vimm.s32 $0x1D0F  }
0x84: {  	v41 =	vimm.s32 $0x1E0F;
	[tilespmem:$0x1F7F0] =	vst v0;
	v0 =	vsel vm7, $0x207, v1;
	v1 =	vsel vm14, $0x700, v3  }
0x85: {  	v2 =	vand.u32 $0xF, v2;
	v3 =	vcombine.low v12, v13;
	v12 =	vimm.s32 $0xE8F  }
0x86: {  	v13 =	vimm.s32 $0xF0F;
	v39 =	vsel vm14, $0x1D80, v39;
	v41 =	vsel vm14, $0x1E80, v41  }
0x87: {  	v7 =	vsel vm13, $0xD01, v7;
	v9 =	vsel vm13, $0xE01, v9;
	v0 =	vsel vm5, $0x288, v0  }
0x88: {  	[tilespmem:$0x1F800] =	vst v2;
	v1 =	vsel vm13, $0x781, v1;
	v2 =	vimm.s32 $0x70F;
	v12 =	vsel vm14, $0xF00, v12  }
0x89: {  	v13 =	vsel vm14, $0xF80, v13;
	v0 =	vsel vm6, $0x309, v0;
	v1 =	vsel vm12, $0x2, v1  }
0x8a: {  	v2 =	vsel vm14, $0x780, v2;
	v0 =	vsel vm4, $0x38A, v0;
	v1 =	vsel vm11, $0x83, v1  }
0x8b: {  	v2 =	vsel vm13, $0x1, v2;
	v0 =	vsel vm2, $0x40B, v0;
	v1 =	vsel vm10, $0x104, v1  }
0x8c: {  	v2 =	vsel vm12, $0x82, v2;
	v0 =	vsel vm3, $0x48C, v0;
	v1 =	vsel vm9, $0x185, v1  }
0x8d: {  	v2 =	vsel vm11, $0x103, v2;
	v0 =	vsel vm1, $0x50D, v0;
	v1 =	vsel vm8, $0x206, v1  }
0x8e: {  	v2 =	vsel vm10, $0x184, v2;
	v1 =	vsel vm7, $0x287, v1;
	v0 =	vsel vm0, $0x58E, v0  }
0x8f: {  	v39 =	vsel vm13, $0x1E01, v39;
	[tilespmem:$0x1F810] =	vst v0;
	v0 =	vsel vm5, $0x308, v1;
	v1 =	vsel vm9, $0x205, v2  }
0x90: {  	v41 =	vsel vm13, $0x1F01, v41;
	v0 =	vsel vm6, $0x389, v0;
	v1 =	vsel vm8, $0x286, v1  }
0x91: {  	v12 =	vsel vm13, $0xF81, v12;
	v0 =	vsel vm4, $0x40A, v0;
	v1 =	vsel vm7, $0x307, v1  }
0x92: {  	v13 =	vsel vm13, $0x801, v13;
	v0 =	vsel vm2, $0x48B, v0;
	v1 =	vsel vm5, $0x388, v1  }
0x93: {  	v2 =	vand.u32 $0xF, v3;
	v0 =	vsel vm3, $0x50C, v0;
	v1 =	vsel vm6, $0x409, v1  }
0x94: {  	[tilespmem:$0x1F820] =	vst v2;
	v2 =	vimm.s32 $0x80F;
	v0 =	vsel vm1, $0x58D, v0;
	v1 =	vsel vm4, $0x48A, v1  }
0x95: {  	v2 =	vsel vm14, $0x880, v2;
	v1 =	vsel vm2, $0x50B, v1;
	v0 =	vsel vm0, $0x60E, v0  }
0x96: {  	v3 =	vcombine.low v45, v46;
	v2 =	vsel vm13, $0x901, v2;
	[tilespmem:$0x1F830] =	vst v0;
	v0 =	vsel vm3, $0x58C, v1  }
0x97: {  	v45 =	vimm.s32 $0x118F;
	v2 =	vsel vm12, $0x982, v2;
	v0 =	vsel vm1, $0x60D, v0  }
0x98: {  	v46 =	vimm.s32 $0x120F;
	v2 =	vsel vm11, $0xA03, v2;
	v0 =	vsel vm0, $0x68E, v0  }
0x99: {  	v17 =	vsel vm14, $0x1200, v45;
	v1 =	vsel vm10, $0xA84, v2;
	[tilespmem:$0x1F850] =	vst v0;
	v0 =	vimm.s32 $0x1C1B1A19  }
0x9a: {  	v18 =	vsel vm14, $0x1280, v46;
	v1 =	vsel vm9, $0xB05, v1;
	v0 =	vunpack.c.0.s8.s32 v0  }
0x9b: {  	v45 =	vunpack.c.0.s8.s32 v58;
	v58 =	vsel vm12, $0x1882, v43;
	v1 =	vsel vm8, $0xB86, v1  }
0x9c: {  	v46 =	vimm.s32 $0x1E1D1C1B;
	v1 =	vsel vm7, $0xC07, v1;
	[tilespmem:$0x1FCA0] =	vst v0;
	v0 =	vimm.s32 $0x101F1E1D  }
0x9d: {  	v17 =	vsel vm13, $0x1281, v17;
	v49 =	vunpack.c.0.s8.s32 v0;
	v0 =	vsel vm5, $0xC88, v1  }
0x9e: {  	v18 =	vsel vm13, $0x1301, v18;
	v1 =	vimm.s32 $0x88F;
	v0 =	vsel vm6, $0xD09, v0  }
0x9f: {  	v43 =	vunpack.c.0.s8.s32 v46;
	v1 =	vsel vm14, $0x900, v1;
	v0 =	vsel vm4, $0xD8A, v0  }
0xa0: {  	v2 =	vand.u32 $0xF, v3;
	v1 =	vsel vm13, $0x981, v1;
	v0 =	vsel vm2, $0xE0B, v0  }
0xa1: {  	[tilespmem:$0x1F840] =	vst v2;
	v2 =	vimm.s32 $0x14131211;
	v1 =	vsel vm12, $0xA02, v1;
	v0 =	vsel vm3, $0xE8C, v0  }
0xa2: {  	v50 =	vunpack.c.0.s8.s32 v2;
	v1 =	vsel vm11, $0xA83, v1;
	v0 =	vsel vm1, $0xF0D, v0  }
0xa3: {  	v2 =	vimm.s32 $0x18171615;
	v1 =	vsel vm10, $0xB04, v1;
	v0 =	vsel vm0, $0xF8E, v0  }
0xa4: {  	v51 =	vunpack.c.0.s8.s32 v2;
	v2 =	vimm.s32 $0x90F;
	[tilespmem:$0x1F860] =	vst v0;
	v0 =	vsel vm9, $0xB85, v1  }
0xa5: {  	v46 =	vimm.s32 $0x16151413;
	v1 =	vsel vm14, $0x980, v2;
	v0 =	vsel vm8, $0xC06, v0  }
0xa6: {  	v3 =	vimm.s32 $0xA0F;
	v1 =	vsel vm13, $0xA01, v1;
	v0 =	vsel vm7, $0xC87, v0  }
0xa7: {  	v2 =	vimm.s32 $0x1D1C1B1A;
	v1 =	vsel vm12, $0xA82, v1;
	v0 =	vsel vm5, $0xD08, v0  }
0xa8: {  	v52 =	vunpack.c.0.s8.s32 v2;
	v1 =	vsel vm11, $0xB03, v1;
	v0 =	vsel vm6, $0xD89, v0  }
0xa9: {  	v2 =	vimm.s32 $0x11101F1E;
	v1 =	vsel vm10, $0xB84, v1;
	v0 =	vsel vm4, $0xE0A, v0  }
0xaa: {  	v2 =	vunpack.c.0.s8.s32 v2;
	v1 =	vsel vm9, $0xC05, v1;
	v0 =	vsel vm2, $0xE8B, v0  }
0xab: {  	v3 =	vsel vm14, $0xA80, v3;
	v1 =	vsel vm8, $0xC86, v1;
	v0 =	vsel vm3, $0xF0C, v0  }
0xac: {  	[tilespmem:$0x1FCF0] =	vst v2;
	v2 =	vimm.s32 $0x98F;
	v1 =	vsel vm7, $0xD07, v1;
	v0 =	vsel vm1, $0xF8D, v0  }
0xad: {  	v2 =	vsel vm14, $0xA00, v2;
	v1 =	vsel vm5, $0xD88, v1;
	v0 =	vsel vm0, $0x80E, v0  }
0xae: {  	v3 =	vsel vm13, $0xB01, v3;
	v2 =	vsel vm13, $0xA81, v2;
	[tilespmem:$0x1F870] =	vst v0;
	v0 =	vsel vm6, $0xE09, v1  }
0xaf: {  	v1 =	vsel vm12, $0xB02, v2;
	v2 =	vsel vm12, $0xB82, v3;
	v3 =	vsel vm12, $0xC02, v4  }
0xb0: {  	v4 =	vsel vm12, $0xC82, v5;
	v5 =	vsel vm12, $0xD02, v6;
	v6 =	vsel vm12, $0xD82, v7  }
0xb1: {  	v7 =	vsel vm12, $0xE02, v8;
	v8 =	vsel vm12, $0xE82, v9;
	v9 =	vsel vm12, $0xF02, v10  }
0xb2: {  	v10 =	vsel vm12, $0xF82, v11;
	v11 =	vsel vm12, $0x802, v12;
	v12 =	vsel vm12, $0x882, v13  }
0xb3: {  	v13 =	vsel vm12, $0x1182, v14;
	v14 =	vsel vm12, $0x1202, v15;
	v15 =	vsel vm12, $0x1282, v16  }
0xb4: {  	v16 =	vsel vm12, $0x1302, v17;
	v17 =	vsel vm12, $0x1382, v18;
	v18 =	vsel vm12, $0x1402, v19  }
0xb5: {  	v19 =	vsel vm12, $0x1482, v20;
	v20 =	vsel vm12, $0x1502, v21;
	v21 =	vsel vm12, $0x1582, v22  }
0xb6: {  	v22 =	vsel vm12, $0x1602, v23;
	v23 =	vsel vm12, $0x1682, v24;
	v24 =	vsel vm12, $0x1702, v25  }
0xb7: {  	v25 =	vsel vm12, $0x1782, v26;
	v26 =	vsel vm12, $0x1002, v27;
	v27 =	vsel vm12, $0x1082, v28  }
0xb8: {  	v28 =	vsel vm12, $0x1982, v29;
	v29 =	vsel vm12, $0x1A02, v30;
	v30 =	vsel vm12, $0x1A82, v31  }
0xb9: {  	v31 =	vsel vm12, $0x1B02, v32;
	v32 =	vsel vm12, $0x1B82, v33;
	v33 =	vsel vm12, $0x1C02, v34  }
0xba: {  	v34 =	vsel vm12, $0x1C82, v35;
	v35 =	vsel vm12, $0x1D02, v36;
	v36 =	vsel vm12, $0x1D82, v37  }
0xbb: {  	v37 =	vsel vm12, $0x1E02, v38;
	v38 =	vsel vm12, $0x1E82, v39;
	v39 =	vsel vm12, $0x1F02, v40  }
0xbc: {  	v40 =	vsel vm12, $0x1F82, v41;
	v41 =	vsel vm12, $0x1802, v42;
	v42 =	vsel vm11, $0x1903, v58  }
0xbd: {  	v58 =	vimm.s32 $0x1211101F;
	v0 =	vsel vm4, $0xE8A, v0;
	v1 =	vsel vm11, $0xB83, v1  }
0xbe: {  	v2 =	vsel vm11, $0xC03, v2;
	v3 =	vsel vm11, $0xC83, v3;
	v4 =	vsel vm11, $0xD03, v4  }
0xbf: {  	v5 =	vsel vm11, $0xD83, v5;
	v6 =	vsel vm11, $0xE03, v6;
	v7 =	vsel vm11, $0xE83, v7  }
0xc0: {  	v8 =	vsel vm11, $0xF03, v8;
	v9 =	vsel vm11, $0xF83, v9;
	v10 =	vsel vm11, $0x803, v10  }
0xc1: {  	v11 =	vsel vm11, $0x883, v11;
	v12 =	vsel vm11, $0x903, v12;
	v13 =	vsel vm11, $0x1203, v13  }
0xc2: {  	v14 =	vsel vm11, $0x1283, v14;
	v15 =	vsel vm11, $0x1303, v15;
	v16 =	vsel vm11, $0x1383, v16  }
0xc3: {  	v17 =	vsel vm11, $0x1403, v17;
	v18 =	vsel vm11, $0x1483, v18;
	v19 =	vsel vm11, $0x1503, v19  }
0xc4: {  	v20 =	vsel vm11, $0x1583, v20;
	v21 =	vsel vm11, $0x1603, v21;
	v22 =	vsel vm11, $0x1683, v22  }
0xc5: {  	v23 =	vsel vm11, $0x1703, v23;
	v24 =	vsel vm11, $0x1783, v24;
	v25 =	vsel vm11, $0x1003, v25  }
0xc6: {  	v26 =	vsel vm11, $0x1083, v26;
	v27 =	vsel vm11, $0x1103, v27;
	v28 =	vsel vm11, $0x1A03, v28  }
0xc7: {  	v29 =	vsel vm11, $0x1A83, v29;
	v30 =	vsel vm11, $0x1B03, v30;
	v31 =	vsel vm11, $0x1B83, v31  }
0xc8: {  	v32 =	vsel vm11, $0x1C03, v32;
	v33 =	vsel vm11, $0x1C83, v33;
	v34 =	vsel vm11, $0x1D03, v34  }
0xc9: {  	v35 =	vsel vm11, $0x1D83, v35;
	v36 =	vsel vm11, $0x1E03, v36;
	v37 =	vsel vm11, $0x1E83, v37  }
0xca: {  	v38 =	vsel vm11, $0x1F03, v38;
	v39 =	vsel vm11, $0x1F83, v39;
	v40 =	vsel vm11, $0x1803, v40  }
0xcb: {  	[tilespmem:$0x1F880] =	vst v43;
	v41 =	vsel vm11, $0x1883, v41;
	v43 =	vunpack.c.0.s8.s32 v58;
	v42 =	vsel vm10, $0x1984, v42  }
0xcc: {  	v58 =	vimm.s32 $0x1A191817;
	v0 =	vsel vm2, $0xF0B, v0;
	v1 =	vsel vm10, $0xC04, v1  }
0xcd: {  	v2 =	vsel vm10, $0xC84, v2;
	v3 =	vsel vm10, $0xD04, v3;
	v4 =	vsel vm10, $0xD84, v4  }
0xce: {  	v5 =	vsel vm10, $0xE04, v5;
	v6 =	vsel vm10, $0xE84, v6;
	v7 =	vsel vm10, $0xF04, v7  }
0xcf: {  	v8 =	vsel vm10, $0xF84, v8;
	v9 =	vsel vm10, $0x804, v9;
	v10 =	vsel vm10, $0x884, v10  }
0xd0: {  	v11 =	vsel vm10, $0x904, v11;
	v12 =	vsel vm10, $0x984, v12;
	v13 =	vsel vm10, $0x1284, v13  }
0xd1: {  	v14 =	vsel vm10, $0x1304, v14;
	v15 =	vsel vm10, $0x1384, v15;
	v16 =	vsel vm10, $0x1404, v16  }
0xd2: {  	v17 =	vsel vm10, $0x1484, v17;
	v18 =	vsel vm10, $0x1504, v18;
	v19 =	vsel vm10, $0x1584, v19  }
0xd3: {  	v20 =	vsel vm10, $0x1604, v20;
	v21 =	vsel vm10, $0x1684, v21;
	v22 =	vsel vm10, $0x1704, v22  }
0xd4: {  	v23 =	vsel vm10, $0x1784, v23;
	v24 =	vsel vm10, $0x1004, v24;
	v25 =	vsel vm10, $0x1084, v25  }
0xd5: {  	v26 =	vsel vm10, $0x1104, v26;
	v27 =	vsel vm10, $0x1184, v27;
	v28 =	vsel vm10, $0x1A84, v28  }
0xd6: {  	v29 =	vsel vm10, $0x1B04, v29;
	v30 =	vsel vm10, $0x1B84, v30;
	v31 =	vsel vm10, $0x1C04, v31  }
0xd7: {  	v32 =	vsel vm10, $0x1C84, v32;
	v33 =	vsel vm10, $0x1D04, v33;
	v34 =	vsel vm10, $0x1D84, v34  }
0xd8: {  	v35 =	vsel vm10, $0x1E04, v35;
	v36 =	vsel vm10, $0x1E84, v36;
	v37 =	vsel vm10, $0x1F04, v37  }
0xd9: {  	v38 =	vsel vm10, $0x1F84, v38;
	v39 =	vsel vm10, $0x1804, v39;
	v40 =	vsel vm10, $0x1884, v40  }
0xda: {  	v41 =	vsel vm10, $0x1904, v41;
	v42 =	vsel vm9, $0x1A05, v42;
	[tilespmem:$0x1F890] =	vst v43;
	v43 =	vunpack.c.0.s8.s32 v46  }
0xdb: {  	v0 =	vsel vm3, $0xF8C, v0;
	v1 =	vsel vm9, $0xC85, v1;
	v2 =	vsel vm9, $0xD05, v2  }
0xdc: {  	v3 =	vsel vm9, $0xD85, v3;
	v4 =	vsel vm9, $0xE05, v4;
	v5 =	vsel vm9, $0xE85, v5  }
0xdd: {  	v6 =	vsel vm9, $0xF05, v6;
	v7 =	vsel vm9, $0xF85, v7;
	v8 =	vsel vm9, $0x805, v8  }
0xde: {  	v9 =	vsel vm9, $0x885, v9;
	v10 =	vsel vm9, $0x905, v10;
	v11 =	vsel vm9, $0x985, v11  }
0xdf: {  	v12 =	vsel vm9, $0xA05, v12;
	v13 =	vsel vm9, $0x1305, v13;
	v14 =	vsel vm9, $0x1385, v14  }
0xe0: {  	v15 =	vsel vm9, $0x1405, v15;
	v16 =	vsel vm9, $0x1485, v16;
	v17 =	vsel vm9, $0x1505, v17  }
0xe1: {  	v18 =	vsel vm9, $0x1585, v18;
	v19 =	vsel vm9, $0x1605, v19;
	v20 =	vsel vm9, $0x1685, v20  }
0xe2: {  	v21 =	vsel vm9, $0x1705, v21;
	v22 =	vsel vm9, $0x1785, v22;
	v23 =	vsel vm9, $0x1005, v23  }
0xe3: {  	v24 =	vsel vm9, $0x1085, v24;
	v25 =	vsel vm9, $0x1105, v25;
	v26 =	vsel vm9, $0x1185, v26  }
0xe4: {  	v27 =	vsel vm9, $0x1205, v27;
	v28 =	vsel vm9, $0x1B05, v28;
	v29 =	vsel vm9, $0x1B85, v29  }
0xe5: {  	v30 =	vsel vm9, $0x1C05, v30;
	v31 =	vsel vm9, $0x1C85, v31;
	v32 =	vsel vm9, $0x1D05, v32  }
0xe6: {  	v33 =	vsel vm9, $0x1D85, v33;
	v34 =	vsel vm9, $0x1E05, v34;
	v35 =	vsel vm9, $0x1E85, v35  }
0xe7: {  	v36 =	vsel vm9, $0x1F05, v36;
	v37 =	vsel vm9, $0x1F85, v37;
	v38 =	vsel vm9, $0x1805, v38  }
0xe8: {  	v39 =	vsel vm9, $0x1885, v39;
	v40 =	vsel vm9, $0x1905, v40;
	v41 =	vsel vm9, $0x1985, v41  }
0xe9: {  	v42 =	vsel vm8, $0x1A86, v42;
	v46 =	vimm.s32 $0x1F1E1D1C;
	v0 =	vsel vm1, $0x80D, v0  }
0xea: {  	v1 =	vsel vm8, $0xD06, v1;
	v2 =	vsel vm8, $0xD86, v2;
	v3 =	vsel vm8, $0xE06, v3  }
0xeb: {  	v4 =	vsel vm8, $0xE86, v4;
	v5 =	vsel vm8, $0xF06, v5;
	v6 =	vsel vm8, $0xF86, v6  }
0xec: {  	v7 =	vsel vm8, $0x806, v7;
	v8 =	vsel vm8, $0x886, v8;
	v9 =	vsel vm8, $0x906, v9  }
0xed: {  	v10 =	vsel vm8, $0x986, v10;
	v11 =	vsel vm8, $0xA06, v11;
	v12 =	vsel vm8, $0xA86, v12  }
0xee: {  	v13 =	vsel vm8, $0x1386, v13;
	v14 =	vsel vm8, $0x1406, v14;
	v15 =	vsel vm8, $0x1486, v15  }
0xef: {  	v16 =	vsel vm8, $0x1506, v16;
	v17 =	vsel vm8, $0x1586, v17;
	v18 =	vsel vm8, $0x1606, v18  }
0xf0: {  	v19 =	vsel vm8, $0x1686, v19;
	v20 =	vsel vm8, $0x1706, v20;
	v21 =	vsel vm8, $0x1786, v21  }
0xf1: {  	v22 =	vsel vm8, $0x1006, v22;
	v23 =	vsel vm8, $0x1086, v23;
	v24 =	vsel vm8, $0x1106, v24  }
0xf2: {  	v25 =	vsel vm8, $0x1186, v25;
	v26 =	vsel vm8, $0x1206, v26;
	v27 =	vsel vm8, $0x1286, v27  }
0xf3: {  	v28 =	vsel vm8, $0x1B86, v28;
	v29 =	vsel vm8, $0x1C06, v29;
	v30 =	vsel vm8, $0x1C86, v30  }
0xf4: {  	v31 =	vsel vm8, $0x1D06, v31;
	v32 =	vsel vm8, $0x1D86, v32;
	v33 =	vsel vm8, $0x1E06, v33  }
0xf5: {  	v34 =	vsel vm8, $0x1E86, v34;
	v35 =	vsel vm8, $0x1F06, v35;
	v36 =	vsel vm8, $0x1F86, v36  }
0xf6: {  	v37 =	vsel vm8, $0x1806, v37;
	v38 =	vsel vm8, $0x1886, v38;
	v39 =	vsel vm8, $0x1906, v39  }
0xf7: {  	v40 =	vsel vm8, $0x1986, v40;
	v41 =	vsel vm8, $0x1A06, v41;
	[tilespmem:$0x1F8A0] =	vst v43;
	v0 =	vsel vm0, $0x88E, v0  }
0xf8: {  	v43 =	vunpack.c.0.s8.s32 v58;
	[tilespmem:$0x1F8C0] =	vst v0;
	v0 =	vunpack.c.0.s8.s32 v46;
	v46 =	vimm.s32 $0x13121110  }
0xf9: {  	v58 =	vsel vm7, $0x1B07, v42;
	v42 =	vunpack.c.0.s8.s32 v46;
	v46 =	vimm.s32 $0x1B1A1918  }
0xfa: {  	[tilespmem:$0x1F8D0] =	vst v0;
	v0 =	vsel vm7, $0xD87, v1;
	v1 =	vsel vm7, $0xE07, v2;
	v2 =	vsel vm7, $0xE87, v3  }
0xfb: {  	v3 =	vsel vm7, $0xF07, v4;
	v4 =	vsel vm7, $0xF87, v5;
	v5 =	vsel vm7, $0x807, v6  }
0xfc: {  	v6 =	vsel vm7, $0x887, v7;
	v7 =	vsel vm7, $0x907, v8;
	v8 =	vsel vm7, $0x987, v9  }
0xfd: {  	v9 =	vsel vm7, $0xA07, v10;
	v10 =	vsel vm7, $0xA87, v11;
	v11 =	vsel vm7, $0xB07, v12  }
0xfe: {  	v12 =	vsel vm7, $0x1407, v13;
	v13 =	vsel vm7, $0x1487, v14;
	v14 =	vsel vm7, $0x1507, v15  }
0xff: {  	v15 =	vsel vm7, $0x1587, v16;
	v16 =	vsel vm7, $0x1607, v17;
	v17 =	vsel vm7, $0x1687, v18  }
0x100: {  	v18 =	vsel vm7, $0x1707, v19;
	v19 =	vsel vm7, $0x1787, v20;
	v20 =	vsel vm7, $0x1007, v21  }
0x101: {  	v21 =	vsel vm7, $0x1087, v22;
	v22 =	vsel vm7, $0x1107, v23;
	v23 =	vsel vm7, $0x1187, v24  }
0x102: {  	v24 =	vsel vm7, $0x1207, v25;
	v25 =	vsel vm7, $0x1287, v26;
	v26 =	vsel vm7, $0x1307, v27  }
0x103: {  	v27 =	vsel vm7, $0x1C07, v28;
	v28 =	vsel vm7, $0x1C87, v29;
	v29 =	vsel vm7, $0x1D07, v30  }
0x104: {  	v30 =	vsel vm7, $0x1D87, v31;
	v31 =	vsel vm7, $0x1E07, v32;
	v32 =	vsel vm7, $0x1E87, v33  }
0x105: {  	v33 =	vsel vm7, $0x1F07, v34;
	v34 =	vsel vm7, $0x1F87, v35;
	v35 =	vsel vm7, $0x1807, v36  }
0x106: {  	v36 =	vsel vm7, $0x1887, v37;
	v37 =	vsel vm7, $0x1907, v38;
	v38 =	vsel vm7, $0x1987, v39  }
0x107: {  	v39 =	vsel vm7, $0x1A07, v40;
	v40 =	vsel vm7, $0x1A87, v41;
	v41 =	vsel vm5, $0x1B88, v58  }
0x108: {  	v58 =	vimm.s32 $0x17161514;
	v0 =	vsel vm5, $0xE08, v0;
	v1 =	vsel vm5, $0xE88, v1  }
0x109: {  	v2 =	vsel vm5, $0xF08, v2;
	v3 =	vsel vm5, $0xF88, v3;
	v4 =	vsel vm5, $0x808, v4  }
0x10a: {  	v5 =	vsel vm5, $0x888, v5;
	v6 =	vsel vm5, $0x908, v6;
	v7 =	vsel vm5, $0x988, v7  }
0x10b: {  	v8 =	vsel vm5, $0xA08, v8;
	v9 =	vsel vm5, $0xA88, v9;
	v10 =	vsel vm5, $0xB08, v10  }
0x10c: {  	v11 =	vsel vm5, $0xB88, v11;
	v12 =	vsel vm5, $0x1488, v12;
	v13 =	vsel vm5, $0x1508, v13  }
0x10d: {  	v16 =	vsel vm5, $0x1688, v16;
	v17 =	vsel vm5, $0x1708, v17;
	v18 =	vsel vm5, $0x1788, v18  }
0x10e: {  	v19 =	vsel vm5, $0x1008, v19;
	v20 =	vsel vm5, $0x1088, v20;
	v21 =	vsel vm5, $0x1108, v21  }
0x10f: {  	v22 =	vsel vm5, $0x1188, v22;
	v23 =	vsel vm5, $0x1208, v23;
	v24 =	vsel vm5, $0x1288, v24  }
0x110: {  	[tilespmem:$0x1F8E0] =	vst v42;
	v34 =	vsel vm5, $0x1808, v34;
	v42 =	vunpack.c.0.s8.s32 v58;
	v58 =	vunpack.c.0.s8.s32 v46  }
0x111: {  	v0 =	vsel vm6, $0xE89, v0;
	v1 =	vsel vm6, $0xF09, v1;
	v2 =	vsel vm6, $0xF89, v2  }
0x112: {  	v3 =	vsel vm6, $0x809, v3;
	v4 =	vsel vm6, $0x889, v4;
	v5 =	vsel vm6, $0x909, v5  }
0x113: {  	v6 =	vsel vm6, $0x989, v6;
	v7 =	vsel vm6, $0xA09, v7;
	v8 =	vsel vm6, $0xA89, v8  }
0x114: {  	v9 =	vsel vm6, $0xB09, v9;
	v10 =	vsel vm6, $0xB89, v10;
	v0 =	vsel vm4, $0xF0A, v0  }
0x115: {  	v1 =	vsel vm4, $0xF8A, v1;
	v2 =	vsel vm4, $0x80A, v2;
	v0 =	vsel vm2, $0xF8B, v0  }
0x116: {  	v1 =	vsel vm2, $0x80B, v1;
	v2 =	vsel vm2, $0x88B, v2;
	v0 =	vsel vm3, $0x80C, v0  }
0x117: {  	v1 =	vsel vm3, $0x88C, v1;
	v2 =	vsel vm3, $0x90C, v2;
	v0 =	vsel vm1, $0x88D, v0  }
0x118: {  	[tilespmem:$0x1F900] =	vst v58;
	v58 =	vsel vm0, $0x90E, v0;
	v0 =	vsel vm1, $0x90D, v1;
	v1 =	vsel vm1, $0x98D, v2  }
0x119: {  	v11 =	vsel vm6, $0xC09, v11;
	v46 =	vsel vm0, $0x98E, v0;
	v0 =	vsel vm0, $0xA0E, v1  }
0x11a: {  	v12 =	vsel vm6, $0x1509, v12;
	v13 =	vsel vm6, $0x1589, v13;
	[tilespmem:$0x1F910] =	vst v0;
	v0 =	vsel vm4, $0x88A, v3  }
0x11b: {  	v16 =	vsel vm6, $0x1709, v16;
	v17 =	vsel vm6, $0x1789, v17;
	v0 =	vsel vm2, $0x90B, v0  }
0x11c: {  	v18 =	vsel vm6, $0x1009, v18;
	v1 =	vsel vm4, $0x90A, v4;
	v0 =	vsel vm3, $0x98C, v0  }
0x11d: {  	v2 =	vsel vm4, $0x98A, v5;
	v1 =	vsel vm2, $0x98B, v1;
	v0 =	vsel vm1, $0xA0D, v0  }
0x11e: {  	v2 =	vsel vm2, $0xA0B, v2;
	v1 =	vsel vm3, $0xA0C, v1;
	v0 =	vsel vm0, $0xA8E, v0  }
0x11f: {  	v19 =	vsel vm6, $0x1089, v19;
	v2 =	vsel vm3, $0xA8C, v2;
	[tilespmem:$0x1F920] =	vst v0;
	v0 =	vsel vm1, $0xA8D, v1  }
0x120: {  	v20 =	vsel vm6, $0x1109, v20;
	v1 =	vsel vm1, $0xB0D, v2;
	v0 =	vsel vm0, $0xB0E, v0  }
0x121: {  	v21 =	vsel vm6, $0x1189, v21;
	v22 =	vsel vm6, $0x1209, v22;
	[tilespmem:$0x1F930] =	vst v0;
	v0 =	vsel vm0, $0xB8E, v1  }
0x122: {  	v23 =	vsel vm6, $0x1289, v23;
	v24 =	vsel vm6, $0x1309, v24;
	[tilespmem:$0x1F940] =	vst v0;
	v0 =	vsel vm4, $0xA0A, v6  }
0x123: {  	v34 =	vsel vm6, $0x1889, v34;
	v5 =	vsel vm4, $0x100A, v17;
	v0 =	vsel vm2, $0xA8B, v0  }
0x124: {  	v4 =	vsel vm4, $0x178A, v16;
	v1 =	vsel vm4, $0xA8A, v7;
	v0 =	vsel vm3, $0xB0C, v0  }
0x125: {  	v2 =	vsel vm4, $0xB0A, v8;
	v1 =	vsel vm2, $0xB0B, v1;
	v0 =	vsel vm1, $0xB8D, v0  }
0x126: {  	v2 =	vsel vm2, $0xB8B, v2;
	v1 =	vsel vm3, $0xB8C, v1;
	v0 =	vsel vm0, $0xC0E, v0  }
0x127: {  	v5 =	vsel vm2, $0x108B, v5;
	v2 =	vsel vm3, $0xC0C, v2;
	[tilespmem:$0x1F950] =	vst v0;
	v0 =	vsel vm1, $0xC0D, v1  }
0x128: {  	v4 =	vsel vm2, $0x100B, v4;
	v1 =	vsel vm1, $0xC8D, v2;
	v0 =	vsel vm0, $0xC8E, v0  }
0x129: {  	v5 =	vsel vm3, $0x110C, v5;
	v4 =	vsel vm3, $0x108C, v4;
	[tilespmem:$0x1F960] =	vst v0;
	v0 =	vsel vm0, $0xD0E, v1  }
0x12a: {  	v5 =	vsel vm1, $0x118D, v5;
	v8 =	vsel vm4, $0x118A, v20;
	[tilespmem:$0x1F970] =	vst v0;
	v0 =	vsel vm4, $0xB8A, v9  }
0x12b: {  	v4 =	vsel vm1, $0x110D, v4;
	v8 =	vsel vm2, $0x120B, v8;
	v0 =	vsel vm2, $0xC0B, v0  }
0x12c: {  	v7 =	vsel vm4, $0x110A, v19;
	v1 =	vsel vm4, $0xC0A, v10;
	v0 =	vsel vm3, $0xC8C, v0  }
0x12d: {  	v2 =	vsel vm4, $0xC8A, v11;
	v1 =	vsel vm2, $0xC8B, v1;
	v0 =	vsel vm1, $0xD0D, v0  }
0x12e: {  	v2 =	vsel vm2, $0xD0B, v2;
	v1 =	vsel vm3, $0xD0C, v1;
	v0 =	vsel vm0, $0xD8E, v0  }
0x12f: {  	v8 =	vsel vm3, $0x128C, v8;
	v2 =	vsel vm3, $0xD8C, v2;
	[tilespmem:$0x1F980] =	vst v0;
	v0 =	vsel vm1, $0xD8D, v1  }
0x130: {  	v6 =	vsel vm4, $0x108A, v18;
	v1 =	vsel vm1, $0xE0D, v2;
	v0 =	vsel vm0, $0xE0E, v0  }
0x131: {  	v7 =	vsel vm2, $0x118B, v7;
	v8 =	vsel vm1, $0x130D, v8;
	[tilespmem:$0x1F990] =	vst v0;
	v0 =	vsel vm0, $0xE8E, v1  }
0x132: {  	v6 =	vsel vm2, $0x110B, v6;
	v7 =	vsel vm3, $0x120C, v7;
	[tilespmem:$0x1F9A0] =	vst v0;
	v0 =	vsel vm4, $0x158A, v12  }
0x133: {  	v6 =	vsel vm3, $0x118C, v6;
	v7 =	vsel vm1, $0x128D, v7;
	v0 =	vsel vm2, $0x160B, v0  }
0x134: {  	v6 =	vsel vm1, $0x120D, v6;
	v11 =	vsel vm4, $0x130A, v23;
	v0 =	vsel vm3, $0x168C, v0  }
0x135: {  	v11 =	vsel vm2, $0x138B, v11;
	v10 =	vsel vm4, $0x128A, v22;
	v0 =	vsel vm1, $0x170D, v0  }
0x136: {  	v22 =	vsel vm4, $0x190A, v34;
	v34 =	vsel vm0, $0x178E, v0;
	v0 =	vsel vm0, $0x118E, v4  }
0x137: {  	v11 =	vsel vm3, $0x140C, v11;
	v9 =	vsel vm4, $0x120A, v21;
	[tilespmem:$0x1F9F0] =	vst v0;
	v0 =	vsel vm0, $0x120E, v5  }
0x138: {  	v10 =	vsel vm2, $0x130B, v10;
	v9 =	vsel vm2, $0x128B, v9;
	[tilespmem:$0x1FA00] =	vst v0;
	v0 =	vsel vm0, $0x128E, v6  }
0x139: {  	v10 =	vsel vm3, $0x138C, v10;
	v9 =	vsel vm3, $0x130C, v9;
	[tilespmem:$0x1FA10] =	vst v0;
	v0 =	vsel vm0, $0x130E, v7  }
0x13a: {  	v9 =	vsel vm1, $0x138D, v9;
	v12 =	vsel vm4, $0x138A, v24;
	[tilespmem:$0x1FA20] =	vst v0;
	v0 =	vsel vm0, $0x138E, v8  }
0x13b: {  	v10 =	vsel vm1, $0x140D, v10;
	v12 =	vsel vm2, $0x140B, v12;
	[tilespmem:$0x1FA30] =	vst v0;
	v0 =	vsel vm0, $0x140E, v9  }
0x13c: {  	v11 =	vsel vm1, $0x148D, v11;
	v12 =	vsel vm3, $0x148C, v12;
	[tilespmem:$0x1FA40] =	vst v0;
	v0 =	vsel vm0, $0x148E, v10  }
0x13d: {  	v1 =	vsel vm4, $0x160A, v13;
	v12 =	vsel vm1, $0x150D, v12;
	[tilespmem:$0x1FA50] =	vst v0;
	v0 =	vsel vm0, $0x150E, v11  }
0x13e: {  	v1 =	vsel vm2, $0x168B, v1;
	[tilespmem:$0x1FA60] =	vst v0;
	v0 =	vsel vm0, $0x158E, v12  }
0x13f: {  	v1 =	vsel vm3, $0x170C, v1;
	[tilespmem:$0x1FA70] =	vst v0;
	v0 =	vimm.s32 $0x2D2C2B2A  }
0x140: {  	v1 =	vsel vm1, $0x178D, v1;
	v0 =	vunpack.c.0.s8.s32 v0  }
0x141: {  	[tilespmem:$0x1F8B0] =	vst v43;
	v43 =	vsel vm0, $0x100E, v1;
	v1 =	vimm.s32 $0x21202F2E  }
0x142: {  	[tilespmem:$0x1FAE0] =	vst v0;
	v0 =	vunpack.c.0.s8.s32 v1  }
0x143: {  	v44 =	vimm.s32 $0x15141312  }
0x144: {  	v44 =	vunpack.c.0.s8.s32 v44;
	[tilespmem:$0x1FAF0] =	vst v0;
	v0 =	vimm.s32 $0x25242322  }
0x145: {  	v14 =	vsel vm5, $0x1588, v14;
	v15 =	vsel vm5, $0x1608, v15;
	v0 =	vunpack.c.0.s8.s32 v0  }
0x146: {  	v25 =	vsel vm5, $0x1308, v25;
	v26 =	vsel vm5, $0x1388, v26;
	v27 =	vsel vm5, $0x1C88, v27  }
0x147: {  	v28 =	vsel vm5, $0x1D08, v28;
	v29 =	vsel vm5, $0x1D88, v29;
	[tilespmem:$0x1FB00] =	vst v0;
	v0 =	vimm.s32 $0x29282726  }
0x148: {  	v30 =	vsel vm5, $0x1E08, v30;
	v31 =	vsel vm5, $0x1E88, v31;
	v0 =	vunpack.c.0.s8.s32 v0  }
0x149: {  	v32 =	vsel vm5, $0x1F08, v32;
	v33 =	vsel vm5, $0x1F88, v33;
	v1 =	vimm.s32 $0x2E2D2C2B  }
0x14a: {  	v35 =	vsel vm5, $0x1888, v35;
	v36 =	vsel vm5, $0x1908, v36;
	[tilespmem:$0x1FB10] =	vst v0;
	v0 =	vunpack.c.0.s8.s32 v1  }
0x14b: {  	v37 =	vsel vm5, $0x1988, v37;
	v38 =	vsel vm5, $0x1A08, v38;
	v39 =	vsel vm5, $0x1A88, v39  }
0x14c: {  	v40 =	vsel vm5, $0x1B08, v40;
	v41 =	vsel vm6, $0x1C09, v41;
	[tilespmem:$0x1FB20] =	vst v0;
	v0 =	vimm.s32 $0x2221202F  }
0x14d: {  	v14 =	vsel vm6, $0x1609, v14;
	v15 =	vsel vm6, $0x1689, v15;
	v0 =	vunpack.c.0.s8.s32 v0  }
0x14e: {  	v25 =	vsel vm6, $0x1389, v25;
	v26 =	vsel vm6, $0x1409, v26;
	v27 =	vsel vm6, $0x1D09, v27  }
0x14f: {  	v28 =	vsel vm6, $0x1D89, v28;
	v29 =	vsel vm6, $0x1E09, v29;
	[tilespmem:$0x1FB30] =	vst v0;
	v0 =	vimm.s32 $0x26252423  }
0x150: {  	v30 =	vsel vm6, $0x1E89, v30;
	v31 =	vsel vm6, $0x1F09, v31;
	v0 =	vunpack.c.0.s8.s32 v0  }
0x151: {  	v32 =	vsel vm6, $0x1F89, v32;
	v33 =	vsel vm6, $0x1809, v33;
	v1 =	vimm.s32 $0x2A292827  }
0x152: {  	v35 =	vsel vm6, $0x1909, v35;
	v36 =	vsel vm6, $0x1989, v36;
	[tilespmem:$0x1FB40] =	vst v0;
	v0 =	vunpack.c.0.s8.s32 v1  }
0x153: {  	[tilespmem:$0x1FD00] =	vst v44;
	v37 =	vsel vm6, $0x1A09, v37;
	v38 =	vsel vm6, $0x1A89, v38;
	v39 =	vsel vm6, $0x1B09, v39  }
0x154: {  	v40 =	vsel vm6, $0x1B89, v40;
	v44 =	vsel vm4, $0x1F8A, v31;
	[tilespmem:$0x1FB50] =	vst v0;
	v0 =	vimm.s32 $0x2F2E2D2C  }
0x155: {  	v31 =	vimm.s32 $0x24232221;
	v17 =	vsel vm4, $0x1E8A, v29;
	v0 =	vunpack.c.0.s8.s32 v0  }
0x156: {  	v29 =	vsel vm4, $0x1C8A, v41;
	v16 =	vsel vm4, $0x1E0A, v28;
	v28 =	vsel vm4, $0x1C0A, v40  }
0x157: {  	v17 =	vsel vm2, $0x1F0B, v17;
	v29 =	vsel vm2, $0x1D0B, v29;
	[tilespmem:$0x1FB60] =	vst v0;
	v0 =	vimm.s32 $0x23222120  }
0x158: {  	v3 =	vsel vm4, $0x170A, v15;
	v15 =	vsel vm4, $0x1D8A, v27;
	v0 =	vunpack.c.0.s8.s32 v0  }
0x159: {  	v27 =	vsel vm4, $0x1B8A, v39;
	v16 =	vsel vm2, $0x1E8B, v16;
	v1 =	vimm.s32 $0x27262524  }
0x15a: {  	v17 =	vsel vm3, $0x1F8C, v17;
	v28 =	vsel vm2, $0x1C8B, v28;
	[tilespmem:$0x1FB70] =	vst v0;
	v0 =	vunpack.c.0.s8.s32 v1  }
0x15b: {  	v29 =	vsel vm3, $0x1D8C, v29;
	v3 =	vsel vm2, $0x178B, v3;
	v15 =	vsel vm2, $0x1E0B, v15  }
0x15c: {  	v16 =	vsel vm3, $0x1F0C, v16;
	v27 =	vsel vm2, $0x1C0B, v27;
	[tilespmem:$0x1FB80] =	vst v0;
	v0 =	vimm.s32 $0x2B2A2928  }
0x15d: {  	v28 =	vsel vm3, $0x1D0C, v28;
	v17 =	vsel vm1, $0x180D, v17;
	v0 =	vunpack.c.0.s8.s32 v0  }
0x15e: {  	v29 =	vsel vm1, $0x1E0D, v29;
	v3 =	vsel vm3, $0x100C, v3;
	v15 =	vsel vm3, $0x1E8C, v15  }
0x15f: {  	v27 =	vsel vm3, $0x1C8C, v27;
	v16 =	vsel vm1, $0x1F8D, v16;
	[tilespmem:$0x1FB90] =	vst v0;
	v0 =	vimm.s32 $0x3C3B3A39  }
0x160: {  	v28 =	vsel vm1, $0x1D8D, v28;
	v41 =	vsel vm0, $0x1E8E, v29;
	v0 =	vunpack.c.0.s8.s32 v0  }
0x161: {  	v3 =	vsel vm1, $0x108D, v3;
	v15 =	vsel vm1, $0x1F0D, v15;
	v1 =	vimm.s32 $0x303F3E3D  }
0x162: {  	v27 =	vsel vm1, $0x1D0D, v27;
	v20 =	vsel vm4, $0x180A, v32;
	[tilespmem:$0x1FBA0] =	vst v0;
	v0 =	vunpack.c.0.s8.s32 v1  }
0x163: {  	v39 =	vsel vm0, $0x110E, v3;
	v32 =	vsel vm0, $0x1F8E, v15;
	v20 =	vsel vm2, $0x188B, v20  }
0x164: {  	v19 =	vsel vm2, $0x180B, v44;
	v20 =	vsel vm3, $0x190C, v20;
	[tilespmem:$0x1FBB0] =	vst v0;
	v0 =	vimm.s32 $0x34333231  }
0x165: {  	v18 =	vsel vm4, $0x1F0A, v30;
	v30 =	vimm.s32 $0x2C2B2A29;
	v0 =	vunpack.c.0.s8.s32 v0  }
0x166: {  	v19 =	vsel vm3, $0x188C, v19;
	v20 =	vsel vm1, $0x198D, v20;
	v30 =	vunpack.c.0.s8.s32 v30  }
0x167: {  	v18 =	vsel vm2, $0x1F8B, v18;
	v19 =	vsel vm1, $0x190D, v19;
	[tilespmem:$0x1FBC0] =	vst v0;
	v0 =	vimm.s32 $0x38373635  }
0x168: {  	v18 =	vsel vm3, $0x180C, v18;
	[tilespmem:$0x1F9B0] =	vst v30;
	v30 =	vimm.s32 $0x202F2E2D;
	v0 =	vunpack.c.0.s8.s32 v0  }
0x169: {  	v30 =	vunpack.c.0.s8.s32 v30;
	v23 =	vsel vm4, $0x198A, v35;
	v1 =	vimm.s32 $0x3D3C3B3A  }
0x16a: {  	v18 =	vsel vm1, $0x188D, v18;
	v23 =	vsel vm2, $0x1A0B, v23;
	[tilespmem:$0x1FBD0] =	vst v0;
	v0 =	vunpack.c.0.s8.s32 v1  }
0x16b: {  	v3 =	vsel vm0, $0x190E, v18;
	[tilespmem:$0x1F9C0] =	vst v30;
	v30 =	vunpack.c.0.s8.s32 v31;
	v23 =	vsel vm3, $0x1A8C, v23  }
0x16c: {  	v21 =	vsel vm4, $0x188A, v33;
	v22 =	vsel vm2, $0x198B, v22;
	[tilespmem:$0x1FBE0] =	vst v0;
	v0 =	vimm.s32 $0x31303F3E  }
0x16d: {  	[tilespmem:$0x1F9D0] =	vst v30;
	v23 =	vsel vm1, $0x1B0D, v23;
	v30 =	vimm.s32 $0x28272625;
	v0 =	vunpack.c.0.s8.s32 v0  }
0x16e: {  	v33 =	vsel vm0, $0x180E, v16;
	v21 =	vsel vm2, $0x190B, v21;
	v22 =	vsel vm3, $0x1A0C, v22  }
0x16f: {  	v30 =	vunpack.c.0.s8.s32 v30;
	v21 =	vsel vm3, $0x198C, v21;
	[tilespmem:$0x1FBF0] =	vst v0;
	v0 =	vimm.s32 $0x35343332  }
0x170: {  	v22 =	vsel vm1, $0x1A8D, v22;
	v21 =	vsel vm1, $0x1A0D, v21;
	v0 =	vunpack.c.0.s8.s32 v0  }
0x171: {  	v2 =	vsel vm4, $0x168A, v14;
	v14 =	vsel vm4, $0x148A, v26;
	v1 =	vimm.s32 $0x39383736  }
0x172: {  	v26 =	vsel vm4, $0x1B0A, v38;
	v38 =	vsel vm0, $0x1E0E, v28;
	[tilespmem:$0x1FC00] =	vst v0;
	v0 =	vunpack.c.0.s8.s32 v1  }
0x173: {  	v2 =	vsel vm2, $0x170B, v2;
	v14 =	vsel vm2, $0x150B, v14;
	v26 =	vsel vm2, $0x1B8B, v26  }
0x174: {  	v13 =	vsel vm4, $0x140A, v25;
	v25 =	vsel vm4, $0x1A8A, v37;
	[tilespmem:$0x1FC10] =	vst v0;
	v0 =	vimm.s32 $0x3E3D3C3B  }
0x175: {  	v2 =	vsel vm3, $0x178C, v2;
	v14 =	vsel vm3, $0x158C, v14;
	v0 =	vunpack.c.0.s8.s32 v0  }
0x176: {  	v26 =	vsel vm3, $0x1C0C, v26;
	v37 =	vsel vm0, $0x1D8E, v27;
	v24 =	vsel vm4, $0x1A0A, v36  }
0x177: {  	v13 =	vsel vm2, $0x148B, v13;
	v25 =	vsel vm2, $0x1B0B, v25;
	[tilespmem:$0x1FC20] =	vst v0;
	v0 =	vimm.s32 $0x3231303F  }
0x178: {  	v29 =	vld [tilespmem:$0x1FAD0];
	v2 =	vsel vm1, $0x100D, v2;
	v14 =	vsel vm1, $0x160D, v14;
	v0 =	vunpack.c.0.s8.s32 v0  }
0x179: {  	s6 =	rddreg [dreg:$0x0];
	[tilespmem:$0x1F8F0] =	vst v42;
	v28 =	vld [tilespmem:$0x1FAC0];
	v26 =	vsel vm1, $0x1C8D, v26;
	v25 =	vsel vm3, $0x1B8C, v25;
	v1 =	vimm.s32 $0x36353433  }
0x17a: {  	s1 =	rddreg [dreg:$0x1];
	v27 =	vld [tilespmem:$0x1FAB0];
	v24 =	vsel vm2, $0x1A8B, v24;
	v25 =	vsel vm1, $0x1C0D, v25;
	[tilespmem:$0x1FC30] =	vst v0;
	v0 =	vunpack.c.0.s8.s32 v1  }
0x17b: {  	s3 =	rddreg [dreg:$0x2];
	s4 =	simm.s32 $0x0;
	[tilespmem:$0x1F9E0] =	vst v30;
	v13 =	vsel vm3, $0x150C, v13;
	v24 =	vsel vm3, $0x1B0C, v24;
	v35 =	vsel vm0, $0x1C8E, v25;
	v25 =	vld [tilespmem:$0x1FAA0]  }
0x17c: {  	s2 =	srdreg.scid;
	[smem:$0x7FF] =	sst s4;
	v42 =	vsel vm0, $0x108E, v2;
	v24 =	vsel vm1, $0x1B8D, v24;
	v8 =	vsel vm0, $0x1B8E, v23;
	v23 =	vld [tilespmem:$0x1FA80];
	[tilespmem:$0x1FC40] =	vst v0  }
0x17d: {  	s7 =	sand.u32 $0x1, s2;
	s2 =	rddreg [dreg:$0x3];
	v31 =	vsel vm0, $0x168E, v14;
	v9 =	vsel vm0, $0x1C0E, v24;
	v24 =	vld [tilespmem:$0x1FA90];
	_ =	strace $0x80000047;
	[tilespmem:$0x1FCB0] =	vst v49  }
0x17e: {  	v2 =	vsel vm0, $0x188E, v17;
	v36 =	vsel vm0, $0x1D0E, v26;
	v13 =	vsel vm1, $0x158D, v13;
	[tilespmem:$0x1FCC0] =	vst v50  }
0x17f: {  	v30 =	vsel vm0, $0x160E, v13;
	v4 =	vsel vm0, $0x198E, v19;
	v19 =	vsel vm0, $0x1A8E, v21;
	[tilespmem:$0x1FCD0] =	vst v51  }
0x180: {  	v5 =	vsel vm0, $0x1A0E, v20;
	v7 =	vsel vm0, $0x1B0E, v22;
	vm0 =	vcmask $0x1F10;
	[tilespmem:$0x1FCE0] =	vst v52  }
0x181: {  	v13 =	vlaneseq.u32;
	v20 =	vsel vm0, v51, v50;
	[tilespmem:$0x1FD10] =	vst v45  }
0x182: {  	v14 =	vor.u32 $0x10, v13;
	[tilespmem:$0x1FD30] =	vst v20  }
0x183: {  	[tilespmem:$0x1FD70] =	vst v14  }
0x184: {  	[tilespmem:$0x1FDA0] =	vst v41  }
0x185: {  	[tilespmem:$0x1FDC0] =	vst v34  }
0x186: {  	[tilespmem:$0x1FDD0] =	vst v43  }
0x187: {  	[tilespmem:$0x1FDE0] =	vst v42  }
0x188: {  	[tilespmem:$0x1FE00] =	vst v39  }
0x189: {  	[tilespmem:$0x1FE10] =	vst v38  }
0x18a: {  	[tilespmem:$0x1FE20] =	vst v37  }
0x18b: {  	[tilespmem:$0x1FE30] =	vst v36  }
0x18c: {  	[tilespmem:$0x1FE40] =	vst v35  }
0x18d: {  	[tilespmem:$0x1FE50] =	vst v9  }
0x18e: {  	[tilespmem:$0x1FE60] =	vst v8  }
0x18f: {  	[tilespmem:$0x1FE70] =	vst v7  }
0x190: {  	[tilespmem:$0x1FE80] =	vst v19  }
0x191: {  	[tilespmem:$0x1FE90] =	vst v5  }
0x192: {  	[tilespmem:$0x1FEA0] =	vst v2  }
0x193: {  	[tilespmem:$0x1FEB0] =	vst v3  }
0x194: {  	[tilespmem:$0x1FEC0] =	vst v31  }
0x195: {  	[tilespmem:$0x1FED0] =	vst v32  }
0x196: {  	[tilespmem:$0x1FEE0] =	vst v33  }
0x197: {  	[tilespmem:$0x1FEF0] =	vst v61  }
0x198: {  	[tilespmem:$0x1FF00] =	vst v58  }
0x199: {  	[tilespmem:$0x1FF10] =	vst v46  }
0x19a: {  	[tilespmem:$0x1FF20] =	vst v54  }
0x19b: {  	[tilespmem:$0x1FF30] =	vst v63  }
0x19c: {  	v40 =	vmov v48;
	[tilespmem:$0x1FF40] =	vst v56  }
0x19d: {  	v26 =	vmov v62;
	v62 =	vmul.u32 $0x81, v13;
	[tilespmem:$0x1FF50] =	vst v40  }
0x19e: {  	[tilespmem:$0x1FF60] =	vst v60  }
0x19f: {  	[tilespmem:$0x1FF70] =	vst v62  }
0x1a0: {  	[tilespmem:$0x1FF80] =	vst v4  }
0x1a1: {  	[tilespmem:$0x1FF90] =	vst v47  }
0x1a2: {  	v0 =	vimm.s32 $0x3A393837;
	[tilespmem:$0x1FFA0] =	vst v53  }
0x1a3: {  	v0 =	vunpack.c.0.s8.s32 v0;
	[tilespmem:$0x1FFB0] =	vst v55  }
0x1a4: {  	[tilespmem:$0x1FFC0] =	vst v57;
	v12 =	vld [tilespmem:$0x1FCF0]  }
0x1a5: {  	[tilespmem:$0x1FC50] =	vst v0;
	v0 =	vimm.s32 $0x3F3E3D3C  }
0x1a6: {  	[tilespmem:$0x1FFD0] =	vst v59;
	v0 =	vunpack.c.0.s8.s32 v0  }
0x1a7: {  	v1 =	vimm.s32 $0x33323130;
	[tilespmem:$0x1FFE0] =	vst v26  }
0x1a8: {  	[tilespmem:$0x1FC60] =	vst v0;
	v0 =	vunpack.c.0.s8.s32 v1  }
0x1a9: {  	[tilespmem:$0x1FFF0] =	vst v30;
	v21 =	vsel vm0, v12, v52;
	v12 =	vld [tilespmem:$0x1FD00]  }
0x1aa: {  	v51 =	vor.u32 $0x800, v62;
	[tilespmem:$0x1FC70] =	vst v0;
	v0 =	vimm.s32 $0x37363534  }
0x1ab: {  	s0 =	stileid.u32;
	s10 =	simm.s32 $0x400;
	v44 =	vld [tilespmem:$0x1FCA0];
	[tilespmem:$0x1FDF0] =	vst v51;
	v0 =	vunpack.c.0.s8.s32 v0  }
0x1ac: {  	s11 =	simm.s32 $0x8000;
	s12 =	simm.s32 $0x1800;
	s13 =	simm.s32 $0x5;
	v1 =	vmul.u32 $0x80, v13;
	[tilespmem:$0x1FD40] =	vst v21  }
0x1ad: {  	s14 =	simm.s32 $0x80;
	s15 =	simm.s32 $0x1C00;
	s16 =	simm.s32 $0x5C00;
	[tilespmem:$0x1FC80] =	vst v0;
	v0 =	vimm.s32 $0x3B3A3938  }
0x1ae: {  	s17 =	simm.s32 $0x1;
	s18 =	simm.s32 $0x9C00;
	s19 =	simm.s32 $0x2;
	[tilespmem:$0x1FD80] =	vst v1;
	v0 =	vunpack.c.0.s8.s32 v0;
	v22 =	vsel vm0, v45, v12  }
0x1af: {  	s20 =	simm.s32 $0xBC00;
	s5 =	sshll.u32 s0, $0xB;
	s8 =	sshll.u32 s7, $0xA;
	[tilespmem:$0x1FD50] =	vst v22  }
0x1b0: {  	s21 =	simm.s32 $0x3;
	s7 =	ssub.s32 $0x2, s7;
	s5 =	sor.u32 s8, s5;
	[tilespmem:$0x1FC90] =	vst v0;
	v0 =	vsel vm0, v49, v44;
	v49 =	vcombine.low v22, v21  }
0x1b1: {  	s22 =	simm.s32 $0x4;
	s9 =	sshrl.u32 s7, $0x1;
	s8 =	sshrl.u32 s5, $0x3;
	[tilespmem:$0x1FD20] =	vst v0;
	v50 =	vcombine.low v20, v0  }
0x1b2: {  	s23 =	simm.s32 $0x0;
	s9 =	ssub.s32 s7, s9;
	s6 =	sadd.s32 s6, s8;
	[tilespmem:$0x1FDB0] =	vst v49  }
0x1b3: {  	s8 =	sadd.s32 $0x8000, s3;
	s9 =	smax.u32 s9, $0x1;
	s7 =	sadd.s32 $0x6000, s6;
	v22 =	vld [tilespmem:$0x1FD60];
	[tilespmem:$0x1FD90] =	vst v50  }
.LBB2_1:
0x1b4: {  	[tilespmem:s4], [sflag:$0x5] =	stream.strided.gather [hbm4b:s6+s10], $0x1800, s11, s10, $0x38;
	[tilespmem:$0xDC00] =	vst v63  }
0x1b5: {  	_ = 	snop  }
0x1b6: {  	[tilespmem:s12], [sflag:$0x5] =	stream.linear.gather [hbm4b:s7+s4], $0x100, $0x38;
	[tilespmem:$0xDC00] =	vst v63  }
0x1b7: {  	_ =	swait.ge [sflag:s13], $0x1900  }
0x1b8: {  	[sflag:s13] =	ssyncset.done $0x0  }
0x1b9: {  	[sflag:s13] =	ssyncadd.s32 $0xFFFFE700  }
0x1ba: {  	[tilespmem:s15], [sflag:$0x1] =	stream.indirect.gather [hbm4b:s1+s14], $0x80, s4, s14, $0xb8;
	[tilespmem:$0xDC00] =	vst v63  }
0x1bb: {  	s24 =	simm.s32 $0x0  }
0x1bc: {  	[tilespmem:s16], [sflag:$0x2] =	stream.indirect.gather [hbm4b:s1+s14], $0x80, s14, s14, $0xb8;
	[tilespmem:$0xDC00] =	vst v63  }
.LBB2_2:
0x1bd: {  	s25 =	simm.s32 $0x0  }
0x1be: {  	v0 =	vmov s25  }
0x1bf: {  	v0 =	vshll.u32 v0, $0x7  }
0x1c0: {  	_ =	swait.ge [sflag:s17], $0x4000;
	v0 =	vor.u32 v1, v0  }
0x1c1: {  	p0 =	seq.s32 s24, $0x0;
	[sflag:s17] =	ssyncset.done $0x0;
	v1 =	vor.u32 v13, v0  }
0x1c2: {  	s26 =	simm.s32 @!p0 $0x3;
	[sflag:s17] =	ssyncadd.s32 $0xFFFFC000  }
0x1c3: {  	_ =	swait.ge @!p0 [sflag:s26], $0x2000  }
0x1c4: {  	[sflag:s26] =	ssyncset.done @!p0 $0x0  }
0x1c5: {  	[sflag:s26] =	ssyncadd.s32 @!p0 $0xFFFFE000  }
0x1c6: {  	v17 =	vor.u32 s25, v62;
	v1 =	vld.idx.msk [tilespmem:v1+s15+$0x0], $0xffff  }
0x1c7: {  	v18 =	vor.u32 v23, v0;
	_ =	sdelay $0x3  }
0x1c8: {  	[tilespmem:v17+s18+$0x0] =	vst.idx.msk $0xffff, v1  }
0x1c9: {  	v17 =	vor.u32 s25, v24;
	v1 =	vld.idx.msk [tilespmem:v18+s15+$0x0], $0xffff  }
0x1ca: {  	v18 =	vor.u32 v28, v0;
	_ =	sdelay $0x3  }
0x1cb: {  	[tilespmem:v17+s18+$0x0] =	vst.idx.msk $0xffff, v1  }
0x1cc: {  	v17 =	vor.u32 s25, v63;
	v1 =	vld.idx.msk [tilespmem:v18+s15+$0x0], $0xffff  }
0x1cd: {  	v18 =	vor.u32 v47, v0;
	_ =	sdelay $0x3  }
0x1ce: {  	[tilespmem:v17+s18+$0x0] =	vst.idx.msk $0xffff, v1  }
0x1cf: {  	v17 =	vor.u32 s25, v61;
	v1 =	vld.idx.msk [tilespmem:v18+s15+$0x0], $0xffff  }
0x1d0: {  	v18 =	vor.u32 v27, v0;
	_ =	sdelay $0x3  }
0x1d1: {  	[tilespmem:v17+s18+$0x0] =	vst.idx.msk $0xffff, v1  }
0x1d2: {  	v17 =	vor.u32 s25, v29;
	v1 =	vld.idx.msk [tilespmem:v18+s15+$0x0], $0xffff  }
0x1d3: {  	v18 =	vor.u32 v53, v0;
	_ =	sdelay $0x3  }
0x1d4: {  	[tilespmem:v17+s18+$0x0] =	vst.idx.msk $0xffff, v1  }
0x1d5: {  	v17 =	vor.u32 s25, v54;
	v1 =	vld.idx.msk [tilespmem:v18+s15+$0x0], $0xffff  }
0x1d6: {  	v18 =	vor.u32 v55, v0;
	_ =	sdelay $0x3  }
0x1d7: {  	[tilespmem:v17+s18+$0x0] =	vst.idx.msk $0xffff, v1  }
0x1d8: {  	v17 =	vor.u32 s25, v56;
	v1 =	vld.idx.msk [tilespmem:v18+s15+$0x0], $0xffff  }
0x1d9: {  	v18 =	vor.u32 v57, v0;
	_ =	sdelay $0x3  }
0x1da: {  	[tilespmem:v17+s18+$0x0] =	vst.idx.msk $0xffff, v1  }
0x1db: {  	v17 =	vor.u32 s25, v40;
	v1 =	vld.idx.msk [tilespmem:v18+s15+$0x0], $0xffff  }
0x1dc: {  	v18 =	vor.u32 v59, v0;
	_ =	sdelay $0x3  }
0x1dd: {  	[tilespmem:v17+s18+$0x0] =	vst.idx.msk $0xffff, v1  }
0x1de: {  	v17 =	vor.u32 s25, v60;
	v1 =	vld.idx.msk [tilespmem:v18+s15+$0x0], $0xffff  }
0x1df: {  	v18 =	vor.u32 v25, v0;
	_ =	sdelay $0x3  }
0x1e0: {  	v2 =	vld [tilespmem:$0x1F7B0];
	[tilespmem:v17+s18+$0x0] =	vst.idx.msk $0xffff, v1  }
0x1e1: {  	v17 =	vor.u32 s25, v26;
	v1 =	vld.idx.msk [tilespmem:v18+s15+$0x0], $0xffff;
	_ =	sdelay $0x3  }
0x1e2: {  	v18 =	vor.u32 v22, v0  }
0x1e3: {  	[tilespmem:v17+s18+$0x0] =	vst.idx.msk $0xffff, v1;
	v17 =	vor.u32 s25, v2;
	v2 =	vld [tilespmem:$0x1F7C0];
	_ =	sdelay $0x3  }
0x1e4: {  	v1 =	vld.idx.msk [tilespmem:v18+s15+$0x0], $0xffff  }
0x1e5: {  	v18 =	vor.u32 v2, v0;
	v2 =	vld [tilespmem:$0x1F7D0];
	_ =	sdelay $0x4  }
0x1e6: {  	[tilespmem:v17+s18+$0x0] =	vst.idx.msk $0xffff, v1;
	v17 =	vor.u32 s25, v2;
	v2 =	vld [tilespmem:$0x1F7E0];
	_ =	sdelay $0x3  }
0x1e7: {  	v1 =	vld.idx.msk [tilespmem:v18+s15+$0x0], $0xffff  }
0x1e8: {  	v18 =	vor.u32 v2, v0;
	v2 =	vld [tilespmem:$0x1F7F0];
	_ =	sdelay $0x4  }
0x1e9: {  	[tilespmem:v17+s18+$0x0] =	vst.idx.msk $0xffff, v1;
	v17 =	vor.u32 s25, v2;
	v2 =	vld [tilespmem:$0x1F800];
	_ =	sdelay $0x3  }
0x1ea: {  	v1 =	vld.idx.msk [tilespmem:v18+s15+$0x0], $0xffff  }
0x1eb: {  	v18 =	vor.u32 v2, v0;
	v2 =	vld [tilespmem:$0x1F810];
	_ =	sdelay $0x4  }
0x1ec: {  	[tilespmem:v17+s18+$0x0] =	vst.idx.msk $0xffff, v1;
	v17 =	vor.u32 s25, v2;
	v2 =	vld [tilespmem:$0x1F820];
	_ =	sdelay $0x3  }
0x1ed: {  	v1 =	vld.idx.msk [tilespmem:v18+s15+$0x0], $0xffff  }
0x1ee: {  	v18 =	vor.u32 v2, v0;
	v2 =	vld [tilespmem:$0x1F830];
	_ =	sdelay $0x4  }
0x1ef: {  	[tilespmem:v17+s18+$0x0] =	vst.idx.msk $0xffff, v1;
	v17 =	vor.u32 s25, v2;
	v2 =	vld [tilespmem:$0x1F840];
	_ =	sdelay $0x3  }
0x1f0: {  	v1 =	vld.idx.msk [tilespmem:v18+s15+$0x0], $0xffff  }
0x1f1: {  	v18 =	vor.u32 v2, v0;
	v2 =	vld [tilespmem:$0x1F850];
	_ =	sdelay $0x3  }
0x1f2: {  	[tilespmem:v17+s18+$0x0] =	vst.idx.msk $0xffff, v1  }
0x1f3: {  	v1 =	vld.idx.msk [tilespmem:v18+s15+$0x0], $0xffff;
	v17 =	vor.u32 s25, v2  }
0x1f4: {  	v18 =	vor.u32 v14, v0;
	_ =	sdelay $0x1  }
0x1f5: {  	v4 =	vld [tilespmem:$0x1F880]  }
0x1f6: {  	v5 =	vld [tilespmem:$0x1F890]  }
0x1f7: {  	v10 =	vld [tilespmem:$0x1F8A0];
	[tilespmem:v17+s18+$0x0] =	vst.idx.msk $0xffff, v1  }
0x1f8: {  	v17 =	vor.u32 s25, v51;
	v1 =	vld.idx.msk [tilespmem:v18+s15+$0x0], $0xffff  }
0x1f9: {  	v2 =	vld [tilespmem:$0x1F860];
	v18 =	vor.u32 v50, v0  }
0x1fa: {  	v7 =	vld [tilespmem:$0x1F8B0]  }
0x1fb: {  	v8 =	vld [tilespmem:$0x1F8E0]  }
0x1fc: {  	v9 =	vld [tilespmem:$0x1F8F0]  }
0x1fd: {  	v11 =	vld [tilespmem:$0x1F900];
	[tilespmem:v17+s18+$0x0] =	vst.idx.msk $0xffff, v1  }
0x1fe: {  	v17 =	vor.u32 s25, v2;
	v1 =	vld.idx.msk [tilespmem:v18+s15+$0x0], $0xffff  }
0x1ff: {  	v2 =	vld [tilespmem:$0x1F870];
	v18 =	vor.u32 v49, v0  }
0x200: {  	v14 =	vld [tilespmem:$0x1F8D0];
	_ =	sdelay $0x1  }
0x201: {  	v25 =	vsel vm0, v5, v4;
	v26 =	vsel vm0, v7, v10  }
0x202: {  	v3 =	vcombine.low v26, v25;
	[tilespmem:v17+s18+$0x0] =	vst.idx.msk $0xffff, v1  }
0x203: {  	v1 =	vld.idx.msk [tilespmem:v18+s15+$0x0], $0xffff;
	v18 =	vor.u32 s25, v2  }
0x204: {  	v19 =	vor.u32 v3, v0;
	v51 =	vmovc v27;
	v27 =	vsel vm0, v8, v14;
	v17 =	vsel vm0, v11, v9  }
0x205: {  	[tilespmem:$0x1F5A0] =	vst v3;
	v3 =	vcombine.low v17, v27;
	v2 =	vld [tilespmem:$0x1F8C0];
	_ =	sdelay $0x1  }
0x206: {  	[tilespmem:$0x1F5B0] =	vst v3  }
0x207: {  	v20 =	vor.u32 v3, v0;
	v3 =	vld [tilespmem:$0x1FCC0];
	[tilespmem:v18+s18+$0x0] =	vst.idx.msk $0xffff, v1  }
0x208: {  	v1 =	vld.idx.msk [tilespmem:v19+s15+$0x0], $0xffff  }
0x209: {  	v19 =	vor.u32 s25, v2;
	v2 =	vld [tilespmem:$0x1FCB0];
	_ =	sdelay $0x4  }
0x20a: {  	v52 =	vmov v29;
	v29 =	vsel vm0, v3, v2;
	v2 =	vld [tilespmem:$0x1FCA0]  }
0x20b: {  	v3 =	vld [tilespmem:$0x1FCD0];
	_ =	sdelay $0x4  }
0x20c: {  	v30 =	vsel vm0, v2, v3  }
0x20d: {  	v2 =	vcombine.low v30, v29  }
0x20e: {  	v3 =	vld [tilespmem:$0x1FD00]  }
0x20f: {  	[tilespmem:$0x1F5C0] =	vst v2;
	v21 =	vor.u32 v2, v0;
	v2 =	vld [tilespmem:$0x1FCF0];
	_ =	sdelay $0x4  }
0x210: {  	v16 =	vmov v31;
	v31 =	vsel vm0, v3, v2;
	v2 =	vld [tilespmem:$0x1FCE0]  }
0x211: {  	[tilespmem:v19+s18+$0x0] =	vst.idx.msk $0xffff, v1;
	v3 =	vld [tilespmem:$0x1FD10]  }
0x212: {  	v1 =	vld.idx.msk [tilespmem:v20+s15+$0x0], $0xffff;
	v20 =	vor.u32 s25, v58;
	_ =	sdelay $0x3  }
0x213: {  	v44 =	vsel vm0, v2, v3  }
0x214: {  	[tilespmem:v20+s18+$0x0] =	vst.idx.msk $0xffff, v1;
	v2 =	vcombine.low v44, v31  }
0x215: {  	v1 =	vld.idx.msk [tilespmem:v21+s15+$0x0], $0xffff;
	v21 =	vor.u32 s25, v46  }
0x216: {  	[tilespmem:$0x1F5D0] =	vst v2;
	v2 =	vor.u32 v2, v0;
	_ =	sdelay $0x3  }
0x217: {  	[tilespmem:v21+s18+$0x0] =	vst.idx.msk $0xffff, v1  }
0x218: {  	v1 =	vld.idx.msk [tilespmem:v2+s15+$0x0], $0xffff  }
0x219: {  	v2 =	vld [tilespmem:$0x1F910];
	_ =	sdelay $0x4  }
0x21a: {  	v2 =	vor.u32 s25, v2  }
0x21b: {  	v33 =	vsel vm0, v10, v5;
	v45 =	vsel vm0, v4, v7  }
0x21c: {  	v3 =	vcombine.low v45, v33;
	_ =	sdelay $0x1  }
0x21d: {  	[tilespmem:$0x1F5E0] =	vst v3  }
0x21e: {  	v3 =	vor.u32 v3, v0;
	[tilespmem:v2+s18+$0x0] =	vst.idx.msk $0xffff, v1;
	v2 =	vld [tilespmem:$0x1F920];
	_ =	sdelay $0x4  }
0x21f: {  	v1 =	vld.idx.msk [tilespmem:v3+s15+$0x0], $0xffff;
	v2 =	vor.u32 s25, v2;
	_ =	sdelay $0x4  }
0x220: {  	[tilespmem:v2+s18+$0x0] =	vst.idx.msk $0xffff, v1;
	v1 =	vld [tilespmem:$0x1FD20]  }
0x221: {  	v2 =	vld [tilespmem:$0x1FD30];
	_ =	sdelay $0x1  }
0x222: {  	v4 =	vsel vm0, v9, v8;
	v35 =	vsel vm0, v14, v11  }
0x223: {  	v4 =	vcombine.low v35, v4;
	_ =	sdelay $0x1  }
0x224: {  	[tilespmem:$0x1F5F0] =	vst v4;
	v3 =	vor.u32 v4, v0;
	v4 =	vcombine.low v1, v2;
	v2 =	vld [tilespmem:$0x1F930];
	_ =	sdelay $0x4  }
0x225: {  	v1 =	vld.idx.msk [tilespmem:v3+s15+$0x0], $0xffff;
	v2 =	vor.u32 s25, v2;
	_ =	sdelay $0x4  }
0x226: {  	[tilespmem:v2+s18+$0x0] =	vst.idx.msk $0xffff, v1;
	v1 =	vld [tilespmem:$0x1FD40]  }
0x227: {  	v2 =	vld [tilespmem:$0x1FD50];
	_ =	sdelay $0x4  }
0x228: {  	v48 =	vor.u32 v4, v0;
	v3 =	vcombine.low v1, v2;
	v2 =	vld [tilespmem:$0x1F940];
	_ =	sdelay $0x4  }
0x229: {  	v1 =	vld.idx.msk [tilespmem:v48+s15+$0x0], $0xffff;
	v49 =	vor.u32 s25, v2  }
0x22a: {  	v36 =	vor.u32 v3, v0;
	v2 =	vld [tilespmem:$0x1F950];
	_ =	sdelay $0x2  }
0x22b: {  	[tilespmem:$0x1F610] =	vst v3  }
0x22c: {  	v3 =	vcombine.low v25, v26;
	[tilespmem:v49+s18+$0x0] =	vst.idx.msk $0xffff, v1  }
0x22d: {  	v26 =	vor.u32 s25, v2;
	v1 =	vld.idx.msk [tilespmem:v36+s15+$0x0], $0xffff  }
0x22e: {  	v50 =	vor.u32 v3, v0;
	v2 =	vld [tilespmem:$0x1F960];
	_ =	sdelay $0x2  }
0x22f: {  	[tilespmem:$0x1F620] =	vst v3  }
0x230: {  	v3 =	vcombine.low v27, v17;
	[tilespmem:v26+s18+$0x0] =	vst.idx.msk $0xffff, v1  }
0x231: {  	v27 =	vor.u32 s25, v2;
	v1 =	vld.idx.msk [tilespmem:v50+s15+$0x0], $0xffff  }
0x232: {  	v2 =	vor.u32 v3, v0;
	_ =	sdelay $0x3  }
0x233: {  	[tilespmem:v27+s18+$0x0] =	vst.idx.msk $0xffff, v1  }
0x234: {  	v1 =	vld.idx.msk [tilespmem:v2+s15+$0x0], $0xffff  }
0x235: {  	v2 =	vld [tilespmem:$0x1F970];
	_ =	sdelay $0x4  }
0x236: {  	v2 =	vor.u32 s25, v2;
	_ =	sdelay $0x2  }
0x237: {  	[tilespmem:$0x1F630] =	vst v3;
	v3 =	vcombine.low v29, v30;
	_ =	sdelay $0x1  }
0x238: {  	v29 =	vor.u32 v3, v0;
	[tilespmem:v2+s18+$0x0] =	vst.idx.msk $0xffff, v1;
	v2 =	vld [tilespmem:$0x1F980];
	_ =	sdelay $0x3  }
0x239: {  	[tilespmem:$0x1F640] =	vst v3;
	v3 =	vcombine.low v31, v44  }
0x23a: {  	v1 =	vld.idx.msk [tilespmem:v29+s15+$0x0], $0xffff;
	v29 =	vor.u32 s25, v2  }
0x23b: {  	v30 =	vor.u32 v3, v0;
	v2 =	vld [tilespmem:$0x1F990];
	_ =	sdelay $0x2  }
0x23c: {  	[tilespmem:$0x1F650] =	vst v3  }
0x23d: {  	v3 =	vcombine.low v33, v45;
	[tilespmem:v29+s18+$0x0] =	vst.idx.msk $0xffff, v1  }
0x23e: {  	v1 =	vld.idx.msk [tilespmem:v30+s15+$0x0], $0xffff;
	v30 =	vor.u32 s25, v2  }
0x23f: {  	v31 =	vor.u32 v3, v0;
	v2 =	vld [tilespmem:$0x1F9A0];
	_ =	sdelay $0x1  }
0x240: {  	v5 =	vld [tilespmem:$0x1F9E0];
	[tilespmem:$0x1F600] =	vst v4  }
0x241: {  	v4 =	vld [tilespmem:$0x1F9D0];
	[tilespmem:$0x1F660] =	vst v3  }
0x242: {  	v3 =	vld [tilespmem:$0x1F9C0];
	[tilespmem:v30+s18+$0x0] =	vst.idx.msk $0xffff, v1  }
0x243: {  	v30 =	vor.u32 s25, v2;
	v2 =	vor.u32 $0x20, v13;
	v1 =	vld.idx.msk [tilespmem:v31+s15+$0x0], $0xffff  }
0x244: {  	[tilespmem:$0x1F670] =	vst v2;
	v31 =	vor.u32 v2, v0;
	v2 =	vld [tilespmem:$0x1F9B0];
	_ =	sdelay $0x2  }
0x245: {  	v10 =	vld [tilespmem:$0x1FAE0]  }
0x246: {  	v8 =	vld [tilespmem:$0x1FB10]  }
0x247: {  	v18 =	vmov v32;
	v19 =	vld [tilespmem:$0x1FB00];
	v33 =	vsel vm0, v5, v4;
	v32 =	vsel vm0, v3, v2  }
0x248: {  	v7 =	vor.u32 $0x1000, v62;
	v17 =	vld [tilespmem:$0x1FAF0];
	[tilespmem:v30+s18+$0x0] =	vst.idx.msk $0xffff, v1;
	v6 =	vcombine.low v33, v32  }
0x249: {  	v30 =	vor.u32 s25, v7;
	v1 =	vld.idx.msk [tilespmem:v31+s15+$0x0], $0xffff  }
0x24a: {  	v31 =	vor.u32 v6, v0  }
0x24b: {  	v9 =	vld [tilespmem:$0x1FB20]  }
0x24c: {  	[tilespmem:$0x1F680] =	vst v7;
	v11 =	vld [tilespmem:$0x1FB30]  }
0x24d: {  	v22 =	vsel vm0, v17, v10;
	v49 =	vmov v47;
	v47 =	vld [tilespmem:$0x1FB40];
	v36 =	vsel vm0, v8, v19;
	[tilespmem:$0x1F690] =	vst v6  }
0x24e: {  	v20 =	vmov v34;
	v7 =	vld [tilespmem:$0x1FB50];
	v6 =	vcombine.low v36, v22;
	[tilespmem:v30+s18+$0x0] =	vst.idx.msk $0xffff, v1  }
0x24f: {  	v30 =	vor.u32 s25, v20;
	v1 =	vld.idx.msk [tilespmem:v31+s15+$0x0], $0xffff  }
0x250: {  	v31 =	vor.u32 v6, v0  }
0x251: {  	v15 =	vld [tilespmem:$0x1FB60]  }
0x252: {  	v14 =	vld [tilespmem:$0x1FB70]  }
0x253: {  	v35 =	vld [tilespmem:$0x1FB90];
	v37 =	vsel vm0, v11, v9;
	[tilespmem:$0x1F6A0] =	vst v6;
	v38 =	vsel vm0, v7, v47  }
0x254: {  	v34 =	vld [tilespmem:$0x1FB80];
	v6 =	vcombine.low v38, v37;
	[tilespmem:v30+s18+$0x0] =	vst.idx.msk $0xffff, v1  }
0x255: {  	v30 =	vor.u32 s25, v43;
	v1 =	vld.idx.msk [tilespmem:v31+s15+$0x0], $0xffff  }
0x256: {  	v31 =	vor.u32 v6, v0;
	_ =	sdelay $0x2  }
0x257: {  	v41 =	vsel vm0, v35, v34;
	v20 =	vmov v40;
	v40 =	vsel vm0, v14, v15;
	[tilespmem:$0x1F6B0] =	vst v6  }
0x258: {  	v6 =	vcombine.low v41, v40;
	[tilespmem:v30+s18+$0x0] =	vst.idx.msk $0xffff, v1  }
0x259: {  	v30 =	vor.u32 s25, v42;
	v1 =	vld.idx.msk [tilespmem:v31+s15+$0x0], $0xffff  }
0x25a: {  	v31 =	vor.u32 v6, v0;
	_ =	sdelay $0x2  }
0x25b: {  	v3 =	vsel vm0, v4, v3;
	v4 =	vsel vm0, v2, v5  }
0x25c: {  	v2 =	vcombine.low v4, v3;
	[tilespmem:v30+s18+$0x0] =	vst.idx.msk $0xffff, v1  }
0x25d: {  	v1 =	vld.idx.msk [tilespmem:v31+s15+$0x0], $0xffff  }
0x25e: {  	[tilespmem:$0x1F6D0] =	vst v2;
	v30 =	vor.u32 s25, v39;
	v31 =	vor.u32 v2, v0;
	v2 =	vld [tilespmem:$0x1F9F0];
	_ =	sdelay $0x3  }
0x25f: {  	v8 =	vsel vm0, v10, v8;
	v5 =	vsel vm0, v19, v17;
	[tilespmem:$0x1F6C0] =	vst v6  }
0x260: {  	v6 =	vcombine.low v8, v5;
	[tilespmem:v30+s18+$0x0] =	vst.idx.msk $0xffff, v1;
	v30 =	vor.u32 s25, v2;
	v2 =	vld [tilespmem:$0x1FA00]  }
0x261: {  	v1 =	vld.idx.msk [tilespmem:v31+s15+$0x0], $0xffff  }
0x262: {  	v47 =	vsel vm0, v47, v11;
	v7 =	vsel vm0, v9, v7;
	v31 =	vor.u32 v6, v0  }
0x263: {  	v9 =	vcombine.low v7, v47;
	_ =	sdelay $0x1  }
0x264: {  	[tilespmem:$0x1F6F0] =	vst v9  }
0x265: {  	[tilespmem:v30+s18+$0x0] =	vst.idx.msk $0xffff, v1;
	v30 =	vor.u32 s25, v2  }
0x266: {  	v2 =	vsel vm0, v34, v14;
	v1 =	vld.idx.msk [tilespmem:v31+s15+$0x0], $0xffff;
	v31 =	vor.u32 v9, v0;
	v9 =	vsel vm0, v15, v35  }
0x267: {  	v9 =	vcombine.low v9, v2;
	v2 =	vld [tilespmem:$0x1FA10];
	_ =	sdelay $0x3  }
0x268: {  	[tilespmem:v30+s18+$0x0] =	vst.idx.msk $0xffff, v1  }
0x269: {  	v1 =	vld.idx.msk [tilespmem:v31+s15+$0x0], $0xffff;
	v30 =	vor.u32 s25, v2  }
0x26a: {  	v31 =	vor.u32 v9, v0;
	v2 =	vld [tilespmem:$0x1FA20];
	_ =	sdelay $0x2  }
0x26b: {  	[tilespmem:$0x1F700] =	vst v9  }
0x26c: {  	v9 =	vcombine.low v32, v33;
	[tilespmem:v30+s18+$0x0] =	vst.idx.msk $0xffff, v1  }
0x26d: {  	v30 =	vor.u32 s25, v2;
	v1 =	vld.idx.msk [tilespmem:v31+s15+$0x0], $0xffff  }
0x26e: {  	v2 =	vld [tilespmem:$0x1FA30];
	v31 =	vor.u32 v9, v0;
	_ =	sdelay $0x2  }
0x26f: {  	[tilespmem:$0x1F710] =	vst v9  }
0x270: {  	v9 =	vcombine.low v22, v36;
	[tilespmem:v30+s18+$0x0] =	vst.idx.msk $0xffff, v1  }
0x271: {  	v30 =	vor.u32 s25, v2;
	v1 =	vld.idx.msk [tilespmem:v31+s15+$0x0], $0xffff  }
0x272: {  	v2 =	vld [tilespmem:$0x1FA40];
	v31 =	vor.u32 v9, v0;
	_ =	sdelay $0x2  }
0x273: {  	[tilespmem:$0x1F720] =	vst v9  }
0x274: {  	v9 =	vcombine.low v37, v38;
	[tilespmem:v30+s18+$0x0] =	vst.idx.msk $0xffff, v1  }
0x275: {  	v30 =	vor.u32 s25, v2;
	v1 =	vld.idx.msk [tilespmem:v31+s15+$0x0], $0xffff  }
0x276: {  	v2 =	vld [tilespmem:$0x1FA50];
	v31 =	vor.u32 v9, v0;
	_ =	sdelay $0x2  }
0x277: {  	[tilespmem:$0x1F6E0] =	vst v6  }
0x278: {  	v6 =	vmov v28;
	v28 =	vmov v9;
	v9 =	vcombine.low v40, v41;
	[tilespmem:v30+s18+$0x0] =	vst.idx.msk $0xffff, v1  }
0x279: {  	v30 =	vor.u32 s25, v2;
	v1 =	vld.idx.msk [tilespmem:v31+s15+$0x0], $0xffff  }
0x27a: {  	v2 =	vld [tilespmem:$0x1FA60];
	v31 =	vor.u32 v9, v0;
	_ =	sdelay $0x3  }
0x27b: {  	v3 =	vcombine.low v3, v4;
	[tilespmem:v30+s18+$0x0] =	vst.idx.msk $0xffff, v1  }
0x27c: {  	v30 =	vor.u32 s25, v2;
	v1 =	vld.idx.msk [tilespmem:v31+s15+$0x0], $0xffff  }
0x27d: {  	v44 =	vor.u32 v3, v0;
	v2 =	vld [tilespmem:$0x1FA70];
	_ =	sdelay $0x3  }
0x27e: {  	v25 =	vmov v3;
	v3 =	vcombine.low v5, v8;
	[tilespmem:v30+s18+$0x0] =	vst.idx.msk $0xffff, v1  }
0x27f: {  	v30 =	vor.u32 s25, v2;
	v1 =	vld.idx.msk [tilespmem:v44+s15+$0x0], $0xffff  }
0x280: {  	v50 =	vmov v61;
	v61 =	vor.u32 v3, v0;
	v37 =	vmov v3;
	v3 =	vld [tilespmem:$0x1FFF0];
	_ =	sdelay $0x3  }
0x281: {  	v2 =	vcombine.low v47, v7;
	[tilespmem:v30+s18+$0x0] =	vst.idx.msk $0xffff, v1  }
0x282: {  	v30 =	vor.u32 s25, v3;
	v1 =	vld.idx.msk [tilespmem:v61+s15+$0x0], $0xffff  }
0x283: {  	v48 =	vmov v63;
	v63 =	vor.u32 v2, v0  }
0x284: {  	v12 =	vld [tilespmem:$0x1FBB0]  }
0x285: {  	v8 =	vld [tilespmem:$0x1FBA0]  }
0x286: {  	v5 =	vld [tilespmem:$0x1FBC0]  }
0x287: {  	v27 =	vmov v2;
	v2 =	vor.u32 $0x30, v13;
	v13 =	vld [tilespmem:$0x1FBD0];
	[tilespmem:v30+s18+$0x0] =	vst.idx.msk $0xffff, v1  }
0x288: {  	v30 =	vor.u32 s25, v16;
	v1 =	vld.idx.msk [tilespmem:v63+s15+$0x0], $0xffff  }
0x289: {  	v38 =	vmov v2;
	v2 =	vor.u32 v2, v0  }
0x28a: {  	v10 =	vld [tilespmem:$0x1FC00]  }
0x28b: {  	v19 =	vld [tilespmem:$0x1FBE0]  }
0x28c: {  	v43 =	vmovc v46;
	v46 =	vmovc v24;
	v21 =	vsel vm0, v12, v8;
	v29 =	vmov v9;
	v9 =	vld [tilespmem:$0x1FBF0];
	v24 =	vsel vm0, v13, v5  }
0x28d: {  	v47 =	vld [tilespmem:$0x1FC10];
	v3 =	vor.u32 $0x1800, v62;
	v4 =	vcombine.low v24, v21;
	[tilespmem:v30+s18+$0x0] =	vst.idx.msk $0xffff, v1  }
0x28e: {  	v30 =	vor.u32 s25, v3;
	v1 =	vld.idx.msk [tilespmem:v2+s15+$0x0], $0xffff  }
0x28f: {  	v2 =	vor.u32 v4, v0;
	_ =	sdelay $0x2  }
0x290: {  	v39 =	vsel vm0, v9, v19;
	v44 =	vsel vm0, v47, v10  }
0x291: {  	v15 =	vld [tilespmem:$0x1FC20];
	v26 =	vmov v3;
	v3 =	vcombine.low v44, v39;
	[tilespmem:v30+s18+$0x0] =	vst.idx.msk $0xffff, v1  }
0x292: {  	v30 =	vor.u32 s25, v18;
	v1 =	vld.idx.msk [tilespmem:v2+s15+$0x0], $0xffff  }
0x293: {  	v61 =	vld [tilespmem:$0x1FC30];
	v2 =	vor.u32 v3, v0  }
0x294: {  	v31 =	vmov v16;
	v16 =	vld [tilespmem:$0x1FC50]  }
0x295: {  	v63 =	vld [tilespmem:$0x1FC40];
	_ =	sdelay $0x1  }
0x296: {  	[tilespmem:v30+s18+$0x0] =	vst.idx.msk $0xffff, v1  }
0x297: {  	v1 =	vld.idx.msk [tilespmem:v2+s15+$0x0], $0xffff  }
0x298: {  	v2 =	vld [tilespmem:$0x1FEE0]  }
0x299: {  	v32 =	vmovc v18;
	v11 =	vmov v3;
	v18 =	vsel vm0, v61, v15;
	v3 =	vsel vm0, v16, v63  }
0x29a: {  	v45 =	vmov v23;
	v23 =	vld [tilespmem:$0x1FC60];
	[tilespmem:$0x1F730] =	vst v3;
	v3 =	vcombine.low v3, v18  }
0x29b: {  	v40 =	vmov v4;
	v4 =	vld [tilespmem:$0x1FC90]  }
0x29c: {  	v35 =	vmov v3;
	v36 =	vor.u32 v3, v0;
	v3 =	vld [tilespmem:$0x1FC70]  }
0x29d: {  	v33 =	vmov v2;
	v30 =	vor.u32 s25, v2;
	v2 =	vld [tilespmem:$0x1FC80];
	_ =	sdelay $0x3  }
0x29e: {  	v14 =	vsel vm0, v3, v23  }
0x29f: {  	[tilespmem:$0x1F750] =	vst v14;
	v7 =	vsel vm0, v4, v2  }
0x2a0: {  	[tilespmem:$0x1F740] =	vst v7;
	v7 =	vcombine.low v7, v14;
	v14 =	vld [tilespmem:$0x1FEA0];
	_ =	sdelay $0x3  }
0x2a1: {  	[tilespmem:v30+s18+$0x0] =	vst.idx.msk $0xffff, v1  }
0x2a2: {  	v1 =	vld.idx.msk [tilespmem:v36+s15+$0x0], $0xffff;
	v30 =	vor.u32 s25, v14  }
0x2a3: {  	v34 =	vsel vm0, v5, v12;
	v5 =	vsel vm0, v8, v13;
	v8 =	vld [tilespmem:$0x1FEB0];
	v41 =	vmovc v7;
	v7 =	vor.u32 v7, v0;
	_ =	sdelay $0x2  }
0x2a4: {  	[tilespmem:$0x1F760] =	vst v5  }
0x2a5: {  	v5 =	vcombine.low v5, v34;
	[tilespmem:v30+s18+$0x0] =	vst.idx.msk $0xffff, v1  }
0x2a6: {  	v30 =	vor.u32 s25, v8;
	v1 =	vld.idx.msk [tilespmem:v7+s15+$0x0], $0xffff  }
0x2a7: {  	v36 =	vmov v5;
	v5 =	vor.u32 v5, v0;
	_ =	sdelay $0x3  }
0x2a8: {  	[tilespmem:v30+s18+$0x0] =	vst.idx.msk $0xffff, v1  }
0x2a9: {  	v1 =	vld.idx.msk [tilespmem:v5+s15+$0x0], $0xffff  }
0x2aa: {  	v5 =	vld [tilespmem:$0x1FF80];
	_ =	sdelay $0x4  }
0x2ab: {  	v30 =	vor.u32 s25, v5;
	_ =	sdelay $0x1  }
0x2ac: {  	v42 =	vmovc v58;
	v58 =	vmov v20;
	v20 =	vsel vm0, v10, v9;
	v9 =	vsel vm0, v19, v47  }
0x2ad: {  	v12 =	vcombine.low v9, v20;
	_ =	sdelay $0x1  }
0x2ae: {  	v17 =	vmov v14;
	v14 =	vmov v5;
	v5 =	vor.u32 v12, v0;
	[tilespmem:v30+s18+$0x0] =	vst.idx.msk $0xffff, v1;
	v1 =	vld [tilespmem:$0x1FE90];
	_ =	sdelay $0x2  }
0x2af: {  	[tilespmem:$0x1F770] =	vst v9;
	v9 =	vsel vm0, v15, v16;
	v7 =	vmov v8;
	v8 =	vsel vm0, v63, v61  }
0x2b0: {  	v22 =	vcombine.low v9, v8  }
0x2b1: {  	v2 =	vsel vm0, v2, v3;
	v61 =	vld.idx.msk [tilespmem:v5+s15+$0x0], $0xffff;
	v15 =	vmovc v1;
	v30 =	vor.u32 s25, v1;
	v1 =	vsel vm0, v23, v4  }
0x2b2: {  	v5 =	vor.u32 v22, v0;
	v23 =	vcombine.low v1, v2;
	v2 =	vld [tilespmem:$0x1FE80];
	_ =	sdelay $0x3  }
0x2b3: {  	[tilespmem:v30+s18+$0x0] =	vst.idx.msk $0xffff, v61  }
0x2b4: {  	v1 =	vld.idx.msk [tilespmem:v5+s15+$0x0], $0xffff;
	v30 =	vor.u32 s25, v2  }
0x2b5: {  	v63 =	vor.u32 v23, v0;
	v19 =	vmov v2;
	v2 =	vld [tilespmem:$0x1FE70];
	_ =	sdelay $0x3  }
0x2b6: {  	v24 =	vcombine.low v21, v24;
	[tilespmem:v30+s18+$0x0] =	vst.idx.msk $0xffff, v1  }
0x2b7: {  	v30 =	vor.u32 s25, v2;
	v1 =	vld.idx.msk [tilespmem:v63+s15+$0x0], $0xffff  }
0x2b8: {  	[tilespmem:$0x1F790] =	vst v8;
	v8 =	vmov v2;
	v2 =	vor.u32 v24, v0;
	_ =	sdelay $0x3  }
0x2b9: {  	[tilespmem:v30+s18+$0x0] =	vst.idx.msk $0xffff, v1  }
0x2ba: {  	v1 =	vld.idx.msk [tilespmem:v2+s15+$0x0], $0xffff  }
0x2bb: {  	v2 =	vld [tilespmem:$0x1FE60];
	_ =	sdelay $0x4  }
0x2bc: {  	v30 =	vor.u32 s25, v2;
	_ =	sdelay $0x2  }
0x2bd: {  	v47 =	vcombine.low v39, v44  }
0x2be: {  	[tilespmem:$0x1F780] =	vst v9;
	v9 =	vmov v2;
	v2 =	vld [tilespmem:$0x1FE50]  }
0x2bf: {  	v61 =	vor.u32 v47, v0;
	[tilespmem:v30+s18+$0x0] =	vst.idx.msk $0xffff, v1;
	v1 =	vld [tilespmem:$0x1F730];
	_ =	sdelay $0x4  }
0x2c0: {  	v30 =	vor.u32 s25, v2;
	v44 =	vcombine.low v18, v1;
	v1 =	vld.idx.msk [tilespmem:v61+s15+$0x0], $0xffff;
	_ =	sdelay $0x3  }
0x2c1: {  	v3 =	vld [tilespmem:$0x1F750]  }
0x2c2: {  	v10 =	vmov v2;
	v2 =	vor.u32 v44, v0;
	[tilespmem:v30+s18+$0x0] =	vst.idx.msk $0xffff, v1;
	v1 =	vld [tilespmem:$0x1F740];
	_ =	sdelay $0x4  }
0x2c3: {  	v61 =	vcombine.low v3, v1;
	v1 =	vld.idx.msk [tilespmem:v2+s15+$0x0], $0xffff  }
0x2c4: {  	v2 =	vld [tilespmem:$0x1FE40];
	_ =	sdelay $0x4  }
0x2c5: {  	v30 =	vor.u32 s25, v2;
	_ =	sdelay $0x3  }
0x2c6: {  	v16 =	vmov v2;
	v2 =	vld [tilespmem:$0x1FE30]  }
0x2c7: {  	v63 =	vor.u32 v61, v0;
	[tilespmem:v30+s18+$0x0] =	vst.idx.msk $0xffff, v1;
	v1 =	vld [tilespmem:$0x1F760];
	_ =	sdelay $0x4  }
0x2c8: {  	v30 =	vor.u32 s25, v2;
	v34 =	vcombine.low v34, v1;
	v1 =	vld.idx.msk [tilespmem:v63+s15+$0x0], $0xffff;
	_ =	sdelay $0x4  }
0x2c9: {  	[tilespmem:v30+s18+$0x0] =	vst.idx.msk $0xffff, v1;
	v1 =	vld [tilespmem:$0x1F770];
	_ =	sdelay $0x4  }
0x2ca: {  	v18 =	vmov v2;
	v2 =	vor.u32 v34, v0;
	v63 =	vcombine.low v20, v1;
	v1 =	vld [tilespmem:$0x1FE20];
	_ =	sdelay $0x4  }
0x2cb: {  	v2 =	vld.idx.msk [tilespmem:v2+s15+$0x0], $0xffff;
	v30 =	vor.u32 s25, v1  }
0x2cc: {  	v20 =	vmov v1;
	v1 =	vor.u32 v63, v0;
	_ =	sdelay $0x3  }
0x2cd: {  	[tilespmem:v30+s18+$0x0] =	vst.idx.msk $0xffff, v2  }
0x2ce: {  	v1 =	vld.idx.msk [tilespmem:v1+s15+$0x0], $0xffff;
	_ =	sdelay $0x2  }
0x2cf: {  	v3 =	vld [tilespmem:$0x1F790]  }
0x2d0: {  	v2 =	vld [tilespmem:$0x1F780]  }
0x2d1: {  	[tilespmem:$0x1F7A0] =	vst v1;
	v1 =	vld [tilespmem:$0x1FE10];
	_ =	sdelay $0x4  }
0x2d2: {  	v30 =	vcombine.low v3, v2;
	v2 =	vld [tilespmem:$0x1F7A0];
	v21 =	vmov v1;
	v1 =	vor.u32 s25, v1;
	_ =	sdelay $0x1  }
0x2d3: {  	v13 =	vld [tilespmem:$0x1FD60]  }
0x2d4: {  	v39 =	vld [tilespmem:$0x1FAA0]  }
0x2d5: {  	s28 =	simm.s32 $0x10;
	v4 =	vld [tilespmem:$0x1FFE0]  }
0x2d6: {  	s29 =	simm.s32 $0x20;
	s26 =	sshll.u32 s24, $0xA;
	v5 =	vld [tilespmem:$0x1FFF0];
	v0 =	vor.u32 v30, v0;
	[tilespmem:v1+s18+$0x0] =	vst.idx.msk $0xffff, v2;
	v1 =	vmov s28  }
.LBB2_3:
0x2d7: {  	_ =	sdelay $0x3  }
0x2d8: {  	v2 =	vld.idx.msk [tilespmem:v0+s15+$0x0], $0xffff  }
0x2d9: {  	v0 =	vld [tilespmem:$0x1FD80];
	_ =	sdelay $0x3  }
0x2da: {  	v1 =	vshll.u32 v1, $0x7  }
0x2db: {  	v0 =	vor.u32 v0, v1;
	v1 =	vld [tilespmem:$0x1FDA0];
	_ =	sdelay $0x4  }
0x2dc: {  	v3 =	vlaneseq.u32;
	v1 =	vor.u32 s25, v1  }
0x2dd: {  	v3 =	vor.u32 v3, v0;
	_ =	sdelay $0x3  }
0x2de: {  	s25 =	smov.u32 s28;
	[tilespmem:v1+s18+$0x0] =	vst.idx.msk $0xffff, v2  }
0x2df: {  	v2 =	vor.u32 s25, v62;
	v1 =	vld.idx.msk [tilespmem:v3+s15+$0x0], $0xffff  }
0x2e0: {  	v3 =	vor.u32 v45, v0;
	_ =	sdelay $0x3  }
0x2e1: {  	[tilespmem:v2+s18+$0x0] =	vst.idx.msk $0xffff, v1  }
0x2e2: {  	v2 =	vor.u32 s25, v46;
	v1 =	vld.idx.msk [tilespmem:v3+s15+$0x0], $0xffff  }
0x2e3: {  	v3 =	vor.u32 v6, v0;
	_ =	sdelay $0x3  }
0x2e4: {  	[tilespmem:v2+s18+$0x0] =	vst.idx.msk $0xffff, v1  }
0x2e5: {  	v2 =	vor.u32 s25, v48;
	v1 =	vld.idx.msk [tilespmem:v3+s15+$0x0], $0xffff  }
0x2e6: {  	v3 =	vor.u32 v49, v0;
	_ =	sdelay $0x3  }
0x2e7: {  	[tilespmem:v2+s18+$0x0] =	vst.idx.msk $0xffff, v1  }
0x2e8: {  	v2 =	vor.u32 s25, v50;
	v1 =	vld.idx.msk [tilespmem:v3+s15+$0x0], $0xffff  }
0x2e9: {  	v3 =	vor.u32 v51, v0;
	_ =	sdelay $0x3  }
0x2ea: {  	[tilespmem:v2+s18+$0x0] =	vst.idx.msk $0xffff, v1  }
0x2eb: {  	v2 =	vor.u32 s25, v52;
	v1 =	vld.idx.msk [tilespmem:v3+s15+$0x0], $0xffff  }
0x2ec: {  	v3 =	vor.u32 v53, v0;
	_ =	sdelay $0x3  }
0x2ed: {  	[tilespmem:v2+s18+$0x0] =	vst.idx.msk $0xffff, v1  }
0x2ee: {  	v2 =	vor.u32 s25, v54;
	v1 =	vld.idx.msk [tilespmem:v3+s15+$0x0], $0xffff  }
0x2ef: {  	v3 =	vor.u32 v55, v0;
	_ =	sdelay $0x3  }
0x2f0: {  	[tilespmem:v2+s18+$0x0] =	vst.idx.msk $0xffff, v1  }
0x2f1: {  	v2 =	vor.u32 s25, v56;
	v1 =	vld.idx.msk [tilespmem:v3+s15+$0x0], $0xffff  }
0x2f2: {  	v3 =	vor.u32 v57, v0;
	_ =	sdelay $0x3  }
0x2f3: {  	[tilespmem:v2+s18+$0x0] =	vst.idx.msk $0xffff, v1  }
0x2f4: {  	v2 =	vor.u32 s25, v58;
	v1 =	vld.idx.msk [tilespmem:v3+s15+$0x0], $0xffff  }
0x2f5: {  	v3 =	vor.u32 v59, v0;
	_ =	sdelay $0x3  }
0x2f6: {  	[tilespmem:v2+s18+$0x0] =	vst.idx.msk $0xffff, v1  }
0x2f7: {  	v2 =	vor.u32 s25, v60;
	v1 =	vld.idx.msk [tilespmem:v3+s15+$0x0], $0xffff  }
0x2f8: {  	v3 =	vor.u32 v39, v0;
	_ =	sdelay $0x3  }
0x2f9: {  	[tilespmem:v2+s18+$0x0] =	vst.idx.msk $0xffff, v1  }
0x2fa: {  	v2 =	vor.u32 s25, v4;
	v1 =	vld.idx.msk [tilespmem:v3+s15+$0x0], $0xffff  }
0x2fb: {  	v3 =	vor.u32 v13, v0;
	_ =	sdelay $0x3  }
0x2fc: {  	[tilespmem:v2+s18+$0x0] =	vst.idx.msk $0xffff, v1;
	v2 =	vld [tilespmem:$0x1F7B0]  }
0x2fd: {  	v1 =	vld.idx.msk [tilespmem:v3+s15+$0x0], $0xffff  }
0x2fe: {  	v3 =	vld [tilespmem:$0x1F7C0];
	_ =	sdelay $0x3  }
0x2ff: {  	v2 =	vor.u32 s25, v2  }
0x300: {  	v3 =	vor.u32 v3, v0;
	_ =	sdelay $0x3  }
0x301: {  	[tilespmem:v2+s18+$0x0] =	vst.idx.msk $0xffff, v1;
	v2 =	vld [tilespmem:$0x1F7D0]  }
0x302: {  	v1 =	vld.idx.msk [tilespmem:v3+s15+$0x0], $0xffff  }
0x303: {  	v3 =	vld [tilespmem:$0x1F7E0];
	_ =	sdelay $0x3  }
0x304: {  	v2 =	vor.u32 s25, v2  }
0x305: {  	v3 =	vor.u32 v3, v0;
	_ =	sdelay $0x3  }
0x306: {  	[tilespmem:v2+s18+$0x0] =	vst.idx.msk $0xffff, v1;
	v2 =	vld [tilespmem:$0x1F7F0]  }
0x307: {  	v1 =	vld.idx.msk [tilespmem:v3+s15+$0x0], $0xffff  }
0x308: {  	v3 =	vld [tilespmem:$0x1F800];
	_ =	sdelay $0x3  }
0x309: {  	v2 =	vor.u32 s25, v2  }
0x30a: {  	v3 =	vor.u32 v3, v0;
	_ =	sdelay $0x3  }
0x30b: {  	[tilespmem:v2+s18+$0x0] =	vst.idx.msk $0xffff, v1;
	v2 =	vld [tilespmem:$0x1F810]  }
0x30c: {  	v1 =	vld.idx.msk [tilespmem:v3+s15+$0x0], $0xffff  }
0x30d: {  	v3 =	vld [tilespmem:$0x1F820];
	_ =	sdelay $0x3  }
0x30e: {  	v2 =	vor.u32 s25, v2  }
0x30f: {  	v3 =	vor.u32 v3, v0;
	_ =	sdelay $0x3  }
0x310: {  	[tilespmem:v2+s18+$0x0] =	vst.idx.msk $0xffff, v1;
	v2 =	vld [tilespmem:$0x1F830]  }
0x311: {  	v1 =	vld.idx.msk [tilespmem:v3+s15+$0x0], $0xffff  }
0x312: {  	v3 =	vld [tilespmem:$0x1F840];
	_ =	sdelay $0x3  }
0x313: {  	v2 =	vor.u32 s25, v2  }
0x314: {  	v3 =	vor.u32 v3, v0;
	_ =	sdelay $0x3  }
0x315: {  	[tilespmem:v2+s18+$0x0] =	vst.idx.msk $0xffff, v1;
	v2 =	vld [tilespmem:$0x1F850]  }
0x316: {  	v1 =	vld.idx.msk [tilespmem:v3+s15+$0x0], $0xffff  }
0x317: {  	v3 =	vld [tilespmem:$0x1FD70];
	_ =	sdelay $0x3  }
0x318: {  	v2 =	vor.u32 s25, v2  }
0x319: {  	v3 =	vor.u32 v3, v0;
	_ =	sdelay $0x3  }
0x31a: {  	[tilespmem:v2+s18+$0x0] =	vst.idx.msk $0xffff, v1;
	v2 =	vld [tilespmem:$0x1FDF0]  }
0x31b: {  	v1 =	vld.idx.msk [tilespmem:v3+s15+$0x0], $0xffff  }
0x31c: {  	v3 =	vld [tilespmem:$0x1FD90];
	_ =	sdelay $0x3  }
0x31d: {  	v2 =	vor.u32 s25, v2  }
0x31e: {  	v3 =	vor.u32 v3, v0;
	_ =	sdelay $0x3  }
0x31f: {  	[tilespmem:v2+s18+$0x0] =	vst.idx.msk $0xffff, v1;
	v2 =	vld [tilespmem:$0x1F860]  }
0x320: {  	v1 =	vld.idx.msk [tilespmem:v3+s15+$0x0], $0xffff  }
0x321: {  	v3 =	vld [tilespmem:$0x1FDB0];
	_ =	sdelay $0x3  }
0x322: {  	v2 =	vor.u32 s25, v2  }
0x323: {  	v3 =	vor.u32 v3, v0;
	_ =	sdelay $0x3  }
0x324: {  	[tilespmem:v2+s18+$0x0] =	vst.idx.msk $0xffff, v1;
	v2 =	vld [tilespmem:$0x1F870]  }
0x325: {  	v1 =	vld.idx.msk [tilespmem:v3+s15+$0x0], $0xffff  }
0x326: {  	v3 =	vld [tilespmem:$0x1F5A0];
	_ =	sdelay $0x3  }
0x327: {  	v2 =	vor.u32 s25, v2  }
0x328: {  	v3 =	vor.u32 v3, v0;
	_ =	sdelay $0x3  }
0x329: {  	[tilespmem:v2+s18+$0x0] =	vst.idx.msk $0xffff, v1;
	v2 =	vld [tilespmem:$0x1F8C0]  }
0x32a: {  	v1 =	vld.idx.msk [tilespmem:v3+s15+$0x0], $0xffff  }
0x32b: {  	v3 =	vld [tilespmem:$0x1F5B0];
	_ =	sdelay $0x3  }
0x32c: {  	v2 =	vor.u32 s25, v2  }
0x32d: {  	v3 =	vor.u32 v3, v0;
	_ =	sdelay $0x3  }
0x32e: {  	[tilespmem:v2+s18+$0x0] =	vst.idx.msk $0xffff, v1  }
0x32f: {  	v1 =	vld.idx.msk [tilespmem:v3+s15+$0x0], $0xffff  }
0x330: {  	v3 =	vld [tilespmem:$0x1F5C0];
	_ =	sdelay $0x3  }
0x331: {  	v2 =	vor.u32 s25, v42  }
0x332: {  	v3 =	vor.u32 v3, v0;
	_ =	sdelay $0x3  }
0x333: {  	[tilespmem:v2+s18+$0x0] =	vst.idx.msk $0xffff, v1  }
0x334: {  	v1 =	vld.idx.msk [tilespmem:v3+s15+$0x0], $0xffff  }
0x335: {  	v3 =	vld [tilespmem:$0x1F5D0];
	_ =	sdelay $0x3  }
0x336: {  	v2 =	vor.u32 s25, v43  }
0x337: {  	v3 =	vor.u32 v3, v0;
	_ =	sdelay $0x3  }
0x338: {  	[tilespmem:v2+s18+$0x0] =	vst.idx.msk $0xffff, v1;
	v2 =	vld [tilespmem:$0x1F910]  }
0x339: {  	v1 =	vld.idx.msk [tilespmem:v3+s15+$0x0], $0xffff  }
0x33a: {  	v3 =	vld [tilespmem:$0x1F5E0];
	_ =	sdelay $0x3  }
0x33b: {  	v2 =	vor.u32 s25, v2  }
0x33c: {  	v3 =	vor.u32 v3, v0;
	_ =	sdelay $0x3  }
0x33d: {  	[tilespmem:v2+s18+$0x0] =	vst.idx.msk $0xffff, v1;
	v2 =	vld [tilespmem:$0x1F920]  }
0x33e: {  	v1 =	vld.idx.msk [tilespmem:v3+s15+$0x0], $0xffff  }
0x33f: {  	v3 =	vld [tilespmem:$0x1F5F0];
	_ =	sdelay $0x3  }
0x340: {  	v2 =	vor.u32 s25, v2  }
0x341: {  	v3 =	vor.u32 v3, v0;
	_ =	sdelay $0x3  }
0x342: {  	[tilespmem:v2+s18+$0x0] =	vst.idx.msk $0xffff, v1;
	v2 =	vld [tilespmem:$0x1F930]  }
0x343: {  	v1 =	vld.idx.msk [tilespmem:v3+s15+$0x0], $0xffff  }
0x344: {  	v3 =	vld [tilespmem:$0x1F600];
	_ =	sdelay $0x3  }
0x345: {  	v2 =	vor.u32 s25, v2  }
0x346: {  	v3 =	vor.u32 v3, v0;
	_ =	sdelay $0x3  }
0x347: {  	[tilespmem:v2+s18+$0x0] =	vst.idx.msk $0xffff, v1;
	v2 =	vld [tilespmem:$0x1F940]  }
0x348: {  	v1 =	vld.idx.msk [tilespmem:v3+s15+$0x0], $0xffff  }
0x349: {  	v3 =	vld [tilespmem:$0x1F610];
	_ =	sdelay $0x3  }
0x34a: {  	v2 =	vor.u32 s25, v2  }
0x34b: {  	v3 =	vor.u32 v3, v0;
	_ =	sdelay $0x3  }
0x34c: {  	[tilespmem:v2+s18+$0x0] =	vst.idx.msk $0xffff, v1;
	v2 =	vld [tilespmem:$0x1F950]  }
0x34d: {  	v1 =	vld.idx.msk [tilespmem:v3+s15+$0x0], $0xffff  }
0x34e: {  	v3 =	vld [tilespmem:$0x1F620];
	_ =	sdelay $0x3  }
0x34f: {  	v2 =	vor.u32 s25, v2  }
0x350: {  	v3 =	vor.u32 v3, v0;
	_ =	sdelay $0x3  }
0x351: {  	[tilespmem:v2+s18+$0x0] =	vst.idx.msk $0xffff, v1;
	v2 =	vld [tilespmem:$0x1F960]  }
0x352: {  	v1 =	vld.idx.msk [tilespmem:v3+s15+$0x0], $0xffff  }
0x353: {  	v3 =	vld [tilespmem:$0x1F630];
	_ =	sdelay $0x3  }
0x354: {  	v2 =	vor.u32 s25, v2  }
0x355: {  	v3 =	vor.u32 v3, v0;
	_ =	sdelay $0x3  }
0x356: {  	[tilespmem:v2+s18+$0x0] =	vst.idx.msk $0xffff, v1;
	v2 =	vld [tilespmem:$0x1F970]  }
0x357: {  	v1 =	vld.idx.msk [tilespmem:v3+s15+$0x0], $0xffff  }
0x358: {  	v3 =	vld [tilespmem:$0x1F640];
	_ =	sdelay $0x3  }
0x359: {  	v2 =	vor.u32 s25, v2  }
0x35a: {  	v3 =	vor.u32 v3, v0;
	_ =	sdelay $0x3  }
0x35b: {  	[tilespmem:v2+s18+$0x0] =	vst.idx.msk $0xffff, v1;
	v2 =	vld [tilespmem:$0x1F980]  }
0x35c: {  	v1 =	vld.idx.msk [tilespmem:v3+s15+$0x0], $0xffff  }
0x35d: {  	v3 =	vld [tilespmem:$0x1F650];
	_ =	sdelay $0x3  }
0x35e: {  	v2 =	vor.u32 s25, v2  }
0x35f: {  	v3 =	vor.u32 v3, v0;
	_ =	sdelay $0x3  }
0x360: {  	[tilespmem:v2+s18+$0x0] =	vst.idx.msk $0xffff, v1;
	v2 =	vld [tilespmem:$0x1F990]  }
0x361: {  	v1 =	vld.idx.msk [tilespmem:v3+s15+$0x0], $0xffff  }
0x362: {  	v3 =	vld [tilespmem:$0x1F660];
	_ =	sdelay $0x3  }
0x363: {  	v2 =	vor.u32 s25, v2  }
0x364: {  	v3 =	vor.u32 v3, v0;
	_ =	sdelay $0x3  }
0x365: {  	[tilespmem:v2+s18+$0x0] =	vst.idx.msk $0xffff, v1;
	v2 =	vld [tilespmem:$0x1F9A0]  }
0x366: {  	v1 =	vld.idx.msk [tilespmem:v3+s15+$0x0], $0xffff  }
0x367: {  	v3 =	vld [tilespmem:$0x1F670];
	_ =	sdelay $0x3  }
0x368: {  	v2 =	vor.u32 s25, v2  }
0x369: {  	v3 =	vor.u32 v3, v0;
	_ =	sdelay $0x3  }
0x36a: {  	[tilespmem:v2+s18+$0x0] =	vst.idx.msk $0xffff, v1;
	v2 =	vld [tilespmem:$0x1F680]  }
0x36b: {  	v1 =	vld.idx.msk [tilespmem:v3+s15+$0x0], $0xffff  }
0x36c: {  	v3 =	vld [tilespmem:$0x1F690];
	_ =	sdelay $0x3  }
0x36d: {  	v2 =	vor.u32 s25, v2  }
0x36e: {  	v3 =	vor.u32 v3, v0;
	_ =	sdelay $0x3  }
0x36f: {  	[tilespmem:v2+s18+$0x0] =	vst.idx.msk $0xffff, v1;
	v2 =	vld [tilespmem:$0x1FDC0]  }
0x370: {  	v1 =	vld.idx.msk [tilespmem:v3+s15+$0x0], $0xffff  }
0x371: {  	v3 =	vld [tilespmem:$0x1F6A0];
	_ =	sdelay $0x3  }
0x372: {  	v2 =	vor.u32 s25, v2  }
0x373: {  	v3 =	vor.u32 v3, v0;
	_ =	sdelay $0x3  }
0x374: {  	[tilespmem:v2+s18+$0x0] =	vst.idx.msk $0xffff, v1;
	v2 =	vld [tilespmem:$0x1FDD0]  }
0x375: {  	v1 =	vld.idx.msk [tilespmem:v3+s15+$0x0], $0xffff  }
0x376: {  	v3 =	vld [tilespmem:$0x1F6B0];
	_ =	sdelay $0x3  }
0x377: {  	v2 =	vor.u32 s25, v2  }
0x378: {  	v3 =	vor.u32 v3, v0;
	_ =	sdelay $0x3  }
0x379: {  	[tilespmem:v2+s18+$0x0] =	vst.idx.msk $0xffff, v1;
	v2 =	vld [tilespmem:$0x1FDE0]  }
0x37a: {  	v1 =	vld.idx.msk [tilespmem:v3+s15+$0x0], $0xffff  }
0x37b: {  	v3 =	vld [tilespmem:$0x1F6C0];
	_ =	sdelay $0x3  }
0x37c: {  	v2 =	vor.u32 s25, v2  }
0x37d: {  	v3 =	vor.u32 v3, v0;
	_ =	sdelay $0x3  }
0x37e: {  	[tilespmem:v2+s18+$0x0] =	vst.idx.msk $0xffff, v1;
	v2 =	vld [tilespmem:$0x1FE00]  }
0x37f: {  	v1 =	vld.idx.msk [tilespmem:v3+s15+$0x0], $0xffff  }
0x380: {  	v3 =	vld [tilespmem:$0x1F6D0];
	_ =	sdelay $0x3  }
0x381: {  	v2 =	vor.u32 s25, v2  }
0x382: {  	v3 =	vor.u32 v3, v0;
	_ =	sdelay $0x3  }
0x383: {  	[tilespmem:v2+s18+$0x0] =	vst.idx.msk $0xffff, v1;
	v2 =	vld [tilespmem:$0x1F9F0]  }
0x384: {  	v1 =	vld.idx.msk [tilespmem:v3+s15+$0x0], $0xffff  }
0x385: {  	v3 =	vld [tilespmem:$0x1F6E0];
	_ =	sdelay $0x3  }
0x386: {  	v2 =	vor.u32 s25, v2  }
0x387: {  	v3 =	vor.u32 v3, v0;
	_ =	sdelay $0x3  }
0x388: {  	[tilespmem:v2+s18+$0x0] =	vst.idx.msk $0xffff, v1;
	v2 =	vld [tilespmem:$0x1FA00]  }
0x389: {  	v1 =	vld.idx.msk [tilespmem:v3+s15+$0x0], $0xffff  }
0x38a: {  	v3 =	vld [tilespmem:$0x1F6F0];
	_ =	sdelay $0x2  }
0x38b: {  	v2 =	vor.u32 s25, v2;
	_ =	sdelay $0x1  }
0x38c: {  	v3 =	vor.u32 v3, v0;
	_ =	sdelay $0x2  }
0x38d: {  	[tilespmem:v2+s18+$0x0] =	vst.idx.msk $0xffff, v1;
	v2 =	vld [tilespmem:$0x1FA10];
	_ =	sdelay $0x1  }
0x38e: {  	v1 =	vld.idx.msk [tilespmem:v3+s15+$0x0], $0xffff  }
0x38f: {  	v3 =	vld [tilespmem:$0x1F700];
	_ =	sdelay $0x1  }
0x390: {  	v2 =	vor.u32 s25, v2;
	_ =	sdelay $0x2  }
0x391: {  	v3 =	vor.u32 v3, v0;
	_ =	sdelay $0x1  }
0x392: {  	[tilespmem:v2+s18+$0x0] =	vst.idx.msk $0xffff, v1;
	v2 =	vld [tilespmem:$0x1FA20];
	_ =	sdelay $0x2  }
0x393: {  	v1 =	vld.idx.msk [tilespmem:v3+s15+$0x0], $0xffff  }
0x394: {  	v3 =	vld [tilespmem:$0x1F710]  }
0x395: {  	v2 =	vor.u32 s25, v2;
	_ =	sdelay $0x3  }
0x396: {  	v3 =	vor.u32 v3, v0  }
0x397: {  	[tilespmem:v2+s18+$0x0] =	vst.idx.msk $0xffff, v1;
	v2 =	vld [tilespmem:$0x1FA30];
	_ =	sdelay $0x3  }
0x398: {  	v1 =	vld.idx.msk [tilespmem:v3+s15+$0x0], $0xffff  }
0x399: {  	v2 =	vor.u32 s25, v2;
	v3 =	vld [tilespmem:$0x1F720];
	_ =	sdelay $0x4  }
0x39a: {  	v3 =	vor.u32 v3, v0;
	[tilespmem:v2+s18+$0x0] =	vst.idx.msk $0xffff, v1;
	v2 =	vld [tilespmem:$0x1FA40];
	_ =	sdelay $0x4  }
0x39b: {  	v1 =	vld.idx.msk [tilespmem:v3+s15+$0x0], $0xffff;
	v2 =	vor.u32 s25, v2;
	_ =	sdelay $0x4  }
0x39c: {  	v3 =	vor.u32 v28, v0;
	[tilespmem:v2+s18+$0x0] =	vst.idx.msk $0xffff, v1;
	v2 =	vld [tilespmem:$0x1FA50];
	_ =	sdelay $0x4  }
0x39d: {  	v1 =	vld.idx.msk [tilespmem:v3+s15+$0x0], $0xffff;
	v2 =	vor.u32 s25, v2;
	_ =	sdelay $0x4  }
0x39e: {  	v3 =	vor.u32 v29, v0;
	[tilespmem:v2+s18+$0x0] =	vst.idx.msk $0xffff, v1;
	v2 =	vld [tilespmem:$0x1FA60];
	_ =	sdelay $0x4  }
0x39f: {  	v1 =	vld.idx.msk [tilespmem:v3+s15+$0x0], $0xffff;
	v2 =	vor.u32 s25, v2;
	_ =	sdelay $0x4  }
0x3a0: {  	v3 =	vor.u32 v25, v0;
	[tilespmem:v2+s18+$0x0] =	vst.idx.msk $0xffff, v1;
	v2 =	vld [tilespmem:$0x1FA70];
	_ =	sdelay $0x4  }
0x3a1: {  	v1 =	vld.idx.msk [tilespmem:v3+s15+$0x0], $0xffff;
	v2 =	vor.u32 s25, v2  }
0x3a2: {  	v3 =	vor.u32 v37, v0;
	_ =	sdelay $0x3  }
0x3a3: {  	[tilespmem:v2+s18+$0x0] =	vst.idx.msk $0xffff, v1  }
0x3a4: {  	v2 =	vor.u32 s25, v5;
	v1 =	vld.idx.msk [tilespmem:v3+s15+$0x0], $0xffff  }
0x3a5: {  	v3 =	vor.u32 v27, v0;
	_ =	sdelay $0x3  }
0x3a6: {  	[tilespmem:v2+s18+$0x0] =	vst.idx.msk $0xffff, v1  }
0x3a7: {  	v2 =	vor.u32 s25, v31;
	v1 =	vld.idx.msk [tilespmem:v3+s15+$0x0], $0xffff  }
0x3a8: {  	v3 =	vor.u32 v38, v0;
	_ =	sdelay $0x3  }
0x3a9: {  	[tilespmem:v2+s18+$0x0] =	vst.idx.msk $0xffff, v1  }
0x3aa: {  	v2 =	vor.u32 s25, v26;
	v1 =	vld.idx.msk [tilespmem:v3+s15+$0x0], $0xffff  }
0x3ab: {  	v3 =	vor.u32 v40, v0;
	_ =	sdelay $0x3  }
0x3ac: {  	[tilespmem:v2+s18+$0x0] =	vst.idx.msk $0xffff, v1  }
0x3ad: {  	v2 =	vor.u32 s25, v32;
	v1 =	vld.idx.msk [tilespmem:v3+s15+$0x0], $0xffff  }
0x3ae: {  	v3 =	vor.u32 v11, v0;
	_ =	sdelay $0x3  }
0x3af: {  	[tilespmem:v2+s18+$0x0] =	vst.idx.msk $0xffff, v1  }
0x3b0: {  	v2 =	vor.u32 s25, v33;
	v1 =	vld.idx.msk [tilespmem:v3+s15+$0x0], $0xffff  }
0x3b1: {  	v3 =	vor.u32 v35, v0;
	_ =	sdelay $0x3  }
0x3b2: {  	[tilespmem:v2+s18+$0x0] =	vst.idx.msk $0xffff, v1  }
0x3b3: {  	v2 =	vor.u32 s25, v17;
	v1 =	vld.idx.msk [tilespmem:v3+s15+$0x0], $0xffff  }
0x3b4: {  	v3 =	vor.u32 v41, v0;
	_ =	sdelay $0x3  }
0x3b5: {  	[tilespmem:v2+s18+$0x0] =	vst.idx.msk $0xffff, v1  }
0x3b6: {  	v2 =	vor.u32 s25, v7;
	v1 =	vld.idx.msk [tilespmem:v3+s15+$0x0], $0xffff  }
0x3b7: {  	v3 =	vor.u32 v36, v0;
	_ =	sdelay $0x3  }
0x3b8: {  	[tilespmem:v2+s18+$0x0] =	vst.idx.msk $0xffff, v1  }
0x3b9: {  	v2 =	vor.u32 s25, v14;
	v1 =	vld.idx.msk [tilespmem:v3+s15+$0x0], $0xffff  }
0x3ba: {  	v3 =	vor.u32 v12, v0;
	_ =	sdelay $0x3  }
0x3bb: {  	[tilespmem:v2+s18+$0x0] =	vst.idx.msk $0xffff, v1  }
0x3bc: {  	v2 =	vor.u32 s25, v15;
	v1 =	vld.idx.msk [tilespmem:v3+s15+$0x0], $0xffff  }
0x3bd: {  	v3 =	vor.u32 v22, v0;
	_ =	sdelay $0x3  }
0x3be: {  	[tilespmem:v2+s18+$0x0] =	vst.idx.msk $0xffff, v1  }
0x3bf: {  	v2 =	vor.u32 s25, v19;
	v1 =	vld.idx.msk [tilespmem:v3+s15+$0x0], $0xffff  }
0x3c0: {  	v3 =	vor.u32 v23, v0;
	_ =	sdelay $0x3  }
0x3c1: {  	[tilespmem:v2+s18+$0x0] =	vst.idx.msk $0xffff, v1  }
0x3c2: {  	v2 =	vor.u32 s25, v8;
	v1 =	vld.idx.msk [tilespmem:v3+s15+$0x0], $0xffff  }
0x3c3: {  	v3 =	vor.u32 v24, v0;
	_ =	sdelay $0x3  }
0x3c4: {  	[tilespmem:v2+s18+$0x0] =	vst.idx.msk $0xffff, v1  }
0x3c5: {  	v2 =	vor.u32 s25, v9;
	v1 =	vld.idx.msk [tilespmem:v3+s15+$0x0], $0xffff  }
0x3c6: {  	v3 =	vor.u32 v47, v0;
	_ =	sdelay $0x3  }
0x3c7: {  	[tilespmem:v2+s18+$0x0] =	vst.idx.msk $0xffff, v1  }
0x3c8: {  	v2 =	vor.u32 s25, v10;
	v1 =	vld.idx.msk [tilespmem:v3+s15+$0x0], $0xffff  }
0x3c9: {  	v3 =	vor.u32 v44, v0;
	_ =	sdelay $0x3  }
0x3ca: {  	[tilespmem:v2+s18+$0x0] =	vst.idx.msk $0xffff, v1  }
0x3cb: {  	v2 =	vor.u32 s25, v16;
	v1 =	vld.idx.msk [tilespmem:v3+s15+$0x0], $0xffff  }
0x3cc: {  	v3 =	vor.u32 v61, v0;
	_ =	sdelay $0x3  }
0x3cd: {  	[tilespmem:v2+s18+$0x0] =	vst.idx.msk $0xffff, v1  }
0x3ce: {  	v2 =	vor.u32 s25, v18;
	v1 =	vld.idx.msk [tilespmem:v3+s15+$0x0], $0xffff  }
0x3cf: {  	v3 =	vor.u32 v34, v0;
	_ =	sdelay $0x3  }
0x3d0: {  	[tilespmem:v2+s18+$0x0] =	vst.idx.msk $0xffff, v1  }
0x3d1: {  	v2 =	vor.u32 s25, v20;
	v1 =	vld.idx.msk [tilespmem:v3+s15+$0x0], $0xffff  }
0x3d2: {  	v3 =	vor.u32 v63, v0;
	_ =	sdelay $0x3  }
0x3d3: {  	[tilespmem:v2+s18+$0x0] =	vst.idx.msk $0xffff, v1  }
0x3d4: {  	p1 =	sne.s32 s29, $0x70;
	v2 =	vld.idx.msk [tilespmem:v3+s15+$0x0], $0xffff;
	v3 =	vor.u32 s25, v21  }
.Ltmp0:
0x3d5: {  	_ = 	snop;
	(pc) =	sbr.rel @p1 .LBB2_3-.Ltmp0, $3  }
0x3d6: {  	_ =	sdelay $0x1  }
0x3d7: {  	s28 =	smov.u32 s29  }
0x3d8: {  	s29 =	sadd.s32 $0x10, s29;
	v0 =	vor.u32 v30, v0;
	v1 =	vmov s28;
	[tilespmem:v3+s18+$0x0] =	vst.idx.msk $0xffff, v2  }
0x3d9: {  	_ =	sdelay $0x3  }
0x3da: {  	v2 =	vld.idx.msk [tilespmem:v0+s15+$0x0], $0xffff  }
0x3db: {  	v0 =	vld [tilespmem:$0x1FD80];
	_ =	sdelay $0x3  }
0x3dc: {  	v1 =	vshll.u32 v1, $0x7  }
0x3dd: {  	v0 =	vor.u32 v0, v1;
	v1 =	vld [tilespmem:$0x1FDA0];
	_ =	sdelay $0x4  }
0x3de: {  	v3 =	vlaneseq.u32;
	v1 =	vor.u32 s25, v1  }
0x3df: {  	v3 =	vor.u32 v3, v0;
	_ =	sdelay $0x3  }
0x3e0: {  	[tilespmem:v1+s18+$0x0] =	vst.idx.msk $0xffff, v2  }
0x3e1: {  	v1 =	vld.idx.msk [tilespmem:v3+s15+$0x0], $0xffff;
	_ =	sdelay $0x4  }
0x3e2: {  	[tilespmem:$0x1F1A0] =	vst v1  }
0x3e3: {  	v2 =	vor.u32 s28, v62;
	v1 =	vld [tilespmem:$0x1F1A0]  }
0x3e4: {  	v3 =	vor.u32 v45, v0;
	_ =	sdelay $0x3  }
0x3e5: {  	[tilespmem:v2+s18+$0x0] =	vst.idx.msk $0xffff, v1  }
0x3e6: {  	v1 =	vld.idx.msk [tilespmem:v3+s15+$0x0], $0xffff;
	_ =	sdelay $0x4  }
0x3e7: {  	[tilespmem:$0x1F1B0] =	vst v1  }
0x3e8: {  	v2 =	vor.u32 s28, v46;
	v1 =	vld [tilespmem:$0x1F1B0]  }
0x3e9: {  	v3 =	vor.u32 v6, v0;
	_ =	sdelay $0x3  }
0x3ea: {  	[tilespmem:v2+s18+$0x0] =	vst.idx.msk $0xffff, v1  }
0x3eb: {  	v1 =	vld.idx.msk [tilespmem:v3+s15+$0x0], $0xffff;
	_ =	sdelay $0x4  }
0x3ec: {  	[tilespmem:$0x1F1C0] =	vst v1  }
0x3ed: {  	v2 =	vor.u32 s28, v48;
	v1 =	vld [tilespmem:$0x1F1C0]  }
0x3ee: {  	v3 =	vor.u32 v49, v0;
	_ =	sdelay $0x3  }
0x3ef: {  	[tilespmem:v2+s18+$0x0] =	vst.idx.msk $0xffff, v1  }
0x3f0: {  	v1 =	vld.idx.msk [tilespmem:v3+s15+$0x0], $0xffff;
	_ =	sdelay $0x4  }
0x3f1: {  	[tilespmem:$0x1F1D0] =	vst v1  }
0x3f2: {  	v2 =	vor.u32 s28, v50;
	v1 =	vld [tilespmem:$0x1F1D0]  }
0x3f3: {  	v3 =	vor.u32 v51, v0;
	_ =	sdelay $0x3  }
0x3f4: {  	[tilespmem:v2+s18+$0x0] =	vst.idx.msk $0xffff, v1  }
0x3f5: {  	v1 =	vld.idx.msk [tilespmem:v3+s15+$0x0], $0xffff;
	_ =	sdelay $0x4  }
0x3f6: {  	[tilespmem:$0x1F1E0] =	vst v1  }
0x3f7: {  	v2 =	vor.u32 s28, v52;
	v1 =	vld [tilespmem:$0x1F1E0]  }
0x3f8: {  	v3 =	vor.u32 v53, v0;
	_ =	sdelay $0x3  }
0x3f9: {  	[tilespmem:v2+s18+$0x0] =	vst.idx.msk $0xffff, v1  }
0x3fa: {  	v1 =	vld.idx.msk [tilespmem:v3+s15+$0x0], $0xffff;
	_ =	sdelay $0x4  }
0x3fb: {  	[tilespmem:$0x1F1F0] =	vst v1  }
0x3fc: {  	v2 =	vor.u32 s28, v54;
	v1 =	vld [tilespmem:$0x1F1F0]  }
0x3fd: {  	v3 =	vor.u32 v55, v0;
	_ =	sdelay $0x3  }
0x3fe: {  	[tilespmem:v2+s18+$0x0] =	vst.idx.msk $0xffff, v1  }
0x3ff: {  	v1 =	vld.idx.msk [tilespmem:v3+s15+$0x0], $0xffff;
	_ =	sdelay $0x4  }
0x400: {  	[tilespmem:$0x1F200] =	vst v1  }
0x401: {  	v2 =	vor.u32 s28, v56;
	v1 =	vld [tilespmem:$0x1F200]  }
0x402: {  	v3 =	vor.u32 v57, v0;
	_ =	sdelay $0x3  }
0x403: {  	[tilespmem:v2+s18+$0x0] =	vst.idx.msk $0xffff, v1  }
0x404: {  	v1 =	vld.idx.msk [tilespmem:v3+s15+$0x0], $0xffff;
	_ =	sdelay $0x4  }
0x405: {  	[tilespmem:$0x1F210] =	vst v1  }
0x406: {  	v2 =	vor.u32 s28, v58;
	v1 =	vld [tilespmem:$0x1F210]  }
0x407: {  	v3 =	vor.u32 v59, v0;
	_ =	sdelay $0x3  }
0x408: {  	[tilespmem:v2+s18+$0x0] =	vst.idx.msk $0xffff, v1  }
0x409: {  	v1 =	vld.idx.msk [tilespmem:v3+s15+$0x0], $0xffff;
	_ =	sdelay $0x4  }
0x40a: {  	[tilespmem:$0x1F220] =	vst v1  }
0x40b: {  	v2 =	vor.u32 s28, v60;
	v1 =	vld [tilespmem:$0x1F220]  }
0x40c: {  	v3 =	vor.u32 v39, v0;
	_ =	sdelay $0x3  }
0x40d: {  	[tilespmem:v2+s18+$0x0] =	vst.idx.msk $0xffff, v1  }
0x40e: {  	v2 =	vor.u32 s28, v4;
	v1 =	vld.idx.msk [tilespmem:v3+s15+$0x0], $0xffff  }
0x40f: {  	v3 =	vor.u32 v13, v0;
	_ =	sdelay $0x3  }
0x410: {  	[tilespmem:v2+s18+$0x0] =	vst.idx.msk $0xffff, v1  }
0x411: {  	v1 =	vld.idx.msk [tilespmem:v3+s15+$0x0], $0xffff;
	_ =	sdelay $0x4  }
0x412: {  	[tilespmem:$0x1F230] =	vst v1;
	v1 =	vld [tilespmem:$0x1F7B0];
	_ =	sdelay $0x4  }
0x413: {  	v2 =	vor.u32 s28, v1;
	v1 =	vld [tilespmem:$0x1F7C0];
	_ =	sdelay $0x4  }
0x414: {  	v3 =	vor.u32 v1, v0;
	v1 =	vld [tilespmem:$0x1F230];
	_ =	sdelay $0x4  }
0x415: {  	[tilespmem:v2+s18+$0x0] =	vst.idx.msk $0xffff, v1  }
0x416: {  	v1 =	vld.idx.msk [tilespmem:v3+s15+$0x0], $0xffff;
	_ =	sdelay $0x4  }
0x417: {  	[tilespmem:$0x1F240] =	vst v1;
	v1 =	vld [tilespmem:$0x1F7D0];
	_ =	sdelay $0x4  }
0x418: {  	v2 =	vor.u32 s28, v1;
	v1 =	vld [tilespmem:$0x1F7E0];
	_ =	sdelay $0x4  }
0x419: {  	v3 =	vor.u32 v1, v0;
	v1 =	vld [tilespmem:$0x1F240];
	_ =	sdelay $0x4  }
0x41a: {  	[tilespmem:v2+s18+$0x0] =	vst.idx.msk $0xffff, v1  }
0x41b: {  	v1 =	vld.idx.msk [tilespmem:v3+s15+$0x0], $0xffff;
	_ =	sdelay $0x4  }
0x41c: {  	[tilespmem:$0x1F250] =	vst v1;
	v1 =	vld [tilespmem:$0x1F7F0];
	_ =	sdelay $0x4  }
0x41d: {  	v2 =	vor.u32 s28, v1;
	v1 =	vld [tilespmem:$0x1F800];
	_ =	sdelay $0x4  }
0x41e: {  	v3 =	vor.u32 v1, v0;
	v1 =	vld [tilespmem:$0x1F250];
	_ =	sdelay $0x4  }
0x41f: {  	[tilespmem:v2+s18+$0x0] =	vst.idx.msk $0xffff, v1  }
0x420: {  	v1 =	vld.idx.msk [tilespmem:v3+s15+$0x0], $0xffff;
	_ =	sdelay $0x4  }
0x421: {  	[tilespmem:$0x1F260] =	vst v1  }
0x422: {  	v1 =	vld [tilespmem:$0x1F810];
	_ =	sdelay $0x4  }
0x423: {  	v2 =	vor.u32 s28, v1;
	v1 =	vld [tilespmem:$0x1F820];
	_ =	sdelay $0x4  }
0x424: {  	v3 =	vor.u32 v1, v0;
	v1 =	vld [tilespmem:$0x1F260];
	_ =	sdelay $0x4  }
0x425: {  	[tilespmem:v2+s18+$0x0] =	vst.idx.msk $0xffff, v1  }
0x426: {  	v1 =	vld.idx.msk [tilespmem:v3+s15+$0x0], $0xffff;
	_ =	sdelay $0x4  }
0x427: {  	[tilespmem:$0x1F270] =	vst v1;
	v1 =	vld [tilespmem:$0x1F830];
	_ =	sdelay $0x4  }
0x428: {  	v2 =	vor.u32 s28, v1;
	v1 =	vld [tilespmem:$0x1F840];
	_ =	sdelay $0x4  }
0x429: {  	v3 =	vor.u32 v1, v0;
	v1 =	vld [tilespmem:$0x1F270];
	_ =	sdelay $0x4  }
0x42a: {  	[tilespmem:v2+s18+$0x0] =	vst.idx.msk $0xffff, v1  }
0x42b: {  	v1 =	vld.idx.msk [tilespmem:v3+s15+$0x0], $0xffff;
	_ =	sdelay $0x4  }
0x42c: {  	[tilespmem:$0x1F280] =	vst v1;
	v1 =	vld [tilespmem:$0x1F850];
	_ =	sdelay $0x4  }
0x42d: {  	v2 =	vor.u32 s28, v1;
	v1 =	vld [tilespmem:$0x1FD70];
	_ =	sdelay $0x4  }
0x42e: {  	v3 =	vor.u32 v1, v0;
	v1 =	vld [tilespmem:$0x1F280];
	_ =	sdelay $0x4  }
0x42f: {  	[tilespmem:v2+s18+$0x0] =	vst.idx.msk $0xffff, v1  }
0x430: {  	v1 =	vld.idx.msk [tilespmem:v3+s15+$0x0], $0xffff;
	_ =	sdelay $0x4  }
0x431: {  	[tilespmem:$0x1F290] =	vst v1;
	v1 =	vld [tilespmem:$0x1FDF0];
	_ =	sdelay $0x4  }
0x432: {  	v2 =	vor.u32 s28, v1;
	v1 =	vld [tilespmem:$0x1FD90];
	_ =	sdelay $0x4  }
0x433: {  	v3 =	vor.u32 v1, v0;
	v1 =	vld [tilespmem:$0x1F290];
	_ =	sdelay $0x4  }
0x434: {  	[tilespmem:v2+s18+$0x0] =	vst.idx.msk $0xffff, v1  }
0x435: {  	v1 =	vld.idx.msk [tilespmem:v3+s15+$0x0], $0xffff;
	_ =	sdelay $0x4  }
0x436: {  	[tilespmem:$0x1F2A0] =	vst v1;
	v1 =	vld [tilespmem:$0x1F860];
	_ =	sdelay $0x4  }
0x437: {  	v2 =	vor.u32 s28, v1;
	v1 =	vld [tilespmem:$0x1FDB0];
	_ =	sdelay $0x4  }
0x438: {  	v3 =	vor.u32 v1, v0;
	v1 =	vld [tilespmem:$0x1F2A0];
	_ =	sdelay $0x4  }
0x439: {  	[tilespmem:v2+s18+$0x0] =	vst.idx.msk $0xffff, v1  }
0x43a: {  	v1 =	vld.idx.msk [tilespmem:v3+s15+$0x0], $0xffff;
	_ =	sdelay $0x4  }
0x43b: {  	[tilespmem:$0x1F2B0] =	vst v1;
	v1 =	vld [tilespmem:$0x1F870];
	_ =	sdelay $0x4  }
0x43c: {  	v2 =	vor.u32 s28, v1;
	v1 =	vld [tilespmem:$0x1F5A0];
	_ =	sdelay $0x4  }
0x43d: {  	v3 =	vor.u32 v1, v0;
	v1 =	vld [tilespmem:$0x1F2B0];
	_ =	sdelay $0x4  }
0x43e: {  	[tilespmem:v2+s18+$0x0] =	vst.idx.msk $0xffff, v1  }
0x43f: {  	v1 =	vld.idx.msk [tilespmem:v3+s15+$0x0], $0xffff;
	_ =	sdelay $0x4  }
0x440: {  	[tilespmem:$0x1F2C0] =	vst v1;
	v1 =	vld [tilespmem:$0x1F8C0];
	_ =	sdelay $0x4  }
0x441: {  	v2 =	vor.u32 s28, v1;
	v1 =	vld [tilespmem:$0x1F5B0];
	_ =	sdelay $0x4  }
0x442: {  	v3 =	vor.u32 v1, v0;
	v1 =	vld [tilespmem:$0x1F2C0];
	_ =	sdelay $0x4  }
0x443: {  	[tilespmem:v2+s18+$0x0] =	vst.idx.msk $0xffff, v1  }
0x444: {  	v1 =	vld.idx.msk [tilespmem:v3+s15+$0x0], $0xffff;
	_ =	sdelay $0x4  }
0x445: {  	[tilespmem:$0x1F2D0] =	vst v1;
	v1 =	vld [tilespmem:$0x1F5C0];
	_ =	sdelay $0x4  }
0x446: {  	v2 =	vor.u32 s28, v42;
	v3 =	vor.u32 v1, v0;
	v1 =	vld [tilespmem:$0x1F2D0];
	_ =	sdelay $0x4  }
0x447: {  	[tilespmem:v2+s18+$0x0] =	vst.idx.msk $0xffff, v1  }
0x448: {  	v1 =	vld.idx.msk [tilespmem:v3+s15+$0x0], $0xffff;
	_ =	sdelay $0x4  }
0x449: {  	[tilespmem:$0x1F2E0] =	vst v1;
	v1 =	vld [tilespmem:$0x1F5D0];
	_ =	sdelay $0x4  }
0x44a: {  	v2 =	vor.u32 s28, v43;
	v3 =	vor.u32 v1, v0;
	v1 =	vld [tilespmem:$0x1F2E0];
	_ =	sdelay $0x4  }
0x44b: {  	[tilespmem:v2+s18+$0x0] =	vst.idx.msk $0xffff, v1  }
0x44c: {  	v1 =	vld.idx.msk [tilespmem:v3+s15+$0x0], $0xffff;
	_ =	sdelay $0x4  }
0x44d: {  	[tilespmem:$0x1F2F0] =	vst v1;
	v1 =	vld [tilespmem:$0x1F910];
	_ =	sdelay $0x4  }
0x44e: {  	v2 =	vor.u32 s28, v1;
	v1 =	vld [tilespmem:$0x1F5E0];
	_ =	sdelay $0x4  }
0x44f: {  	v3 =	vor.u32 v1, v0;
	v1 =	vld [tilespmem:$0x1F2F0];
	_ =	sdelay $0x4  }
0x450: {  	[tilespmem:v2+s18+$0x0] =	vst.idx.msk $0xffff, v1  }
0x451: {  	v1 =	vld.idx.msk [tilespmem:v3+s15+$0x0], $0xffff;
	_ =	sdelay $0x4  }
0x452: {  	[tilespmem:$0x1F300] =	vst v1;
	v1 =	vld [tilespmem:$0x1F920];
	_ =	sdelay $0x4  }
0x453: {  	v2 =	vor.u32 s28, v1;
	v1 =	vld [tilespmem:$0x1F5F0];
	_ =	sdelay $0x4  }
0x454: {  	v3 =	vor.u32 v1, v0;
	v1 =	vld [tilespmem:$0x1F300];
	_ =	sdelay $0x4  }
0x455: {  	[tilespmem:v2+s18+$0x0] =	vst.idx.msk $0xffff, v1  }
0x456: {  	v1 =	vld.idx.msk [tilespmem:v3+s15+$0x0], $0xffff;
	_ =	sdelay $0x4  }
0x457: {  	[tilespmem:$0x1F310] =	vst v1;
	v1 =	vld [tilespmem:$0x1F930];
	_ =	sdelay $0x4  }
0x458: {  	v2 =	vor.u32 s28, v1;
	v1 =	vld [tilespmem:$0x1F600];
	_ =	sdelay $0x4  }
0x459: {  	v3 =	vor.u32 v1, v0;
	v1 =	vld [tilespmem:$0x1F310];
	_ =	sdelay $0x4  }
0x45a: {  	[tilespmem:v2+s18+$0x0] =	vst.idx.msk $0xffff, v1  }
0x45b: {  	v1 =	vld.idx.msk [tilespmem:v3+s15+$0x0], $0xffff;
	_ =	sdelay $0x4  }
0x45c: {  	[tilespmem:$0x1F320] =	vst v1;
	v1 =	vld [tilespmem:$0x1F940];
	_ =	sdelay $0x4  }
0x45d: {  	v2 =	vor.u32 s28, v1;
	v1 =	vld [tilespmem:$0x1F610];
	_ =	sdelay $0x4  }
0x45e: {  	v3 =	vor.u32 v1, v0;
	v1 =	vld [tilespmem:$0x1F320];
	_ =	sdelay $0x4  }
0x45f: {  	[tilespmem:v2+s18+$0x0] =	vst.idx.msk $0xffff, v1  }
0x460: {  	v1 =	vld.idx.msk [tilespmem:v3+s15+$0x0], $0xffff;
	_ =	sdelay $0x4  }
0x461: {  	[tilespmem:$0x1F330] =	vst v1;
	v1 =	vld [tilespmem:$0x1F950];
	_ =	sdelay $0x4  }
0x462: {  	v2 =	vor.u32 s28, v1;
	v1 =	vld [tilespmem:$0x1F620];
	_ =	sdelay $0x4  }
0x463: {  	v3 =	vor.u32 v1, v0;
	v1 =	vld [tilespmem:$0x1F330];
	_ =	sdelay $0x4  }
0x464: {  	[tilespmem:v2+s18+$0x0] =	vst.idx.msk $0xffff, v1  }
0x465: {  	v1 =	vld.idx.msk [tilespmem:v3+s15+$0x0], $0xffff;
	_ =	sdelay $0x4  }
0x466: {  	[tilespmem:$0x1F340] =	vst v1;
	v1 =	vld [tilespmem:$0x1F960];
	_ =	sdelay $0x4  }
0x467: {  	v2 =	vor.u32 s28, v1;
	v1 =	vld [tilespmem:$0x1F630];
	_ =	sdelay $0x4  }
0x468: {  	v3 =	vor.u32 v1, v0;
	v1 =	vld [tilespmem:$0x1F340];
	_ =	sdelay $0x4  }
0x469: {  	[tilespmem:v2+s18+$0x0] =	vst.idx.msk $0xffff, v1  }
0x46a: {  	v1 =	vld.idx.msk [tilespmem:v3+s15+$0x0], $0xffff;
	_ =	sdelay $0x4  }
0x46b: {  	[tilespmem:$0x1F350] =	vst v1;
	v1 =	vld [tilespmem:$0x1F970];
	_ =	sdelay $0x4  }
0x46c: {  	v2 =	vor.u32 s28, v1;
	v1 =	vld [tilespmem:$0x1F640];
	_ =	sdelay $0x4  }
0x46d: {  	v3 =	vor.u32 v1, v0;
	v1 =	vld [tilespmem:$0x1F350];
	_ =	sdelay $0x4  }
0x46e: {  	[tilespmem:v2+s18+$0x0] =	vst.idx.msk $0xffff, v1  }
0x46f: {  	v1 =	vld.idx.msk [tilespmem:v3+s15+$0x0], $0xffff;
	_ =	sdelay $0x4  }
0x470: {  	[tilespmem:$0x1F360] =	vst v1;
	v1 =	vld [tilespmem:$0x1F980];
	_ =	sdelay $0x4  }
0x471: {  	v2 =	vor.u32 s28, v1;
	v1 =	vld [tilespmem:$0x1F650];
	_ =	sdelay $0x4  }
0x472: {  	v3 =	vor.u32 v1, v0;
	v1 =	vld [tilespmem:$0x1F360];
	_ =	sdelay $0x4  }
0x473: {  	[tilespmem:v2+s18+$0x0] =	vst.idx.msk $0xffff, v1  }
0x474: {  	v1 =	vld.idx.msk [tilespmem:v3+s15+$0x0], $0xffff;
	_ =	sdelay $0x4  }
0x475: {  	[tilespmem:$0x1F370] =	vst v1;
	v1 =	vld [tilespmem:$0x1F990];
	_ =	sdelay $0x4  }
0x476: {  	v2 =	vor.u32 s28, v1;
	v1 =	vld [tilespmem:$0x1F660];
	_ =	sdelay $0x4  }
0x477: {  	v3 =	vor.u32 v1, v0;
	v1 =	vld [tilespmem:$0x1F370];
	_ =	sdelay $0x4  }
0x478: {  	[tilespmem:v2+s18+$0x0] =	vst.idx.msk $0xffff, v1  }
0x479: {  	v1 =	vld.idx.msk [tilespmem:v3+s15+$0x0], $0xffff;
	_ =	sdelay $0x4  }
0x47a: {  	[tilespmem:$0x1F380] =	vst v1;
	v1 =	vld [tilespmem:$0x1F9A0];
	_ =	sdelay $0x4  }
0x47b: {  	v2 =	vor.u32 s28, v1;
	v1 =	vld [tilespmem:$0x1F670];
	_ =	sdelay $0x4  }
0x47c: {  	v3 =	vor.u32 v1, v0;
	v1 =	vld [tilespmem:$0x1F380];
	_ =	sdelay $0x4  }
0x47d: {  	[tilespmem:v2+s18+$0x0] =	vst.idx.msk $0xffff, v1  }
0x47e: {  	v1 =	vld.idx.msk [tilespmem:v3+s15+$0x0], $0xffff;
	_ =	sdelay $0x4  }
0x47f: {  	[tilespmem:$0x1F390] =	vst v1;
	v1 =	vld [tilespmem:$0x1F680];
	_ =	sdelay $0x4  }
0x480: {  	v2 =	vor.u32 s28, v1;
	v1 =	vld [tilespmem:$0x1F690];
	_ =	sdelay $0x4  }
0x481: {  	v3 =	vor.u32 v1, v0;
	v1 =	vld [tilespmem:$0x1F390];
	_ =	sdelay $0x4  }
0x482: {  	[tilespmem:v2+s18+$0x0] =	vst.idx.msk $0xffff, v1  }
0x483: {  	v1 =	vld.idx.msk [tilespmem:v3+s15+$0x0], $0xffff;
	_ =	sdelay $0x4  }
0x484: {  	[tilespmem:$0x1F3A0] =	vst v1;
	v1 =	vld [tilespmem:$0x1FDC0];
	_ =	sdelay $0x4  }
0x485: {  	v2 =	vor.u32 s28, v1;
	v1 =	vld [tilespmem:$0x1F6A0];
	_ =	sdelay $0x4  }
0x486: {  	v3 =	vor.u32 v1, v0;
	v1 =	vld [tilespmem:$0x1F3A0];
	_ =	sdelay $0x4  }
0x487: {  	[tilespmem:v2+s18+$0x0] =	vst.idx.msk $0xffff, v1  }
0x488: {  	v1 =	vld.idx.msk [tilespmem:v3+s15+$0x0], $0xffff;
	_ =	sdelay $0x4  }
0x489: {  	[tilespmem:$0x1F3B0] =	vst v1;
	v1 =	vld [tilespmem:$0x1FDD0];
	_ =	sdelay $0x4  }
0x48a: {  	v2 =	vor.u32 s28, v1;
	v1 =	vld [tilespmem:$0x1F6B0];
	_ =	sdelay $0x4  }
0x48b: {  	v3 =	vor.u32 v1, v0;
	v1 =	vld [tilespmem:$0x1F3B0];
	_ =	sdelay $0x4  }
0x48c: {  	[tilespmem:v2+s18+$0x0] =	vst.idx.msk $0xffff, v1  }
0x48d: {  	v1 =	vld.idx.msk [tilespmem:v3+s15+$0x0], $0xffff;
	_ =	sdelay $0x4  }
0x48e: {  	[tilespmem:$0x1F3C0] =	vst v1;
	v1 =	vld [tilespmem:$0x1FDE0];
	_ =	sdelay $0x4  }
0x48f: {  	v2 =	vor.u32 s28, v1;
	v1 =	vld [tilespmem:$0x1F6C0];
	_ =	sdelay $0x4  }
0x490: {  	v3 =	vor.u32 v1, v0;
	v1 =	vld [tilespmem:$0x1F3C0];
	_ =	sdelay $0x4  }
0x491: {  	[tilespmem:v2+s18+$0x0] =	vst.idx.msk $0xffff, v1  }
0x492: {  	v1 =	vld.idx.msk [tilespmem:v3+s15+$0x0], $0xffff;
	_ =	sdelay $0x4  }
0x493: {  	[tilespmem:$0x1F3D0] =	vst v1;
	v1 =	vld [tilespmem:$0x1FE00];
	_ =	sdelay $0x4  }
0x494: {  	v2 =	vor.u32 s28, v1;
	v1 =	vld [tilespmem:$0x1F6D0];
	_ =	sdelay $0x4  }
0x495: {  	v3 =	vor.u32 v1, v0;
	v1 =	vld [tilespmem:$0x1F3D0];
	_ =	sdelay $0x4  }
0x496: {  	[tilespmem:v2+s18+$0x0] =	vst.idx.msk $0xffff, v1  }
0x497: {  	v1 =	vld.idx.msk [tilespmem:v3+s15+$0x0], $0xffff;
	_ =	sdelay $0x4  }
0x498: {  	[tilespmem:$0x1F3E0] =	vst v1;
	v1 =	vld [tilespmem:$0x1F9F0];
	_ =	sdelay $0x4  }
0x499: {  	v2 =	vor.u32 s28, v1;
	v1 =	vld [tilespmem:$0x1F6E0];
	_ =	sdelay $0x4  }
0x49a: {  	v3 =	vor.u32 v1, v0;
	v1 =	vld [tilespmem:$0x1F3E0];
	_ =	sdelay $0x4  }
0x49b: {  	[tilespmem:v2+s18+$0x0] =	vst.idx.msk $0xffff, v1  }
0x49c: {  	v1 =	vld.idx.msk [tilespmem:v3+s15+$0x0], $0xffff;
	_ =	sdelay $0x4  }
0x49d: {  	[tilespmem:$0x1F3F0] =	vst v1;
	v1 =	vld [tilespmem:$0x1FA00];
	_ =	sdelay $0x4  }
0x49e: {  	v2 =	vor.u32 s28, v1;
	v1 =	vld [tilespmem:$0x1F6F0];
	_ =	sdelay $0x4  }
0x49f: {  	v3 =	vor.u32 v1, v0;
	v1 =	vld [tilespmem:$0x1F3F0];
	_ =	sdelay $0x4  }
0x4a0: {  	[tilespmem:v2+s18+$0x0] =	vst.idx.msk $0xffff, v1  }
0x4a1: {  	v1 =	vld.idx.msk [tilespmem:v3+s15+$0x0], $0xffff;
	_ =	sdelay $0x4  }
0x4a2: {  	[tilespmem:$0x1F400] =	vst v1;
	v1 =	vld [tilespmem:$0x1FA10];
	_ =	sdelay $0x4  }
0x4a3: {  	v2 =	vor.u32 s28, v1;
	v1 =	vld [tilespmem:$0x1F700];
	_ =	sdelay $0x4  }
0x4a4: {  	v3 =	vor.u32 v1, v0;
	v1 =	vld [tilespmem:$0x1F400];
	_ =	sdelay $0x4  }
0x4a5: {  	[tilespmem:v2+s18+$0x0] =	vst.idx.msk $0xffff, v1  }
0x4a6: {  	v1 =	vld.idx.msk [tilespmem:v3+s15+$0x0], $0xffff;
	_ =	sdelay $0x4  }
0x4a7: {  	[tilespmem:$0x1F410] =	vst v1;
	v1 =	vld [tilespmem:$0x1FA20];
	_ =	sdelay $0x4  }
0x4a8: {  	v2 =	vor.u32 s28, v1;
	v1 =	vld [tilespmem:$0x1F710];
	_ =	sdelay $0x4  }
0x4a9: {  	v3 =	vor.u32 v1, v0;
	v1 =	vld [tilespmem:$0x1F410];
	_ =	sdelay $0x4  }
0x4aa: {  	[tilespmem:v2+s18+$0x0] =	vst.idx.msk $0xffff, v1  }
0x4ab: {  	v1 =	vld.idx.msk [tilespmem:v3+s15+$0x0], $0xffff;
	_ =	sdelay $0x4  }
0x4ac: {  	[tilespmem:$0x1F420] =	vst v1;
	v1 =	vld [tilespmem:$0x1FA30];
	_ =	sdelay $0x4  }
0x4ad: {  	v2 =	vor.u32 s28, v1;
	v1 =	vld [tilespmem:$0x1F720];
	_ =	sdelay $0x4  }
0x4ae: {  	v3 =	vor.u32 v1, v0;
	v1 =	vld [tilespmem:$0x1F420];
	_ =	sdelay $0x4  }
0x4af: {  	[tilespmem:v2+s18+$0x0] =	vst.idx.msk $0xffff, v1  }
0x4b0: {  	v1 =	vld.idx.msk [tilespmem:v3+s15+$0x0], $0xffff;
	_ =	sdelay $0x4  }
0x4b1: {  	[tilespmem:$0x1F430] =	vst v1;
	v1 =	vld [tilespmem:$0x1FA40];
	_ =	sdelay $0x4  }
0x4b2: {  	v2 =	vor.u32 s28, v1;
	v1 =	vld [tilespmem:$0x1F430]  }
0x4b3: {  	v3 =	vor.u32 v28, v0;
	_ =	sdelay $0x3  }
0x4b4: {  	[tilespmem:v2+s18+$0x0] =	vst.idx.msk $0xffff, v1  }
0x4b5: {  	v1 =	vld.idx.msk [tilespmem:v3+s15+$0x0], $0xffff;
	_ =	sdelay $0x4  }
0x4b6: {  	[tilespmem:$0x1F440] =	vst v1;
	v1 =	vld [tilespmem:$0x1FA50];
	_ =	sdelay $0x4  }
0x4b7: {  	v2 =	vor.u32 s28, v1;
	v1 =	vld [tilespmem:$0x1F440]  }
0x4b8: {  	v3 =	vor.u32 v29, v0;
	_ =	sdelay $0x3  }
0x4b9: {  	[tilespmem:v2+s18+$0x0] =	vst.idx.msk $0xffff, v1  }
0x4ba: {  	v1 =	vld.idx.msk [tilespmem:v3+s15+$0x0], $0xffff;
	_ =	sdelay $0x4  }
0x4bb: {  	[tilespmem:$0x1F450] =	vst v1;
	v1 =	vld [tilespmem:$0x1FA60];
	_ =	sdelay $0x4  }
0x4bc: {  	v2 =	vor.u32 s28, v1;
	v1 =	vld [tilespmem:$0x1F450]  }
0x4bd: {  	v3 =	vor.u32 v25, v0;
	_ =	sdelay $0x3  }
0x4be: {  	[tilespmem:v2+s18+$0x0] =	vst.idx.msk $0xffff, v1  }
0x4bf: {  	v1 =	vld.idx.msk [tilespmem:v3+s15+$0x0], $0xffff;
	_ =	sdelay $0x4  }
0x4c0: {  	[tilespmem:$0x1F460] =	vst v1;
	v1 =	vld [tilespmem:$0x1FA70];
	_ =	sdelay $0x4  }
0x4c1: {  	v2 =	vor.u32 s28, v1;
	v1 =	vld [tilespmem:$0x1F460]  }
0x4c2: {  	v3 =	vor.u32 v37, v0;
	_ =	sdelay $0x3  }
0x4c3: {  	[tilespmem:v2+s18+$0x0] =	vst.idx.msk $0xffff, v1  }
0x4c4: {  	v1 =	vld.idx.msk [tilespmem:v3+s15+$0x0], $0xffff;
	_ =	sdelay $0x4  }
0x4c5: {  	[tilespmem:$0x1F470] =	vst v1  }
0x4c6: {  	v2 =	vor.u32 s28, v5;
	v1 =	vld [tilespmem:$0x1F470]  }
0x4c7: {  	v3 =	vor.u32 v27, v0;
	_ =	sdelay $0x3  }
0x4c8: {  	[tilespmem:v2+s18+$0x0] =	vst.idx.msk $0xffff, v1  }
0x4c9: {  	v1 =	vld.idx.msk [tilespmem:v3+s15+$0x0], $0xffff;
	_ =	sdelay $0x4  }
0x4ca: {  	[tilespmem:$0x1F480] =	vst v1  }
0x4cb: {  	v2 =	vor.u32 s28, v31;
	v1 =	vld [tilespmem:$0x1F480]  }
0x4cc: {  	v3 =	vor.u32 v38, v0;
	_ =	sdelay $0x3  }
0x4cd: {  	[tilespmem:v2+s18+$0x0] =	vst.idx.msk $0xffff, v1  }
0x4ce: {  	v1 =	vld.idx.msk [tilespmem:v3+s15+$0x0], $0xffff;
	_ =	sdelay $0x4  }
0x4cf: {  	[tilespmem:$0x1F490] =	vst v1  }
0x4d0: {  	v2 =	vor.u32 s28, v26;
	v1 =	vld [tilespmem:$0x1F490]  }
0x4d1: {  	v3 =	vor.u32 v40, v0;
	_ =	sdelay $0x3  }
0x4d2: {  	[tilespmem:v2+s18+$0x0] =	vst.idx.msk $0xffff, v1  }
0x4d3: {  	v1 =	vld.idx.msk [tilespmem:v3+s15+$0x0], $0xffff;
	_ =	sdelay $0x4  }
0x4d4: {  	[tilespmem:$0x1F4A0] =	vst v1  }
0x4d5: {  	v2 =	vor.u32 s28, v32;
	v1 =	vld [tilespmem:$0x1F4A0]  }
0x4d6: {  	v3 =	vor.u32 v11, v0;
	_ =	sdelay $0x3  }
0x4d7: {  	[tilespmem:v2+s18+$0x0] =	vst.idx.msk $0xffff, v1  }
0x4d8: {  	v1 =	vld.idx.msk [tilespmem:v3+s15+$0x0], $0xffff;
	_ =	sdelay $0x4  }
0x4d9: {  	[tilespmem:$0x1F4B0] =	vst v1  }
0x4da: {  	v2 =	vor.u32 s28, v33;
	v1 =	vld [tilespmem:$0x1F4B0]  }
0x4db: {  	v3 =	vor.u32 v35, v0;
	_ =	sdelay $0x3  }
0x4dc: {  	[tilespmem:v2+s18+$0x0] =	vst.idx.msk $0xffff, v1  }
0x4dd: {  	v1 =	vld.idx.msk [tilespmem:v3+s15+$0x0], $0xffff;
	_ =	sdelay $0x4  }
0x4de: {  	[tilespmem:$0x1F4C0] =	vst v1  }
0x4df: {  	v2 =	vor.u32 s28, v17;
	v1 =	vld [tilespmem:$0x1F4C0]  }
0x4e0: {  	v3 =	vor.u32 v41, v0;
	_ =	sdelay $0x3  }
0x4e1: {  	[tilespmem:v2+s18+$0x0] =	vst.idx.msk $0xffff, v1  }
0x4e2: {  	v1 =	vld.idx.msk [tilespmem:v3+s15+$0x0], $0xffff;
	_ =	sdelay $0x4  }
0x4e3: {  	[tilespmem:$0x1F4D0] =	vst v1  }
0x4e4: {  	v2 =	vor.u32 s28, v7;
	v1 =	vld [tilespmem:$0x1F4D0]  }
0x4e5: {  	v3 =	vor.u32 v36, v0;
	_ =	sdelay $0x3  }
0x4e6: {  	[tilespmem:v2+s18+$0x0] =	vst.idx.msk $0xffff, v1  }
0x4e7: {  	v2 =	vor.u32 s28, v14;
	v1 =	vld.idx.msk [tilespmem:v3+s15+$0x0], $0xffff  }
0x4e8: {  	v3 =	vor.u32 v12, v0;
	_ =	sdelay $0x3  }
0x4e9: {  	[tilespmem:v2+s18+$0x0] =	vst.idx.msk $0xffff, v1  }
0x4ea: {  	v2 =	vor.u32 s28, v15;
	v1 =	vld.idx.msk [tilespmem:v3+s15+$0x0], $0xffff  }
0x4eb: {  	v3 =	vor.u32 v22, v0;
	_ =	sdelay $0x3  }
0x4ec: {  	[tilespmem:v2+s18+$0x0] =	vst.idx.msk $0xffff, v1  }
0x4ed: {  	v2 =	vor.u32 s28, v19;
	v1 =	vld.idx.msk [tilespmem:v3+s15+$0x0], $0xffff  }
0x4ee: {  	v3 =	vor.u32 v23, v0;
	_ =	sdelay $0x3  }
0x4ef: {  	[tilespmem:v2+s18+$0x0] =	vst.idx.msk $0xffff, v1  }
0x4f0: {  	v2 =	vor.u32 s28, v8;
	v1 =	vld.idx.msk [tilespmem:v3+s15+$0x0], $0xffff  }
0x4f1: {  	v3 =	vor.u32 v24, v0;
	_ =	sdelay $0x3  }
0x4f2: {  	[tilespmem:v2+s18+$0x0] =	vst.idx.msk $0xffff, v1  }
0x4f3: {  	v2 =	vor.u32 s28, v9;
	v1 =	vld.idx.msk [tilespmem:v3+s15+$0x0], $0xffff  }
0x4f4: {  	v3 =	vor.u32 v47, v0;
	_ =	sdelay $0x3  }
0x4f5: {  	[tilespmem:v2+s18+$0x0] =	vst.idx.msk $0xffff, v1  }
0x4f6: {  	v2 =	vor.u32 s28, v10;
	v1 =	vld.idx.msk [tilespmem:v3+s15+$0x0], $0xffff  }
0x4f7: {  	v3 =	vor.u32 v44, v0;
	_ =	sdelay $0x3  }
0x4f8: {  	[tilespmem:v2+s18+$0x0] =	vst.idx.msk $0xffff, v1  }
0x4f9: {  	v2 =	vor.u32 s28, v16;
	v1 =	vld.idx.msk [tilespmem:v3+s15+$0x0], $0xffff  }
0x4fa: {  	v3 =	vor.u32 v61, v0;
	_ =	sdelay $0x3  }
0x4fb: {  	[tilespmem:v2+s18+$0x0] =	vst.idx.msk $0xffff, v1  }
0x4fc: {  	v2 =	vor.u32 s28, v18;
	v1 =	vld.idx.msk [tilespmem:v3+s15+$0x0], $0xffff  }
0x4fd: {  	v3 =	vor.u32 v34, v0;
	_ =	sdelay $0x3  }
0x4fe: {  	[tilespmem:v2+s18+$0x0] =	vst.idx.msk $0xffff, v1  }
0x4ff: {  	v2 =	vor.u32 s28, v20;
	v1 =	vld.idx.msk [tilespmem:v3+s15+$0x0], $0xffff  }
0x500: {  	v3 =	vor.u32 v63, v0;
	_ =	sdelay $0x3  }
0x501: {  	[tilespmem:v2+s18+$0x0] =	vst.idx.msk $0xffff, v1  }
0x502: {  	v2 =	vor.u32 s28, v21;
	v1 =	vld.idx.msk [tilespmem:v3+s15+$0x0], $0xffff;
	_ =	sdelay $0x4  }
0x503: {  	v0 =	vor.u32 v30, v0;
	[tilespmem:v2+s18+$0x0] =	vst.idx.msk $0xffff, v1;
	v1 =	vld [tilespmem:$0x1FDA0]  }
0x504: {  	[tilespmem:$0x1F4E0] =	vst v28  }
0x505: {  	[tilespmem:$0x1F4F0] =	vst v29  }
0x506: {  	[tilespmem:$0x1F500] =	vst v25  }
0x507: {  	[tilespmem:$0x1F510] =	vst v37  }
0x508: {  	[tilespmem:$0x1F520] =	vst v27;
	v0 =	vld.idx.msk [tilespmem:v0+s15+$0x0], $0xffff;
	v1 =	vor.u32 s28, v1  }
0x509: {  	[tilespmem:$0x1F530] =	vst v38  }
0x50a: {  	[tilespmem:$0x1F540] =	vst v26  }
0x50b: {  	p1 =	seq.s32 s24, $0x18;
	[tilespmem:$0x1F550] =	vst v40  }
0x50c: {  	s31 =	sshll.u32 s24, $0x13;
	s25 =	sshrl.u32 @!p1 s26, $0x2;
	[tilespmem:$0x1F560] =	vst v11  }
0x50d: {  	s29 =	simm.s32 @!p1 $0x1C00;
	s26 =	sadd.s32 @!p1 $0x100, s25;
	s28 =	simm.s32 @!p1 $0x80;
	[tilespmem:v1+s18+$0x0] =	vst.idx.msk $0xffff, v0  }
0x50e: {  	[tilespmem:s29], [sflag:$0x1] =	stream.indirect.gather @!p1 [hbm4b:s1+s28], $0x80, s26, s28, $0xb8;
	[tilespmem:$0xDC00] =	vst v63  }
0x50f: {  	[tilespmem:$0x1F570] =	vst v35;
	s26 =	sor.u32 s5, s31  }
0x510: {  	[tilespmem:$0x1F580] =	vst v41;
	s26 =	sshrl.u32 s26, $0x3  }
0x511: {  	[tilespmem:$0x1F590] =	vst v36;
	s29 =	sadd.s32 s3, s26  }
0x512: {  	[hbm4b:s29+s10] =	stream.strided.scatter [tilespmem:s18], [sflag:$0x3], $0x2000, s11, s10, $0x38;
	[tilespmem:$0xDC00] =	vst v63  }
0x513: {  	_ =	swait.ge [sflag:s19], $0x4000  }
0x514: {  	v1 =	vld [tilespmem:$0x1FD80];
	_ =	sdelay $0x1  }
0x515: {  	s28 =	simm.s32 $0x0  }
0x516: {  	v0 =	vmov s28;
	[sflag:s19] =	ssyncset.done $0x0  }
0x517: {  	v0 =	vshll.u32 v0, $0x7;
	s29 =	simm.s32 @!p0 $0x4;
	[sflag:s19] =	ssyncadd.s32 $0xFFFFC000  }
0x518: {  	_ =	swait.ge @!p0 [sflag:s29], $0x2000;
	v0 =	vor.u32 v1, v0;
	v1 =	vlaneseq.u32  }
0x519: {  	v2 =	vld [tilespmem:$0x1FF70];
	v1 =	vor.u32 v1, v0  }
0x51a: {  	v3 =	vld [tilespmem:$0x1FA80];
	_ =	sdelay $0x1  }
0x51b: {  	[sflag:s29] =	ssyncset.done @!p0 $0x0  }
0x51c: {  	[sflag:s29] =	ssyncadd.s32 @!p0 $0xFFFFE000  }
0x51d: {  	v2 =	vor.u32 s28, v2;
	v1 =	vld.idx.msk [tilespmem:v1+s16+$0x0], $0xffff  }
0x51e: {  	v3 =	vor.u32 v3, v0;
	_ =	sdelay $0x3  }
0x51f: {  	[tilespmem:v2+s20+$0x0] =	vst.idx.msk $0xffff, v1;
	v2 =	vld [tilespmem:$0x1FA90]  }
0x520: {  	v1 =	vld.idx.msk [tilespmem:v3+s16+$0x0], $0xffff  }
0x521: {  	v3 =	vld [tilespmem:$0x1FAC0];
	_ =	sdelay $0x3  }
0x522: {  	v2 =	vor.u32 s28, v2  }
0x523: {  	v3 =	vor.u32 v3, v0;
	_ =	sdelay $0x3  }
0x524: {  	[tilespmem:v2+s20+$0x0] =	vst.idx.msk $0xffff, v1;
	v2 =	vld [tilespmem:$0x1FF30]  }
0x525: {  	v1 =	vld.idx.msk [tilespmem:v3+s16+$0x0], $0xffff  }
0x526: {  	v3 =	vld [tilespmem:$0x1FF90];
	_ =	sdelay $0x3  }
0x527: {  	v2 =	vor.u32 s28, v2  }
0x528: {  	v3 =	vor.u32 v3, v0;
	_ =	sdelay $0x3  }
0x529: {  	[tilespmem:v2+s20+$0x0] =	vst.idx.msk $0xffff, v1;
	v2 =	vld [tilespmem:$0x1FEF0]  }
0x52a: {  	v1 =	vld.idx.msk [tilespmem:v3+s16+$0x0], $0xffff  }
0x52b: {  	v3 =	vld [tilespmem:$0x1FAB0];
	_ =	sdelay $0x3  }
0x52c: {  	v2 =	vor.u32 s28, v2  }
0x52d: {  	v3 =	vor.u32 v3, v0;
	_ =	sdelay $0x3  }
0x52e: {  	[tilespmem:v2+s20+$0x0] =	vst.idx.msk $0xffff, v1;
	v2 =	vld [tilespmem:$0x1FAD0]  }
0x52f: {  	v1 =	vld.idx.msk [tilespmem:v3+s16+$0x0], $0xffff  }
0x530: {  	v3 =	vld [tilespmem:$0x1FFA0];
	_ =	sdelay $0x3  }
0x531: {  	v2 =	vor.u32 s28, v2  }
0x532: {  	v3 =	vor.u32 v3, v0;
	_ =	sdelay $0x3  }
0x533: {  	[tilespmem:v2+s20+$0x0] =	vst.idx.msk $0xffff, v1;
	v2 =	vld [tilespmem:$0x1FF20]  }
0x534: {  	v1 =	vld.idx.msk [tilespmem:v3+s16+$0x0], $0xffff  }
0x535: {  	v3 =	vld [tilespmem:$0x1FFB0];
	_ =	sdelay $0x3  }
0x536: {  	v2 =	vor.u32 s28, v2  }
0x537: {  	v3 =	vor.u32 v3, v0;
	_ =	sdelay $0x3  }
0x538: {  	[tilespmem:v2+s20+$0x0] =	vst.idx.msk $0xffff, v1;
	v2 =	vld [tilespmem:$0x1FF40]  }
0x539: {  	v1 =	vld.idx.msk [tilespmem:v3+s16+$0x0], $0xffff  }
0x53a: {  	v3 =	vld [tilespmem:$0x1FFC0];
	_ =	sdelay $0x3  }
0x53b: {  	v2 =	vor.u32 s28, v2  }
0x53c: {  	v3 =	vor.u32 v3, v0;
	_ =	sdelay $0x3  }
0x53d: {  	[tilespmem:v2+s20+$0x0] =	vst.idx.msk $0xffff, v1;
	v2 =	vld [tilespmem:$0x1FF50]  }
0x53e: {  	v1 =	vld.idx.msk [tilespmem:v3+s16+$0x0], $0xffff  }
0x53f: {  	v3 =	vld [tilespmem:$0x1FFD0];
	_ =	sdelay $0x3  }
0x540: {  	v2 =	vor.u32 s28, v2  }
0x541: {  	v3 =	vor.u32 v3, v0;
	_ =	sdelay $0x3  }
0x542: {  	[tilespmem:v2+s20+$0x0] =	vst.idx.msk $0xffff, v1;
	v2 =	vld [tilespmem:$0x1FF60]  }
0x543: {  	v1 =	vld.idx.msk [tilespmem:v3+s16+$0x0], $0xffff  }
0x544: {  	v3 =	vld [tilespmem:$0x1FAA0];
	_ =	sdelay $0x3  }
0x545: {  	v2 =	vor.u32 s28, v2  }
0x546: {  	v3 =	vor.u32 v3, v0;
	_ =	sdelay $0x3  }
0x547: {  	[tilespmem:v2+s20+$0x0] =	vst.idx.msk $0xffff, v1  }
0x548: {  	v2 =	vor.u32 s28, v4;
	v1 =	vld.idx.msk [tilespmem:v3+s16+$0x0], $0xffff  }
0x549: {  	v3 =	vor.u32 v13, v0;
	_ =	sdelay $0x3  }
0x54a: {  	[tilespmem:v2+s20+$0x0] =	vst.idx.msk $0xffff, v1;
	v2 =	vld [tilespmem:$0x1F7B0]  }
0x54b: {  	v1 =	vld.idx.msk [tilespmem:v3+s16+$0x0], $0xffff  }
0x54c: {  	v3 =	vld [tilespmem:$0x1F7C0];
	_ =	sdelay $0x3  }
0x54d: {  	v2 =	vor.u32 s28, v2  }
0x54e: {  	v3 =	vor.u32 v3, v0;
	_ =	sdelay $0x3  }
0x54f: {  	[tilespmem:v2+s20+$0x0] =	vst.idx.msk $0xffff, v1;
	v2 =	vld [tilespmem:$0x1F7D0]  }
0x550: {  	v1 =	vld.idx.msk [tilespmem:v3+s16+$0x0], $0xffff  }
0x551: {  	v3 =	vld [tilespmem:$0x1F7E0];
	_ =	sdelay $0x3  }
0x552: {  	v2 =	vor.u32 s28, v2  }
0x553: {  	v3 =	vor.u32 v3, v0;
	_ =	sdelay $0x3  }
0x554: {  	[tilespmem:v2+s20+$0x0] =	vst.idx.msk $0xffff, v1;
	v2 =	vld [tilespmem:$0x1F7F0]  }
0x555: {  	v1 =	vld.idx.msk [tilespmem:v3+s16+$0x0], $0xffff  }
0x556: {  	v3 =	vld [tilespmem:$0x1F800];
	_ =	sdelay $0x3  }
0x557: {  	v2 =	vor.u32 s28, v2  }
0x558: {  	v3 =	vor.u32 v3, v0;
	_ =	sdelay $0x3  }
0x559: {  	[tilespmem:v2+s20+$0x0] =	vst.idx.msk $0xffff, v1;
	v2 =	vld [tilespmem:$0x1F810]  }
0x55a: {  	v1 =	vld.idx.msk [tilespmem:v3+s16+$0x0], $0xffff  }
0x55b: {  	v3 =	vld [tilespmem:$0x1F820];
	_ =	sdelay $0x3  }
0x55c: {  	v2 =	vor.u32 s28, v2  }
0x55d: {  	v3 =	vor.u32 v3, v0;
	_ =	sdelay $0x3  }
0x55e: {  	[tilespmem:v2+s20+$0x0] =	vst.idx.msk $0xffff, v1;
	v2 =	vld [tilespmem:$0x1F830]  }
0x55f: {  	v1 =	vld.idx.msk [tilespmem:v3+s16+$0x0], $0xffff  }
0x560: {  	v3 =	vld [tilespmem:$0x1F840];
	_ =	sdelay $0x3  }
0x561: {  	v2 =	vor.u32 s28, v2  }
0x562: {  	v3 =	vor.u32 v3, v0;
	_ =	sdelay $0x3  }
0x563: {  	[tilespmem:v2+s20+$0x0] =	vst.idx.msk $0xffff, v1;
	v2 =	vld [tilespmem:$0x1F850]  }
0x564: {  	v1 =	vld.idx.msk [tilespmem:v3+s16+$0x0], $0xffff  }
0x565: {  	v3 =	vld [tilespmem:$0x1FD70];
	_ =	sdelay $0x3  }
0x566: {  	v2 =	vor.u32 s28, v2  }
0x567: {  	v3 =	vor.u32 v3, v0;
	_ =	sdelay $0x3  }
0x568: {  	[tilespmem:v2+s20+$0x0] =	vst.idx.msk $0xffff, v1;
	v2 =	vld [tilespmem:$0x1FDF0]  }
0x569: {  	v1 =	vld.idx.msk [tilespmem:v3+s16+$0x0], $0xffff  }
0x56a: {  	v3 =	vld [tilespmem:$0x1FD90];
	_ =	sdelay $0x3  }
0x56b: {  	v2 =	vor.u32 s28, v2  }
0x56c: {  	v3 =	vor.u32 v3, v0;
	_ =	sdelay $0x3  }
0x56d: {  	[tilespmem:v2+s20+$0x0] =	vst.idx.msk $0xffff, v1;
	v2 =	vld [tilespmem:$0x1F860]  }
0x56e: {  	v1 =	vld.idx.msk [tilespmem:v3+s16+$0x0], $0xffff  }
0x56f: {  	v3 =	vld [tilespmem:$0x1FDB0];
	_ =	sdelay $0x3  }
0x570: {  	v2 =	vor.u32 s28, v2  }
0x571: {  	v3 =	vor.u32 v3, v0;
	_ =	sdelay $0x3  }
0x572: {  	[tilespmem:v2+s20+$0x0] =	vst.idx.msk $0xffff, v1;
	v2 =	vld [tilespmem:$0x1F870]  }
0x573: {  	v1 =	vld.idx.msk [tilespmem:v3+s16+$0x0], $0xffff  }
0x574: {  	v3 =	vld [tilespmem:$0x1F5A0];
	_ =	sdelay $0x3  }
0x575: {  	v2 =	vor.u32 s28, v2  }
0x576: {  	v3 =	vor.u32 v3, v0;
	_ =	sdelay $0x3  }
0x577: {  	[tilespmem:v2+s20+$0x0] =	vst.idx.msk $0xffff, v1;
	v2 =	vld [tilespmem:$0x1F8C0]  }
0x578: {  	v1 =	vld.idx.msk [tilespmem:v3+s16+$0x0], $0xffff  }
0x579: {  	v3 =	vld [tilespmem:$0x1F5B0];
	_ =	sdelay $0x3  }
0x57a: {  	v2 =	vor.u32 s28, v2  }
0x57b: {  	v3 =	vor.u32 v3, v0;
	_ =	sdelay $0x3  }
0x57c: {  	[tilespmem:v2+s20+$0x0] =	vst.idx.msk $0xffff, v1;
	v2 =	vld [tilespmem:$0x1FF00]  }
0x57d: {  	v1 =	vld.idx.msk [tilespmem:v3+s16+$0x0], $0xffff  }
0x57e: {  	v3 =	vld [tilespmem:$0x1F5C0];
	_ =	sdelay $0x3  }
0x57f: {  	v2 =	vor.u32 s28, v2  }
0x580: {  	v3 =	vor.u32 v3, v0;
	_ =	sdelay $0x3  }
0x581: {  	[tilespmem:v2+s20+$0x0] =	vst.idx.msk $0xffff, v1;
	v2 =	vld [tilespmem:$0x1FF10]  }
0x582: {  	v1 =	vld.idx.msk [tilespmem:v3+s16+$0x0], $0xffff  }
0x583: {  	v3 =	vld [tilespmem:$0x1F5D0];
	_ =	sdelay $0x3  }
0x584: {  	v2 =	vor.u32 s28, v2  }
0x585: {  	v3 =	vor.u32 v3, v0;
	_ =	sdelay $0x3  }
0x586: {  	[tilespmem:v2+s20+$0x0] =	vst.idx.msk $0xffff, v1;
	v2 =	vld [tilespmem:$0x1F910]  }
0x587: {  	v1 =	vld.idx.msk [tilespmem:v3+s16+$0x0], $0xffff  }
0x588: {  	v3 =	vld [tilespmem:$0x1F5E0];
	_ =	sdelay $0x3  }
0x589: {  	v2 =	vor.u32 s28, v2  }
0x58a: {  	v3 =	vor.u32 v3, v0;
	_ =	sdelay $0x3  }
0x58b: {  	[tilespmem:v2+s20+$0x0] =	vst.idx.msk $0xffff, v1;
	v2 =	vld [tilespmem:$0x1F920]  }
0x58c: {  	v1 =	vld.idx.msk [tilespmem:v3+s16+$0x0], $0xffff  }
0x58d: {  	v3 =	vld [tilespmem:$0x1F5F0];
	_ =	sdelay $0x3  }
0x58e: {  	v2 =	vor.u32 s28, v2  }
0x58f: {  	v3 =	vor.u32 v3, v0;
	_ =	sdelay $0x3  }
0x590: {  	[tilespmem:v2+s20+$0x0] =	vst.idx.msk $0xffff, v1;
	v2 =	vld [tilespmem:$0x1F930]  }
0x591: {  	v1 =	vld.idx.msk [tilespmem:v3+s16+$0x0], $0xffff  }
0x592: {  	v3 =	vld [tilespmem:$0x1F600];
	_ =	sdelay $0x3  }
0x593: {  	v2 =	vor.u32 s28, v2  }
0x594: {  	v3 =	vor.u32 v3, v0;
	_ =	sdelay $0x3  }
0x595: {  	[tilespmem:v2+s20+$0x0] =	vst.idx.msk $0xffff, v1;
	v2 =	vld [tilespmem:$0x1F940]  }
0x596: {  	v1 =	vld.idx.msk [tilespmem:v3+s16+$0x0], $0xffff  }
0x597: {  	v3 =	vld [tilespmem:$0x1F610];
	_ =	sdelay $0x3  }
0x598: {  	v2 =	vor.u32 s28, v2  }
0x599: {  	v3 =	vor.u32 v3, v0;
	_ =	sdelay $0x3  }
0x59a: {  	[tilespmem:v2+s20+$0x0] =	vst.idx.msk $0xffff, v1;
	v2 =	vld [tilespmem:$0x1F950]  }
0x59b: {  	v1 =	vld.idx.msk [tilespmem:v3+s16+$0x0], $0xffff  }
0x59c: {  	v3 =	vld [tilespmem:$0x1F620];
	_ =	sdelay $0x3  }
0x59d: {  	v2 =	vor.u32 s28, v2  }
0x59e: {  	v3 =	vor.u32 v3, v0;
	_ =	sdelay $0x3  }
0x59f: {  	[tilespmem:v2+s20+$0x0] =	vst.idx.msk $0xffff, v1;
	v2 =	vld [tilespmem:$0x1F960]  }
0x5a0: {  	v1 =	vld.idx.msk [tilespmem:v3+s16+$0x0], $0xffff  }
0x5a1: {  	v3 =	vld [tilespmem:$0x1F630];
	_ =	sdelay $0x3  }
0x5a2: {  	v2 =	vor.u32 s28, v2  }
0x5a3: {  	v3 =	vor.u32 v3, v0;
	_ =	sdelay $0x3  }
0x5a4: {  	[tilespmem:v2+s20+$0x0] =	vst.idx.msk $0xffff, v1;
	v2 =	vld [tilespmem:$0x1F970]  }
0x5a5: {  	v1 =	vld.idx.msk [tilespmem:v3+s16+$0x0], $0xffff  }
0x5a6: {  	v3 =	vld [tilespmem:$0x1F640];
	_ =	sdelay $0x3  }
0x5a7: {  	v2 =	vor.u32 s28, v2  }
0x5a8: {  	v3 =	vor.u32 v3, v0;
	_ =	sdelay $0x3  }
0x5a9: {  	[tilespmem:v2+s20+$0x0] =	vst.idx.msk $0xffff, v1;
	v2 =	vld [tilespmem:$0x1F980]  }
0x5aa: {  	v1 =	vld.idx.msk [tilespmem:v3+s16+$0x0], $0xffff  }
0x5ab: {  	v3 =	vld [tilespmem:$0x1F650];
	_ =	sdelay $0x3  }
0x5ac: {  	v2 =	vor.u32 s28, v2  }
0x5ad: {  	v3 =	vor.u32 v3, v0;
	_ =	sdelay $0x3  }
0x5ae: {  	[tilespmem:v2+s20+$0x0] =	vst.idx.msk $0xffff, v1;
	v2 =	vld [tilespmem:$0x1F990]  }
0x5af: {  	v1 =	vld.idx.msk [tilespmem:v3+s16+$0x0], $0xffff  }
0x5b0: {  	v3 =	vld [tilespmem:$0x1F660];
	_ =	sdelay $0x3  }
0x5b1: {  	v2 =	vor.u32 s28, v2  }
0x5b2: {  	v3 =	vor.u32 v3, v0;
	_ =	sdelay $0x3  }
0x5b3: {  	[tilespmem:v2+s20+$0x0] =	vst.idx.msk $0xffff, v1;
	v2 =	vld [tilespmem:$0x1F9A0]  }
0x5b4: {  	v1 =	vld.idx.msk [tilespmem:v3+s16+$0x0], $0xffff  }
0x5b5: {  	v3 =	vld [tilespmem:$0x1F670];
	_ =	sdelay $0x3  }
0x5b6: {  	v2 =	vor.u32 s28, v2  }
0x5b7: {  	v3 =	vor.u32 v3, v0;
	_ =	sdelay $0x3  }
0x5b8: {  	[tilespmem:v2+s20+$0x0] =	vst.idx.msk $0xffff, v1;
	v2 =	vld [tilespmem:$0x1F680]  }
0x5b9: {  	v1 =	vld.idx.msk [tilespmem:v3+s16+$0x0], $0xffff  }
0x5ba: {  	v3 =	vld [tilespmem:$0x1F690];
	_ =	sdelay $0x3  }
0x5bb: {  	v2 =	vor.u32 s28, v2  }
0x5bc: {  	v3 =	vor.u32 v3, v0;
	_ =	sdelay $0x3  }
0x5bd: {  	[tilespmem:v2+s20+$0x0] =	vst.idx.msk $0xffff, v1;
	v2 =	vld [tilespmem:$0x1FDC0]  }
0x5be: {  	v1 =	vld.idx.msk [tilespmem:v3+s16+$0x0], $0xffff  }
0x5bf: {  	v3 =	vld [tilespmem:$0x1F6A0];
	_ =	sdelay $0x3  }
0x5c0: {  	v2 =	vor.u32 s28, v2  }
0x5c1: {  	v3 =	vor.u32 v3, v0;
	_ =	sdelay $0x3  }
0x5c2: {  	[tilespmem:v2+s20+$0x0] =	vst.idx.msk $0xffff, v1;
	v2 =	vld [tilespmem:$0x1FDD0]  }
0x5c3: {  	v1 =	vld.idx.msk [tilespmem:v3+s16+$0x0], $0xffff  }
0x5c4: {  	v3 =	vld [tilespmem:$0x1F6B0];
	_ =	sdelay $0x3  }
0x5c5: {  	v2 =	vor.u32 s28, v2  }
0x5c6: {  	v3 =	vor.u32 v3, v0;
	_ =	sdelay $0x3  }
0x5c7: {  	[tilespmem:v2+s20+$0x0] =	vst.idx.msk $0xffff, v1;
	v2 =	vld [tilespmem:$0x1FDE0]  }
0x5c8: {  	v1 =	vld.idx.msk [tilespmem:v3+s16+$0x0], $0xffff  }
0x5c9: {  	v3 =	vld [tilespmem:$0x1F6C0];
	_ =	sdelay $0x3  }
0x5ca: {  	v2 =	vor.u32 s28, v2  }
0x5cb: {  	v3 =	vor.u32 v3, v0;
	_ =	sdelay $0x3  }
0x5cc: {  	[tilespmem:v2+s20+$0x0] =	vst.idx.msk $0xffff, v1;
	v2 =	vld [tilespmem:$0x1FE00]  }
0x5cd: {  	v1 =	vld.idx.msk [tilespmem:v3+s16+$0x0], $0xffff  }
0x5ce: {  	v3 =	vld [tilespmem:$0x1F6D0];
	_ =	sdelay $0x3  }
0x5cf: {  	v2 =	vor.u32 s28, v2  }
0x5d0: {  	v3 =	vor.u32 v3, v0;
	_ =	sdelay $0x3  }
0x5d1: {  	[tilespmem:v2+s20+$0x0] =	vst.idx.msk $0xffff, v1;
	v2 =	vld [tilespmem:$0x1F9F0]  }
0x5d2: {  	v1 =	vld.idx.msk [tilespmem:v3+s16+$0x0], $0xffff  }
0x5d3: {  	v3 =	vld [tilespmem:$0x1F6E0];
	_ =	sdelay $0x3  }
0x5d4: {  	v2 =	vor.u32 s28, v2  }
0x5d5: {  	v3 =	vor.u32 v3, v0;
	_ =	sdelay $0x3  }
0x5d6: {  	[tilespmem:v2+s20+$0x0] =	vst.idx.msk $0xffff, v1;
	v2 =	vld [tilespmem:$0x1FA00]  }
0x5d7: {  	v1 =	vld.idx.msk [tilespmem:v3+s16+$0x0], $0xffff  }
0x5d8: {  	v3 =	vld [tilespmem:$0x1F6F0];
	_ =	sdelay $0x3  }
0x5d9: {  	v2 =	vor.u32 s28, v2  }
0x5da: {  	v3 =	vor.u32 v3, v0;
	_ =	sdelay $0x3  }
0x5db: {  	[tilespmem:v2+s20+$0x0] =	vst.idx.msk $0xffff, v1;
	v2 =	vld [tilespmem:$0x1FA10]  }
0x5dc: {  	v1 =	vld.idx.msk [tilespmem:v3+s16+$0x0], $0xffff  }
0x5dd: {  	v3 =	vld [tilespmem:$0x1F700];
	_ =	sdelay $0x3  }
0x5de: {  	v2 =	vor.u32 s28, v2  }
0x5df: {  	v3 =	vor.u32 v3, v0;
	_ =	sdelay $0x3  }
0x5e0: {  	[tilespmem:v2+s20+$0x0] =	vst.idx.msk $0xffff, v1;
	v2 =	vld [tilespmem:$0x1FA20]  }
0x5e1: {  	v1 =	vld.idx.msk [tilespmem:v3+s16+$0x0], $0xffff  }
0x5e2: {  	v3 =	vld [tilespmem:$0x1F710];
	_ =	sdelay $0x3  }
0x5e3: {  	v2 =	vor.u32 s28, v2  }
0x5e4: {  	v3 =	vor.u32 v3, v0;
	_ =	sdelay $0x3  }
0x5e5: {  	[tilespmem:v2+s20+$0x0] =	vst.idx.msk $0xffff, v1;
	v2 =	vld [tilespmem:$0x1FA30]  }
0x5e6: {  	v1 =	vld.idx.msk [tilespmem:v3+s16+$0x0], $0xffff  }
0x5e7: {  	v3 =	vld [tilespmem:$0x1F720];
	_ =	sdelay $0x3  }
0x5e8: {  	v2 =	vor.u32 s28, v2  }
0x5e9: {  	v3 =	vor.u32 v3, v0;
	_ =	sdelay $0x3  }
0x5ea: {  	[tilespmem:v2+s20+$0x0] =	vst.idx.msk $0xffff, v1;
	v2 =	vld [tilespmem:$0x1FA40]  }
0x5eb: {  	v1 =	vld.idx.msk [tilespmem:v3+s16+$0x0], $0xffff  }
0x5ec: {  	v3 =	vld [tilespmem:$0x1F4E0];
	_ =	sdelay $0x3  }
0x5ed: {  	v2 =	vor.u32 s28, v2  }
0x5ee: {  	v3 =	vor.u32 v3, v0;
	_ =	sdelay $0x3  }
0x5ef: {  	[tilespmem:v2+s20+$0x0] =	vst.idx.msk $0xffff, v1;
	v2 =	vld [tilespmem:$0x1FA50]  }
0x5f0: {  	v1 =	vld.idx.msk [tilespmem:v3+s16+$0x0], $0xffff  }
0x5f1: {  	v3 =	vld [tilespmem:$0x1F4F0];
	_ =	sdelay $0x3  }
0x5f2: {  	v2 =	vor.u32 s28, v2  }
0x5f3: {  	v3 =	vor.u32 v3, v0;
	_ =	sdelay $0x3  }
0x5f4: {  	[tilespmem:v2+s20+$0x0] =	vst.idx.msk $0xffff, v1;
	v2 =	vld [tilespmem:$0x1FA60]  }
0x5f5: {  	v1 =	vld.idx.msk [tilespmem:v3+s16+$0x0], $0xffff  }
0x5f6: {  	v3 =	vld [tilespmem:$0x1F500];
	_ =	sdelay $0x3  }
0x5f7: {  	v2 =	vor.u32 s28, v2  }
0x5f8: {  	v3 =	vor.u32 v3, v0;
	_ =	sdelay $0x3  }
0x5f9: {  	[tilespmem:v2+s20+$0x0] =	vst.idx.msk $0xffff, v1;
	v2 =	vld [tilespmem:$0x1FA70]  }
0x5fa: {  	v1 =	vld.idx.msk [tilespmem:v3+s16+$0x0], $0xffff  }
0x5fb: {  	v3 =	vld [tilespmem:$0x1F510];
	_ =	sdelay $0x3  }
0x5fc: {  	v2 =	vor.u32 s28, v2  }
0x5fd: {  	v3 =	vor.u32 v3, v0;
	_ =	sdelay $0x3  }
0x5fe: {  	[tilespmem:v2+s20+$0x0] =	vst.idx.msk $0xffff, v1  }
0x5ff: {  	v1 =	vld.idx.msk [tilespmem:v3+s16+$0x0], $0xffff  }
0x600: {  	v3 =	vld [tilespmem:$0x1F520];
	_ =	sdelay $0x3  }
0x601: {  	v2 =	vor.u32 s28, v5  }
0x602: {  	v3 =	vor.u32 v3, v0;
	_ =	sdelay $0x3  }
0x603: {  	[tilespmem:v2+s20+$0x0] =	vst.idx.msk $0xffff, v1;
	v2 =	vld [tilespmem:$0x1FEC0]  }
0x604: {  	v1 =	vld.idx.msk [tilespmem:v3+s16+$0x0], $0xffff  }
0x605: {  	v3 =	vld [tilespmem:$0x1F530];
	_ =	sdelay $0x3  }
0x606: {  	v2 =	vor.u32 s28, v2  }
0x607: {  	v3 =	vor.u32 v3, v0;
	_ =	sdelay $0x3  }
0x608: {  	[tilespmem:v2+s20+$0x0] =	vst.idx.msk $0xffff, v1;
	v2 =	vld [tilespmem:$0x1F540]  }
0x609: {  	v1 =	vld.idx.msk [tilespmem:v3+s16+$0x0], $0xffff  }
0x60a: {  	v3 =	vld [tilespmem:$0x1F550];
	_ =	sdelay $0x3  }
0x60b: {  	v2 =	vor.u32 s28, v2  }
0x60c: {  	v3 =	vor.u32 v3, v0;
	_ =	sdelay $0x3  }
0x60d: {  	[tilespmem:v2+s20+$0x0] =	vst.idx.msk $0xffff, v1;
	v2 =	vld [tilespmem:$0x1FED0]  }
0x60e: {  	v1 =	vld.idx.msk [tilespmem:v3+s16+$0x0], $0xffff  }
0x60f: {  	v3 =	vld [tilespmem:$0x1F560];
	_ =	sdelay $0x2  }
0x610: {  	v2 =	vor.u32 s28, v2;
	_ =	sdelay $0x1  }
0x611: {  	v3 =	vor.u32 v3, v0;
	_ =	sdelay $0x2  }
0x612: {  	[tilespmem:v2+s20+$0x0] =	vst.idx.msk $0xffff, v1;
	v2 =	vld [tilespmem:$0x1FEE0];
	_ =	sdelay $0x1  }
0x613: {  	v1 =	vld.idx.msk [tilespmem:v3+s16+$0x0], $0xffff  }
0x614: {  	v3 =	vld [tilespmem:$0x1F570];
	_ =	sdelay $0x1  }
0x615: {  	v2 =	vor.u32 s28, v2;
	_ =	sdelay $0x2  }
0x616: {  	v3 =	vor.u32 v3, v0;
	_ =	sdelay $0x1  }
0x617: {  	[tilespmem:v2+s20+$0x0] =	vst.idx.msk $0xffff, v1;
	v2 =	vld [tilespmem:$0x1FEA0];
	_ =	sdelay $0x2  }
0x618: {  	v1 =	vld.idx.msk [tilespmem:v3+s16+$0x0], $0xffff  }
0x619: {  	v3 =	vld [tilespmem:$0x1F580]  }
0x61a: {  	v2 =	vor.u32 s28, v2;
	_ =	sdelay $0x3  }
0x61b: {  	v3 =	vor.u32 v3, v0  }
0x61c: {  	[tilespmem:v2+s20+$0x0] =	vst.idx.msk $0xffff, v1;
	v2 =	vld [tilespmem:$0x1FEB0];
	_ =	sdelay $0x3  }
0x61d: {  	v1 =	vld.idx.msk [tilespmem:v3+s16+$0x0], $0xffff  }
0x61e: {  	v2 =	vor.u32 s28, v2;
	v3 =	vld [tilespmem:$0x1F590];
	_ =	sdelay $0x4  }
0x61f: {  	v3 =	vor.u32 v3, v0;
	[tilespmem:v2+s20+$0x0] =	vst.idx.msk $0xffff, v1;
	v2 =	vld [tilespmem:$0x1FF80];
	_ =	sdelay $0x4  }
0x620: {  	v1 =	vld.idx.msk [tilespmem:v3+s16+$0x0], $0xffff;
	v2 =	vor.u32 s28, v2;
	_ =	sdelay $0x4  }
0x621: {  	v3 =	vor.u32 v12, v0;
	[tilespmem:v2+s20+$0x0] =	vst.idx.msk $0xffff, v1;
	v2 =	vld [tilespmem:$0x1FE90];
	_ =	sdelay $0x4  }
0x622: {  	v1 =	vld.idx.msk [tilespmem:v3+s16+$0x0], $0xffff;
	v2 =	vor.u32 s28, v2;
	_ =	sdelay $0x4  }
0x623: {  	v3 =	vor.u32 v22, v0;
	[tilespmem:v2+s20+$0x0] =	vst.idx.msk $0xffff, v1;
	v2 =	vld [tilespmem:$0x1FE80];
	_ =	sdelay $0x4  }
0x624: {  	v1 =	vld.idx.msk [tilespmem:v3+s16+$0x0], $0xffff;
	v2 =	vor.u32 s28, v2;
	_ =	sdelay $0x4  }
0x625: {  	v3 =	vor.u32 v23, v0;
	[tilespmem:v2+s20+$0x0] =	vst.idx.msk $0xffff, v1;
	v2 =	vld [tilespmem:$0x1FE70];
	_ =	sdelay $0x4  }
0x626: {  	v1 =	vld.idx.msk [tilespmem:v3+s16+$0x0], $0xffff;
	v2 =	vor.u32 s28, v2;
	_ =	sdelay $0x4  }
0x627: {  	v3 =	vor.u32 v24, v0;
	[tilespmem:v2+s20+$0x0] =	vst.idx.msk $0xffff, v1;
	v2 =	vld [tilespmem:$0x1FE60];
	_ =	sdelay $0x4  }
0x628: {  	v1 =	vld.idx.msk [tilespmem:v3+s16+$0x0], $0xffff;
	v2 =	vor.u32 s28, v2;
	_ =	sdelay $0x4  }
0x629: {  	v3 =	vor.u32 v47, v0;
	[tilespmem:v2+s20+$0x0] =	vst.idx.msk $0xffff, v1;
	v2 =	vld [tilespmem:$0x1FE50];
	_ =	sdelay $0x4  }
0x62a: {  	v1 =	vld.idx.msk [tilespmem:v3+s16+$0x0], $0xffff;
	v2 =	vor.u32 s28, v2;
	_ =	sdelay $0x4  }
0x62b: {  	v3 =	vor.u32 v44, v0;
	[tilespmem:v2+s20+$0x0] =	vst.idx.msk $0xffff, v1;
	v2 =	vld [tilespmem:$0x1FE40];
	_ =	sdelay $0x4  }
0x62c: {  	v1 =	vld.idx.msk [tilespmem:v3+s16+$0x0], $0xffff;
	v2 =	vor.u32 s28, v2;
	_ =	sdelay $0x4  }
0x62d: {  	v3 =	vor.u32 v61, v0;
	[tilespmem:v2+s20+$0x0] =	vst.idx.msk $0xffff, v1;
	v2 =	vld [tilespmem:$0x1FE30];
	_ =	sdelay $0x4  }
0x62e: {  	v1 =	vld.idx.msk [tilespmem:v3+s16+$0x0], $0xffff;
	v2 =	vor.u32 s28, v2;
	_ =	sdelay $0x4  }
0x62f: {  	v3 =	vor.u32 v34, v0;
	[tilespmem:v2+s20+$0x0] =	vst.idx.msk $0xffff, v1;
	v2 =	vld [tilespmem:$0x1FE20];
	_ =	sdelay $0x4  }
0x630: {  	v1 =	vld.idx.msk [tilespmem:v3+s16+$0x0], $0xffff;
	v2 =	vor.u32 s28, v2;
	_ =	sdelay $0x4  }
0x631: {  	v3 =	vor.u32 v63, v0;
	[tilespmem:v2+s20+$0x0] =	vst.idx.msk $0xffff, v1;
	v2 =	vld [tilespmem:$0x1FE10];
	_ =	sdelay $0x4  }
0x632: {  	v1 =	vld.idx.msk [tilespmem:v3+s16+$0x0], $0xffff;
	v2 =	vor.u32 s28, v2;
	_ =	sdelay $0x3  }
0x633: {  	s29 =	simm.s32 $0x10  }
0x634: {  	s30 =	simm.s32 $0x20;
	v0 =	vor.u32 v30, v0;
	[tilespmem:v2+s20+$0x0] =	vst.idx.msk $0xffff, v1;
	v1 =	vmov s29  }
.LBB2_5:
0x635: {  	_ =	sdelay $0x3  }
0x636: {  	v2 =	vld.idx.msk [tilespmem:v0+s16+$0x0], $0xffff  }
0x637: {  	v0 =	vld [tilespmem:$0x1FD80];
	_ =	sdelay $0x3  }
0x638: {  	v1 =	vshll.u32 v1, $0x7  }
0x639: {  	v0 =	vor.u32 v0, v1;
	v1 =	vld [tilespmem:$0x1FDA0];
	_ =	sdelay $0x4  }
0x63a: {  	v3 =	vlaneseq.u32;
	v1 =	vor.u32 s28, v1  }
0x63b: {  	v3 =	vor.u32 v3, v0;
	_ =	sdelay $0x3  }
0x63c: {  	s28 =	smov.u32 s29;
	[tilespmem:v1+s20+$0x0] =	vst.idx.msk $0xffff, v2  }
0x63d: {  	v2 =	vor.u32 s28, v62;
	v1 =	vld.idx.msk [tilespmem:v3+s16+$0x0], $0xffff  }
0x63e: {  	v3 =	vor.u32 v45, v0;
	_ =	sdelay $0x3  }
0x63f: {  	[tilespmem:v2+s20+$0x0] =	vst.idx.msk $0xffff, v1  }
0x640: {  	v2 =	vor.u32 s28, v46;
	v1 =	vld.idx.msk [tilespmem:v3+s16+$0x0], $0xffff  }
0x641: {  	v3 =	vor.u32 v6, v0;
	_ =	sdelay $0x3  }
0x642: {  	[tilespmem:v2+s20+$0x0] =	vst.idx.msk $0xffff, v1  }
0x643: {  	v2 =	vor.u32 s28, v48;
	v1 =	vld.idx.msk [tilespmem:v3+s16+$0x0], $0xffff  }
0x644: {  	v3 =	vor.u32 v49, v0;
	_ =	sdelay $0x3  }
0x645: {  	[tilespmem:v2+s20+$0x0] =	vst.idx.msk $0xffff, v1  }
0x646: {  	v2 =	vor.u32 s28, v50;
	v1 =	vld.idx.msk [tilespmem:v3+s16+$0x0], $0xffff  }
0x647: {  	v3 =	vor.u32 v51, v0;
	_ =	sdelay $0x3  }
0x648: {  	[tilespmem:v2+s20+$0x0] =	vst.idx.msk $0xffff, v1  }
0x649: {  	v2 =	vor.u32 s28, v52;
	v1 =	vld.idx.msk [tilespmem:v3+s16+$0x0], $0xffff  }
0x64a: {  	v3 =	vor.u32 v53, v0;
	_ =	sdelay $0x3  }
0x64b: {  	[tilespmem:v2+s20+$0x0] =	vst.idx.msk $0xffff, v1  }
0x64c: {  	v2 =	vor.u32 s28, v54;
	v1 =	vld.idx.msk [tilespmem:v3+s16+$0x0], $0xffff  }
0x64d: {  	v3 =	vor.u32 v55, v0;
	_ =	sdelay $0x3  }
0x64e: {  	[tilespmem:v2+s20+$0x0] =	vst.idx.msk $0xffff, v1  }
0x64f: {  	v2 =	vor.u32 s28, v56;
	v1 =	vld.idx.msk [tilespmem:v3+s16+$0x0], $0xffff  }
0x650: {  	v3 =	vor.u32 v57, v0;
	_ =	sdelay $0x3  }
0x651: {  	[tilespmem:v2+s20+$0x0] =	vst.idx.msk $0xffff, v1  }
0x652: {  	v2 =	vor.u32 s28, v58;
	v1 =	vld.idx.msk [tilespmem:v3+s16+$0x0], $0xffff  }
0x653: {  	v3 =	vor.u32 v59, v0;
	_ =	sdelay $0x3  }
0x654: {  	[tilespmem:v2+s20+$0x0] =	vst.idx.msk $0xffff, v1  }
0x655: {  	v2 =	vor.u32 s28, v60;
	v1 =	vld.idx.msk [tilespmem:v3+s16+$0x0], $0xffff  }
0x656: {  	v3 =	vor.u32 v39, v0;
	_ =	sdelay $0x3  }
0x657: {  	[tilespmem:v2+s20+$0x0] =	vst.idx.msk $0xffff, v1  }
0x658: {  	v2 =	vor.u32 s28, v4;
	v1 =	vld.idx.msk [tilespmem:v3+s16+$0x0], $0xffff  }
0x659: {  	v3 =	vor.u32 v13, v0;
	_ =	sdelay $0x3  }
0x65a: {  	[tilespmem:v2+s20+$0x0] =	vst.idx.msk $0xffff, v1;
	v2 =	vld [tilespmem:$0x1F7B0]  }
0x65b: {  	v1 =	vld.idx.msk [tilespmem:v3+s16+$0x0], $0xffff  }
0x65c: {  	v3 =	vld [tilespmem:$0x1F7C0];
	_ =	sdelay $0x3  }
0x65d: {  	v2 =	vor.u32 s28, v2  }
0x65e: {  	v3 =	vor.u32 v3, v0;
	_ =	sdelay $0x3  }
0x65f: {  	[tilespmem:v2+s20+$0x0] =	vst.idx.msk $0xffff, v1;
	v2 =	vld [tilespmem:$0x1F7D0]  }
0x660: {  	v1 =	vld.idx.msk [tilespmem:v3+s16+$0x0], $0xffff  }
0x661: {  	v3 =	vld [tilespmem:$0x1F7E0];
	_ =	sdelay $0x3  }
0x662: {  	v2 =	vor.u32 s28, v2  }
0x663: {  	v3 =	vor.u32 v3, v0;
	_ =	sdelay $0x3  }
0x664: {  	[tilespmem:v2+s20+$0x0] =	vst.idx.msk $0xffff, v1;
	v2 =	vld [tilespmem:$0x1F7F0]  }
0x665: {  	v1 =	vld.idx.msk [tilespmem:v3+s16+$0x0], $0xffff  }
0x666: {  	v3 =	vld [tilespmem:$0x1F800];
	_ =	sdelay $0x3  }
0x667: {  	v2 =	vor.u32 s28, v2  }
0x668: {  	v3 =	vor.u32 v3, v0;
	_ =	sdelay $0x3  }
0x669: {  	[tilespmem:v2+s20+$0x0] =	vst.idx.msk $0xffff, v1;
	v2 =	vld [tilespmem:$0x1F810]  }
0x66a: {  	v1 =	vld.idx.msk [tilespmem:v3+s16+$0x0], $0xffff  }
0x66b: {  	v3 =	vld [tilespmem:$0x1F820];
	_ =	sdelay $0x3  }
0x66c: {  	v2 =	vor.u32 s28, v2  }
0x66d: {  	v3 =	vor.u32 v3, v0;
	_ =	sdelay $0x3  }
0x66e: {  	[tilespmem:v2+s20+$0x0] =	vst.idx.msk $0xffff, v1;
	v2 =	vld [tilespmem:$0x1F830]  }
0x66f: {  	v1 =	vld.idx.msk [tilespmem:v3+s16+$0x0], $0xffff  }
0x670: {  	v3 =	vld [tilespmem:$0x1F840];
	_ =	sdelay $0x3  }
0x671: {  	v2 =	vor.u32 s28, v2  }
0x672: {  	v3 =	vor.u32 v3, v0;
	_ =	sdelay $0x3  }
0x673: {  	[tilespmem:v2+s20+$0x0] =	vst.idx.msk $0xffff, v1;
	v2 =	vld [tilespmem:$0x1F850]  }
0x674: {  	v1 =	vld.idx.msk [tilespmem:v3+s16+$0x0], $0xffff  }
0x675: {  	v3 =	vld [tilespmem:$0x1FD70];
	_ =	sdelay $0x3  }
0x676: {  	v2 =	vor.u32 s28, v2  }
0x677: {  	v3 =	vor.u32 v3, v0;
	_ =	sdelay $0x3  }
0x678: {  	[tilespmem:v2+s20+$0x0] =	vst.idx.msk $0xffff, v1;
	v2 =	vld [tilespmem:$0x1FDF0]  }
0x679: {  	v1 =	vld.idx.msk [tilespmem:v3+s16+$0x0], $0xffff  }
0x67a: {  	v3 =	vld [tilespmem:$0x1FD90];
	_ =	sdelay $0x3  }
0x67b: {  	v2 =	vor.u32 s28, v2  }
0x67c: {  	v3 =	vor.u32 v3, v0;
	_ =	sdelay $0x3  }
0x67d: {  	[tilespmem:v2+s20+$0x0] =	vst.idx.msk $0xffff, v1;
	v2 =	vld [tilespmem:$0x1F860]  }
0x67e: {  	v1 =	vld.idx.msk [tilespmem:v3+s16+$0x0], $0xffff  }
0x67f: {  	v3 =	vld [tilespmem:$0x1FDB0];
	_ =	sdelay $0x3  }
0x680: {  	v2 =	vor.u32 s28, v2  }
0x681: {  	v3 =	vor.u32 v3, v0;
	_ =	sdelay $0x3  }
0x682: {  	[tilespmem:v2+s20+$0x0] =	vst.idx.msk $0xffff, v1;
	v2 =	vld [tilespmem:$0x1F870]  }
0x683: {  	v1 =	vld.idx.msk [tilespmem:v3+s16+$0x0], $0xffff  }
0x684: {  	v3 =	vld [tilespmem:$0x1F5A0];
	_ =	sdelay $0x3  }
0x685: {  	v2 =	vor.u32 s28, v2  }
0x686: {  	v3 =	vor.u32 v3, v0;
	_ =	sdelay $0x3  }
0x687: {  	[tilespmem:v2+s20+$0x0] =	vst.idx.msk $0xffff, v1;
	v2 =	vld [tilespmem:$0x1F8C0]  }
0x688: {  	v1 =	vld.idx.msk [tilespmem:v3+s16+$0x0], $0xffff  }
0x689: {  	v3 =	vld [tilespmem:$0x1F5B0];
	_ =	sdelay $0x3  }
0x68a: {  	v2 =	vor.u32 s28, v2  }
0x68b: {  	v3 =	vor.u32 v3, v0;
	_ =	sdelay $0x3  }
0x68c: {  	[tilespmem:v2+s20+$0x0] =	vst.idx.msk $0xffff, v1  }
0x68d: {  	v1 =	vld.idx.msk [tilespmem:v3+s16+$0x0], $0xffff  }
0x68e: {  	v3 =	vld [tilespmem:$0x1F5C0];
	_ =	sdelay $0x3  }
0x68f: {  	v2 =	vor.u32 s28, v42  }
0x690: {  	v3 =	vor.u32 v3, v0;
	_ =	sdelay $0x3  }
0x691: {  	[tilespmem:v2+s20+$0x0] =	vst.idx.msk $0xffff, v1  }
0x692: {  	v1 =	vld.idx.msk [tilespmem:v3+s16+$0x0], $0xffff  }
0x693: {  	v3 =	vld [tilespmem:$0x1F5D0];
	_ =	sdelay $0x3  }
0x694: {  	v2 =	vor.u32 s28, v43  }
0x695: {  	v3 =	vor.u32 v3, v0;
	_ =	sdelay $0x3  }
0x696: {  	[tilespmem:v2+s20+$0x0] =	vst.idx.msk $0xffff, v1;
	v2 =	vld [tilespmem:$0x1F910]  }
0x697: {  	v1 =	vld.idx.msk [tilespmem:v3+s16+$0x0], $0xffff  }
0x698: {  	v3 =	vld [tilespmem:$0x1F5E0];
	_ =	sdelay $0x3  }
0x699: {  	v2 =	vor.u32 s28, v2  }
0x69a: {  	v3 =	vor.u32 v3, v0;
	_ =	sdelay $0x3  }
0x69b: {  	[tilespmem:v2+s20+$0x0] =	vst.idx.msk $0xffff, v1;
	v2 =	vld [tilespmem:$0x1F920]  }
0x69c: {  	v1 =	vld.idx.msk [tilespmem:v3+s16+$0x0], $0xffff  }
0x69d: {  	v3 =	vld [tilespmem:$0x1F5F0];
	_ =	sdelay $0x3  }
0x69e: {  	v2 =	vor.u32 s28, v2  }
0x69f: {  	v3 =	vor.u32 v3, v0;
	_ =	sdelay $0x3  }
0x6a0: {  	[tilespmem:v2+s20+$0x0] =	vst.idx.msk $0xffff, v1;
	v2 =	vld [tilespmem:$0x1F930]  }
0x6a1: {  	v1 =	vld.idx.msk [tilespmem:v3+s16+$0x0], $0xffff  }
0x6a2: {  	v3 =	vld [tilespmem:$0x1F600];
	_ =	sdelay $0x3  }
0x6a3: {  	v2 =	vor.u32 s28, v2  }
0x6a4: {  	v3 =	vor.u32 v3, v0;
	_ =	sdelay $0x3  }
0x6a5: {  	[tilespmem:v2+s20+$0x0] =	vst.idx.msk $0xffff, v1;
	v2 =	vld [tilespmem:$0x1F940]  }
0x6a6: {  	v1 =	vld.idx.msk [tilespmem:v3+s16+$0x0], $0xffff  }
0x6a7: {  	v3 =	vld [tilespmem:$0x1F610];
	_ =	sdelay $0x3  }
0x6a8: {  	v2 =	vor.u32 s28, v2  }
0x6a9: {  	v3 =	vor.u32 v3, v0;
	_ =	sdelay $0x3  }
0x6aa: {  	[tilespmem:v2+s20+$0x0] =	vst.idx.msk $0xffff, v1;
	v2 =	vld [tilespmem:$0x1F950]  }
0x6ab: {  	v1 =	vld.idx.msk [tilespmem:v3+s16+$0x0], $0xffff  }
0x6ac: {  	v3 =	vld [tilespmem:$0x1F620];
	_ =	sdelay $0x3  }
0x6ad: {  	v2 =	vor.u32 s28, v2  }
0x6ae: {  	v3 =	vor.u32 v3, v0;
	_ =	sdelay $0x3  }
0x6af: {  	[tilespmem:v2+s20+$0x0] =	vst.idx.msk $0xffff, v1;
	v2 =	vld [tilespmem:$0x1F960]  }
0x6b0: {  	v1 =	vld.idx.msk [tilespmem:v3+s16+$0x0], $0xffff  }
0x6b1: {  	v3 =	vld [tilespmem:$0x1F630];
	_ =	sdelay $0x3  }
0x6b2: {  	v2 =	vor.u32 s28, v2  }
0x6b3: {  	v3 =	vor.u32 v3, v0;
	_ =	sdelay $0x3  }
0x6b4: {  	[tilespmem:v2+s20+$0x0] =	vst.idx.msk $0xffff, v1;
	v2 =	vld [tilespmem:$0x1F970]  }
0x6b5: {  	v1 =	vld.idx.msk [tilespmem:v3+s16+$0x0], $0xffff  }
0x6b6: {  	v3 =	vld [tilespmem:$0x1F640];
	_ =	sdelay $0x3  }
0x6b7: {  	v2 =	vor.u32 s28, v2  }
0x6b8: {  	v3 =	vor.u32 v3, v0;
	_ =	sdelay $0x3  }
0x6b9: {  	[tilespmem:v2+s20+$0x0] =	vst.idx.msk $0xffff, v1;
	v2 =	vld [tilespmem:$0x1F980]  }
0x6ba: {  	v1 =	vld.idx.msk [tilespmem:v3+s16+$0x0], $0xffff  }
0x6bb: {  	v3 =	vld [tilespmem:$0x1F650];
	_ =	sdelay $0x3  }
0x6bc: {  	v2 =	vor.u32 s28, v2  }
0x6bd: {  	v3 =	vor.u32 v3, v0;
	_ =	sdelay $0x3  }
0x6be: {  	[tilespmem:v2+s20+$0x0] =	vst.idx.msk $0xffff, v1;
	v2 =	vld [tilespmem:$0x1F990]  }
0x6bf: {  	v1 =	vld.idx.msk [tilespmem:v3+s16+$0x0], $0xffff  }
0x6c0: {  	v3 =	vld [tilespmem:$0x1F660];
	_ =	sdelay $0x3  }
0x6c1: {  	v2 =	vor.u32 s28, v2  }
0x6c2: {  	v3 =	vor.u32 v3, v0;
	_ =	sdelay $0x3  }
0x6c3: {  	[tilespmem:v2+s20+$0x0] =	vst.idx.msk $0xffff, v1;
	v2 =	vld [tilespmem:$0x1F9A0]  }
0x6c4: {  	v1 =	vld.idx.msk [tilespmem:v3+s16+$0x0], $0xffff  }
0x6c5: {  	v3 =	vld [tilespmem:$0x1F670];
	_ =	sdelay $0x3  }
0x6c6: {  	v2 =	vor.u32 s28, v2  }
0x6c7: {  	v3 =	vor.u32 v3, v0;
	_ =	sdelay $0x3  }
0x6c8: {  	[tilespmem:v2+s20+$0x0] =	vst.idx.msk $0xffff, v1;
	v2 =	vld [tilespmem:$0x1F680]  }
0x6c9: {  	v1 =	vld.idx.msk [tilespmem:v3+s16+$0x0], $0xffff  }
0x6ca: {  	v3 =	vld [tilespmem:$0x1F690];
	_ =	sdelay $0x3  }
0x6cb: {  	v2 =	vor.u32 s28, v2  }
0x6cc: {  	v3 =	vor.u32 v3, v0;
	_ =	sdelay $0x3  }
0x6cd: {  	[tilespmem:v2+s20+$0x0] =	vst.idx.msk $0xffff, v1;
	v2 =	vld [tilespmem:$0x1FDC0]  }
0x6ce: {  	v1 =	vld.idx.msk [tilespmem:v3+s16+$0x0], $0xffff  }
0x6cf: {  	v3 =	vld [tilespmem:$0x1F6A0];
	_ =	sdelay $0x3  }
0x6d0: {  	v2 =	vor.u32 s28, v2  }
0x6d1: {  	v3 =	vor.u32 v3, v0;
	_ =	sdelay $0x3  }
0x6d2: {  	[tilespmem:v2+s20+$0x0] =	vst.idx.msk $0xffff, v1;
	v2 =	vld [tilespmem:$0x1FDD0]  }
0x6d3: {  	v1 =	vld.idx.msk [tilespmem:v3+s16+$0x0], $0xffff  }
0x6d4: {  	v3 =	vld [tilespmem:$0x1F6B0];
	_ =	sdelay $0x3  }
0x6d5: {  	v2 =	vor.u32 s28, v2  }
0x6d6: {  	v3 =	vor.u32 v3, v0;
	_ =	sdelay $0x3  }
0x6d7: {  	[tilespmem:v2+s20+$0x0] =	vst.idx.msk $0xffff, v1;
	v2 =	vld [tilespmem:$0x1FDE0]  }
0x6d8: {  	v1 =	vld.idx.msk [tilespmem:v3+s16+$0x0], $0xffff  }
0x6d9: {  	v3 =	vld [tilespmem:$0x1F6C0];
	_ =	sdelay $0x3  }
0x6da: {  	v2 =	vor.u32 s28, v2  }
0x6db: {  	v3 =	vor.u32 v3, v0;
	_ =	sdelay $0x3  }
0x6dc: {  	[tilespmem:v2+s20+$0x0] =	vst.idx.msk $0xffff, v1;
	v2 =	vld [tilespmem:$0x1FE00]  }
0x6dd: {  	v1 =	vld.idx.msk [tilespmem:v3+s16+$0x0], $0xffff  }
0x6de: {  	v3 =	vld [tilespmem:$0x1F6D0];
	_ =	sdelay $0x3  }
0x6df: {  	v2 =	vor.u32 s28, v2  }
0x6e0: {  	v3 =	vor.u32 v3, v0;
	_ =	sdelay $0x3  }
0x6e1: {  	[tilespmem:v2+s20+$0x0] =	vst.idx.msk $0xffff, v1;
	v2 =	vld [tilespmem:$0x1F9F0]  }
0x6e2: {  	v1 =	vld.idx.msk [tilespmem:v3+s16+$0x0], $0xffff  }
0x6e3: {  	v3 =	vld [tilespmem:$0x1F6E0];
	_ =	sdelay $0x3  }
0x6e4: {  	v2 =	vor.u32 s28, v2  }
0x6e5: {  	v3 =	vor.u32 v3, v0;
	_ =	sdelay $0x3  }
0x6e6: {  	[tilespmem:v2+s20+$0x0] =	vst.idx.msk $0xffff, v1;
	v2 =	vld [tilespmem:$0x1FA00]  }
0x6e7: {  	v1 =	vld.idx.msk [tilespmem:v3+s16+$0x0], $0xffff  }
0x6e8: {  	v3 =	vld [tilespmem:$0x1F6F0];
	_ =	sdelay $0x2  }
0x6e9: {  	v2 =	vor.u32 s28, v2;
	_ =	sdelay $0x1  }
0x6ea: {  	v3 =	vor.u32 v3, v0;
	_ =	sdelay $0x2  }
0x6eb: {  	[tilespmem:v2+s20+$0x0] =	vst.idx.msk $0xffff, v1;
	v2 =	vld [tilespmem:$0x1FA10];
	_ =	sdelay $0x1  }
0x6ec: {  	v1 =	vld.idx.msk [tilespmem:v3+s16+$0x0], $0xffff  }
0x6ed: {  	v3 =	vld [tilespmem:$0x1F700];
	_ =	sdelay $0x1  }
0x6ee: {  	v2 =	vor.u32 s28, v2;
	_ =	sdelay $0x2  }
0x6ef: {  	v3 =	vor.u32 v3, v0;
	_ =	sdelay $0x1  }
0x6f0: {  	[tilespmem:v2+s20+$0x0] =	vst.idx.msk $0xffff, v1;
	v2 =	vld [tilespmem:$0x1FA20];
	_ =	sdelay $0x2  }
0x6f1: {  	v1 =	vld.idx.msk [tilespmem:v3+s16+$0x0], $0xffff  }
0x6f2: {  	v3 =	vld [tilespmem:$0x1F710]  }
0x6f3: {  	v2 =	vor.u32 s28, v2;
	_ =	sdelay $0x3  }
0x6f4: {  	v3 =	vor.u32 v3, v0  }
0x6f5: {  	[tilespmem:v2+s20+$0x0] =	vst.idx.msk $0xffff, v1;
	v2 =	vld [tilespmem:$0x1FA30];
	_ =	sdelay $0x3  }
0x6f6: {  	v1 =	vld.idx.msk [tilespmem:v3+s16+$0x0], $0xffff  }
0x6f7: {  	v2 =	vor.u32 s28, v2;
	v3 =	vld [tilespmem:$0x1F720];
	_ =	sdelay $0x4  }
0x6f8: {  	v3 =	vor.u32 v3, v0;
	[tilespmem:v2+s20+$0x0] =	vst.idx.msk $0xffff, v1;
	v2 =	vld [tilespmem:$0x1FA40];
	_ =	sdelay $0x4  }
0x6f9: {  	v1 =	vld.idx.msk [tilespmem:v3+s16+$0x0], $0xffff;
	v2 =	vor.u32 s28, v2;
	_ =	sdelay $0x4  }
0x6fa: {  	v3 =	vor.u32 v28, v0;
	[tilespmem:v2+s20+$0x0] =	vst.idx.msk $0xffff, v1;
	v2 =	vld [tilespmem:$0x1FA50];
	_ =	sdelay $0x4  }
0x6fb: {  	v1 =	vld.idx.msk [tilespmem:v3+s16+$0x0], $0xffff;
	v2 =	vor.u32 s28, v2;
	_ =	sdelay $0x4  }
0x6fc: {  	v3 =	vor.u32 v29, v0;
	[tilespmem:v2+s20+$0x0] =	vst.idx.msk $0xffff, v1;
	v2 =	vld [tilespmem:$0x1FA60];
	_ =	sdelay $0x4  }
0x6fd: {  	v1 =	vld.idx.msk [tilespmem:v3+s16+$0x0], $0xffff;
	v2 =	vor.u32 s28, v2;
	_ =	sdelay $0x4  }
0x6fe: {  	v3 =	vor.u32 v25, v0;
	[tilespmem:v2+s20+$0x0] =	vst.idx.msk $0xffff, v1;
	v2 =	vld [tilespmem:$0x1FA70];
	_ =	sdelay $0x4  }
0x6ff: {  	v1 =	vld.idx.msk [tilespmem:v3+s16+$0x0], $0xffff;
	v2 =	vor.u32 s28, v2  }
0x700: {  	v3 =	vor.u32 v37, v0;
	_ =	sdelay $0x3  }
0x701: {  	[tilespmem:v2+s20+$0x0] =	vst.idx.msk $0xffff, v1  }
0x702: {  	v2 =	vor.u32 s28, v5;
	v1 =	vld.idx.msk [tilespmem:v3+s16+$0x0], $0xffff  }
0x703: {  	v3 =	vor.u32 v27, v0;
	_ =	sdelay $0x3  }
0x704: {  	[tilespmem:v2+s20+$0x0] =	vst.idx.msk $0xffff, v1  }
0x705: {  	v2 =	vor.u32 s28, v31;
	v1 =	vld.idx.msk [tilespmem:v3+s16+$0x0], $0xffff  }
0x706: {  	v3 =	vor.u32 v38, v0;
	_ =	sdelay $0x3  }
0x707: {  	[tilespmem:v2+s20+$0x0] =	vst.idx.msk $0xffff, v1  }
0x708: {  	v2 =	vor.u32 s28, v26;
	v1 =	vld.idx.msk [tilespmem:v3+s16+$0x0], $0xffff  }
0x709: {  	v3 =	vor.u32 v40, v0;
	_ =	sdelay $0x3  }
0x70a: {  	[tilespmem:v2+s20+$0x0] =	vst.idx.msk $0xffff, v1  }
0x70b: {  	v2 =	vor.u32 s28, v32;
	v1 =	vld.idx.msk [tilespmem:v3+s16+$0x0], $0xffff  }
0x70c: {  	v3 =	vor.u32 v11, v0;
	_ =	sdelay $0x3  }
0x70d: {  	[tilespmem:v2+s20+$0x0] =	vst.idx.msk $0xffff, v1  }
0x70e: {  	v2 =	vor.u32 s28, v33;
	v1 =	vld.idx.msk [tilespmem:v3+s16+$0x0], $0xffff  }
0x70f: {  	v3 =	vor.u32 v35, v0;
	_ =	sdelay $0x3  }
0x710: {  	[tilespmem:v2+s20+$0x0] =	vst.idx.msk $0xffff, v1  }
0x711: {  	v2 =	vor.u32 s28, v17;
	v1 =	vld.idx.msk [tilespmem:v3+s16+$0x0], $0xffff  }
0x712: {  	v3 =	vor.u32 v41, v0;
	_ =	sdelay $0x3  }
0x713: {  	[tilespmem:v2+s20+$0x0] =	vst.idx.msk $0xffff, v1  }
0x714: {  	v2 =	vor.u32 s28, v7;
	v1 =	vld.idx.msk [tilespmem:v3+s16+$0x0], $0xffff  }
0x715: {  	v3 =	vor.u32 v36, v0;
	_ =	sdelay $0x3  }
0x716: {  	[tilespmem:v2+s20+$0x0] =	vst.idx.msk $0xffff, v1  }
0x717: {  	v2 =	vor.u32 s28, v14;
	v1 =	vld.idx.msk [tilespmem:v3+s16+$0x0], $0xffff  }
0x718: {  	v3 =	vor.u32 v12, v0;
	_ =	sdelay $0x3  }
0x719: {  	[tilespmem:v2+s20+$0x0] =	vst.idx.msk $0xffff, v1  }
0x71a: {  	v2 =	vor.u32 s28, v15;
	v1 =	vld.idx.msk [tilespmem:v3+s16+$0x0], $0xffff  }
0x71b: {  	v3 =	vor.u32 v22, v0;
	_ =	sdelay $0x3  }
0x71c: {  	[tilespmem:v2+s20+$0x0] =	vst.idx.msk $0xffff, v1  }
0x71d: {  	v2 =	vor.u32 s28, v19;
	v1 =	vld.idx.msk [tilespmem:v3+s16+$0x0], $0xffff  }
0x71e: {  	v3 =	vor.u32 v23, v0;
	_ =	sdelay $0x3  }
0x71f: {  	[tilespmem:v2+s20+$0x0] =	vst.idx.msk $0xffff, v1  }
0x720: {  	v2 =	vor.u32 s28, v8;
	v1 =	vld.idx.msk [tilespmem:v3+s16+$0x0], $0xffff  }
0x721: {  	v3 =	vor.u32 v24, v0;
	_ =	sdelay $0x3  }
0x722: {  	[tilespmem:v2+s20+$0x0] =	vst.idx.msk $0xffff, v1  }
0x723: {  	v2 =	vor.u32 s28, v9;
	v1 =	vld.idx.msk [tilespmem:v3+s16+$0x0], $0xffff  }
0x724: {  	v3 =	vor.u32 v47, v0;
	_ =	sdelay $0x3  }
0x725: {  	[tilespmem:v2+s20+$0x0] =	vst.idx.msk $0xffff, v1  }
0x726: {  	v2 =	vor.u32 s28, v10;
	v1 =	vld.idx.msk [tilespmem:v3+s16+$0x0], $0xffff  }
0x727: {  	v3 =	vor.u32 v44, v0;
	_ =	sdelay $0x3  }
0x728: {  	[tilespmem:v2+s20+$0x0] =	vst.idx.msk $0xffff, v1  }
0x729: {  	v2 =	vor.u32 s28, v16;
	v1 =	vld.idx.msk [tilespmem:v3+s16+$0x0], $0xffff  }
0x72a: {  	v3 =	vor.u32 v61, v0;
	_ =	sdelay $0x3  }
0x72b: {  	[tilespmem:v2+s20+$0x0] =	vst.idx.msk $0xffff, v1  }
0x72c: {  	v2 =	vor.u32 s28, v18;
	v1 =	vld.idx.msk [tilespmem:v3+s16+$0x0], $0xffff  }
0x72d: {  	v3 =	vor.u32 v34, v0;
	_ =	sdelay $0x3  }
0x72e: {  	[tilespmem:v2+s20+$0x0] =	vst.idx.msk $0xffff, v1  }
0x72f: {  	v2 =	vor.u32 s28, v20;
	v1 =	vld.idx.msk [tilespmem:v3+s16+$0x0], $0xffff  }
0x730: {  	v3 =	vor.u32 v63, v0;
	_ =	sdelay $0x3  }
0x731: {  	[tilespmem:v2+s20+$0x0] =	vst.idx.msk $0xffff, v1  }
0x732: {  	p0 =	sne.s32 s30, $0x70;
	v2 =	vld.idx.msk [tilespmem:v3+s16+$0x0], $0xffff;
	v3 =	vor.u32 s28, v21  }
.Ltmp1:
0x733: {  	_ = 	snop;
	(pc) =	sbr.rel @p0 .LBB2_5-.Ltmp1, $3  }
0x734: {  	_ =	sdelay $0x1  }
0x735: {  	s29 =	smov.u32 s30  }
0x736: {  	s30 =	sadd.s32 $0x10, s30;
	v0 =	vor.u32 v30, v0;
	v1 =	vmov s29;
	[tilespmem:v3+s20+$0x0] =	vst.idx.msk $0xffff, v2  }
0x737: {  	_ =	sdelay $0x3  }
0x738: {  	v2 =	vld.idx.msk [tilespmem:v0+s16+$0x0], $0xffff  }
0x739: {  	v0 =	vld [tilespmem:$0x1FD80];
	_ =	sdelay $0x3  }
0x73a: {  	v1 =	vshll.u32 v1, $0x7  }
0x73b: {  	v0 =	vor.u32 v0, v1;
	v1 =	vld [tilespmem:$0x1FDA0];
	_ =	sdelay $0x4  }
0x73c: {  	v3 =	vlaneseq.u32;
	v1 =	vor.u32 s28, v1  }
0x73d: {  	v3 =	vor.u32 v3, v0;
	_ =	sdelay $0x3  }
0x73e: {  	[tilespmem:v1+s20+$0x0] =	vst.idx.msk $0xffff, v2  }
0x73f: {  	v2 =	vor.u32 s29, v62;
	v1 =	vld.idx.msk [tilespmem:v3+s16+$0x0], $0xffff  }
0x740: {  	v3 =	vor.u32 v45, v0;
	_ =	sdelay $0x3  }
0x741: {  	[tilespmem:v2+s20+$0x0] =	vst.idx.msk $0xffff, v1  }
0x742: {  	v2 =	vor.u32 s29, v46;
	v1 =	vld.idx.msk [tilespmem:v3+s16+$0x0], $0xffff  }
0x743: {  	v3 =	vor.u32 v6, v0;
	_ =	sdelay $0x3  }
0x744: {  	[tilespmem:v2+s20+$0x0] =	vst.idx.msk $0xffff, v1  }
0x745: {  	v2 =	vor.u32 s29, v48;
	v1 =	vld.idx.msk [tilespmem:v3+s16+$0x0], $0xffff  }
0x746: {  	v3 =	vor.u32 v49, v0;
	_ =	sdelay $0x3  }
0x747: {  	[tilespmem:v2+s20+$0x0] =	vst.idx.msk $0xffff, v1  }
0x748: {  	v2 =	vor.u32 s29, v50;
	v1 =	vld.idx.msk [tilespmem:v3+s16+$0x0], $0xffff  }
0x749: {  	v3 =	vor.u32 v51, v0;
	_ =	sdelay $0x3  }
0x74a: {  	[tilespmem:v2+s20+$0x0] =	vst.idx.msk $0xffff, v1  }
0x74b: {  	v2 =	vor.u32 s29, v52;
	v1 =	vld.idx.msk [tilespmem:v3+s16+$0x0], $0xffff  }
0x74c: {  	v3 =	vor.u32 v53, v0;
	_ =	sdelay $0x3  }
0x74d: {  	[tilespmem:v2+s20+$0x0] =	vst.idx.msk $0xffff, v1  }
0x74e: {  	v2 =	vor.u32 s29, v54;
	v1 =	vld.idx.msk [tilespmem:v3+s16+$0x0], $0xffff  }
0x74f: {  	v3 =	vor.u32 v55, v0;
	_ =	sdelay $0x3  }
0x750: {  	[tilespmem:v2+s20+$0x0] =	vst.idx.msk $0xffff, v1  }
0x751: {  	v2 =	vor.u32 s29, v56;
	v1 =	vld.idx.msk [tilespmem:v3+s16+$0x0], $0xffff  }
0x752: {  	v3 =	vor.u32 v57, v0;
	_ =	sdelay $0x3  }
0x753: {  	[tilespmem:v2+s20+$0x0] =	vst.idx.msk $0xffff, v1  }
0x754: {  	v2 =	vor.u32 s29, v58;
	v1 =	vld.idx.msk [tilespmem:v3+s16+$0x0], $0xffff  }
0x755: {  	v3 =	vor.u32 v59, v0;
	_ =	sdelay $0x3  }
0x756: {  	[tilespmem:v2+s20+$0x0] =	vst.idx.msk $0xffff, v1  }
0x757: {  	v2 =	vor.u32 s29, v60;
	v1 =	vld.idx.msk [tilespmem:v3+s16+$0x0], $0xffff  }
0x758: {  	v3 =	vor.u32 v39, v0;
	_ =	sdelay $0x3  }
0x759: {  	[tilespmem:v2+s20+$0x0] =	vst.idx.msk $0xffff, v1  }
0x75a: {  	v2 =	vor.u32 s29, v4;
	v1 =	vld.idx.msk [tilespmem:v3+s16+$0x0], $0xffff  }
0x75b: {  	v3 =	vor.u32 v13, v0;
	_ =	sdelay $0x3  }
0x75c: {  	[tilespmem:v2+s20+$0x0] =	vst.idx.msk $0xffff, v1;
	v2 =	vld [tilespmem:$0x1F7B0]  }
0x75d: {  	v1 =	vld.idx.msk [tilespmem:v3+s16+$0x0], $0xffff  }
0x75e: {  	v3 =	vld [tilespmem:$0x1F7C0];
	_ =	sdelay $0x3  }
0x75f: {  	v2 =	vor.u32 s29, v2  }
0x760: {  	v3 =	vor.u32 v3, v0;
	_ =	sdelay $0x3  }
0x761: {  	[tilespmem:v2+s20+$0x0] =	vst.idx.msk $0xffff, v1;
	v2 =	vld [tilespmem:$0x1F7D0]  }
0x762: {  	v1 =	vld.idx.msk [tilespmem:v3+s16+$0x0], $0xffff  }
0x763: {  	v3 =	vld [tilespmem:$0x1F7E0];
	_ =	sdelay $0x2  }
0x764: {  	v2 =	vor.u32 s29, v2;
	_ =	sdelay $0x1  }
0x765: {  	v3 =	vor.u32 v3, v0;
	_ =	sdelay $0x2  }
0x766: {  	[tilespmem:v2+s20+$0x0] =	vst.idx.msk $0xffff, v1;
	v2 =	vld [tilespmem:$0x1F7F0];
	_ =	sdelay $0x1  }
0x767: {  	v1 =	vld.idx.msk [tilespmem:v3+s16+$0x0], $0xffff  }
0x768: {  	v3 =	vld [tilespmem:$0x1F800];
	_ =	sdelay $0x1  }
0x769: {  	v2 =	vor.u32 s29, v2;
	_ =	sdelay $0x2  }
0x76a: {  	v3 =	vor.u32 v3, v0;
	_ =	sdelay $0x1  }
0x76b: {  	[tilespmem:v2+s20+$0x0] =	vst.idx.msk $0xffff, v1;
	v2 =	vld [tilespmem:$0x1F810];
	_ =	sdelay $0x2  }
0x76c: {  	v1 =	vld.idx.msk [tilespmem:v3+s16+$0x0], $0xffff  }
0x76d: {  	v3 =	vld [tilespmem:$0x1F820]  }
0x76e: {  	v2 =	vor.u32 s29, v2;
	_ =	sdelay $0x3  }
0x76f: {  	v3 =	vor.u32 v3, v0  }
0x770: {  	[tilespmem:v2+s20+$0x0] =	vst.idx.msk $0xffff, v1;
	v2 =	vld [tilespmem:$0x1F830];
	_ =	sdelay $0x3  }
0x771: {  	v1 =	vld.idx.msk [tilespmem:v3+s16+$0x0], $0xffff  }
0x772: {  	v3 =	vld [tilespmem:$0x1F840];
	v2 =	vor.u32 s29, v2;
	_ =	sdelay $0x4  }
0x773: {  	v3 =	vor.u32 v3, v0;
	[tilespmem:v2+s20+$0x0] =	vst.idx.msk $0xffff, v1;
	v2 =	vld [tilespmem:$0x1F850]  }
0x774: {  	v62 =	vmov v52;
	v52 =	vld [tilespmem:$0x1FD70];
	_ =	sdelay $0x3  }
0x775: {  	v1 =	vld.idx.msk [tilespmem:v3+s16+$0x0], $0xffff;
	v2 =	vor.u32 s29, v2  }
0x776: {  	v51 =	vld [tilespmem:$0x1FDF0];
	v3 =	vor.u32 v52, v0;
	_ =	sdelay $0x3  }
0x777: {  	v50 =	vld [tilespmem:$0x1FD90];
	[tilespmem:v2+s20+$0x0] =	vst.idx.msk $0xffff, v1  }
0x778: {  	v2 =	vor.u32 s29, v51;
	v1 =	vld.idx.msk [tilespmem:v3+s16+$0x0], $0xffff;
	_ =	sdelay $0x4  }
0x779: {  	v3 =	vor.u32 v50, v0;
	[tilespmem:v2+s20+$0x0] =	vst.idx.msk $0xffff, v1;
	v2 =	vld [tilespmem:$0x1F860]  }
0x77a: {  	v49 =	vld [tilespmem:$0x1FDB0];
	_ =	sdelay $0x3  }
0x77b: {  	v1 =	vld.idx.msk [tilespmem:v3+s16+$0x0], $0xffff;
	v2 =	vor.u32 s29, v2  }
0x77c: {  	v3 =	vor.u32 v49, v0;
	_ =	sdelay $0x3  }
0x77d: {  	[tilespmem:v2+s20+$0x0] =	vst.idx.msk $0xffff, v1;
	v2 =	vld [tilespmem:$0x1F870]  }
0x77e: {  	v1 =	vld.idx.msk [tilespmem:v3+s16+$0x0], $0xffff  }
0x77f: {  	v3 =	vld [tilespmem:$0x1F5A0];
	_ =	sdelay $0x3  }
0x780: {  	v2 =	vor.u32 s29, v2  }
0x781: {  	v3 =	vor.u32 v3, v0;
	_ =	sdelay $0x3  }
0x782: {  	[tilespmem:v2+s20+$0x0] =	vst.idx.msk $0xffff, v1;
	v2 =	vld [tilespmem:$0x1F8C0]  }
0x783: {  	v1 =	vld.idx.msk [tilespmem:v3+s16+$0x0], $0xffff  }
0x784: {  	v3 =	vld [tilespmem:$0x1F5B0];
	_ =	sdelay $0x3  }
0x785: {  	v2 =	vor.u32 s29, v2  }
0x786: {  	v3 =	vor.u32 v3, v0;
	_ =	sdelay $0x3  }
0x787: {  	[tilespmem:v2+s20+$0x0] =	vst.idx.msk $0xffff, v1  }
0x788: {  	v1 =	vld.idx.msk [tilespmem:v3+s16+$0x0], $0xffff  }
0x789: {  	v3 =	vld [tilespmem:$0x1F5C0];
	_ =	sdelay $0x3  }
0x78a: {  	v2 =	vor.u32 s29, v42  }
0x78b: {  	v3 =	vor.u32 v3, v0;
	_ =	sdelay $0x3  }
0x78c: {  	[tilespmem:v2+s20+$0x0] =	vst.idx.msk $0xffff, v1  }
0x78d: {  	v1 =	vld.idx.msk [tilespmem:v3+s16+$0x0], $0xffff  }
0x78e: {  	v3 =	vld [tilespmem:$0x1F5D0];
	_ =	sdelay $0x3  }
0x78f: {  	v2 =	vor.u32 s29, v43  }
0x790: {  	v3 =	vor.u32 v3, v0;
	_ =	sdelay $0x3  }
0x791: {  	[tilespmem:v2+s20+$0x0] =	vst.idx.msk $0xffff, v1;
	v2 =	vld [tilespmem:$0x1F910]  }
0x792: {  	v1 =	vld.idx.msk [tilespmem:v3+s16+$0x0], $0xffff  }
0x793: {  	v3 =	vld [tilespmem:$0x1F5E0];
	_ =	sdelay $0x3  }
0x794: {  	v2 =	vor.u32 s29, v2  }
0x795: {  	v3 =	vor.u32 v3, v0;
	_ =	sdelay $0x3  }
0x796: {  	[tilespmem:v2+s20+$0x0] =	vst.idx.msk $0xffff, v1;
	v2 =	vld [tilespmem:$0x1F920]  }
0x797: {  	v1 =	vld.idx.msk [tilespmem:v3+s16+$0x0], $0xffff  }
0x798: {  	v3 =	vld [tilespmem:$0x1F5F0];
	_ =	sdelay $0x3  }
0x799: {  	v2 =	vor.u32 s29, v2  }
0x79a: {  	v3 =	vor.u32 v3, v0;
	_ =	sdelay $0x3  }
0x79b: {  	[tilespmem:v2+s20+$0x0] =	vst.idx.msk $0xffff, v1;
	v2 =	vld [tilespmem:$0x1F930]  }
0x79c: {  	v1 =	vld.idx.msk [tilespmem:v3+s16+$0x0], $0xffff  }
0x79d: {  	v3 =	vld [tilespmem:$0x1F600];
	_ =	sdelay $0x3  }
0x79e: {  	v2 =	vor.u32 s29, v2  }
0x79f: {  	v3 =	vor.u32 v3, v0;
	_ =	sdelay $0x3  }
0x7a0: {  	[tilespmem:v2+s20+$0x0] =	vst.idx.msk $0xffff, v1;
	v2 =	vld [tilespmem:$0x1F940]  }
0x7a1: {  	v1 =	vld.idx.msk [tilespmem:v3+s16+$0x0], $0xffff  }
0x7a2: {  	v3 =	vld [tilespmem:$0x1F610];
	_ =	sdelay $0x3  }
0x7a3: {  	v2 =	vor.u32 s29, v2  }
0x7a4: {  	v3 =	vor.u32 v3, v0;
	_ =	sdelay $0x3  }
0x7a5: {  	[tilespmem:v2+s20+$0x0] =	vst.idx.msk $0xffff, v1;
	v2 =	vld [tilespmem:$0x1F950]  }
0x7a6: {  	v1 =	vld.idx.msk [tilespmem:v3+s16+$0x0], $0xffff  }
0x7a7: {  	v3 =	vld [tilespmem:$0x1F620];
	_ =	sdelay $0x3  }
0x7a8: {  	v2 =	vor.u32 s29, v2  }
0x7a9: {  	v3 =	vor.u32 v3, v0;
	_ =	sdelay $0x3  }
0x7aa: {  	[tilespmem:v2+s20+$0x0] =	vst.idx.msk $0xffff, v1;
	v2 =	vld [tilespmem:$0x1F960]  }
0x7ab: {  	v1 =	vld.idx.msk [tilespmem:v3+s16+$0x0], $0xffff  }
0x7ac: {  	v3 =	vld [tilespmem:$0x1F630];
	_ =	sdelay $0x3  }
0x7ad: {  	v2 =	vor.u32 s29, v2  }
0x7ae: {  	v3 =	vor.u32 v3, v0;
	_ =	sdelay $0x3  }
0x7af: {  	[tilespmem:v2+s20+$0x0] =	vst.idx.msk $0xffff, v1;
	v2 =	vld [tilespmem:$0x1F970]  }
0x7b0: {  	v1 =	vld.idx.msk [tilespmem:v3+s16+$0x0], $0xffff  }
0x7b1: {  	v3 =	vld [tilespmem:$0x1F640];
	_ =	sdelay $0x3  }
0x7b2: {  	v2 =	vor.u32 s29, v2  }
0x7b3: {  	v3 =	vor.u32 v3, v0;
	_ =	sdelay $0x3  }
0x7b4: {  	[tilespmem:v2+s20+$0x0] =	vst.idx.msk $0xffff, v1;
	v2 =	vld [tilespmem:$0x1F980]  }
0x7b5: {  	v1 =	vld.idx.msk [tilespmem:v3+s16+$0x0], $0xffff  }
0x7b6: {  	v3 =	vld [tilespmem:$0x1F650];
	_ =	sdelay $0x3  }
0x7b7: {  	v2 =	vor.u32 s29, v2  }
0x7b8: {  	v3 =	vor.u32 v3, v0;
	_ =	sdelay $0x3  }
0x7b9: {  	[tilespmem:v2+s20+$0x0] =	vst.idx.msk $0xffff, v1;
	v2 =	vld [tilespmem:$0x1F990]  }
0x7ba: {  	v1 =	vld.idx.msk [tilespmem:v3+s16+$0x0], $0xffff  }
0x7bb: {  	v3 =	vld [tilespmem:$0x1F660];
	_ =	sdelay $0x3  }
0x7bc: {  	v2 =	vor.u32 s29, v2  }
0x7bd: {  	v3 =	vor.u32 v3, v0;
	_ =	sdelay $0x3  }
0x7be: {  	[tilespmem:v2+s20+$0x0] =	vst.idx.msk $0xffff, v1;
	v2 =	vld [tilespmem:$0x1F9A0]  }
0x7bf: {  	v1 =	vld.idx.msk [tilespmem:v3+s16+$0x0], $0xffff  }
0x7c0: {  	v3 =	vld [tilespmem:$0x1F670];
	_ =	sdelay $0x3  }
0x7c1: {  	v2 =	vor.u32 s29, v2  }
0x7c2: {  	v3 =	vor.u32 v3, v0;
	_ =	sdelay $0x3  }
0x7c3: {  	[tilespmem:v2+s20+$0x0] =	vst.idx.msk $0xffff, v1;
	v2 =	vld [tilespmem:$0x1F680]  }
0x7c4: {  	v1 =	vld.idx.msk [tilespmem:v3+s16+$0x0], $0xffff  }
0x7c5: {  	v3 =	vld [tilespmem:$0x1F690];
	_ =	sdelay $0x3  }
0x7c6: {  	v2 =	vor.u32 s29, v2  }
0x7c7: {  	v3 =	vor.u32 v3, v0;
	_ =	sdelay $0x3  }
0x7c8: {  	v45 =	vld [tilespmem:$0x1FDC0];
	[tilespmem:v2+s20+$0x0] =	vst.idx.msk $0xffff, v1  }
0x7c9: {  	v1 =	vld.idx.msk [tilespmem:v3+s16+$0x0], $0xffff  }
0x7ca: {  	v3 =	vld [tilespmem:$0x1F6A0];
	_ =	sdelay $0x3  }
0x7cb: {  	v2 =	vor.u32 s29, v45  }
0x7cc: {  	v3 =	vor.u32 v3, v0;
	_ =	sdelay $0x3  }
0x7cd: {  	v46 =	vmov v43;
	v43 =	vld [tilespmem:$0x1FDD0];
	[tilespmem:v2+s20+$0x0] =	vst.idx.msk $0xffff, v1  }
0x7ce: {  	v1 =	vld.idx.msk [tilespmem:v3+s16+$0x0], $0xffff  }
0x7cf: {  	v3 =	vld [tilespmem:$0x1F6B0];
	_ =	sdelay $0x3  }
0x7d0: {  	v2 =	vor.u32 s29, v43  }
0x7d1: {  	v3 =	vor.u32 v3, v0;
	_ =	sdelay $0x3  }
0x7d2: {  	v48 =	vmov v42;
	v42 =	vld [tilespmem:$0x1FDE0];
	[tilespmem:v2+s20+$0x0] =	vst.idx.msk $0xffff, v1  }
0x7d3: {  	v1 =	vld.idx.msk [tilespmem:v3+s16+$0x0], $0xffff  }
0x7d4: {  	v3 =	vld [tilespmem:$0x1F6C0];
	_ =	sdelay $0x3  }
0x7d5: {  	v2 =	vor.u32 s29, v42  }
0x7d6: {  	v3 =	vor.u32 v3, v0;
	_ =	sdelay $0x3  }
0x7d7: {  	v6 =	vld [tilespmem:$0x1FE00];
	[tilespmem:v2+s20+$0x0] =	vst.idx.msk $0xffff, v1  }
0x7d8: {  	v1 =	vld.idx.msk [tilespmem:v3+s16+$0x0], $0xffff  }
0x7d9: {  	v3 =	vld [tilespmem:$0x1F6D0];
	_ =	sdelay $0x3  }
0x7da: {  	v2 =	vor.u32 s29, v6  }
0x7db: {  	v3 =	vor.u32 v3, v0;
	_ =	sdelay $0x3  }
0x7dc: {  	[tilespmem:v2+s20+$0x0] =	vst.idx.msk $0xffff, v1;
	v2 =	vld [tilespmem:$0x1F9F0]  }
0x7dd: {  	v1 =	vld.idx.msk [tilespmem:v3+s16+$0x0], $0xffff  }
0x7de: {  	v3 =	vld [tilespmem:$0x1F6E0];
	_ =	sdelay $0x3  }
0x7df: {  	v2 =	vor.u32 s29, v2  }
0x7e0: {  	v3 =	vor.u32 v3, v0;
	_ =	sdelay $0x3  }
0x7e1: {  	[tilespmem:v2+s20+$0x0] =	vst.idx.msk $0xffff, v1;
	v2 =	vld [tilespmem:$0x1FA00]  }
0x7e2: {  	v1 =	vld.idx.msk [tilespmem:v3+s16+$0x0], $0xffff  }
0x7e3: {  	v3 =	vld [tilespmem:$0x1F6F0];
	_ =	sdelay $0x2  }
0x7e4: {  	v2 =	vor.u32 s29, v2;
	_ =	sdelay $0x1  }
0x7e5: {  	v3 =	vor.u32 v3, v0;
	_ =	sdelay $0x2  }
0x7e6: {  	[tilespmem:v2+s20+$0x0] =	vst.idx.msk $0xffff, v1;
	v2 =	vld [tilespmem:$0x1FA10];
	_ =	sdelay $0x1  }
0x7e7: {  	v1 =	vld.idx.msk [tilespmem:v3+s16+$0x0], $0xffff  }
0x7e8: {  	v3 =	vld [tilespmem:$0x1F700];
	_ =	sdelay $0x1  }
0x7e9: {  	v2 =	vor.u32 s29, v2;
	_ =	sdelay $0x2  }
0x7ea: {  	v3 =	vor.u32 v3, v0;
	_ =	sdelay $0x1  }
0x7eb: {  	[tilespmem:v2+s20+$0x0] =	vst.idx.msk $0xffff, v1;
	v2 =	vld [tilespmem:$0x1FA20];
	_ =	sdelay $0x2  }
0x7ec: {  	v1 =	vld.idx.msk [tilespmem:v3+s16+$0x0], $0xffff  }
0x7ed: {  	v3 =	vld [tilespmem:$0x1F710]  }
0x7ee: {  	v2 =	vor.u32 s29, v2;
	_ =	sdelay $0x3  }
0x7ef: {  	v3 =	vor.u32 v3, v0  }
0x7f0: {  	[tilespmem:v2+s20+$0x0] =	vst.idx.msk $0xffff, v1;
	v2 =	vld [tilespmem:$0x1FA30];
	_ =	sdelay $0x3  }
0x7f1: {  	v1 =	vld.idx.msk [tilespmem:v3+s16+$0x0], $0xffff  }
0x7f2: {  	v2 =	vor.u32 s29, v2;
	v3 =	vld [tilespmem:$0x1F720];
	_ =	sdelay $0x4  }
0x7f3: {  	v3 =	vor.u32 v3, v0;
	[tilespmem:v2+s20+$0x0] =	vst.idx.msk $0xffff, v1;
	v2 =	vld [tilespmem:$0x1FA40];
	_ =	sdelay $0x4  }
0x7f4: {  	v1 =	vld.idx.msk [tilespmem:v3+s16+$0x0], $0xffff;
	v2 =	vor.u32 s29, v2;
	_ =	sdelay $0x4  }
0x7f5: {  	v3 =	vor.u32 v28, v0;
	[tilespmem:v2+s20+$0x0] =	vst.idx.msk $0xffff, v1;
	v2 =	vld [tilespmem:$0x1FA50];
	_ =	sdelay $0x4  }
0x7f6: {  	v1 =	vld.idx.msk [tilespmem:v3+s16+$0x0], $0xffff;
	v2 =	vor.u32 s29, v2;
	_ =	sdelay $0x4  }
0x7f7: {  	v3 =	vor.u32 v29, v0;
	[tilespmem:v2+s20+$0x0] =	vst.idx.msk $0xffff, v1;
	v2 =	vld [tilespmem:$0x1FA60];
	_ =	sdelay $0x4  }
0x7f8: {  	v1 =	vld.idx.msk [tilespmem:v3+s16+$0x0], $0xffff;
	v2 =	vor.u32 s29, v2;
	_ =	sdelay $0x4  }
0x7f9: {  	v3 =	vor.u32 v25, v0;
	[tilespmem:v2+s20+$0x0] =	vst.idx.msk $0xffff, v1;
	v2 =	vld [tilespmem:$0x1FA70];
	_ =	sdelay $0x4  }
0x7fa: {  	v1 =	vld.idx.msk [tilespmem:v3+s16+$0x0], $0xffff;
	v2 =	vor.u32 s29, v2  }
0x7fb: {  	v3 =	vor.u32 v37, v0;
	_ =	sdelay $0x3  }
0x7fc: {  	[tilespmem:v2+s20+$0x0] =	vst.idx.msk $0xffff, v1  }
0x7fd: {  	v2 =	vor.u32 s29, v5;
	v1 =	vld.idx.msk [tilespmem:v3+s16+$0x0], $0xffff  }
0x7fe: {  	v3 =	vor.u32 v27, v0;
	_ =	sdelay $0x3  }
0x7ff: {  	[tilespmem:v2+s20+$0x0] =	vst.idx.msk $0xffff, v1  }
0x800: {  	v2 =	vor.u32 s29, v31;
	v1 =	vld.idx.msk [tilespmem:v3+s16+$0x0], $0xffff  }
0x801: {  	v3 =	vor.u32 v38, v0;
	_ =	sdelay $0x3  }
0x802: {  	[tilespmem:v2+s20+$0x0] =	vst.idx.msk $0xffff, v1  }
0x803: {  	v2 =	vor.u32 s29, v26;
	v1 =	vld.idx.msk [tilespmem:v3+s16+$0x0], $0xffff  }
0x804: {  	v3 =	vor.u32 v40, v0;
	_ =	sdelay $0x3  }
0x805: {  	[tilespmem:v2+s20+$0x0] =	vst.idx.msk $0xffff, v1  }
0x806: {  	v2 =	vor.u32 s29, v32;
	v1 =	vld.idx.msk [tilespmem:v3+s16+$0x0], $0xffff  }
0x807: {  	v3 =	vor.u32 v11, v0;
	_ =	sdelay $0x3  }
0x808: {  	[tilespmem:v2+s20+$0x0] =	vst.idx.msk $0xffff, v1  }
0x809: {  	v2 =	vor.u32 s29, v33;
	v1 =	vld.idx.msk [tilespmem:v3+s16+$0x0], $0xffff  }
0x80a: {  	v3 =	vor.u32 v35, v0;
	_ =	sdelay $0x3  }
0x80b: {  	[tilespmem:v2+s20+$0x0] =	vst.idx.msk $0xffff, v1  }
0x80c: {  	v2 =	vor.u32 s29, v17;
	v1 =	vld.idx.msk [tilespmem:v3+s16+$0x0], $0xffff  }
0x80d: {  	v3 =	vor.u32 v41, v0;
	_ =	sdelay $0x3  }
0x80e: {  	[tilespmem:v2+s20+$0x0] =	vst.idx.msk $0xffff, v1  }
0x80f: {  	v2 =	vor.u32 s29, v7;
	v1 =	vld.idx.msk [tilespmem:v3+s16+$0x0], $0xffff  }
0x810: {  	v3 =	vor.u32 v36, v0;
	_ =	sdelay $0x3  }
0x811: {  	[tilespmem:v2+s20+$0x0] =	vst.idx.msk $0xffff, v1  }
0x812: {  	v2 =	vor.u32 s29, v14;
	v1 =	vld.idx.msk [tilespmem:v3+s16+$0x0], $0xffff  }
0x813: {  	v3 =	vor.u32 v12, v0;
	_ =	sdelay $0x3  }
0x814: {  	[tilespmem:v2+s20+$0x0] =	vst.idx.msk $0xffff, v1  }
0x815: {  	v2 =	vor.u32 s29, v15;
	v1 =	vld.idx.msk [tilespmem:v3+s16+$0x0], $0xffff  }
0x816: {  	v3 =	vor.u32 v22, v0;
	_ =	sdelay $0x3  }
0x817: {  	[tilespmem:v2+s20+$0x0] =	vst.idx.msk $0xffff, v1  }
0x818: {  	v2 =	vor.u32 s29, v19;
	v1 =	vld.idx.msk [tilespmem:v3+s16+$0x0], $0xffff  }
0x819: {  	v3 =	vor.u32 v23, v0;
	_ =	sdelay $0x3  }
0x81a: {  	[tilespmem:v2+s20+$0x0] =	vst.idx.msk $0xffff, v1  }
0x81b: {  	v2 =	vor.u32 s29, v8;
	v1 =	vld.idx.msk [tilespmem:v3+s16+$0x0], $0xffff  }
0x81c: {  	v3 =	vor.u32 v24, v0;
	_ =	sdelay $0x3  }
0x81d: {  	[tilespmem:v2+s20+$0x0] =	vst.idx.msk $0xffff, v1  }
0x81e: {  	v2 =	vor.u32 s29, v9;
	v1 =	vld.idx.msk [tilespmem:v3+s16+$0x0], $0xffff  }
0x81f: {  	v3 =	vor.u32 v47, v0;
	_ =	sdelay $0x3  }
0x820: {  	[tilespmem:v2+s20+$0x0] =	vst.idx.msk $0xffff, v1  }
0x821: {  	v2 =	vor.u32 s29, v10;
	v1 =	vld.idx.msk [tilespmem:v3+s16+$0x0], $0xffff  }
0x822: {  	v3 =	vor.u32 v44, v0;
	_ =	sdelay $0x3  }
0x823: {  	[tilespmem:v2+s20+$0x0] =	vst.idx.msk $0xffff, v1  }
0x824: {  	v2 =	vor.u32 s29, v16;
	v1 =	vld.idx.msk [tilespmem:v3+s16+$0x0], $0xffff  }
0x825: {  	v3 =	vor.u32 v61, v0;
	_ =	sdelay $0x3  }
0x826: {  	[tilespmem:v2+s20+$0x0] =	vst.idx.msk $0xffff, v1  }
0x827: {  	v2 =	vor.u32 s29, v18;
	v1 =	vld.idx.msk [tilespmem:v3+s16+$0x0], $0xffff  }
0x828: {  	v3 =	vor.u32 v34, v0;
	_ =	sdelay $0x3  }
0x829: {  	[tilespmem:v2+s20+$0x0] =	vst.idx.msk $0xffff, v1  }
0x82a: {  	v2 =	vor.u32 s29, v20;
	v1 =	vld.idx.msk [tilespmem:v3+s16+$0x0], $0xffff  }
0x82b: {  	v3 =	vor.u32 v63, v0;
	_ =	sdelay $0x3  }
0x82c: {  	[tilespmem:v2+s20+$0x0] =	vst.idx.msk $0xffff, v1  }
0x82d: {  	v2 =	vor.u32 s29, v21;
	v1 =	vld.idx.msk [tilespmem:v3+s16+$0x0], $0xffff  }
0x82e: {  	v12 =	vld [tilespmem:$0x1FDA0];
	v0 =	vor.u32 v30, v0;
	_ =	sdelay $0x3  }
0x82f: {  	v28 =	vld [tilespmem:$0x1FAC0];
	[tilespmem:v2+s20+$0x0] =	vst.idx.msk $0xffff, v1  }
0x830: {  	v1 =	vor.u32 s29, v12;
	v0 =	vld.idx.msk [tilespmem:v0+s16+$0x0], $0xffff  }
0x831: {  	v29 =	vmov v62;
	v62 =	vld [tilespmem:$0x1FF70]  }
0x832: {  	s24 =	sadd.s32 $0x1, s24;
	v27 =	vld [tilespmem:$0x1FAB0]  }
0x833: {  	p0 =	sne.s32 s24, $0x19;
	v23 =	vld [tilespmem:$0x1FA80]  }
.Ltmp2:
0x834: {  	v24 =	vld [tilespmem:$0x1FA90];
	(pc) =	sbr.rel @p0 .LBB2_2-.Ltmp2, $4  }
0x835: {  	s25 =	sadd.s32 @!p1 $0x180, s25;
	s28 =	simm.s32 @!p1 $0x80;
	v47 =	vld [tilespmem:$0x1FF90];
	s29 =	simm.s32 @!p1 $0x5C00;
	[tilespmem:v1+s20+$0x0] =	vst.idx.msk $0xffff, v0  }
0x836: {  	v61 =	vld [tilespmem:$0x1FEF0];
	[tilespmem:s29], [sflag:$0x2] =	stream.indirect.gather @!p1 [hbm4b:s1+s28], $0x80, s25, s28, $0xb8  }
0x837: {  	s31 =	sadd.s32 s26, s8;
	v25 =	vmovc v39;
	v39 =	vmov v6;
	v26 =	vmov v4;
	v40 =	vmov v58;
	v1 =	vld [tilespmem:$0x1FD80]  }
0x838: {  	v58 =	vmovc v48;
	v14 =	vmovc v52;
	v22 =	vmov v13;
	v13 =	vlaneseq.u32;
	v34 =	vmov v45;
	v63 =	vld [tilespmem:$0x1FF30];
	[hbm4b:s31+s10] =	stream.strided.scatter [tilespmem:s20], [sflag:$0x4], $0x2000, s11, s10, $0x38  }
0x839: {  	s23 =	sadd.s32 $0x1, s23  }
0x83a: {  	_ =	swait.ge [sflag:s21], $0x2000;
	p0 =	sne.s32 s23, s9  }
.Ltmp3:
0x83b: {  	[sflag:s21] =	ssyncset.done $0x0;
	(pc) =	sbr.rel @p0 .LBB2_1-.Ltmp3, $4  }
0x83c: {  	[sflag:s21] =	ssyncadd.s32 $0xFFFFE000  }
0x83d: {  	_ =	swait.ge [sflag:s22], $0x2000  }
0x83e: {  	[sflag:s22] =	ssyncset.done $0x0  }
0x83f: {  	[sflag:s22] =	ssyncadd.s32 $0xFFFFE000  }
0x840: {  	_ =	sfence.sel $0x180000  }
0x841: {  	[bflag:$0x0] =	sbarrier.arrive $0xFFFF  }
0x842: {  	p0 =	sne.s32 s0, $0x0;
	_ =	strace $0x90000047  }
0x843: {  	s0 =	sadd.s32 @!p0 $0x100000, s2;
	[bflag:$0x2] =	sbarrier.arrive $0xFFFF  }
0x844: {  	[sflag:s0] =	ssyncadd.tile.s32 @!p0 $0x1;
	_ =	shalt  }
.Lfunc_end2:
_tile_overlayer_lowered:
.L_overlay_start_2:
0x845: {  	(tag) =	ssettag $0x2  }
0x846: {  	s0 =	rddreg [dreg:$0x0];
	s2 =	stileid.u32  }
0x847: {  	s1 =	rddreg [dreg:$0x1];
	p0 =	sne.s32 s2, $0x0  }
0x848: {  	s3 =	rddreg [dreg:$0x2];
	[bflag:$0x3] =	sbarrier.arrive $0xFFFF;
	s2 =	simm.s32 @!p0 $0x1C05  }
0x849: {  	[timem:s3], [sflag:s2] =	dma.local @!p0 [hbm:s0], s1  }
0x84a: {  	s0 =	simm.s32 @!p0 $0x5  }
0x84b: {  	_ =	swait.ge @!p0 [sflag:s0], s1  }
0x84c: {  	s1 =	ssub.s32 @!p0 $0x0, s1;
	[sflag:s0] =	ssyncset.done @!p0 $0x0  }
0x84d: {  	[sflag:s0] =	ssyncadd.s32 @!p0 s1  }
0x84e: {  	[bflag:$0x3] =	sbarrier.arrive $0xFFFF  }
0x84f: {  	_ =	shalt  }

</sc_bundles>
